<compile_context>
chip_gen: v7x
topology: tpu7x:2x2x1
jax: 0.10.2.dev20260603
libtpu: 0.0.44.dev20260713+nightly
codegen_flags: <defaults>
</compile_context>

<pallas_src>
import functools

import jax
import jax.numpy as jnp
from jax import lax
from jax.experimental import pallas as pl
from jax.experimental.pallas import tpu as pltpu
from jax.experimental.pallas import tpu_sc as plsc

N_NODES = 10000
TOPK = 32
L = 16
NVREG = N_NODES // L
CAPL = 24
CAP_TARGET = 144
WARM_SCALE = 0.85
ROWS_PER_W = 313
SEL_ITERS = 24
FB_MAX_ITERS = 40


def _row_count_max(row_v, p, thr):

    def body(i, carry):
        acc, mx = carry
        v = row_v[p, pl.ds(i * L, L)]
        return acc + (v > thr).astype(jnp.int32), jnp.maximum(mx, v)

    acc0 = jnp.zeros((L,), jnp.int32)
    mx0 = jnp.full((L,), -jnp.inf, jnp.float32)
    acc, mx = lax.fori_loop(0, NVREG, body, (acc0, mx0), unroll=8)
    return jnp.sum(acc), jnp.max(mx)


def _bin_pass(row_v, cpos_v, p, thr, lanes, write_out, out_v):

    def body(i, c_vec):
        v = row_v[p, pl.ds(i * L, L)]
        m = v > thr
        if write_out:
            out_v[p, pl.ds(i * L, L)] = jnp.where(m, v, 0.0)
        cc = jnp.minimum(c_vec, CAPL - 1)
        idx = cc * L + lanes
        plsc.store_scatter(cpos_v, [idx], lanes + i * L, mask=m)
        return c_vec + m.astype(jnp.int32)

    return lax.fori_loop(0, NVREG, body, jnp.zeros((L,), jnp.int32),
                         unroll=16)


def _gather_cands(row_v, cpos_v, p_splat, c_vec):
    cvals = []
    for j in range(CAPL):
        pj = cpos_v[pl.ds(j * L, L)]
        cj = plsc.load_gather(row_v, [p_splat, pj])
        cvals.append(jnp.where(c_vec > j, cj, 0.0))
    return cvals


def _select_kth(row_v, cpos_v, p_splat, c_vec, lo0, n_iters):
    cvals = _gather_cands(row_v, cpos_v, p_splat, c_vec)

    cmax = cvals[0]
    for cj in cvals[1:]:
        cmax = jnp.maximum(cmax, cj)
    hi0 = jnp.max(cmax) * 1.0001 + 1e-30

    def sel(i, carry):
        lo, hi = carry
        mid = 0.5 * (lo + hi)
        acc = jnp.zeros((L,), jnp.int32)
        for cj in cvals:
            acc = acc + (cj >= mid).astype(jnp.int32)
        ge = jnp.sum(acc) >= TOPK
        return (jnp.where(ge, mid, lo), jnp.where(ge, hi, mid))

    lo, hi = lax.fori_loop(0, n_iters, sel, (lo0, hi0))
    return lo


def _sc_body(a_hbm, out_hbm, row_v, out_v, cpos_v, in_sem, out_sem):
    nc = 2
    wid = lax.axis_index("s") * nc + lax.axis_index("c")
    start = wid * ROWS_PER_W
    nrows = jnp.minimum(ROWS_PER_W, N_NODES - start)
    lanes = jnp.arange(L, dtype=jnp.int32)

    for j in range(CAPL):
        cpos_v[pl.ds(j * L, L)] = jnp.zeros((L,), jnp.int32)

    pltpu.async_copy(a_hbm.at[start], row_v.at[0], in_sem)

    def row_body(r, t_prev):
        row = start + r
        p = r % 2
        p_splat = jnp.full((L,), 0, jnp.int32) + p

        pltpu.make_async_copy(a_hbm.at[row], row_v.at[p], in_sem).wait()

        @pl.when(r + 1 < nrows)
        def _():
            pltpu.async_copy(a_hbm.at[row + 1], row_v.at[1 - p], in_sem)

        @pl.when(r >= 2)
        def _():
            pltpu.make_async_copy(
                out_v.at[p], out_hbm.at[row - 2], out_sem).wait()

        t1 = t_prev * WARM_SCALE

        c_vec1 = _bin_pass(row_v, cpos_v, p, t1, lanes, True, out_v)
        cnt1 = jnp.sum(c_vec1)
        mxc1 = jnp.max(c_vec1)

        def fallback(_):
            npos, rowmax = _row_count_max(row_v, p, 0.0)

            def few_pos(_):
                return jnp.float32(0.0), jnp.zeros((L,), jnp.int32), \
                    jnp.int32(0)

            def bisect(_):
                def cond(st):
                    lo, hi, t, c, it = st
                    bad = (c < TOPK) | (c > CAP_TARGET)
                    return bad & (it < FB_MAX_ITERS)

                def step(st):
                    lo, hi, t, c, it = st
                    mid = 0.5 * (lo + hi)
                    cm, _ = _row_count_max(row_v, p, mid)
                    ge = cm >= TOPK
                    lo = jnp.where(ge, mid, lo)
                    hi = jnp.where(ge, hi, mid)
                    return lo, hi, mid, cm, it + 1

                lo0 = jnp.float32(0.0)
                hi0 = rowmax * 1.0001 + 1e-30
                st = lax.while_loop(
                    cond, step, (lo0, hi0, lo0, npos, jnp.int32(0)))
                lo, hi, t, c, it = st
                t = jnp.where((c < TOPK) | (c > CAP_TARGET), lo, t)
                c_vec2 = _bin_pass(row_v, cpos_v, p, t, lanes, False,
                                   out_v)
                return t, c_vec2, jnp.int32(1)

            return lax.cond(npos <= TOPK, few_pos, bisect, None)

        def no_fallback(_):
            return t1, c_vec1, jnp.int32(1)

        need_fb = (cnt1 < TOPK) | (mxc1 > CAPL)
        t2, c_vec, need_select = lax.cond(need_fb, fallback, no_fallback,
                                          None)

        t_final = lax.cond(
            need_select != 0,
            lambda _: _select_kth(row_v, cpos_v, p_splat, c_vec, t2,
                                  SEL_ITERS),
            lambda _: jnp.float32(0.0), None)

        def fixup(_):
            zeros = jnp.zeros((L,), jnp.float32)
            cvals = _gather_cands(row_v, cpos_v, p_splat, c_vec)
            for j in range(CAPL):
                pj = cpos_v[pl.ds(j * L, L)]
                mfix = (c_vec > j) & (cvals[j] < t_final)
                plsc.store_scatter(out_v, [p_splat, pj], zeros, mask=mfix)
            return jnp.int32(0)

        def rewrite(_):
            def obody(i, _):
                v = row_v[p, pl.ds(i * L, L)]
                out_v[p, pl.ds(i * L, L)] = jnp.where(v >= t_final, v, 0.0)
                return 0

            lax.fori_loop(0, NVREG, obody, 0, unroll=8)
            return jnp.int32(0)

        lax.cond(need_fb, rewrite, fixup, None)

        pltpu.async_copy(out_v.at[p], out_hbm.at[row], out_sem)
        return t_final

    lax.fori_loop(0, nrows, row_body, jnp.float32(0.0))

    pltpu.make_async_copy(out_v.at[0], out_hbm.at[start], out_sem).wait()
    pltpu.make_async_copy(out_v.at[0], out_hbm.at[start], out_sem).wait()


def _sc_topk(a):
    mesh = plsc.VectorSubcoreMesh(core_axis_name="c", subcore_axis_name="s")
    f = functools.partial(
        pl.kernel,
        mesh=mesh,
        out_type=jax.ShapeDtypeStruct((N_NODES, N_NODES), jnp.float32),
        scratch_types=[
            pltpu.VMEM((2, N_NODES), jnp.float32),
            pltpu.VMEM((2, N_NODES), jnp.float32),
            pltpu.VMEM((CAPL * L,), jnp.int32),
            pltpu.SemaphoreType.DMA,
            pltpu.SemaphoreType.DMA,
        ],
        compiler_params=pltpu.CompilerParams(needs_layout_passes=False),
    )(_sc_body)
    return f(a)


def kernel(idx, A_param):
    del idx
    return _sc_topk(A_param)

# --- scband reference (transcript-rebuilt; emitter-appended) ---
"""Pipeline reference for scband-graph-re-lu-w-with-prior-11940009082915 (READ-ONLY COPY).

The authoritative reference and input builder live on the scoring server;
editing this copy changes nothing except your own understanding.
"""

import jax, jax.numpy as jnp
import numpy as np

N_NODES = 10000
K = 32

def setup_inputs(seed: int = 0) -> dict:
    key = jax.random.key(seed)
    k1, k2 = jax.random.split(key)
    idx = jnp.arange(N_NODES, dtype=jnp.int64) if jax.config.jax_enable_x64 else jnp.arange(N_NODES, dtype=jnp.int32)
    A_param = jax.random.normal(k1, (N_NODES, N_NODES), dtype=jnp.float32)
    return {"idx": idx, "A_param": A_param}

def reference(idx, A_param):
    # A_prior is None, so adj = relu(A_param)
    adj = jax.nn.relu(A_param)
    # top-k along dim=1, build binary mask via scatter of 1.0, then elementwise multiply
    _, indices = jax.lax.top_k(adj, K)
    row_idx = jnp.arange(adj.shape[0])[:, None]
    mask = jnp.zeros_like(adj).at[row_idx, indices].set(1.0)
    adj = adj * mask
    return adj

if __name__ == "__main__":
    import jax
    _d = setup_inputs()
    print(jax.jit(kernel)(*tuple(_d.values())))

</pallas_src>

<mosaic_0001>
#map = affine_map<(d0, d1) -> (0, 0)>
module attributes {stable_mosaic.version = 14 : i64} {
  func.func @_sc_body(%arg0: i32, %arg1: i32, %arg2: memref<10000x10000xf32, #tpu.memory_space<hbm>>, %arg3: memref<10000x10000xf32, #tpu.memory_space<hbm>>, %arg4: memref<2x10000xf32, #tpu.memory_space<vmem>>, %arg5: memref<2x10000xf32, #tpu.memory_space<vmem>>, %arg6: memref<384xi32, #tpu.memory_space<vmem>>, %arg7: memref<!tpu.dma_semaphore, #tpu.memory_space<semaphore_mem>>, %arg8: memref<!tpu.dma_semaphore, #tpu.memory_space<semaphore_mem>>) attributes {dimension_semantics = [#tpu.dimension_semantics<core_parallel>, #tpu.dimension_semantics<subcore_parallel>], iteration_bounds = array<i64: 2, 16>, scalar_prefetch = 0 : i64, scratch_operands = 5 : i64, tpu.core_type = #tpu.core_type<sc_vector_subcore>, window_params = [{transform_indices = #map}, {transform_indices = #map}]} {
    %mul3A = arith.constant 2 : i32
    %mul3A_0 = arith.muli %arg1, %mul3A : i32
    %add3A = arith.addi %mul3A_0, %arg0 : i32
    %mul3A_1 = arith.constant 313 : i32
    %mul3A_2 = arith.muli %add3A, %mul3A_1 : i32
    %sub3A = arith.constant 10000 : i32
    %sub3A_3 = arith.subi %sub3A, %mul3A_2 : i32
    %min3A = arith.constant 313 : i32
    %min3A_4 = arith.minsi %min3A, %sub3A_3 : i32
    %iota3A = tpu.iota {dimensions = array<i32: 0>} : vector<16xi32>
    %broadcast_in_dim3A = arith.constant 0 : i32
    %broadcast_in_dim3A_5 = vector.broadcast %broadcast_in_dim3A : i32 to vector<16xi32>
    %swap3A = arith.constant 0 : index
    %swap3A_6 = tpu.vector_load %arg6[%swap3A] {strides = array<i32>} : memref<384xi32, #tpu.memory_space<vmem>>, vector<16xi32>,
    tpu.vector_store %arg6[%swap3A], %broadcast_in_dim3A_5 {strides = array<i32>} : memref<384xi32, #tpu.memory_space<vmem>>, vector<16xi32>,
    %broadcast_in_dim3A_7 = arith.constant 0 : i32
    %broadcast_in_dim3A_8 = vector.broadcast %broadcast_in_dim3A_7 : i32 to vector<16xi32>
    %swap3A_9 = arith.constant 16 : index
    %swap3A_10 = tpu.vector_load %arg6[%swap3A_9] {strides = array<i32>} : memref<384xi32, #tpu.memory_space<vmem>>, vector<16xi32>,
    tpu.vector_store %arg6[%swap3A_9], %broadcast_in_dim3A_8 {strides = array<i32>} : memref<384xi32, #tpu.memory_space<vmem>>, vector<16xi32>,
    %broadcast_in_dim3A_11 = arith.constant 0 : i32
    %broadcast_in_dim3A_12 = vector.broadcast %broadcast_in_dim3A_11 : i32 to vector<16xi32>
    %swap3A_13 = arith.constant 32 : index
    %swap3A_14 = tpu.vector_load %arg6[%swap3A_13] {strides = array<i32>} : memref<384xi32, #tpu.memory_space<vmem>>, vector<16xi32>,
    tpu.vector_store %arg6[%swap3A_13], %broadcast_in_dim3A_12 {strides = array<i32>} : memref<384xi32, #tpu.memory_space<vmem>>, vector<16xi32>,
    %broadcast_in_dim3A_15 = arith.constant 0 : i32
    %broadcast_in_dim3A_16 = vector.broadcast %broadcast_in_dim3A_15 : i32 to vector<16xi32>
    %swap3A_17 = arith.constant 48 : index
    %swap3A_18 = tpu.vector_load %arg6[%swap3A_17] {strides = array<i32>} : memref<384xi32, #tpu.memory_space<vmem>>, vector<16xi32>,
    tpu.vector_store %arg6[%swap3A_17], %broadcast_in_dim3A_16 {strides = array<i32>} : memref<384xi32, #tpu.memory_space<vmem>>, vector<16xi32>,
    %broadcast_in_dim3A_19 = arith.constant 0 : i32
    %broadcast_in_dim3A_20 = vector.broadcast %broadcast_in_dim3A_19 : i32 to vector<16xi32>
    %swap3A_21 = arith.constant 64 : index
    %swap3A_22 = tpu.vector_load %arg6[%swap3A_21] {strides = array<i32>} : memref<384xi32, #tpu.memory_space<vmem>>, vector<16xi32>,
    tpu.vector_store %arg6[%swap3A_21], %broadcast_in_dim3A_20 {strides = array<i32>} : memref<384xi32, #tpu.memory_space<vmem>>, vector<16xi32>,
    %broadcast_in_dim3A_23 = arith.constant 0 : i32
    %broadcast_in_dim3A_24 = vector.broadcast %broadcast_in_dim3A_23 : i32 to vector<16xi32>
    %swap3A_25 = arith.constant 80 : index
    %swap3A_26 = tpu.vector_load %arg6[%swap3A_25] {strides = array<i32>} : memref<384xi32, #tpu.memory_space<vmem>>, vector<16xi32>,
    tpu.vector_store %arg6[%swap3A_25], %broadcast_in_dim3A_24 {strides = array<i32>} : memref<384xi32, #tpu.memory_space<vmem>>, vector<16xi32>,
    %broadcast_in_dim3A_27 = arith.constant 0 : i32
    %broadcast_in_dim3A_28 = vector.broadcast %broadcast_in_dim3A_27 : i32 to vector<16xi32>
    %swap3A_29 = arith.constant 96 : index
    %swap3A_30 = tpu.vector_load %arg6[%swap3A_29] {strides = array<i32>} : memref<384xi32, #tpu.memory_space<vmem>>, vector<16xi32>,
    tpu.vector_store %arg6[%swap3A_29], %broadcast_in_dim3A_28 {strides = array<i32>} : memref<384xi32, #tpu.memory_space<vmem>>, vector<16xi32>,
    %broadcast_in_dim3A_31 = arith.constant 0 : i32
    %broadcast_in_dim3A_32 = vector.broadcast %broadcast_in_dim3A_31 : i32 to vector<16xi32>
    %swap3A_33 = arith.constant 112 : index
    %swap3A_34 = tpu.vector_load %arg6[%swap3A_33] {strides = array<i32>} : memref<384xi32, #tpu.memory_space<vmem>>, vector<16xi32>,
    tpu.vector_store %arg6[%swap3A_33], %broadcast_in_dim3A_32 {strides = array<i32>} : memref<384xi32, #tpu.memory_space<vmem>>, vector<16xi32>,
    %broadcast_in_dim3A_35 = arith.constant 0 : i32
    %broadcast_in_dim3A_36 = vector.broadcast %broadcast_in_dim3A_35 : i32 to vector<16xi32>
    %swap3A_37 = arith.constant 128 : index
    %swap3A_38 = tpu.vector_load %arg6[%swap3A_37] {strides = array<i32>} : memref<384xi32, #tpu.memory_space<vmem>>, vector<16xi32>,
    tpu.vector_store %arg6[%swap3A_37], %broadcast_in_dim3A_36 {strides = array<i32>} : memref<384xi32, #tpu.memory_space<vmem>>, vector<16xi32>,
    %broadcast_in_dim3A_39 = arith.constant 0 : i32
    %broadcast_in_dim3A_40 = vector.broadcast %broadcast_in_dim3A_39 : i32 to vector<16xi32>
    %swap3A_41 = arith.constant 144 : index
    %swap3A_42 = tpu.vector_load %arg6[%swap3A_41] {strides = array<i32>} : memref<384xi32, #tpu.memory_space<vmem>>, vector<16xi32>,
    tpu.vector_store %arg6[%swap3A_41], %broadcast_in_dim3A_40 {strides = array<i32>} : memref<384xi32, #tpu.memory_space<vmem>>, vector<16xi32>,
    %broadcast_in_dim3A_43 = arith.constant 0 : i32
    %broadcast_in_dim3A_44 = vector.broadcast %broadcast_in_dim3A_43 : i32 to vector<16xi32>
    %swap3A_45 = arith.constant 160 : index
    %swap3A_46 = tpu.vector_load %arg6[%swap3A_45] {strides = array<i32>} : memref<384xi32, #tpu.memory_space<vmem>>, vector<16xi32>,
    tpu.vector_store %arg6[%swap3A_45], %broadcast_in_dim3A_44 {strides = array<i32>} : memref<384xi32, #tpu.memory_space<vmem>>, vector<16xi32>,
    %broadcast_in_dim3A_47 = arith.constant 0 : i32
    %broadcast_in_dim3A_48 = vector.broadcast %broadcast_in_dim3A_47 : i32 to vector<16xi32>
    %swap3A_49 = arith.constant 176 : index
    %swap3A_50 = tpu.vector_load %arg6[%swap3A_49] {strides = array<i32>} : memref<384xi32, #tpu.memory_space<vmem>>, vector<16xi32>,
    tpu.vector_store %arg6[%swap3A_49], %broadcast_in_dim3A_48 {strides = array<i32>} : memref<384xi32, #tpu.memory_space<vmem>>, vector<16xi32>,
    %broadcast_in_dim3A_51 = arith.constant 0 : i32
    %broadcast_in_dim3A_52 = vector.broadcast %broadcast_in_dim3A_51 : i32 to vector<16xi32>
    %swap3A_53 = arith.constant 192 : index
    %swap3A_54 = tpu.vector_load %arg6[%swap3A_53] {strides = array<i32>} : memref<384xi32, #tpu.memory_space<vmem>>, vector<16xi32>,
    tpu.vector_store %arg6[%swap3A_53], %broadcast_in_dim3A_52 {strides = array<i32>} : memref<384xi32, #tpu.memory_space<vmem>>, vector<16xi32>,
    %broadcast_in_dim3A_55 = arith.constant 0 : i32
    %broadcast_in_dim3A_56 = vector.broadcast %broadcast_in_dim3A_55 : i32 to vector<16xi32>
    %swap3A_57 = arith.constant 208 : index
    %swap3A_58 = tpu.vector_load %arg6[%swap3A_57] {strides = array<i32>} : memref<384xi32, #tpu.memory_space<vmem>>, vector<16xi32>,
    tpu.vector_store %arg6[%swap3A_57], %broadcast_in_dim3A_56 {strides = array<i32>} : memref<384xi32, #tpu.memory_space<vmem>>, vector<16xi32>,
    %broadcast_in_dim3A_59 = arith.constant 0 : i32
    %broadcast_in_dim3A_60 = vector.broadcast %broadcast_in_dim3A_59 : i32 to vector<16xi32>
    %swap3A_61 = arith.constant 224 : index
    %swap3A_62 = tpu.vector_load %arg6[%swap3A_61] {strides = array<i32>} : memref<384xi32, #tpu.memory_space<vmem>>, vector<16xi32>,
    tpu.vector_store %arg6[%swap3A_61], %broadcast_in_dim3A_60 {strides = array<i32>} : memref<384xi32, #tpu.memory_space<vmem>>, vector<16xi32>,
    %broadcast_in_dim3A_63 = arith.constant 0 : i32
    %broadcast_in_dim3A_64 = vector.broadcast %broadcast_in_dim3A_63 : i32 to vector<16xi32>
    %swap3A_65 = arith.constant 240 : index
    %swap3A_66 = tpu.vector_load %arg6[%swap3A_65] {strides = array<i32>} : memref<384xi32, #tpu.memory_space<vmem>>, vector<16xi32>,
    tpu.vector_store %arg6[%swap3A_65], %broadcast_in_dim3A_64 {strides = array<i32>} : memref<384xi32, #tpu.memory_space<vmem>>, vector<16xi32>,
    %broadcast_in_dim3A_67 = arith.constant 0 : i32
    %broadcast_in_dim3A_68 = vector.broadcast %broadcast_in_dim3A_67 : i32 to vector<16xi32>
    %swap3A_69 = arith.constant 256 : index
    %swap3A_70 = tpu.vector_load %arg6[%swap3A_69] {strides = array<i32>} : memref<384xi32, #tpu.memory_space<vmem>>, vector<16xi32>,
    tpu.vector_store %arg6[%swap3A_69], %broadcast_in_dim3A_68 {strides = array<i32>} : memref<384xi32, #tpu.memory_space<vmem>>, vector<16xi32>,
    %broadcast_in_dim3A_71 = arith.constant 0 : i32
    %broadcast_in_dim3A_72 = vector.broadcast %broadcast_in_dim3A_71 : i32 to vector<16xi32>
    %swap3A_73 = arith.constant 272 : index
    %swap3A_74 = tpu.vector_load %arg6[%swap3A_73] {strides = array<i32>} : memref<384xi32, #tpu.memory_space<vmem>>, vector<16xi32>,
    tpu.vector_store %arg6[%swap3A_73], %broadcast_in_dim3A_72 {strides = array<i32>} : memref<384xi32, #tpu.memory_space<vmem>>, vector<16xi32>,
    %broadcast_in_dim3A_75 = arith.constant 0 : i32
    %broadcast_in_dim3A_76 = vector.broadcast %broadcast_in_dim3A_75 : i32 to vector<16xi32>
    %swap3A_77 = arith.constant 288 : index
    %swap3A_78 = tpu.vector_load %arg6[%swap3A_77] {strides = array<i32>} : memref<384xi32, #tpu.memory_space<vmem>>, vector<16xi32>,
    tpu.vector_store %arg6[%swap3A_77], %broadcast_in_dim3A_76 {strides = array<i32>} : memref<384xi32, #tpu.memory_space<vmem>>, vector<16xi32>,
    %broadcast_in_dim3A_79 = arith.constant 0 : i32
    %broadcast_in_dim3A_80 = vector.broadcast %broadcast_in_dim3A_79 : i32 to vector<16xi32>
    %swap3A_81 = arith.constant 304 : index
    %swap3A_82 = tpu.vector_load %arg6[%swap3A_81] {strides = array<i32>} : memref<384xi32, #tpu.memory_space<vmem>>, vector<16xi32>,
    tpu.vector_store %arg6[%swap3A_81], %broadcast_in_dim3A_80 {strides = array<i32>} : memref<384xi32, #tpu.memory_space<vmem>>, vector<16xi32>,
    %broadcast_in_dim3A_83 = arith.constant 0 : i32
    %broadcast_in_dim3A_84 = vector.broadcast %broadcast_in_dim3A_83 : i32 to vector<16xi32>
    %swap3A_85 = arith.constant 320 : index
    %swap3A_86 = tpu.vector_load %arg6[%swap3A_85] {strides = array<i32>} : memref<384xi32, #tpu.memory_space<vmem>>, vector<16xi32>,
    tpu.vector_store %arg6[%swap3A_85], %broadcast_in_dim3A_84 {strides = array<i32>} : memref<384xi32, #tpu.memory_space<vmem>>, vector<16xi32>,
    %broadcast_in_dim3A_87 = arith.constant 0 : i32
    %broadcast_in_dim3A_88 = vector.broadcast %broadcast_in_dim3A_87 : i32 to vector<16xi32>
    %swap3A_89 = arith.constant 336 : index
    %swap3A_90 = tpu.vector_load %arg6[%swap3A_89] {strides = array<i32>} : memref<384xi32, #tpu.memory_space<vmem>>, vector<16xi32>,
    tpu.vector_store %arg6[%swap3A_89], %broadcast_in_dim3A_88 {strides = array<i32>} : memref<384xi32, #tpu.memory_space<vmem>>, vector<16xi32>,
    %broadcast_in_dim3A_91 = arith.constant 0 : i32
    %broadcast_in_dim3A_92 = vector.broadcast %broadcast_in_dim3A_91 : i32 to vector<16xi32>
    %swap3A_93 = arith.constant 352 : index
    %swap3A_94 = tpu.vector_load %arg6[%swap3A_93] {strides = array<i32>} : memref<384xi32, #tpu.memory_space<vmem>>, vector<16xi32>,
    tpu.vector_store %arg6[%swap3A_93], %broadcast_in_dim3A_92 {strides = array<i32>} : memref<384xi32, #tpu.memory_space<vmem>>, vector<16xi32>,
    %broadcast_in_dim3A_95 = arith.constant 0 : i32
    %broadcast_in_dim3A_96 = vector.broadcast %broadcast_in_dim3A_95 : i32 to vector<16xi32>
    %swap3A_97 = arith.constant 368 : index
    %swap3A_98 = tpu.vector_load %arg6[%swap3A_97] {strides = array<i32>} : memref<384xi32, #tpu.memory_space<vmem>>, vector<16xi32>,
    tpu.vector_store %arg6[%swap3A_97], %broadcast_in_dim3A_96 {strides = array<i32>} : memref<384xi32, #tpu.memory_space<vmem>>, vector<16xi32>,
    %dma_start3A = arith.constant 0 : i32
    %dma_start3A_99 = arith.constant 0 : i32
    %dma_start3A_100 = tpu.memref_slice %arg4[%dma_start3A, %dma_start3A_99] : memref<2x10000xf32, #tpu.memory_space<vmem>> -> memref<1x10000xf32, #tpu.memory_space<vmem>>
    %dma_start3A_101 = tpu.memref_squeeze %dma_start3A_100 : memref<1x10000xf32, #tpu.memory_space<vmem>> -> memref<10000xf32, #tpu.memory_space<vmem>>
    %dma_start3A_102 = arith.constant 0 : i32
    %dma_start3A_103 = tpu.memref_slice %arg2[%mul3A_2, %dma_start3A_102] : memref<10000x10000xf32, #tpu.memory_space<hbm>> -> memref<1x10000xf32, #tpu.memory_space<hbm>>
    %dma_start3A_104 = tpu.memref_squeeze %dma_start3A_103 : memref<1x10000xf32, #tpu.memory_space<hbm>> -> memref<10000xf32, #tpu.memory_space<hbm>>
    %dma_start3A_105 = arith.constant 0 : i32
    %dma_start3A_106 = tpu.memref_slice %arg4[%dma_start3A, %dma_start3A_105] : memref<2x10000xf32, #tpu.memory_space<vmem>> -> memref<1x10000xf32, #tpu.memory_space<vmem>>
    %dma_start3A_107 = tpu.memref_squeeze %dma_start3A_106 : memref<1x10000xf32, #tpu.memory_space<vmem>> -> memref<10000xf32, #tpu.memory_space<vmem>>
    %dma_start3A_108 = arith.constant 0 : i32
    %dma_start3A_109 = tpu.memref_slice %arg2[%mul3A_2, %dma_start3A_108] : memref<10000x10000xf32, #tpu.memory_space<hbm>> -> memref<1x10000xf32, #tpu.memory_space<hbm>>
    %dma_start3A_110 = tpu.memref_squeeze %dma_start3A_109 : memref<1x10000xf32, #tpu.memory_space<hbm>> -> memref<10000xf32, #tpu.memory_space<hbm>>
    tpu.enqueue_dma source(%dma_start3A_110 : memref<10000xf32, #tpu.memory_space<hbm>>) target(%dma_start3A_107 : memref<10000xf32, #tpu.memory_space<vmem>>) target_semaphore(%arg7 : memref<!tpu.dma_semaphore, #tpu.memory_space<semaphore_mem>>)
    %while3A = arith.constant 0 : i32
    %while3A_111 = arith.constant 0.000000e+00 : f32
    %while3A_112 = arith.subi %min3A_4, %while3A : i32
    %while3A_113 = arith.addi %while3A, %while3A_112 : i32
    %while3A_114 = arith.constant 1 : i32
    %while3A_115 = arith.divsi %while3A_112, %while3A_114 : i32
    %while3A_116 = arith.muli %while3A_115, %while3A_114 : i32
    %while3A_117 = arith.addi %while3A, %while3A_116 : i32
    %while3A_118 = arith.constant 1 : i32
    %while3A_119 = scf.for %while3A_147 = %while3A to %while3A_117 step %while3A_118 iter_args(%while3A_148 = %while3A_111) -> (f32)  : i32 {
      %add3A_149 = arith.addi %mul3A_2, %while3A_147 : i32
      %jit3A = arith.constant 2 : i32
      %eq3A = arith.constant 0 : i32
      %eq3A_150 = arith.cmpi eq, %jit3A, %eq3A : i32
      %jit3A_151 = arith.constant 1 : i32
      %select_n3A = arith.select %eq3A_150, %jit3A_151, %jit3A : i32
      %rem3A = arith.remsi %while3A_147, %select_n3A : i32
      %ne3A = arith.constant 0 : i32
      %ne3A_152 = arith.cmpi ne, %rem3A, %ne3A : i32
      %lt3A = arith.constant 0 : i32
      %lt3A_153 = arith.cmpi slt, %rem3A, %lt3A : i32
      %lt3A_154 = arith.constant 0 : i32
      %lt3A_155 = arith.cmpi slt, %select_n3A, %lt3A_154 : i32
      %ne3A_156 = arith.xori %lt3A_153, %lt3A_155 : i1
      %and3A = arith.andi %ne3A_156, %ne3A_152 : i1
      %add3A_157 = arith.addi %rem3A, %select_n3A : i32
      %select_n3A_158 = arith.select %and3A, %add3A_157, %rem3A : i32
      %broadcast_in_dim3A_159 = arith.constant 0 : i32
      %broadcast_in_dim3A_160 = vector.broadcast %broadcast_in_dim3A_159 : i32 to vector<16xi32>
      %add3A_161 = vector.broadcast %select_n3A_158 : i32 to vector<16xi32>
      %add3A_162 = arith.addi %broadcast_in_dim3A_160, %add3A_161 : vector<16xi32>
      %dma_wait3A_163 = arith.constant 0 : i32
      %dma_wait3A_164 = tpu.memref_slice %arg4[%select_n3A_158, %dma_wait3A_163] : memref<2x10000xf32, #tpu.memory_space<vmem>> -> memref<1x10000xf32, #tpu.memory_space<vmem>>
      %dma_wait3A_165 = tpu.memref_squeeze %dma_wait3A_164 : memref<1x10000xf32, #tpu.memory_space<vmem>> -> memref<10000xf32, #tpu.memory_space<vmem>>
      %dma_wait3A_166 = arith.constant 0 : i32
      %dma_wait3A_167 = tpu.memref_slice %arg2[%add3A_149, %dma_wait3A_166] : memref<10000x10000xf32, #tpu.memory_space<hbm>> -> memref<1x10000xf32, #tpu.memory_space<hbm>>
      %dma_wait3A_168 = tpu.memref_squeeze %dma_wait3A_167 : memref<1x10000xf32, #tpu.memory_space<hbm>> -> memref<10000xf32, #tpu.memory_space<hbm>>
      %dma_wait3A_169 = arith.constant 0 : i32
      %dma_wait3A_170 = tpu.memref_slice %arg4[%select_n3A_158, %dma_wait3A_169] : memref<2x10000xf32, #tpu.memory_space<vmem>> -> memref<1x10000xf32, #tpu.memory_space<vmem>>
      %dma_wait3A_171 = tpu.memref_squeeze %dma_wait3A_170 : memref<1x10000xf32, #tpu.memory_space<vmem>> -> memref<10000xf32, #tpu.memory_space<vmem>>
      %dma_wait3A_172 = arith.constant 0 : i32
      %dma_wait3A_173 = tpu.memref_slice %arg2[%add3A_149, %dma_wait3A_172] : memref<10000x10000xf32, #tpu.memory_space<hbm>> -> memref<1x10000xf32, #tpu.memory_space<hbm>>
      %dma_wait3A_174 = tpu.memref_squeeze %dma_wait3A_173 : memref<1x10000xf32, #tpu.memory_space<hbm>> -> memref<10000xf32, #tpu.memory_space<hbm>>
      tpu.wait_dma2 semaphore(%arg7 : memref<!tpu.dma_semaphore, #tpu.memory_space<semaphore_mem>>) src(%dma_wait3A_174 : memref<10000xf32, #tpu.memory_space<hbm>>) dst(%dma_wait3A_171 : memref<10000xf32, #tpu.memory_space<vmem>>)
      %add3A_175 = arith.constant 1 : i32
      %add3A_176 = arith.addi %while3A_147, %add3A_175 : i32
      %lt3A_177 = arith.cmpi slt, %add3A_176, %min3A_4 : i32
      %convert_element_type3A = arith.extui %lt3A_177 : i1 to i32
      %cond3A = arith.constant 0 : i32
      %cond3A_178 = arith.cmpi ne, %convert_element_type3A, %cond3A : i32
      scf.if %cond3A_178 {
        %add3A_260 = arith.constant 1 : i32
        %add3A_261 = arith.addi %add3A_149, %add3A_260 : i32
        %sub3A_262 = arith.constant 1 : i32
        %sub3A_263 = arith.subi %sub3A_262, %select_n3A_158 : i32
        %dma_start3A_264 = arith.constant 0 : i32
        %dma_start3A_265 = tpu.memref_slice %arg4[%sub3A_263, %dma_start3A_264] : memref<2x10000xf32, #tpu.memory_space<vmem>> -> memref<1x10000xf32, #tpu.memory_space<vmem>>
        %dma_start3A_266 = tpu.memref_squeeze %dma_start3A_265 : memref<1x10000xf32, #tpu.memory_space<vmem>> -> memref<10000xf32, #tpu.memory_space<vmem>>
        %dma_start3A_267 = arith.constant 0 : i32
        %dma_start3A_268 = tpu.memref_slice %arg2[%add3A_261, %dma_start3A_267] : memref<10000x10000xf32, #tpu.memory_space<hbm>> -> memref<1x10000xf32, #tpu.memory_space<hbm>>
        %dma_start3A_269 = tpu.memref_squeeze %dma_start3A_268 : memref<1x10000xf32, #tpu.memory_space<hbm>> -> memref<10000xf32, #tpu.memory_space<hbm>>
        %dma_start3A_270 = arith.constant 0 : i32
        %dma_start3A_271 = tpu.memref_slice %arg4[%sub3A_263, %dma_start3A_270] : memref<2x10000xf32, #tpu.memory_space<vmem>> -> memref<1x10000xf32, #tpu.memory_space<vmem>>
        %dma_start3A_272 = tpu.memref_squeeze %dma_start3A_271 : memref<1x10000xf32, #tpu.memory_space<vmem>> -> memref<10000xf32, #tpu.memory_space<vmem>>
        %dma_start3A_273 = arith.constant 0 : i32
        %dma_start3A_274 = tpu.memref_slice %arg2[%add3A_261, %dma_start3A_273] : memref<10000x10000xf32, #tpu.memory_space<hbm>> -> memref<1x10000xf32, #tpu.memory_space<hbm>>
        %dma_start3A_275 = tpu.memref_squeeze %dma_start3A_274 : memref<1x10000xf32, #tpu.memory_space<hbm>> -> memref<10000xf32, #tpu.memory_space<hbm>>
        tpu.enqueue_dma source(%dma_start3A_275 : memref<10000xf32, #tpu.memory_space<hbm>>) target(%dma_start3A_272 : memref<10000xf32, #tpu.memory_space<vmem>>) target_semaphore(%arg7 : memref<!tpu.dma_semaphore, #tpu.memory_space<semaphore_mem>>)
      } else {
      }
      %ge3A = arith.constant 2 : i32
      %ge3A_179 = arith.cmpi sge, %while3A_147, %ge3A : i32
      %convert_element_type3A_180 = arith.extui %ge3A_179 : i1 to i32
      %cond3A_181 = arith.constant 0 : i32
      %cond3A_182 = arith.cmpi ne, %convert_element_type3A_180, %cond3A_181 : i32
      scf.if %cond3A_182 {
        %sub3A_260 = arith.constant 2 : i32
        %sub3A_261 = arith.subi %add3A_149, %sub3A_260 : i32
        %dma_wait3A_262 = arith.constant 0 : i32
        %dma_wait3A_263 = tpu.memref_slice %arg5[%select_n3A_158, %dma_wait3A_262] : memref<2x10000xf32, #tpu.memory_space<vmem>> -> memref<1x10000xf32, #tpu.memory_space<vmem>>
        %dma_wait3A_264 = tpu.memref_squeeze %dma_wait3A_263 : memref<1x10000xf32, #tpu.memory_space<vmem>> -> memref<10000xf32, #tpu.memory_space<vmem>>
        %dma_wait3A_265 = arith.constant 0 : i32
        %dma_wait3A_266 = tpu.memref_slice %arg3[%sub3A_261, %dma_wait3A_265] : memref<10000x10000xf32, #tpu.memory_space<hbm>> -> memref<1x10000xf32, #tpu.memory_space<hbm>>
        %dma_wait3A_267 = tpu.memref_squeeze %dma_wait3A_266 : memref<1x10000xf32, #tpu.memory_space<hbm>> -> memref<10000xf32, #tpu.memory_space<hbm>>
        %dma_wait3A_268 = arith.constant 0 : i32
        %dma_wait3A_269 = tpu.memref_slice %arg3[%sub3A_261, %dma_wait3A_268] : memref<10000x10000xf32, #tpu.memory_space<hbm>> -> memref<1x10000xf32, #tpu.memory_space<hbm>>
        %dma_wait3A_270 = tpu.memref_squeeze %dma_wait3A_269 : memref<1x10000xf32, #tpu.memory_space<hbm>> -> memref<10000xf32, #tpu.memory_space<hbm>>
        %dma_wait3A_271 = arith.constant 0 : i32
        %dma_wait3A_272 = tpu.memref_slice %arg5[%select_n3A_158, %dma_wait3A_271] : memref<2x10000xf32, #tpu.memory_space<vmem>> -> memref<1x10000xf32, #tpu.memory_space<vmem>>
        %dma_wait3A_273 = tpu.memref_squeeze %dma_wait3A_272 : memref<1x10000xf32, #tpu.memory_space<vmem>> -> memref<10000xf32, #tpu.memory_space<vmem>>
        tpu.wait_dma2 semaphore(%arg8 : memref<!tpu.dma_semaphore, #tpu.memory_space<semaphore_mem>>) src(%dma_wait3A_273 : memref<10000xf32, #tpu.memory_space<vmem>>) dst(%dma_wait3A_270 : memref<10000xf32, #tpu.memory_space<hbm>>)
      } else {
      }
      %mul3A_183 = arith.constant 8.500000e-01 : f32
      %mul3A_184 = arith.mulf %while3A_148, %mul3A_183 : f32
      %broadcast_in_dim3A_185 = arith.constant 0 : i32
      %broadcast_in_dim3A_186 = vector.broadcast %broadcast_in_dim3A_185 : i32 to vector<16xi32>
      %scan3A = arith.constant 0 : i32
      %scan3A_187 = arith.constant 624 : i32
      %scan3A_188 = arith.addi %scan3A, %scan3A_187 : i32
      %scan3A_189 = arith.constant 16 : i32
      %scan3A_190 = scf.for %scan3A_260 = %scan3A to %scan3A_188 step %scan3A_189 iter_args(%scan3A_261 = %broadcast_in_dim3A_186) -> (vector<16xi32>)  : i32 {
        %mul3A_262 = arith.constant 16 : i32
        %mul3A_263 = arith.muli %scan3A_260, %mul3A_262 : i32
        %get3A_264 = arith.index_cast %select_n3A_158 : i32 to index
        %get3A_265 = arith.index_cast %mul3A_263 : i32 to index
        %get3A_266 = tpu.vector_load %arg4[%get3A_264, %get3A_265] {strides = array<i32>} : memref<2x10000xf32, #tpu.memory_space<vmem>>, vector<16xf32>,
        %gt3A_267 = vector.broadcast %mul3A_184 : f32 to vector<16xf32>
        %gt3A_268 = arith.cmpf ogt, %get3A_266, %gt3A_267 : vector<16xf32>
        %jit3A_269 = arith.constant 0.000000e+00 : f32
        %broadcast_in_dim3A_270 = vector.broadcast %jit3A_269 : f32 to vector<16xf32>
        %select_n3A_271 = arith.select %gt3A_268, %get3A_266, %broadcast_in_dim3A_270 : vector<16xi1>, vector<16xf32>
        %mul3A_272 = arith.constant 16 : i32
        %mul3A_273 = arith.muli %scan3A_260, %mul3A_272 : i32
        %swap3A_274 = arith.index_cast %select_n3A_158 : i32 to index
        %swap3A_275 = arith.index_cast %mul3A_273 : i32 to index
        %swap3A_276 = tpu.vector_load %arg5[%swap3A_274, %swap3A_275] {strides = array<i32>} : memref<2x10000xf32, #tpu.memory_space<vmem>>, vector<16xf32>,
        tpu.vector_store %arg5[%swap3A_274, %swap3A_275], %select_n3A_271 {strides = array<i32>} : memref<2x10000xf32, #tpu.memory_space<vmem>>, vector<16xf32>,
        %min3A_277 = arith.constant 23 : i32
        %min3A_278 = vector.broadcast %min3A_277 : i32 to vector<16xi32>
        %min3A_279 = arith.minsi %scan3A_261, %min3A_278 : vector<16xi32>
        %mul3A_280 = arith.constant 16 : i32
        %mul3A_281 = vector.broadcast %mul3A_280 : i32 to vector<16xi32>
        %mul3A_282 = arith.muli %min3A_279, %mul3A_281 : vector<16xi32>
        %add3A_283 = arith.addi %mul3A_282, %iota3A : vector<16xi32>
        %mul3A_284 = arith.constant 16 : i32
        %mul3A_285 = arith.muli %scan3A_260, %mul3A_284 : i32
        %add3A_286 = vector.broadcast %mul3A_285 : i32 to vector<16xi32>
        %add3A_287 = arith.addi %iota3A, %add3A_286 : vector<16xi32>
        tpu.vector_store_idx %arg6[%add3A_283], %add3A_287 masked %gt3A_268 : memref<384xi32, #tpu.memory_space<vmem>>[vector<16xi32>], vector<16xi32>, vector<16xi1>
        %convert_element_type3A_288 = arith.extui %gt3A_268 : vector<16xi1> to vector<16xi32>
        %add3A_289 = arith.addi %scan3A_261, %convert_element_type3A_288 : vector<16xi32>
        %scan3A_290 = arith.constant 1 : i32
        %scan3A_291 = arith.addi %scan3A_260, %scan3A_290 : i32
        %mul3A_292 = arith.constant 16 : i32
        %mul3A_293 = arith.muli %scan3A_291, %mul3A_292 : i32
        %get3A_294 = arith.index_cast %select_n3A_158 : i32 to index
        %get3A_295 = arith.index_cast %mul3A_293 : i32 to index
        %get3A_296 = tpu.vector_load %arg4[%get3A_294, %get3A_295] {strides = array<i32>} : memref<2x10000xf32, #tpu.memory_space<vmem>>, vector<16xf32>,
        %gt3A_297 = vector.broadcast %mul3A_184 : f32 to vector<16xf32>
        %gt3A_298 = arith.cmpf ogt, %get3A_296, %gt3A_297 : vector<16xf32>
        %jit3A_299 = arith.constant 0.000000e+00 : f32
        %broadcast_in_dim3A_300 = vector.broadcast %jit3A_299 : f32 to vector<16xf32>
        %select_n3A_301 = arith.select %gt3A_298, %get3A_296, %broadcast_in_dim3A_300 : vector<16xi1>, vector<16xf32>
        %mul3A_302 = arith.constant 16 : i32
        %mul3A_303 = arith.muli %scan3A_291, %mul3A_302 : i32
        %swap3A_304 = arith.index_cast %select_n3A_158 : i32 to index
        %swap3A_305 = arith.index_cast %mul3A_303 : i32 to index
        %swap3A_306 = tpu.vector_load %arg5[%swap3A_304, %swap3A_305] {strides = array<i32>} : memref<2x10000xf32, #tpu.memory_space<vmem>>, vector<16xf32>,
        tpu.vector_store %arg5[%swap3A_304, %swap3A_305], %select_n3A_301 {strides = array<i32>} : memref<2x10000xf32, #tpu.memory_space<vmem>>, vector<16xf32>,
        %min3A_307 = arith.constant 23 : i32
        %min3A_308 = vector.broadcast %min3A_307 : i32 to vector<16xi32>
        %min3A_309 = arith.minsi %add3A_289, %min3A_308 : vector<16xi32>
        %mul3A_310 = arith.constant 16 : i32
        %mul3A_311 = vector.broadcast %mul3A_310 : i32 to vector<16xi32>
        %mul3A_312 = arith.muli %min3A_309, %mul3A_311 : vector<16xi32>
        %add3A_313 = arith.addi %mul3A_312, %iota3A : vector<16xi32>
        %mul3A_314 = arith.constant 16 : i32
        %mul3A_315 = arith.muli %scan3A_291, %mul3A_314 : i32
        %add3A_316 = vector.broadcast %mul3A_315 : i32 to vector<16xi32>
        %add3A_317 = arith.addi %iota3A, %add3A_316 : vector<16xi32>
        tpu.vector_store_idx %arg6[%add3A_313], %add3A_317 masked %gt3A_298 : memref<384xi32, #tpu.memory_space<vmem>>[vector<16xi32>], vector<16xi32>, vector<16xi1>
        %convert_element_type3A_318 = arith.extui %gt3A_298 : vector<16xi1> to vector<16xi32>
        %add3A_319 = arith.addi %add3A_289, %convert_element_type3A_318 : vector<16xi32>
        %scan3A_320 = arith.constant 2 : i32
        %scan3A_321 = arith.addi %scan3A_260, %scan3A_320 : i32
        %mul3A_322 = arith.constant 16 : i32
        %mul3A_323 = arith.muli %scan3A_321, %mul3A_322 : i32
        %get3A_324 = arith.index_cast %select_n3A_158 : i32 to index
        %get3A_325 = arith.index_cast %mul3A_323 : i32 to index
        %get3A_326 = tpu.vector_load %arg4[%get3A_324, %get3A_325] {strides = array<i32>} : memref<2x10000xf32, #tpu.memory_space<vmem>>, vector<16xf32>,
        %gt3A_327 = vector.broadcast %mul3A_184 : f32 to vector<16xf32>
        %gt3A_328 = arith.cmpf ogt, %get3A_326, %gt3A_327 : vector<16xf32>
        %jit3A_329 = arith.constant 0.000000e+00 : f32
        %broadcast_in_dim3A_330 = vector.broadcast %jit3A_329 : f32 to vector<16xf32>
        %select_n3A_331 = arith.select %gt3A_328, %get3A_326, %broadcast_in_dim3A_330 : vector<16xi1>, vector<16xf32>
        %mul3A_332 = arith.constant 16 : i32
        %mul3A_333 = arith.muli %scan3A_321, %mul3A_332 : i32
        %swap3A_334 = arith.index_cast %select_n3A_158 : i32 to index
        %swap3A_335 = arith.index_cast %mul3A_333 : i32 to index
        %swap3A_336 = tpu.vector_load %arg5[%swap3A_334, %swap3A_335] {strides = array<i32>} : memref<2x10000xf32, #tpu.memory_space<vmem>>, vector<16xf32>,
        tpu.vector_store %arg5[%swap3A_334, %swap3A_335], %select_n3A_331 {strides = array<i32>} : memref<2x10000xf32, #tpu.memory_space<vmem>>, vector<16xf32>,
        %min3A_337 = arith.constant 23 : i32
        %min3A_338 = vector.broadcast %min3A_337 : i32 to vector<16xi32>
        %min3A_339 = arith.minsi %add3A_319, %min3A_338 : vector<16xi32>
        %mul3A_340 = arith.constant 16 : i32
        %mul3A_341 = vector.broadcast %mul3A_340 : i32 to vector<16xi32>
        %mul3A_342 = arith.muli %min3A_339, %mul3A_341 : vector<16xi32>
        %add3A_343 = arith.addi %mul3A_342, %iota3A : vector<16xi32>
        %mul3A_344 = arith.constant 16 : i32
        %mul3A_345 = arith.muli %scan3A_321, %mul3A_344 : i32
        %add3A_346 = vector.broadcast %mul3A_345 : i32 to vector<16xi32>
        %add3A_347 = arith.addi %iota3A, %add3A_346 : vector<16xi32>
        tpu.vector_store_idx %arg6[%add3A_343], %add3A_347 masked %gt3A_328 : memref<384xi32, #tpu.memory_space<vmem>>[vector<16xi32>], vector<16xi32>, vector<16xi1>
        %convert_element_type3A_348 = arith.extui %gt3A_328 : vector<16xi1> to vector<16xi32>
        %add3A_349 = arith.addi %add3A_319, %convert_element_type3A_348 : vector<16xi32>
        %scan3A_350 = arith.constant 3 : i32
        %scan3A_351 = arith.addi %scan3A_260, %scan3A_350 : i32
        %mul3A_352 = arith.constant 16 : i32
        %mul3A_353 = arith.muli %scan3A_351, %mul3A_352 : i32
        %get3A_354 = arith.index_cast %select_n3A_158 : i32 to index
        %get3A_355 = arith.index_cast %mul3A_353 : i32 to index
        %get3A_356 = tpu.vector_load %arg4[%get3A_354, %get3A_355] {strides = array<i32>} : memref<2x10000xf32, #tpu.memory_space<vmem>>, vector<16xf32>,
        %gt3A_357 = vector.broadcast %mul3A_184 : f32 to vector<16xf32>
        %gt3A_358 = arith.cmpf ogt, %get3A_356, %gt3A_357 : vector<16xf32>
        %jit3A_359 = arith.constant 0.000000e+00 : f32
        %broadcast_in_dim3A_360 = vector.broadcast %jit3A_359 : f32 to vector<16xf32>
        %select_n3A_361 = arith.select %gt3A_358, %get3A_356, %broadcast_in_dim3A_360 : vector<16xi1>, vector<16xf32>
        %mul3A_362 = arith.constant 16 : i32
        %mul3A_363 = arith.muli %scan3A_351, %mul3A_362 : i32
        %swap3A_364 = arith.index_cast %select_n3A_158 : i32 to index
        %swap3A_365 = arith.index_cast %mul3A_363 : i32 to index
        %swap3A_366 = tpu.vector_load %arg5[%swap3A_364, %swap3A_365] {strides = array<i32>} : memref<2x10000xf32, #tpu.memory_space<vmem>>, vector<16xf32>,
        tpu.vector_store %arg5[%swap3A_364, %swap3A_365], %select_n3A_361 {strides = array<i32>} : memref<2x10000xf32, #tpu.memory_space<vmem>>, vector<16xf32>,
        %min3A_367 = arith.constant 23 : i32
        %min3A_368 = vector.broadcast %min3A_367 : i32 to vector<16xi32>
        %min3A_369 = arith.minsi %add3A_349, %min3A_368 : vector<16xi32>
        %mul3A_370 = arith.constant 16 : i32
        %mul3A_371 = vector.broadcast %mul3A_370 : i32 to vector<16xi32>
        %mul3A_372 = arith.muli %min3A_369, %mul3A_371 : vector<16xi32>
        %add3A_373 = arith.addi %mul3A_372, %iota3A : vector<16xi32>
        %mul3A_374 = arith.constant 16 : i32
        %mul3A_375 = arith.muli %scan3A_351, %mul3A_374 : i32
        %add3A_376 = vector.broadcast %mul3A_375 : i32 to vector<16xi32>
        %add3A_377 = arith.addi %iota3A, %add3A_376 : vector<16xi32>
        tpu.vector_store_idx %arg6[%add3A_373], %add3A_377 masked %gt3A_358 : memref<384xi32, #tpu.memory_space<vmem>>[vector<16xi32>], vector<16xi32>, vector<16xi1>
        %convert_element_type3A_378 = arith.extui %gt3A_358 : vector<16xi1> to vector<16xi32>
        %add3A_379 = arith.addi %add3A_349, %convert_element_type3A_378 : vector<16xi32>
        %scan3A_380 = arith.constant 4 : i32
        %scan3A_381 = arith.addi %scan3A_260, %scan3A_380 : i32
        %mul3A_382 = arith.constant 16 : i32
        %mul3A_383 = arith.muli %scan3A_381, %mul3A_382 : i32
        %get3A_384 = arith.index_cast %select_n3A_158 : i32 to index
        %get3A_385 = arith.index_cast %mul3A_383 : i32 to index
        %get3A_386 = tpu.vector_load %arg4[%get3A_384, %get3A_385] {strides = array<i32>} : memref<2x10000xf32, #tpu.memory_space<vmem>>, vector<16xf32>,
        %gt3A_387 = vector.broadcast %mul3A_184 : f32 to vector<16xf32>
        %gt3A_388 = arith.cmpf ogt, %get3A_386, %gt3A_387 : vector<16xf32>
        %jit3A_389 = arith.constant 0.000000e+00 : f32
        %broadcast_in_dim3A_390 = vector.broadcast %jit3A_389 : f32 to vector<16xf32>
        %select_n3A_391 = arith.select %gt3A_388, %get3A_386, %broadcast_in_dim3A_390 : vector<16xi1>, vector<16xf32>
        %mul3A_392 = arith.constant 16 : i32
        %mul3A_393 = arith.muli %scan3A_381, %mul3A_392 : i32
        %swap3A_394 = arith.index_cast %select_n3A_158 : i32 to index
        %swap3A_395 = arith.index_cast %mul3A_393 : i32 to index
        %swap3A_396 = tpu.vector_load %arg5[%swap3A_394, %swap3A_395] {strides = array<i32>} : memref<2x10000xf32, #tpu.memory_space<vmem>>, vector<16xf32>,
        tpu.vector_store %arg5[%swap3A_394, %swap3A_395], %select_n3A_391 {strides = array<i32>} : memref<2x10000xf32, #tpu.memory_space<vmem>>, vector<16xf32>,
        %min3A_397 = arith.constant 23 : i32
        %min3A_398 = vector.broadcast %min3A_397 : i32 to vector<16xi32>
        %min3A_399 = arith.minsi %add3A_379, %min3A_398 : vector<16xi32>
        %mul3A_400 = arith.constant 16 : i32
        %mul3A_401 = vector.broadcast %mul3A_400 : i32 to vector<16xi32>
        %mul3A_402 = arith.muli %min3A_399, %mul3A_401 : vector<16xi32>
        %add3A_403 = arith.addi %mul3A_402, %iota3A : vector<16xi32>
        %mul3A_404 = arith.constant 16 : i32
        %mul3A_405 = arith.muli %scan3A_381, %mul3A_404 : i32
        %add3A_406 = vector.broadcast %mul3A_405 : i32 to vector<16xi32>
        %add3A_407 = arith.addi %iota3A, %add3A_406 : vector<16xi32>
        tpu.vector_store_idx %arg6[%add3A_403], %add3A_407 masked %gt3A_388 : memref<384xi32, #tpu.memory_space<vmem>>[vector<16xi32>], vector<16xi32>, vector<16xi1>
        %convert_element_type3A_408 = arith.extui %gt3A_388 : vector<16xi1> to vector<16xi32>
        %add3A_409 = arith.addi %add3A_379, %convert_element_type3A_408 : vector<16xi32>
        %scan3A_410 = arith.constant 5 : i32
        %scan3A_411 = arith.addi %scan3A_260, %scan3A_410 : i32
        %mul3A_412 = arith.constant 16 : i32
        %mul3A_413 = arith.muli %scan3A_411, %mul3A_412 : i32
        %get3A_414 = arith.index_cast %select_n3A_158 : i32 to index
        %get3A_415 = arith.index_cast %mul3A_413 : i32 to index
        %get3A_416 = tpu.vector_load %arg4[%get3A_414, %get3A_415] {strides = array<i32>} : memref<2x10000xf32, #tpu.memory_space<vmem>>, vector<16xf32>,
        %gt3A_417 = vector.broadcast %mul3A_184 : f32 to vector<16xf32>
        %gt3A_418 = arith.cmpf ogt, %get3A_416, %gt3A_417 : vector<16xf32>
        %jit3A_419 = arith.constant 0.000000e+00 : f32
        %broadcast_in_dim3A_420 = vector.broadcast %jit3A_419 : f32 to vector<16xf32>
        %select_n3A_421 = arith.select %gt3A_418, %get3A_416, %broadcast_in_dim3A_420 : vector<16xi1>, vector<16xf32>
        %mul3A_422 = arith.constant 16 : i32
        %mul3A_423 = arith.muli %scan3A_411, %mul3A_422 : i32
        %swap3A_424 = arith.index_cast %select_n3A_158 : i32 to index
        %swap3A_425 = arith.index_cast %mul3A_423 : i32 to index
        %swap3A_426 = tpu.vector_load %arg5[%swap3A_424, %swap3A_425] {strides = array<i32>} : memref<2x10000xf32, #tpu.memory_space<vmem>>, vector<16xf32>,
        tpu.vector_store %arg5[%swap3A_424, %swap3A_425], %select_n3A_421 {strides = array<i32>} : memref<2x10000xf32, #tpu.memory_space<vmem>>, vector<16xf32>,
        %min3A_427 = arith.constant 23 : i32
        %min3A_428 = vector.broadcast %min3A_427 : i32 to vector<16xi32>
        %min3A_429 = arith.minsi %add3A_409, %min3A_428 : vector<16xi32>
        %mul3A_430 = arith.constant 16 : i32
        %mul3A_431 = vector.broadcast %mul3A_430 : i32 to vector<16xi32>
        %mul3A_432 = arith.muli %min3A_429, %mul3A_431 : vector<16xi32>
        %add3A_433 = arith.addi %mul3A_432, %iota3A : vector<16xi32>
        %mul3A_434 = arith.constant 16 : i32
        %mul3A_435 = arith.muli %scan3A_411, %mul3A_434 : i32
        %add3A_436 = vector.broadcast %mul3A_435 : i32 to vector<16xi32>
        %add3A_437 = arith.addi %iota3A, %add3A_436 : vector<16xi32>
        tpu.vector_store_idx %arg6[%add3A_433], %add3A_437 masked %gt3A_418 : memref<384xi32, #tpu.memory_space<vmem>>[vector<16xi32>], vector<16xi32>, vector<16xi1>
        %convert_element_type3A_438 = arith.extui %gt3A_418 : vector<16xi1> to vector<16xi32>
        %add3A_439 = arith.addi %add3A_409, %convert_element_type3A_438 : vector<16xi32>
        %scan3A_440 = arith.constant 6 : i32
        %scan3A_441 = arith.addi %scan3A_260, %scan3A_440 : i32
        %mul3A_442 = arith.constant 16 : i32
        %mul3A_443 = arith.muli %scan3A_441, %mul3A_442 : i32
        %get3A_444 = arith.index_cast %select_n3A_158 : i32 to index
        %get3A_445 = arith.index_cast %mul3A_443 : i32 to index
        %get3A_446 = tpu.vector_load %arg4[%get3A_444, %get3A_445] {strides = array<i32>} : memref<2x10000xf32, #tpu.memory_space<vmem>>, vector<16xf32>,
        %gt3A_447 = vector.broadcast %mul3A_184 : f32 to vector<16xf32>
        %gt3A_448 = arith.cmpf ogt, %get3A_446, %gt3A_447 : vector<16xf32>
        %jit3A_449 = arith.constant 0.000000e+00 : f32
        %broadcast_in_dim3A_450 = vector.broadcast %jit3A_449 : f32 to vector<16xf32>
        %select_n3A_451 = arith.select %gt3A_448, %get3A_446, %broadcast_in_dim3A_450 : vector<16xi1>, vector<16xf32>
        %mul3A_452 = arith.constant 16 : i32
        %mul3A_453 = arith.muli %scan3A_441, %mul3A_452 : i32
        %swap3A_454 = arith.index_cast %select_n3A_158 : i32 to index
        %swap3A_455 = arith.index_cast %mul3A_453 : i32 to index
        %swap3A_456 = tpu.vector_load %arg5[%swap3A_454, %swap3A_455] {strides = array<i32>} : memref<2x10000xf32, #tpu.memory_space<vmem>>, vector<16xf32>,
        tpu.vector_store %arg5[%swap3A_454, %swap3A_455], %select_n3A_451 {strides = array<i32>} : memref<2x10000xf32, #tpu.memory_space<vmem>>, vector<16xf32>,
        %min3A_457 = arith.constant 23 : i32
        %min3A_458 = vector.broadcast %min3A_457 : i32 to vector<16xi32>
        %min3A_459 = arith.minsi %add3A_439, %min3A_458 : vector<16xi32>
        %mul3A_460 = arith.constant 16 : i32
        %mul3A_461 = vector.broadcast %mul3A_460 : i32 to vector<16xi32>
        %mul3A_462 = arith.muli %min3A_459, %mul3A_461 : vector<16xi32>
        %add3A_463 = arith.addi %mul3A_462, %iota3A : vector<16xi32>
        %mul3A_464 = arith.constant 16 : i32
        %mul3A_465 = arith.muli %scan3A_441, %mul3A_464 : i32
        %add3A_466 = vector.broadcast %mul3A_465 : i32 to vector<16xi32>
        %add3A_467 = arith.addi %iota3A, %add3A_466 : vector<16xi32>
        tpu.vector_store_idx %arg6[%add3A_463], %add3A_467 masked %gt3A_448 : memref<384xi32, #tpu.memory_space<vmem>>[vector<16xi32>], vector<16xi32>, vector<16xi1>
        %convert_element_type3A_468 = arith.extui %gt3A_448 : vector<16xi1> to vector<16xi32>
        %add3A_469 = arith.addi %add3A_439, %convert_element_type3A_468 : vector<16xi32>
        %scan3A_470 = arith.constant 7 : i32
        %scan3A_471 = arith.addi %scan3A_260, %scan3A_470 : i32
        %mul3A_472 = arith.constant 16 : i32
        %mul3A_473 = arith.muli %scan3A_471, %mul3A_472 : i32
        %get3A_474 = arith.index_cast %select_n3A_158 : i32 to index
        %get3A_475 = arith.index_cast %mul3A_473 : i32 to index
        %get3A_476 = tpu.vector_load %arg4[%get3A_474, %get3A_475] {strides = array<i32>} : memref<2x10000xf32, #tpu.memory_space<vmem>>, vector<16xf32>,
        %gt3A_477 = vector.broadcast %mul3A_184 : f32 to vector<16xf32>
        %gt3A_478 = arith.cmpf ogt, %get3A_476, %gt3A_477 : vector<16xf32>
        %jit3A_479 = arith.constant 0.000000e+00 : f32
        %broadcast_in_dim3A_480 = vector.broadcast %jit3A_479 : f32 to vector<16xf32>
        %select_n3A_481 = arith.select %gt3A_478, %get3A_476, %broadcast_in_dim3A_480 : vector<16xi1>, vector<16xf32>
        %mul3A_482 = arith.constant 16 : i32
        %mul3A_483 = arith.muli %scan3A_471, %mul3A_482 : i32
        %swap3A_484 = arith.index_cast %select_n3A_158 : i32 to index
        %swap3A_485 = arith.index_cast %mul3A_483 : i32 to index
        %swap3A_486 = tpu.vector_load %arg5[%swap3A_484, %swap3A_485] {strides = array<i32>} : memref<2x10000xf32, #tpu.memory_space<vmem>>, vector<16xf32>,
        tpu.vector_store %arg5[%swap3A_484, %swap3A_485], %select_n3A_481 {strides = array<i32>} : memref<2x10000xf32, #tpu.memory_space<vmem>>, vector<16xf32>,
        %min3A_487 = arith.constant 23 : i32
        %min3A_488 = vector.broadcast %min3A_487 : i32 to vector<16xi32>
        %min3A_489 = arith.minsi %add3A_469, %min3A_488 : vector<16xi32>
        %mul3A_490 = arith.constant 16 : i32
        %mul3A_491 = vector.broadcast %mul3A_490 : i32 to vector<16xi32>
        %mul3A_492 = arith.muli %min3A_489, %mul3A_491 : vector<16xi32>
        %add3A_493 = arith.addi %mul3A_492, %iota3A : vector<16xi32>
        %mul3A_494 = arith.constant 16 : i32
        %mul3A_495 = arith.muli %scan3A_471, %mul3A_494 : i32
        %add3A_496 = vector.broadcast %mul3A_495 : i32 to vector<16xi32>
        %add3A_497 = arith.addi %iota3A, %add3A_496 : vector<16xi32>
        tpu.vector_store_idx %arg6[%add3A_493], %add3A_497 masked %gt3A_478 : memref<384xi32, #tpu.memory_space<vmem>>[vector<16xi32>], vector<16xi32>, vector<16xi1>
        %convert_element_type3A_498 = arith.extui %gt3A_478 : vector<16xi1> to vector<16xi32>
        %add3A_499 = arith.addi %add3A_469, %convert_element_type3A_498 : vector<16xi32>
        %scan3A_500 = arith.constant 8 : i32
        %scan3A_501 = arith.addi %scan3A_260, %scan3A_500 : i32
        %mul3A_502 = arith.constant 16 : i32
        %mul3A_503 = arith.muli %scan3A_501, %mul3A_502 : i32
        %get3A_504 = arith.index_cast %select_n3A_158 : i32 to index
        %get3A_505 = arith.index_cast %mul3A_503 : i32 to index
        %get3A_506 = tpu.vector_load %arg4[%get3A_504, %get3A_505] {strides = array<i32>} : memref<2x10000xf32, #tpu.memory_space<vmem>>, vector<16xf32>,
        %gt3A_507 = vector.broadcast %mul3A_184 : f32 to vector<16xf32>
        %gt3A_508 = arith.cmpf ogt, %get3A_506, %gt3A_507 : vector<16xf32>
        %jit3A_509 = arith.constant 0.000000e+00 : f32
        %broadcast_in_dim3A_510 = vector.broadcast %jit3A_509 : f32 to vector<16xf32>
        %select_n3A_511 = arith.select %gt3A_508, %get3A_506, %broadcast_in_dim3A_510 : vector<16xi1>, vector<16xf32>
        %mul3A_512 = arith.constant 16 : i32
        %mul3A_513 = arith.muli %scan3A_501, %mul3A_512 : i32
        %swap3A_514 = arith.index_cast %select_n3A_158 : i32 to index
        %swap3A_515 = arith.index_cast %mul3A_513 : i32 to index
        %swap3A_516 = tpu.vector_load %arg5[%swap3A_514, %swap3A_515] {strides = array<i32>} : memref<2x10000xf32, #tpu.memory_space<vmem>>, vector<16xf32>,
        tpu.vector_store %arg5[%swap3A_514, %swap3A_515], %select_n3A_511 {strides = array<i32>} : memref<2x10000xf32, #tpu.memory_space<vmem>>, vector<16xf32>,
        %min3A_517 = arith.constant 23 : i32
        %min3A_518 = vector.broadcast %min3A_517 : i32 to vector<16xi32>
        %min3A_519 = arith.minsi %add3A_499, %min3A_518 : vector<16xi32>
        %mul3A_520 = arith.constant 16 : i32
        %mul3A_521 = vector.broadcast %mul3A_520 : i32 to vector<16xi32>
        %mul3A_522 = arith.muli %min3A_519, %mul3A_521 : vector<16xi32>
        %add3A_523 = arith.addi %mul3A_522, %iota3A : vector<16xi32>
        %mul3A_524 = arith.constant 16 : i32
        %mul3A_525 = arith.muli %scan3A_501, %mul3A_524 : i32
        %add3A_526 = vector.broadcast %mul3A_525 : i32 to vector<16xi32>
        %add3A_527 = arith.addi %iota3A, %add3A_526 : vector<16xi32>
        tpu.vector_store_idx %arg6[%add3A_523], %add3A_527 masked %gt3A_508 : memref<384xi32, #tpu.memory_space<vmem>>[vector<16xi32>], vector<16xi32>, vector<16xi1>
        %convert_element_type3A_528 = arith.extui %gt3A_508 : vector<16xi1> to vector<16xi32>
        %add3A_529 = arith.addi %add3A_499, %convert_element_type3A_528 : vector<16xi32>
        %scan3A_530 = arith.constant 9 : i32
        %scan3A_531 = arith.addi %scan3A_260, %scan3A_530 : i32
        %mul3A_532 = arith.constant 16 : i32
        %mul3A_533 = arith.muli %scan3A_531, %mul3A_532 : i32
        %get3A_534 = arith.index_cast %select_n3A_158 : i32 to index
        %get3A_535 = arith.index_cast %mul3A_533 : i32 to index
        %get3A_536 = tpu.vector_load %arg4[%get3A_534, %get3A_535] {strides = array<i32>} : memref<2x10000xf32, #tpu.memory_space<vmem>>, vector<16xf32>,
        %gt3A_537 = vector.broadcast %mul3A_184 : f32 to vector<16xf32>
        %gt3A_538 = arith.cmpf ogt, %get3A_536, %gt3A_537 : vector<16xf32>
        %jit3A_539 = arith.constant 0.000000e+00 : f32
        %broadcast_in_dim3A_540 = vector.broadcast %jit3A_539 : f32 to vector<16xf32>
        %select_n3A_541 = arith.select %gt3A_538, %get3A_536, %broadcast_in_dim3A_540 : vector<16xi1>, vector<16xf32>
        %mul3A_542 = arith.constant 16 : i32
        %mul3A_543 = arith.muli %scan3A_531, %mul3A_542 : i32
        %swap3A_544 = arith.index_cast %select_n3A_158 : i32 to index
        %swap3A_545 = arith.index_cast %mul3A_543 : i32 to index
        %swap3A_546 = tpu.vector_load %arg5[%swap3A_544, %swap3A_545] {strides = array<i32>} : memref<2x10000xf32, #tpu.memory_space<vmem>>, vector<16xf32>,
        tpu.vector_store %arg5[%swap3A_544, %swap3A_545], %select_n3A_541 {strides = array<i32>} : memref<2x10000xf32, #tpu.memory_space<vmem>>, vector<16xf32>,
        %min3A_547 = arith.constant 23 : i32
        %min3A_548 = vector.broadcast %min3A_547 : i32 to vector<16xi32>
        %min3A_549 = arith.minsi %add3A_529, %min3A_548 : vector<16xi32>
        %mul3A_550 = arith.constant 16 : i32
        %mul3A_551 = vector.broadcast %mul3A_550 : i32 to vector<16xi32>
        %mul3A_552 = arith.muli %min3A_549, %mul3A_551 : vector<16xi32>
        %add3A_553 = arith.addi %mul3A_552, %iota3A : vector<16xi32>
        %mul3A_554 = arith.constant 16 : i32
        %mul3A_555 = arith.muli %scan3A_531, %mul3A_554 : i32
        %add3A_556 = vector.broadcast %mul3A_555 : i32 to vector<16xi32>
        %add3A_557 = arith.addi %iota3A, %add3A_556 : vector<16xi32>
        tpu.vector_store_idx %arg6[%add3A_553], %add3A_557 masked %gt3A_538 : memref<384xi32, #tpu.memory_space<vmem>>[vector<16xi32>], vector<16xi32>, vector<16xi1>
        %convert_element_type3A_558 = arith.extui %gt3A_538 : vector<16xi1> to vector<16xi32>
        %add3A_559 = arith.addi %add3A_529, %convert_element_type3A_558 : vector<16xi32>
        %scan3A_560 = arith.constant 10 : i32
        %scan3A_561 = arith.addi %scan3A_260, %scan3A_560 : i32
        %mul3A_562 = arith.constant 16 : i32
        %mul3A_563 = arith.muli %scan3A_561, %mul3A_562 : i32
        %get3A_564 = arith.index_cast %select_n3A_158 : i32 to index
        %get3A_565 = arith.index_cast %mul3A_563 : i32 to index
        %get3A_566 = tpu.vector_load %arg4[%get3A_564, %get3A_565] {strides = array<i32>} : memref<2x10000xf32, #tpu.memory_space<vmem>>, vector<16xf32>,
        %gt3A_567 = vector.broadcast %mul3A_184 : f32 to vector<16xf32>
        %gt3A_568 = arith.cmpf ogt, %get3A_566, %gt3A_567 : vector<16xf32>
        %jit3A_569 = arith.constant 0.000000e+00 : f32
        %broadcast_in_dim3A_570 = vector.broadcast %jit3A_569 : f32 to vector<16xf32>
        %select_n3A_571 = arith.select %gt3A_568, %get3A_566, %broadcast_in_dim3A_570 : vector<16xi1>, vector<16xf32>
        %mul3A_572 = arith.constant 16 : i32
        %mul3A_573 = arith.muli %scan3A_561, %mul3A_572 : i32
        %swap3A_574 = arith.index_cast %select_n3A_158 : i32 to index
        %swap3A_575 = arith.index_cast %mul3A_573 : i32 to index
        %swap3A_576 = tpu.vector_load %arg5[%swap3A_574, %swap3A_575] {strides = array<i32>} : memref<2x10000xf32, #tpu.memory_space<vmem>>, vector<16xf32>,
        tpu.vector_store %arg5[%swap3A_574, %swap3A_575], %select_n3A_571 {strides = array<i32>} : memref<2x10000xf32, #tpu.memory_space<vmem>>, vector<16xf32>,
        %min3A_577 = arith.constant 23 : i32
        %min3A_578 = vector.broadcast %min3A_577 : i32 to vector<16xi32>
        %min3A_579 = arith.minsi %add3A_559, %min3A_578 : vector<16xi32>
        %mul3A_580 = arith.constant 16 : i32
        %mul3A_581 = vector.broadcast %mul3A_580 : i32 to vector<16xi32>
        %mul3A_582 = arith.muli %min3A_579, %mul3A_581 : vector<16xi32>
        %add3A_583 = arith.addi %mul3A_582, %iota3A : vector<16xi32>
        %mul3A_584 = arith.constant 16 : i32
        %mul3A_585 = arith.muli %scan3A_561, %mul3A_584 : i32
        %add3A_586 = vector.broadcast %mul3A_585 : i32 to vector<16xi32>
        %add3A_587 = arith.addi %iota3A, %add3A_586 : vector<16xi32>
        tpu.vector_store_idx %arg6[%add3A_583], %add3A_587 masked %gt3A_568 : memref<384xi32, #tpu.memory_space<vmem>>[vector<16xi32>], vector<16xi32>, vector<16xi1>
        %convert_element_type3A_588 = arith.extui %gt3A_568 : vector<16xi1> to vector<16xi32>
        %add3A_589 = arith.addi %add3A_559, %convert_element_type3A_588 : vector<16xi32>
        %scan3A_590 = arith.constant 11 : i32
        %scan3A_591 = arith.addi %scan3A_260, %scan3A_590 : i32
        %mul3A_592 = arith.constant 16 : i32
        %mul3A_593 = arith.muli %scan3A_591, %mul3A_592 : i32
        %get3A_594 = arith.index_cast %select_n3A_158 : i32 to index
        %get3A_595 = arith.index_cast %mul3A_593 : i32 to index
        %get3A_596 = tpu.vector_load %arg4[%get3A_594, %get3A_595] {strides = array<i32>} : memref<2x10000xf32, #tpu.memory_space<vmem>>, vector<16xf32>,
        %gt3A_597 = vector.broadcast %mul3A_184 : f32 to vector<16xf32>
        %gt3A_598 = arith.cmpf ogt, %get3A_596, %gt3A_597 : vector<16xf32>
        %jit3A_599 = arith.constant 0.000000e+00 : f32
        %broadcast_in_dim3A_600 = vector.broadcast %jit3A_599 : f32 to vector<16xf32>
        %select_n3A_601 = arith.select %gt3A_598, %get3A_596, %broadcast_in_dim3A_600 : vector<16xi1>, vector<16xf32>
        %mul3A_602 = arith.constant 16 : i32
        %mul3A_603 = arith.muli %scan3A_591, %mul3A_602 : i32
        %swap3A_604 = arith.index_cast %select_n3A_158 : i32 to index
        %swap3A_605 = arith.index_cast %mul3A_603 : i32 to index
        %swap3A_606 = tpu.vector_load %arg5[%swap3A_604, %swap3A_605] {strides = array<i32>} : memref<2x10000xf32, #tpu.memory_space<vmem>>, vector<16xf32>,
        tpu.vector_store %arg5[%swap3A_604, %swap3A_605], %select_n3A_601 {strides = array<i32>} : memref<2x10000xf32, #tpu.memory_space<vmem>>, vector<16xf32>,
        %min3A_607 = arith.constant 23 : i32
        %min3A_608 = vector.broadcast %min3A_607 : i32 to vector<16xi32>
        %min3A_609 = arith.minsi %add3A_589, %min3A_608 : vector<16xi32>
        %mul3A_610 = arith.constant 16 : i32
        %mul3A_611 = vector.broadcast %mul3A_610 : i32 to vector<16xi32>
        %mul3A_612 = arith.muli %min3A_609, %mul3A_611 : vector<16xi32>
        %add3A_613 = arith.addi %mul3A_612, %iota3A : vector<16xi32>
        %mul3A_614 = arith.constant 16 : i32
        %mul3A_615 = arith.muli %scan3A_591, %mul3A_614 : i32
        %add3A_616 = vector.broadcast %mul3A_615 : i32 to vector<16xi32>
        %add3A_617 = arith.addi %iota3A, %add3A_616 : vector<16xi32>
        tpu.vector_store_idx %arg6[%add3A_613], %add3A_617 masked %gt3A_598 : memref<384xi32, #tpu.memory_space<vmem>>[vector<16xi32>], vector<16xi32>, vector<16xi1>
        %convert_element_type3A_618 = arith.extui %gt3A_598 : vector<16xi1> to vector<16xi32>
        %add3A_619 = arith.addi %add3A_589, %convert_element_type3A_618 : vector<16xi32>
        %scan3A_620 = arith.constant 12 : i32
        %scan3A_621 = arith.addi %scan3A_260, %scan3A_620 : i32
        %mul3A_622 = arith.constant 16 : i32
        %mul3A_623 = arith.muli %scan3A_621, %mul3A_622 : i32
        %get3A_624 = arith.index_cast %select_n3A_158 : i32 to index
        %get3A_625 = arith.index_cast %mul3A_623 : i32 to index
        %get3A_626 = tpu.vector_load %arg4[%get3A_624, %get3A_625] {strides = array<i32>} : memref<2x10000xf32, #tpu.memory_space<vmem>>, vector<16xf32>,
        %gt3A_627 = vector.broadcast %mul3A_184 : f32 to vector<16xf32>
        %gt3A_628 = arith.cmpf ogt, %get3A_626, %gt3A_627 : vector<16xf32>
        %jit3A_629 = arith.constant 0.000000e+00 : f32
        %broadcast_in_dim3A_630 = vector.broadcast %jit3A_629 : f32 to vector<16xf32>
        %select_n3A_631 = arith.select %gt3A_628, %get3A_626, %broadcast_in_dim3A_630 : vector<16xi1>, vector<16xf32>
        %mul3A_632 = arith.constant 16 : i32
        %mul3A_633 = arith.muli %scan3A_621, %mul3A_632 : i32
        %swap3A_634 = arith.index_cast %select_n3A_158 : i32 to index
        %swap3A_635 = arith.index_cast %mul3A_633 : i32 to index
        %swap3A_636 = tpu.vector_load %arg5[%swap3A_634, %swap3A_635] {strides = array<i32>} : memref<2x10000xf32, #tpu.memory_space<vmem>>, vector<16xf32>,
        tpu.vector_store %arg5[%swap3A_634, %swap3A_635], %select_n3A_631 {strides = array<i32>} : memref<2x10000xf32, #tpu.memory_space<vmem>>, vector<16xf32>,
        %min3A_637 = arith.constant 23 : i32
        %min3A_638 = vector.broadcast %min3A_637 : i32 to vector<16xi32>
        %min3A_639 = arith.minsi %add3A_619, %min3A_638 : vector<16xi32>
        %mul3A_640 = arith.constant 16 : i32
        %mul3A_641 = vector.broadcast %mul3A_640 : i32 to vector<16xi32>
        %mul3A_642 = arith.muli %min3A_639, %mul3A_641 : vector<16xi32>
        %add3A_643 = arith.addi %mul3A_642, %iota3A : vector<16xi32>
        %mul3A_644 = arith.constant 16 : i32
        %mul3A_645 = arith.muli %scan3A_621, %mul3A_644 : i32
        %add3A_646 = vector.broadcast %mul3A_645 : i32 to vector<16xi32>
        %add3A_647 = arith.addi %iota3A, %add3A_646 : vector<16xi32>
        tpu.vector_store_idx %arg6[%add3A_643], %add3A_647 masked %gt3A_628 : memref<384xi32, #tpu.memory_space<vmem>>[vector<16xi32>], vector<16xi32>, vector<16xi1>
        %convert_element_type3A_648 = arith.extui %gt3A_628 : vector<16xi1> to vector<16xi32>
        %add3A_649 = arith.addi %add3A_619, %convert_element_type3A_648 : vector<16xi32>
        %scan3A_650 = arith.constant 13 : i32
        %scan3A_651 = arith.addi %scan3A_260, %scan3A_650 : i32
        %mul3A_652 = arith.constant 16 : i32
        %mul3A_653 = arith.muli %scan3A_651, %mul3A_652 : i32
        %get3A_654 = arith.index_cast %select_n3A_158 : i32 to index
        %get3A_655 = arith.index_cast %mul3A_653 : i32 to index
        %get3A_656 = tpu.vector_load %arg4[%get3A_654, %get3A_655] {strides = array<i32>} : memref<2x10000xf32, #tpu.memory_space<vmem>>, vector<16xf32>,
        %gt3A_657 = vector.broadcast %mul3A_184 : f32 to vector<16xf32>
        %gt3A_658 = arith.cmpf ogt, %get3A_656, %gt3A_657 : vector<16xf32>
        %jit3A_659 = arith.constant 0.000000e+00 : f32
        %broadcast_in_dim3A_660 = vector.broadcast %jit3A_659 : f32 to vector<16xf32>
        %select_n3A_661 = arith.select %gt3A_658, %get3A_656, %broadcast_in_dim3A_660 : vector<16xi1>, vector<16xf32>
        %mul3A_662 = arith.constant 16 : i32
        %mul3A_663 = arith.muli %scan3A_651, %mul3A_662 : i32
        %swap3A_664 = arith.index_cast %select_n3A_158 : i32 to index
        %swap3A_665 = arith.index_cast %mul3A_663 : i32 to index
        %swap3A_666 = tpu.vector_load %arg5[%swap3A_664, %swap3A_665] {strides = array<i32>} : memref<2x10000xf32, #tpu.memory_space<vmem>>, vector<16xf32>,
        tpu.vector_store %arg5[%swap3A_664, %swap3A_665], %select_n3A_661 {strides = array<i32>} : memref<2x10000xf32, #tpu.memory_space<vmem>>, vector<16xf32>,
        %min3A_667 = arith.constant 23 : i32
        %min3A_668 = vector.broadcast %min3A_667 : i32 to vector<16xi32>
        %min3A_669 = arith.minsi %add3A_649, %min3A_668 : vector<16xi32>
        %mul3A_670 = arith.constant 16 : i32
        %mul3A_671 = vector.broadcast %mul3A_670 : i32 to vector<16xi32>
        %mul3A_672 = arith.muli %min3A_669, %mul3A_671 : vector<16xi32>
        %add3A_673 = arith.addi %mul3A_672, %iota3A : vector<16xi32>
        %mul3A_674 = arith.constant 16 : i32
        %mul3A_675 = arith.muli %scan3A_651, %mul3A_674 : i32
        %add3A_676 = vector.broadcast %mul3A_675 : i32 to vector<16xi32>
        %add3A_677 = arith.addi %iota3A, %add3A_676 : vector<16xi32>
        tpu.vector_store_idx %arg6[%add3A_673], %add3A_677 masked %gt3A_658 : memref<384xi32, #tpu.memory_space<vmem>>[vector<16xi32>], vector<16xi32>, vector<16xi1>
        %convert_element_type3A_678 = arith.extui %gt3A_658 : vector<16xi1> to vector<16xi32>
        %add3A_679 = arith.addi %add3A_649, %convert_element_type3A_678 : vector<16xi32>
        %scan3A_680 = arith.constant 14 : i32
        %scan3A_681 = arith.addi %scan3A_260, %scan3A_680 : i32
        %mul3A_682 = arith.constant 16 : i32
        %mul3A_683 = arith.muli %scan3A_681, %mul3A_682 : i32
        %get3A_684 = arith.index_cast %select_n3A_158 : i32 to index
        %get3A_685 = arith.index_cast %mul3A_683 : i32 to index
        %get3A_686 = tpu.vector_load %arg4[%get3A_684, %get3A_685] {strides = array<i32>} : memref<2x10000xf32, #tpu.memory_space<vmem>>, vector<16xf32>,
        %gt3A_687 = vector.broadcast %mul3A_184 : f32 to vector<16xf32>
        %gt3A_688 = arith.cmpf ogt, %get3A_686, %gt3A_687 : vector<16xf32>
        %jit3A_689 = arith.constant 0.000000e+00 : f32
        %broadcast_in_dim3A_690 = vector.broadcast %jit3A_689 : f32 to vector<16xf32>
        %select_n3A_691 = arith.select %gt3A_688, %get3A_686, %broadcast_in_dim3A_690 : vector<16xi1>, vector<16xf32>
        %mul3A_692 = arith.constant 16 : i32
        %mul3A_693 = arith.muli %scan3A_681, %mul3A_692 : i32
        %swap3A_694 = arith.index_cast %select_n3A_158 : i32 to index
        %swap3A_695 = arith.index_cast %mul3A_693 : i32 to index
        %swap3A_696 = tpu.vector_load %arg5[%swap3A_694, %swap3A_695] {strides = array<i32>} : memref<2x10000xf32, #tpu.memory_space<vmem>>, vector<16xf32>,
        tpu.vector_store %arg5[%swap3A_694, %swap3A_695], %select_n3A_691 {strides = array<i32>} : memref<2x10000xf32, #tpu.memory_space<vmem>>, vector<16xf32>,
        %min3A_697 = arith.constant 23 : i32
        %min3A_698 = vector.broadcast %min3A_697 : i32 to vector<16xi32>
        %min3A_699 = arith.minsi %add3A_679, %min3A_698 : vector<16xi32>
        %mul3A_700 = arith.constant 16 : i32
        %mul3A_701 = vector.broadcast %mul3A_700 : i32 to vector<16xi32>
        %mul3A_702 = arith.muli %min3A_699, %mul3A_701 : vector<16xi32>
        %add3A_703 = arith.addi %mul3A_702, %iota3A : vector<16xi32>
        %mul3A_704 = arith.constant 16 : i32
        %mul3A_705 = arith.muli %scan3A_681, %mul3A_704 : i32
        %add3A_706 = vector.broadcast %mul3A_705 : i32 to vector<16xi32>
        %add3A_707 = arith.addi %iota3A, %add3A_706 : vector<16xi32>
        tpu.vector_store_idx %arg6[%add3A_703], %add3A_707 masked %gt3A_688 : memref<384xi32, #tpu.memory_space<vmem>>[vector<16xi32>], vector<16xi32>, vector<16xi1>
        %convert_element_type3A_708 = arith.extui %gt3A_688 : vector<16xi1> to vector<16xi32>
        %add3A_709 = arith.addi %add3A_679, %convert_element_type3A_708 : vector<16xi32>
        %scan3A_710 = arith.constant 15 : i32
        %scan3A_711 = arith.addi %scan3A_260, %scan3A_710 : i32
        %mul3A_712 = arith.constant 16 : i32
        %mul3A_713 = arith.muli %scan3A_711, %mul3A_712 : i32
        %get3A_714 = arith.index_cast %select_n3A_158 : i32 to index
        %get3A_715 = arith.index_cast %mul3A_713 : i32 to index
        %get3A_716 = tpu.vector_load %arg4[%get3A_714, %get3A_715] {strides = array<i32>} : memref<2x10000xf32, #tpu.memory_space<vmem>>, vector<16xf32>,
        %gt3A_717 = vector.broadcast %mul3A_184 : f32 to vector<16xf32>
        %gt3A_718 = arith.cmpf ogt, %get3A_716, %gt3A_717 : vector<16xf32>
        %jit3A_719 = arith.constant 0.000000e+00 : f32
        %broadcast_in_dim3A_720 = vector.broadcast %jit3A_719 : f32 to vector<16xf32>
        %select_n3A_721 = arith.select %gt3A_718, %get3A_716, %broadcast_in_dim3A_720 : vector<16xi1>, vector<16xf32>
        %mul3A_722 = arith.constant 16 : i32
        %mul3A_723 = arith.muli %scan3A_711, %mul3A_722 : i32
        %swap3A_724 = arith.index_cast %select_n3A_158 : i32 to index
        %swap3A_725 = arith.index_cast %mul3A_723 : i32 to index
        %swap3A_726 = tpu.vector_load %arg5[%swap3A_724, %swap3A_725] {strides = array<i32>} : memref<2x10000xf32, #tpu.memory_space<vmem>>, vector<16xf32>,
        tpu.vector_store %arg5[%swap3A_724, %swap3A_725], %select_n3A_721 {strides = array<i32>} : memref<2x10000xf32, #tpu.memory_space<vmem>>, vector<16xf32>,
        %min3A_727 = arith.constant 23 : i32
        %min3A_728 = vector.broadcast %min3A_727 : i32 to vector<16xi32>
        %min3A_729 = arith.minsi %add3A_709, %min3A_728 : vector<16xi32>
        %mul3A_730 = arith.constant 16 : i32
        %mul3A_731 = vector.broadcast %mul3A_730 : i32 to vector<16xi32>
        %mul3A_732 = arith.muli %min3A_729, %mul3A_731 : vector<16xi32>
        %add3A_733 = arith.addi %mul3A_732, %iota3A : vector<16xi32>
        %mul3A_734 = arith.constant 16 : i32
        %mul3A_735 = arith.muli %scan3A_711, %mul3A_734 : i32
        %add3A_736 = vector.broadcast %mul3A_735 : i32 to vector<16xi32>
        %add3A_737 = arith.addi %iota3A, %add3A_736 : vector<16xi32>
        tpu.vector_store_idx %arg6[%add3A_733], %add3A_737 masked %gt3A_718 : memref<384xi32, #tpu.memory_space<vmem>>[vector<16xi32>], vector<16xi32>, vector<16xi1>
        %convert_element_type3A_738 = arith.extui %gt3A_718 : vector<16xi1> to vector<16xi32>
        %add3A_739 = arith.addi %add3A_709, %convert_element_type3A_738 : vector<16xi32>
        scf.yield %add3A_739 : vector<16xi32>
      }
      %scan3A_191 = arith.constant 624 : i32
      %scan3A_192 = arith.addi %scan3A, %scan3A_191 : i32
      %mul3A_193 = arith.constant 16 : i32
      %mul3A_194 = arith.muli %scan3A_192, %mul3A_193 : i32
      %get3A = arith.index_cast %select_n3A_158 : i32 to index
      %get3A_195 = arith.index_cast %mul3A_194 : i32 to index
      %get3A_196 = tpu.vector_load %arg4[%get3A, %get3A_195] {strides = array<i32>} : memref<2x10000xf32, #tpu.memory_space<vmem>>, vector<16xf32>,
      %gt3A = vector.broadcast %mul3A_184 : f32 to vector<16xf32>
      %gt3A_197 = arith.cmpf ogt, %get3A_196, %gt3A : vector<16xf32>
      %jit3A_198 = arith.constant 0.000000e+00 : f32
      %broadcast_in_dim3A_199 = vector.broadcast %jit3A_198 : f32 to vector<16xf32>
      %select_n3A_200 = arith.select %gt3A_197, %get3A_196, %broadcast_in_dim3A_199 : vector<16xi1>, vector<16xf32>
      %mul3A_201 = arith.constant 16 : i32
      %mul3A_202 = arith.muli %scan3A_192, %mul3A_201 : i32
      %swap3A_203 = arith.index_cast %select_n3A_158 : i32 to index
      %swap3A_204 = arith.index_cast %mul3A_202 : i32 to index
      %swap3A_205 = tpu.vector_load %arg5[%swap3A_203, %swap3A_204] {strides = array<i32>} : memref<2x10000xf32, #tpu.memory_space<vmem>>, vector<16xf32>,
      tpu.vector_store %arg5[%swap3A_203, %swap3A_204], %select_n3A_200 {strides = array<i32>} : memref<2x10000xf32, #tpu.memory_space<vmem>>, vector<16xf32>,
      %min3A_206 = arith.constant 23 : i32
      %min3A_207 = vector.broadcast %min3A_206 : i32 to vector<16xi32>
      %min3A_208 = arith.minsi %scan3A_190, %min3A_207 : vector<16xi32>
      %mul3A_209 = arith.constant 16 : i32
      %mul3A_210 = vector.broadcast %mul3A_209 : i32 to vector<16xi32>
      %mul3A_211 = arith.muli %min3A_208, %mul3A_210 : vector<16xi32>
      %add3A_212 = arith.addi %mul3A_211, %iota3A : vector<16xi32>
      %mul3A_213 = arith.constant 16 : i32
      %mul3A_214 = arith.muli %scan3A_192, %mul3A_213 : i32
      %add3A_215 = vector.broadcast %mul3A_214 : i32 to vector<16xi32>
      %add3A_216 = arith.addi %iota3A, %add3A_215 : vector<16xi32>
      tpu.vector_store_idx %arg6[%add3A_212], %add3A_216 masked %gt3A_197 : memref<384xi32, #tpu.memory_space<vmem>>[vector<16xi32>], vector<16xi32>, vector<16xi1>
      %convert_element_type3A_217 = arith.extui %gt3A_197 : vector<16xi1> to vector<16xi32>
      %add3A_218 = arith.addi %scan3A_190, %convert_element_type3A_217 : vector<16xi32>
      %scan3A_219 = arith.constant 625 : i32
      %reduce_sum3A = arith.constant true
      %reduce_sum3A_220 = vector.broadcast %reduce_sum3A : i1 to vector<16xi1>
      %reduce_sum3A_221 = tpu.scan <sum>, %add3A_218 masked %reduce_sum3A_220 : vector<16xi32>, vector<16xi1> -> vector<16xi32>
      %reduce_sum3A_222 = vector.extract %reduce_sum3A_221[15] : i32 from vector<16xi32>
      %reduce_max3A = arith.constant true
      %reduce_max3A_223 = vector.broadcast %reduce_max3A : i1 to vector<16xi1>
      %reduce_max3A_224 = arith.constant -2147483648 : i32
      %reduce_max3A_225 = vector.broadcast %reduce_max3A_224 : i32 to vector<16xi32>
      %reduce_max3A_226 = arith.xori %add3A_218, %reduce_max3A_225 : vector<16xi32>
      %reduce_max3A_227 = tpu.scan <max>, %reduce_max3A_226 masked %reduce_max3A_223 : vector<16xi32>, vector<16xi1> -> vector<16xi32>
      %reduce_max3A_228 = arith.xori %reduce_max3A_227, %reduce_max3A_225 : vector<16xi32>
      %reduce_max3A_229 = vector.extract %reduce_max3A_228[15] : i32 from vector<16xi32>
      %lt3A_230 = arith.constant 32 : i32
      %lt3A_231 = arith.cmpi slt, %reduce_sum3A_222, %lt3A_230 : i32
      %gt3A_232 = arith.constant 24 : i32
      %gt3A_233 = arith.cmpi sgt, %reduce_max3A_229, %gt3A_232 : i32
      %or3A = arith.ori %lt3A_231, %gt3A_233 : i1
      %convert_element_type3A_234 = arith.extui %or3A : i1 to i32
      %cond3A_235 = arith.constant 0 : i32
      %cond3A_236 = arith.cmpi ne, %convert_element_type3A_234, %cond3A_235 : i32
      %cond3A_237:3 = scf.if %cond3A_236 -> (f32, vector<16xi32>, i32) {
        %broadcast_in_dim3A_260 = arith.constant 0 : i32
        %broadcast_in_dim3A_261 = vector.broadcast %broadcast_in_dim3A_260 : i32 to vector<16xi32>
        %broadcast_in_dim3A_262 = arith.constant 0xFF800000 : f32
        %broadcast_in_dim3A_263 = vector.broadcast %broadcast_in_dim3A_262 : f32 to vector<16xf32>
        %scan3A_264 = arith.constant 0 : i32
        %scan3A_265 = arith.constant 624 : i32
        %scan3A_266 = arith.addi %scan3A_264, %scan3A_265 : i32
        %scan3A_267 = arith.constant 8 : i32
        %scan3A_268:2 = scf.for %scan3A_295 = %scan3A_264 to %scan3A_266 step %scan3A_267 iter_args(%scan3A_296 = %broadcast_in_dim3A_261, %scan3A_297 = %broadcast_in_dim3A_263) -> (vector<16xi32>, vector<16xf32>)  : i32 {
          %mul3A_298 = arith.constant 16 : i32
          %mul3A_299 = arith.muli %scan3A_295, %mul3A_298 : i32
          %get3A_300 = arith.index_cast %select_n3A_158 : i32 to index
          %get3A_301 = arith.index_cast %mul3A_299 : i32 to index
          %get3A_302 = tpu.vector_load %arg4[%get3A_300, %get3A_301] {strides = array<i32>} : memref<2x10000xf32, #tpu.memory_space<vmem>>, vector<16xf32>,
          %gt3A_303 = arith.constant 0.000000e+00 : f32
          %gt3A_304 = vector.broadcast %gt3A_303 : f32 to vector<16xf32>
          %gt3A_305 = arith.cmpf ogt, %get3A_302, %gt3A_304 : vector<16xf32>
          %convert_element_type3A_306 = arith.extui %gt3A_305 : vector<16xi1> to vector<16xi32>
          %add3A_307 = arith.addi %scan3A_296, %convert_element_type3A_306 : vector<16xi32>
          %max3A_308 = arith.maximumf %scan3A_297, %get3A_302 : vector<16xf32>
          %scan3A_309 = arith.constant 1 : i32
          %scan3A_310 = arith.addi %scan3A_295, %scan3A_309 : i32
          %mul3A_311 = arith.constant 16 : i32
          %mul3A_312 = arith.muli %scan3A_310, %mul3A_311 : i32
          %get3A_313 = arith.index_cast %select_n3A_158 : i32 to index
          %get3A_314 = arith.index_cast %mul3A_312 : i32 to index
          %get3A_315 = tpu.vector_load %arg4[%get3A_313, %get3A_314] {strides = array<i32>} : memref<2x10000xf32, #tpu.memory_space<vmem>>, vector<16xf32>,
          %gt3A_316 = arith.constant 0.000000e+00 : f32
          %gt3A_317 = vector.broadcast %gt3A_316 : f32 to vector<16xf32>
          %gt3A_318 = arith.cmpf ogt, %get3A_315, %gt3A_317 : vector<16xf32>
          %convert_element_type3A_319 = arith.extui %gt3A_318 : vector<16xi1> to vector<16xi32>
          %add3A_320 = arith.addi %add3A_307, %convert_element_type3A_319 : vector<16xi32>
          %max3A_321 = arith.maximumf %max3A_308, %get3A_315 : vector<16xf32>
          %scan3A_322 = arith.constant 2 : i32
          %scan3A_323 = arith.addi %scan3A_295, %scan3A_322 : i32
          %mul3A_324 = arith.constant 16 : i32
          %mul3A_325 = arith.muli %scan3A_323, %mul3A_324 : i32
          %get3A_326 = arith.index_cast %select_n3A_158 : i32 to index
          %get3A_327 = arith.index_cast %mul3A_325 : i32 to index
          %get3A_328 = tpu.vector_load %arg4[%get3A_326, %get3A_327] {strides = array<i32>} : memref<2x10000xf32, #tpu.memory_space<vmem>>, vector<16xf32>,
          %gt3A_329 = arith.constant 0.000000e+00 : f32
          %gt3A_330 = vector.broadcast %gt3A_329 : f32 to vector<16xf32>
          %gt3A_331 = arith.cmpf ogt, %get3A_328, %gt3A_330 : vector<16xf32>
          %convert_element_type3A_332 = arith.extui %gt3A_331 : vector<16xi1> to vector<16xi32>
          %add3A_333 = arith.addi %add3A_320, %convert_element_type3A_332 : vector<16xi32>
          %max3A_334 = arith.maximumf %max3A_321, %get3A_328 : vector<16xf32>
          %scan3A_335 = arith.constant 3 : i32
          %scan3A_336 = arith.addi %scan3A_295, %scan3A_335 : i32
          %mul3A_337 = arith.constant 16 : i32
          %mul3A_338 = arith.muli %scan3A_336, %mul3A_337 : i32
          %get3A_339 = arith.index_cast %select_n3A_158 : i32 to index
          %get3A_340 = arith.index_cast %mul3A_338 : i32 to index
          %get3A_341 = tpu.vector_load %arg4[%get3A_339, %get3A_340] {strides = array<i32>} : memref<2x10000xf32, #tpu.memory_space<vmem>>, vector<16xf32>,
          %gt3A_342 = arith.constant 0.000000e+00 : f32
          %gt3A_343 = vector.broadcast %gt3A_342 : f32 to vector<16xf32>
          %gt3A_344 = arith.cmpf ogt, %get3A_341, %gt3A_343 : vector<16xf32>
          %convert_element_type3A_345 = arith.extui %gt3A_344 : vector<16xi1> to vector<16xi32>
          %add3A_346 = arith.addi %add3A_333, %convert_element_type3A_345 : vector<16xi32>
          %max3A_347 = arith.maximumf %max3A_334, %get3A_341 : vector<16xf32>
          %scan3A_348 = arith.constant 4 : i32
          %scan3A_349 = arith.addi %scan3A_295, %scan3A_348 : i32
          %mul3A_350 = arith.constant 16 : i32
          %mul3A_351 = arith.muli %scan3A_349, %mul3A_350 : i32
          %get3A_352 = arith.index_cast %select_n3A_158 : i32 to index
          %get3A_353 = arith.index_cast %mul3A_351 : i32 to index
          %get3A_354 = tpu.vector_load %arg4[%get3A_352, %get3A_353] {strides = array<i32>} : memref<2x10000xf32, #tpu.memory_space<vmem>>, vector<16xf32>,
          %gt3A_355 = arith.constant 0.000000e+00 : f32
          %gt3A_356 = vector.broadcast %gt3A_355 : f32 to vector<16xf32>
          %gt3A_357 = arith.cmpf ogt, %get3A_354, %gt3A_356 : vector<16xf32>
          %convert_element_type3A_358 = arith.extui %gt3A_357 : vector<16xi1> to vector<16xi32>
          %add3A_359 = arith.addi %add3A_346, %convert_element_type3A_358 : vector<16xi32>
          %max3A_360 = arith.maximumf %max3A_347, %get3A_354 : vector<16xf32>
          %scan3A_361 = arith.constant 5 : i32
          %scan3A_362 = arith.addi %scan3A_295, %scan3A_361 : i32
          %mul3A_363 = arith.constant 16 : i32
          %mul3A_364 = arith.muli %scan3A_362, %mul3A_363 : i32
          %get3A_365 = arith.index_cast %select_n3A_158 : i32 to index
          %get3A_366 = arith.index_cast %mul3A_364 : i32 to index
          %get3A_367 = tpu.vector_load %arg4[%get3A_365, %get3A_366] {strides = array<i32>} : memref<2x10000xf32, #tpu.memory_space<vmem>>, vector<16xf32>,
          %gt3A_368 = arith.constant 0.000000e+00 : f32
          %gt3A_369 = vector.broadcast %gt3A_368 : f32 to vector<16xf32>
          %gt3A_370 = arith.cmpf ogt, %get3A_367, %gt3A_369 : vector<16xf32>
          %convert_element_type3A_371 = arith.extui %gt3A_370 : vector<16xi1> to vector<16xi32>
          %add3A_372 = arith.addi %add3A_359, %convert_element_type3A_371 : vector<16xi32>
          %max3A_373 = arith.maximumf %max3A_360, %get3A_367 : vector<16xf32>
          %scan3A_374 = arith.constant 6 : i32
          %scan3A_375 = arith.addi %scan3A_295, %scan3A_374 : i32
          %mul3A_376 = arith.constant 16 : i32
          %mul3A_377 = arith.muli %scan3A_375, %mul3A_376 : i32
          %get3A_378 = arith.index_cast %select_n3A_158 : i32 to index
          %get3A_379 = arith.index_cast %mul3A_377 : i32 to index
          %get3A_380 = tpu.vector_load %arg4[%get3A_378, %get3A_379] {strides = array<i32>} : memref<2x10000xf32, #tpu.memory_space<vmem>>, vector<16xf32>,
          %gt3A_381 = arith.constant 0.000000e+00 : f32
          %gt3A_382 = vector.broadcast %gt3A_381 : f32 to vector<16xf32>
          %gt3A_383 = arith.cmpf ogt, %get3A_380, %gt3A_382 : vector<16xf32>
          %convert_element_type3A_384 = arith.extui %gt3A_383 : vector<16xi1> to vector<16xi32>
          %add3A_385 = arith.addi %add3A_372, %convert_element_type3A_384 : vector<16xi32>
          %max3A_386 = arith.maximumf %max3A_373, %get3A_380 : vector<16xf32>
          %scan3A_387 = arith.constant 7 : i32
          %scan3A_388 = arith.addi %scan3A_295, %scan3A_387 : i32
          %mul3A_389 = arith.constant 16 : i32
          %mul3A_390 = arith.muli %scan3A_388, %mul3A_389 : i32
          %get3A_391 = arith.index_cast %select_n3A_158 : i32 to index
          %get3A_392 = arith.index_cast %mul3A_390 : i32 to index
          %get3A_393 = tpu.vector_load %arg4[%get3A_391, %get3A_392] {strides = array<i32>} : memref<2x10000xf32, #tpu.memory_space<vmem>>, vector<16xf32>,
          %gt3A_394 = arith.constant 0.000000e+00 : f32
          %gt3A_395 = vector.broadcast %gt3A_394 : f32 to vector<16xf32>
          %gt3A_396 = arith.cmpf ogt, %get3A_393, %gt3A_395 : vector<16xf32>
          %convert_element_type3A_397 = arith.extui %gt3A_396 : vector<16xi1> to vector<16xi32>
          %add3A_398 = arith.addi %add3A_385, %convert_element_type3A_397 : vector<16xi32>
          %max3A_399 = arith.maximumf %max3A_386, %get3A_393 : vector<16xf32>
          scf.yield %add3A_398, %max3A_399 : vector<16xi32>, vector<16xf32>
        }
        %scan3A_269 = arith.constant 624 : i32
        %scan3A_270 = arith.addi %scan3A_264, %scan3A_269 : i32
        %mul3A_271 = arith.constant 16 : i32
        %mul3A_272 = arith.muli %scan3A_270, %mul3A_271 : i32
        %get3A_273 = arith.index_cast %select_n3A_158 : i32 to index
        %get3A_274 = arith.index_cast %mul3A_272 : i32 to index
        %get3A_275 = tpu.vector_load %arg4[%get3A_273, %get3A_274] {strides = array<i32>} : memref<2x10000xf32, #tpu.memory_space<vmem>>, vector<16xf32>,
        %gt3A_276 = arith.constant 0.000000e+00 : f32
        %gt3A_277 = vector.broadcast %gt3A_276 : f32 to vector<16xf32>
        %gt3A_278 = arith.cmpf ogt, %get3A_275, %gt3A_277 : vector<16xf32>
        %convert_element_type3A_279 = arith.extui %gt3A_278 : vector<16xi1> to vector<16xi32>
        %add3A_280 = arith.addi %scan3A_268#0, %convert_element_type3A_279 : vector<16xi32>
        %max3A = arith.maximumf %scan3A_268#1, %get3A_275 : vector<16xf32>
        %scan3A_281 = arith.constant 625 : i32
        %reduce_sum3A_282 = arith.constant true
        %reduce_sum3A_283 = vector.broadcast %reduce_sum3A_282 : i1 to vector<16xi1>
        %reduce_sum3A_284 = tpu.scan <sum>, %add3A_280 masked %reduce_sum3A_283 : vector<16xi32>, vector<16xi1> -> vector<16xi32>
        %reduce_sum3A_285 = vector.extract %reduce_sum3A_284[15] : i32 from vector<16xi32>
        %reduce_max3A_286 = arith.constant true
        %reduce_max3A_287 = vector.broadcast %reduce_max3A_286 : i1 to vector<16xi1>
        %reduce_max3A_288 = tpu.scan <max>, %max3A masked %reduce_max3A_287 : vector<16xf32>, vector<16xi1> -> vector<16xf32>
        %reduce_max3A_289 = vector.extract %reduce_max3A_288[15] : f32 from vector<16xf32>
        %le3A = arith.constant 32 : i32
        %le3A_290 = arith.cmpi sle, %reduce_sum3A_285, %le3A : i32
        %convert_element_type3A_291 = arith.extui %le3A_290 : i1 to i32
        %cond3A_292 = arith.constant 0 : i32
        %cond3A_293 = arith.cmpi ne, %convert_element_type3A_291, %cond3A_292 : i32
        %cond3A_294:3 = scf.if %cond3A_293 -> (f32, vector<16xi32>, i32) {
          %broadcast_in_dim3A_295 = arith.constant 0 : i32
          %broadcast_in_dim3A_296 = vector.broadcast %broadcast_in_dim3A_295 : i32 to vector<16xi32>
          %cond3A_297 = arith.constant 0.000000e+00 : f32
          %cond3A_298 = arith.constant 0 : i32
          scf.yield %cond3A_297, %broadcast_in_dim3A_296, %cond3A_298 : f32, vector<16xi32>, i32
        } else {
          %mul3A_295 = arith.constant 1.000100e+00 : f32
          %mul3A_296 = arith.mulf %reduce_max3A_289, %mul3A_295 : f32
          %add3A_297 = arith.constant 1.000000e-30 : f32
          %add3A_298 = arith.addf %mul3A_296, %add3A_297 : f32
          %while3A_299 = arith.constant 0.000000e+00 : f32
          %while3A_300 = arith.constant 0.000000e+00 : f32
          %while3A_301 = arith.constant 0 : i32
          %while3A_302:5 = scf.while (%while3A_340 = %while3A_299, %while3A_341 = %add3A_298, %while3A_342 = %while3A_300, %while3A_343 = %reduce_sum3A_285, %while3A_344 = %while3A_301) : (f32, f32, f32, i32, i32) -> (f32, f32, f32, i32, i32) {
            %lt3A_345 = arith.constant 32 : i32
            %lt3A_346 = arith.cmpi slt, %while3A_343, %lt3A_345 : i32
            %gt3A_347 = arith.constant 144 : i32
            %gt3A_348 = arith.cmpi sgt, %while3A_343, %gt3A_347 : i32
            %or3A_349 = arith.ori %lt3A_346, %gt3A_348 : i1
            %lt3A_350 = arith.constant 40 : i32
            %lt3A_351 = arith.cmpi slt, %while3A_344, %lt3A_350 : i32
            %and3A_352 = arith.andi %or3A_349, %lt3A_351 : i1
            scf.condition(%and3A_352) %while3A_340, %while3A_341, %while3A_342, %while3A_343, %while3A_344 : f32, f32, f32, i32, i32
          } do {
          ^bb0(%while3A_340: f32, %while3A_341: f32, %while3A_342: f32, %while3A_343: i32, %while3A_344: i32):
            %add3A_345 = arith.addf %while3A_340, %while3A_341 : f32
            %mul3A_346 = arith.constant 5.000000e-01 : f32
            %mul3A_347 = arith.mulf %mul3A_346, %add3A_345 : f32
            %broadcast_in_dim3A_348 = arith.constant 0 : i32
            %broadcast_in_dim3A_349 = vector.broadcast %broadcast_in_dim3A_348 : i32 to vector<16xi32>
            %broadcast_in_dim3A_350 = arith.constant 0xFF800000 : f32
            %broadcast_in_dim3A_351 = vector.broadcast %broadcast_in_dim3A_350 : f32 to vector<16xf32>
            %scan3A_352 = arith.constant 0 : i32
            %scan3A_353 = arith.constant 624 : i32
            %scan3A_354 = arith.addi %scan3A_352, %scan3A_353 : i32
            %scan3A_355 = arith.constant 8 : i32
            %scan3A_356:2 = scf.for %scan3A_384 = %scan3A_352 to %scan3A_354 step %scan3A_355 iter_args(%scan3A_385 = %broadcast_in_dim3A_349, %scan3A_386 = %broadcast_in_dim3A_351) -> (vector<16xi32>, vector<16xf32>)  : i32 {
              %mul3A_387 = arith.constant 16 : i32
              %mul3A_388 = arith.muli %scan3A_384, %mul3A_387 : i32
              %get3A_389 = arith.index_cast %select_n3A_158 : i32 to index
              %get3A_390 = arith.index_cast %mul3A_388 : i32 to index
              %get3A_391 = tpu.vector_load %arg4[%get3A_389, %get3A_390] {strides = array<i32>} : memref<2x10000xf32, #tpu.memory_space<vmem>>, vector<16xf32>,
              %gt3A_392 = vector.broadcast %mul3A_347 : f32 to vector<16xf32>
              %gt3A_393 = arith.cmpf ogt, %get3A_391, %gt3A_392 : vector<16xf32>
              %convert_element_type3A_394 = arith.extui %gt3A_393 : vector<16xi1> to vector<16xi32>
              %add3A_395 = arith.addi %scan3A_385, %convert_element_type3A_394 : vector<16xi32>
              %max3A_396 = arith.maximumf %scan3A_386, %get3A_391 : vector<16xf32>
              %scan3A_397 = arith.constant 1 : i32
              %scan3A_398 = arith.addi %scan3A_384, %scan3A_397 : i32
              %mul3A_399 = arith.constant 16 : i32
              %mul3A_400 = arith.muli %scan3A_398, %mul3A_399 : i32
              %get3A_401 = arith.index_cast %select_n3A_158 : i32 to index
              %get3A_402 = arith.index_cast %mul3A_400 : i32 to index
              %get3A_403 = tpu.vector_load %arg4[%get3A_401, %get3A_402] {strides = array<i32>} : memref<2x10000xf32, #tpu.memory_space<vmem>>, vector<16xf32>,
              %gt3A_404 = vector.broadcast %mul3A_347 : f32 to vector<16xf32>
              %gt3A_405 = arith.cmpf ogt, %get3A_403, %gt3A_404 : vector<16xf32>
              %convert_element_type3A_406 = arith.extui %gt3A_405 : vector<16xi1> to vector<16xi32>
              %add3A_407 = arith.addi %add3A_395, %convert_element_type3A_406 : vector<16xi32>
              %max3A_408 = arith.maximumf %max3A_396, %get3A_403 : vector<16xf32>
              %scan3A_409 = arith.constant 2 : i32
              %scan3A_410 = arith.addi %scan3A_384, %scan3A_409 : i32
              %mul3A_411 = arith.constant 16 : i32
              %mul3A_412 = arith.muli %scan3A_410, %mul3A_411 : i32
              %get3A_413 = arith.index_cast %select_n3A_158 : i32 to index
              %get3A_414 = arith.index_cast %mul3A_412 : i32 to index
              %get3A_415 = tpu.vector_load %arg4[%get3A_413, %get3A_414] {strides = array<i32>} : memref<2x10000xf32, #tpu.memory_space<vmem>>, vector<16xf32>,
              %gt3A_416 = vector.broadcast %mul3A_347 : f32 to vector<16xf32>
              %gt3A_417 = arith.cmpf ogt, %get3A_415, %gt3A_416 : vector<16xf32>
              %convert_element_type3A_418 = arith.extui %gt3A_417 : vector<16xi1> to vector<16xi32>
              %add3A_419 = arith.addi %add3A_407, %convert_element_type3A_418 : vector<16xi32>
              %max3A_420 = arith.maximumf %max3A_408, %get3A_415 : vector<16xf32>
              %scan3A_421 = arith.constant 3 : i32
              %scan3A_422 = arith.addi %scan3A_384, %scan3A_421 : i32
              %mul3A_423 = arith.constant 16 : i32
              %mul3A_424 = arith.muli %scan3A_422, %mul3A_423 : i32
              %get3A_425 = arith.index_cast %select_n3A_158 : i32 to index
              %get3A_426 = arith.index_cast %mul3A_424 : i32 to index
              %get3A_427 = tpu.vector_load %arg4[%get3A_425, %get3A_426] {strides = array<i32>} : memref<2x10000xf32, #tpu.memory_space<vmem>>, vector<16xf32>,
              %gt3A_428 = vector.broadcast %mul3A_347 : f32 to vector<16xf32>
              %gt3A_429 = arith.cmpf ogt, %get3A_427, %gt3A_428 : vector<16xf32>
              %convert_element_type3A_430 = arith.extui %gt3A_429 : vector<16xi1> to vector<16xi32>
              %add3A_431 = arith.addi %add3A_419, %convert_element_type3A_430 : vector<16xi32>
              %max3A_432 = arith.maximumf %max3A_420, %get3A_427 : vector<16xf32>
              %scan3A_433 = arith.constant 4 : i32
              %scan3A_434 = arith.addi %scan3A_384, %scan3A_433 : i32
              %mul3A_435 = arith.constant 16 : i32
              %mul3A_436 = arith.muli %scan3A_434, %mul3A_435 : i32
              %get3A_437 = arith.index_cast %select_n3A_158 : i32 to index
              %get3A_438 = arith.index_cast %mul3A_436 : i32 to index
              %get3A_439 = tpu.vector_load %arg4[%get3A_437, %get3A_438] {strides = array<i32>} : memref<2x10000xf32, #tpu.memory_space<vmem>>, vector<16xf32>,
              %gt3A_440 = vector.broadcast %mul3A_347 : f32 to vector<16xf32>
              %gt3A_441 = arith.cmpf ogt, %get3A_439, %gt3A_440 : vector<16xf32>
              %convert_element_type3A_442 = arith.extui %gt3A_441 : vector<16xi1> to vector<16xi32>
              %add3A_443 = arith.addi %add3A_431, %convert_element_type3A_442 : vector<16xi32>
              %max3A_444 = arith.maximumf %max3A_432, %get3A_439 : vector<16xf32>
              %scan3A_445 = arith.constant 5 : i32
              %scan3A_446 = arith.addi %scan3A_384, %scan3A_445 : i32
              %mul3A_447 = arith.constant 16 : i32
              %mul3A_448 = arith.muli %scan3A_446, %mul3A_447 : i32
              %get3A_449 = arith.index_cast %select_n3A_158 : i32 to index
              %get3A_450 = arith.index_cast %mul3A_448 : i32 to index
              %get3A_451 = tpu.vector_load %arg4[%get3A_449, %get3A_450] {strides = array<i32>} : memref<2x10000xf32, #tpu.memory_space<vmem>>, vector<16xf32>,
              %gt3A_452 = vector.broadcast %mul3A_347 : f32 to vector<16xf32>
              %gt3A_453 = arith.cmpf ogt, %get3A_451, %gt3A_452 : vector<16xf32>
              %convert_element_type3A_454 = arith.extui %gt3A_453 : vector<16xi1> to vector<16xi32>
              %add3A_455 = arith.addi %add3A_443, %convert_element_type3A_454 : vector<16xi32>
              %max3A_456 = arith.maximumf %max3A_444, %get3A_451 : vector<16xf32>
              %scan3A_457 = arith.constant 6 : i32
              %scan3A_458 = arith.addi %scan3A_384, %scan3A_457 : i32
              %mul3A_459 = arith.constant 16 : i32
              %mul3A_460 = arith.muli %scan3A_458, %mul3A_459 : i32
              %get3A_461 = arith.index_cast %select_n3A_158 : i32 to index
              %get3A_462 = arith.index_cast %mul3A_460 : i32 to index
              %get3A_463 = tpu.vector_load %arg4[%get3A_461, %get3A_462] {strides = array<i32>} : memref<2x10000xf32, #tpu.memory_space<vmem>>, vector<16xf32>,
              %gt3A_464 = vector.broadcast %mul3A_347 : f32 to vector<16xf32>
              %gt3A_465 = arith.cmpf ogt, %get3A_463, %gt3A_464 : vector<16xf32>
              %convert_element_type3A_466 = arith.extui %gt3A_465 : vector<16xi1> to vector<16xi32>
              %add3A_467 = arith.addi %add3A_455, %convert_element_type3A_466 : vector<16xi32>
              %max3A_468 = arith.maximumf %max3A_456, %get3A_463 : vector<16xf32>
              %scan3A_469 = arith.constant 7 : i32
              %scan3A_470 = arith.addi %scan3A_384, %scan3A_469 : i32
              %mul3A_471 = arith.constant 16 : i32
              %mul3A_472 = arith.muli %scan3A_470, %mul3A_471 : i32
              %get3A_473 = arith.index_cast %select_n3A_158 : i32 to index
              %get3A_474 = arith.index_cast %mul3A_472 : i32 to index
              %get3A_475 = tpu.vector_load %arg4[%get3A_473, %get3A_474] {strides = array<i32>} : memref<2x10000xf32, #tpu.memory_space<vmem>>, vector<16xf32>,
              %gt3A_476 = vector.broadcast %mul3A_347 : f32 to vector<16xf32>
              %gt3A_477 = arith.cmpf ogt, %get3A_475, %gt3A_476 : vector<16xf32>
              %convert_element_type3A_478 = arith.extui %gt3A_477 : vector<16xi1> to vector<16xi32>
              %add3A_479 = arith.addi %add3A_467, %convert_element_type3A_478 : vector<16xi32>
              %max3A_480 = arith.maximumf %max3A_468, %get3A_475 : vector<16xf32>
              scf.yield %add3A_479, %max3A_480 : vector<16xi32>, vector<16xf32>
            }
            %scan3A_357 = arith.constant 624 : i32
            %scan3A_358 = arith.addi %scan3A_352, %scan3A_357 : i32
            %mul3A_359 = arith.constant 16 : i32
            %mul3A_360 = arith.muli %scan3A_358, %mul3A_359 : i32
            %get3A_361 = arith.index_cast %select_n3A_158 : i32 to index
            %get3A_362 = arith.index_cast %mul3A_360 : i32 to index
            %get3A_363 = tpu.vector_load %arg4[%get3A_361, %get3A_362] {strides = array<i32>} : memref<2x10000xf32, #tpu.memory_space<vmem>>, vector<16xf32>,
            %gt3A_364 = vector.broadcast %mul3A_347 : f32 to vector<16xf32>
            %gt3A_365 = arith.cmpf ogt, %get3A_363, %gt3A_364 : vector<16xf32>
            %convert_element_type3A_366 = arith.extui %gt3A_365 : vector<16xi1> to vector<16xi32>
            %add3A_367 = arith.addi %scan3A_356#0, %convert_element_type3A_366 : vector<16xi32>
            %max3A_368 = arith.maximumf %scan3A_356#1, %get3A_363 : vector<16xf32>
            %scan3A_369 = arith.constant 625 : i32
            %reduce_sum3A_370 = arith.constant true
            %reduce_sum3A_371 = vector.broadcast %reduce_sum3A_370 : i1 to vector<16xi1>
            %reduce_sum3A_372 = tpu.scan <sum>, %add3A_367 masked %reduce_sum3A_371 : vector<16xi32>, vector<16xi1> -> vector<16xi32>
            %reduce_sum3A_373 = vector.extract %reduce_sum3A_372[15] : i32 from vector<16xi32>
            %reduce_max3A_374 = arith.constant true
            %reduce_max3A_375 = vector.broadcast %reduce_max3A_374 : i1 to vector<16xi1>
            %reduce_max3A_376 = tpu.scan <max>, %max3A_368 masked %reduce_max3A_375 : vector<16xf32>, vector<16xi1> -> vector<16xf32>
            %reduce_max3A_377 = vector.extract %reduce_max3A_376[15] : f32 from vector<16xf32>
            %ge3A_378 = arith.constant 32 : i32
            %ge3A_379 = arith.cmpi sge, %reduce_sum3A_373, %ge3A_378 : i32
            %select_n3A_380 = arith.select %ge3A_379, %mul3A_347, %while3A_340 : f32
            %select_n3A_381 = arith.select %ge3A_379, %while3A_341, %mul3A_347 : f32
            %add3A_382 = arith.constant 1 : i32
            %add3A_383 = arith.addi %while3A_344, %add3A_382 : i32
            scf.yield %select_n3A_380, %select_n3A_381, %mul3A_347, %reduce_sum3A_373, %add3A_383 : f32, f32, f32, i32, i32
          }
          %lt3A_303 = arith.constant 32 : i32
          %lt3A_304 = arith.cmpi slt, %while3A_302#3, %lt3A_303 : i32
          %gt3A_305 = arith.constant 144 : i32
          %gt3A_306 = arith.cmpi sgt, %while3A_302#3, %gt3A_305 : i32
          %or3A_307 = arith.ori %lt3A_304, %gt3A_306 : i1
          %select_n3A_308 = arith.select %or3A_307, %while3A_302#0, %while3A_302#2 : f32
          %broadcast_in_dim3A_309 = arith.constant 0 : i32
          %broadcast_in_dim3A_310 = vector.broadcast %broadcast_in_dim3A_309 : i32 to vector<16xi32>
          %scan3A_311 = arith.constant 0 : i32
          %scan3A_312 = arith.constant 624 : i32
          %scan3A_313 = arith.addi %scan3A_311, %scan3A_312 : i32
          %scan3A_314 = arith.constant 16 : i32
          %scan3A_315 = scf.for %scan3A_340 = %scan3A_311 to %scan3A_313 step %scan3A_314 iter_args(%scan3A_341 = %broadcast_in_dim3A_310) -> (vector<16xi32>)  : i32 {
            %mul3A_342 = arith.constant 16 : i32
            %mul3A_343 = arith.muli %scan3A_340, %mul3A_342 : i32
            %get3A_344 = arith.index_cast %select_n3A_158 : i32 to index
            %get3A_345 = arith.index_cast %mul3A_343 : i32 to index
            %get3A_346 = tpu.vector_load %arg4[%get3A_344, %get3A_345] {strides = array<i32>} : memref<2x10000xf32, #tpu.memory_space<vmem>>, vector<16xf32>,
            %gt3A_347 = vector.broadcast %select_n3A_308 : f32 to vector<16xf32>
            %gt3A_348 = arith.cmpf ogt, %get3A_346, %gt3A_347 : vector<16xf32>
            %min3A_349 = arith.constant 23 : i32
            %min3A_350 = vector.broadcast %min3A_349 : i32 to vector<16xi32>
            %min3A_351 = arith.minsi %scan3A_341, %min3A_350 : vector<16xi32>
            %mul3A_352 = arith.constant 16 : i32
            %mul3A_353 = vector.broadcast %mul3A_352 : i32 to vector<16xi32>
            %mul3A_354 = arith.muli %min3A_351, %mul3A_353 : vector<16xi32>
            %add3A_355 = arith.addi %mul3A_354, %iota3A : vector<16xi32>
            %mul3A_356 = arith.constant 16 : i32
            %mul3A_357 = arith.muli %scan3A_340, %mul3A_356 : i32
            %add3A_358 = vector.broadcast %mul3A_357 : i32 to vector<16xi32>
            %add3A_359 = arith.addi %iota3A, %add3A_358 : vector<16xi32>
            tpu.vector_store_idx %arg6[%add3A_355], %add3A_359 masked %gt3A_348 : memref<384xi32, #tpu.memory_space<vmem>>[vector<16xi32>], vector<16xi32>, vector<16xi1>
            %convert_element_type3A_360 = arith.extui %gt3A_348 : vector<16xi1> to vector<16xi32>
            %add3A_361 = arith.addi %scan3A_341, %convert_element_type3A_360 : vector<16xi32>
            %scan3A_362 = arith.constant 1 : i32
            %scan3A_363 = arith.addi %scan3A_340, %scan3A_362 : i32
            %mul3A_364 = arith.constant 16 : i32
            %mul3A_365 = arith.muli %scan3A_363, %mul3A_364 : i32
            %get3A_366 = arith.index_cast %select_n3A_158 : i32 to index
            %get3A_367 = arith.index_cast %mul3A_365 : i32 to index
            %get3A_368 = tpu.vector_load %arg4[%get3A_366, %get3A_367] {strides = array<i32>} : memref<2x10000xf32, #tpu.memory_space<vmem>>, vector<16xf32>,
            %gt3A_369 = vector.broadcast %select_n3A_308 : f32 to vector<16xf32>
            %gt3A_370 = arith.cmpf ogt, %get3A_368, %gt3A_369 : vector<16xf32>
            %min3A_371 = arith.constant 23 : i32
            %min3A_372 = vector.broadcast %min3A_371 : i32 to vector<16xi32>
            %min3A_373 = arith.minsi %add3A_361, %min3A_372 : vector<16xi32>
            %mul3A_374 = arith.constant 16 : i32
            %mul3A_375 = vector.broadcast %mul3A_374 : i32 to vector<16xi32>
            %mul3A_376 = arith.muli %min3A_373, %mul3A_375 : vector<16xi32>
            %add3A_377 = arith.addi %mul3A_376, %iota3A : vector<16xi32>
            %mul3A_378 = arith.constant 16 : i32
            %mul3A_379 = arith.muli %scan3A_363, %mul3A_378 : i32
            %add3A_380 = vector.broadcast %mul3A_379 : i32 to vector<16xi32>
            %add3A_381 = arith.addi %iota3A, %add3A_380 : vector<16xi32>
            tpu.vector_store_idx %arg6[%add3A_377], %add3A_381 masked %gt3A_370 : memref<384xi32, #tpu.memory_space<vmem>>[vector<16xi32>], vector<16xi32>, vector<16xi1>
            %convert_element_type3A_382 = arith.extui %gt3A_370 : vector<16xi1> to vector<16xi32>
            %add3A_383 = arith.addi %add3A_361, %convert_element_type3A_382 : vector<16xi32>
            %scan3A_384 = arith.constant 2 : i32
            %scan3A_385 = arith.addi %scan3A_340, %scan3A_384 : i32
            %mul3A_386 = arith.constant 16 : i32
            %mul3A_387 = arith.muli %scan3A_385, %mul3A_386 : i32
            %get3A_388 = arith.index_cast %select_n3A_158 : i32 to index
            %get3A_389 = arith.index_cast %mul3A_387 : i32 to index
            %get3A_390 = tpu.vector_load %arg4[%get3A_388, %get3A_389] {strides = array<i32>} : memref<2x10000xf32, #tpu.memory_space<vmem>>, vector<16xf32>,
            %gt3A_391 = vector.broadcast %select_n3A_308 : f32 to vector<16xf32>
            %gt3A_392 = arith.cmpf ogt, %get3A_390, %gt3A_391 : vector<16xf32>
            %min3A_393 = arith.constant 23 : i32
            %min3A_394 = vector.broadcast %min3A_393 : i32 to vector<16xi32>
            %min3A_395 = arith.minsi %add3A_383, %min3A_394 : vector<16xi32>
            %mul3A_396 = arith.constant 16 : i32
            %mul3A_397 = vector.broadcast %mul3A_396 : i32 to vector<16xi32>
            %mul3A_398 = arith.muli %min3A_395, %mul3A_397 : vector<16xi32>
            %add3A_399 = arith.addi %mul3A_398, %iota3A : vector<16xi32>
            %mul3A_400 = arith.constant 16 : i32
            %mul3A_401 = arith.muli %scan3A_385, %mul3A_400 : i32
            %add3A_402 = vector.broadcast %mul3A_401 : i32 to vector<16xi32>
            %add3A_403 = arith.addi %iota3A, %add3A_402 : vector<16xi32>
            tpu.vector_store_idx %arg6[%add3A_399], %add3A_403 masked %gt3A_392 : memref<384xi32, #tpu.memory_space<vmem>>[vector<16xi32>], vector<16xi32>, vector<16xi1>
            %convert_element_type3A_404 = arith.extui %gt3A_392 : vector<16xi1> to vector<16xi32>
            %add3A_405 = arith.addi %add3A_383, %convert_element_type3A_404 : vector<16xi32>
            %scan3A_406 = arith.constant 3 : i32
            %scan3A_407 = arith.addi %scan3A_340, %scan3A_406 : i32
            %mul3A_408 = arith.constant 16 : i32
            %mul3A_409 = arith.muli %scan3A_407, %mul3A_408 : i32
            %get3A_410 = arith.index_cast %select_n3A_158 : i32 to index
            %get3A_411 = arith.index_cast %mul3A_409 : i32 to index
            %get3A_412 = tpu.vector_load %arg4[%get3A_410, %get3A_411] {strides = array<i32>} : memref<2x10000xf32, #tpu.memory_space<vmem>>, vector<16xf32>,
            %gt3A_413 = vector.broadcast %select_n3A_308 : f32 to vector<16xf32>
            %gt3A_414 = arith.cmpf ogt, %get3A_412, %gt3A_413 : vector<16xf32>
            %min3A_415 = arith.constant 23 : i32
            %min3A_416 = vector.broadcast %min3A_415 : i32 to vector<16xi32>
            %min3A_417 = arith.minsi %add3A_405, %min3A_416 : vector<16xi32>
            %mul3A_418 = arith.constant 16 : i32
            %mul3A_419 = vector.broadcast %mul3A_418 : i32 to vector<16xi32>
            %mul3A_420 = arith.muli %min3A_417, %mul3A_419 : vector<16xi32>
            %add3A_421 = arith.addi %mul3A_420, %iota3A : vector<16xi32>
            %mul3A_422 = arith.constant 16 : i32
            %mul3A_423 = arith.muli %scan3A_407, %mul3A_422 : i32
            %add3A_424 = vector.broadcast %mul3A_423 : i32 to vector<16xi32>
            %add3A_425 = arith.addi %iota3A, %add3A_424 : vector<16xi32>
            tpu.vector_store_idx %arg6[%add3A_421], %add3A_425 masked %gt3A_414 : memref<384xi32, #tpu.memory_space<vmem>>[vector<16xi32>], vector<16xi32>, vector<16xi1>
            %convert_element_type3A_426 = arith.extui %gt3A_414 : vector<16xi1> to vector<16xi32>
            %add3A_427 = arith.addi %add3A_405, %convert_element_type3A_426 : vector<16xi32>
            %scan3A_428 = arith.constant 4 : i32
            %scan3A_429 = arith.addi %scan3A_340, %scan3A_428 : i32
            %mul3A_430 = arith.constant 16 : i32
            %mul3A_431 = arith.muli %scan3A_429, %mul3A_430 : i32
            %get3A_432 = arith.index_cast %select_n3A_158 : i32 to index
            %get3A_433 = arith.index_cast %mul3A_431 : i32 to index
            %get3A_434 = tpu.vector_load %arg4[%get3A_432, %get3A_433] {strides = array<i32>} : memref<2x10000xf32, #tpu.memory_space<vmem>>, vector<16xf32>,
            %gt3A_435 = vector.broadcast %select_n3A_308 : f32 to vector<16xf32>
            %gt3A_436 = arith.cmpf ogt, %get3A_434, %gt3A_435 : vector<16xf32>
            %min3A_437 = arith.constant 23 : i32
            %min3A_438 = vector.broadcast %min3A_437 : i32 to vector<16xi32>
            %min3A_439 = arith.minsi %add3A_427, %min3A_438 : vector<16xi32>
            %mul3A_440 = arith.constant 16 : i32
            %mul3A_441 = vector.broadcast %mul3A_440 : i32 to vector<16xi32>
            %mul3A_442 = arith.muli %min3A_439, %mul3A_441 : vector<16xi32>
            %add3A_443 = arith.addi %mul3A_442, %iota3A : vector<16xi32>
            %mul3A_444 = arith.constant 16 : i32
            %mul3A_445 = arith.muli %scan3A_429, %mul3A_444 : i32
            %add3A_446 = vector.broadcast %mul3A_445 : i32 to vector<16xi32>
            %add3A_447 = arith.addi %iota3A, %add3A_446 : vector<16xi32>
            tpu.vector_store_idx %arg6[%add3A_443], %add3A_447 masked %gt3A_436 : memref<384xi32, #tpu.memory_space<vmem>>[vector<16xi32>], vector<16xi32>, vector<16xi1>
            %convert_element_type3A_448 = arith.extui %gt3A_436 : vector<16xi1> to vector<16xi32>
            %add3A_449 = arith.addi %add3A_427, %convert_element_type3A_448 : vector<16xi32>
            %scan3A_450 = arith.constant 5 : i32
            %scan3A_451 = arith.addi %scan3A_340, %scan3A_450 : i32
            %mul3A_452 = arith.constant 16 : i32
            %mul3A_453 = arith.muli %scan3A_451, %mul3A_452 : i32
            %get3A_454 = arith.index_cast %select_n3A_158 : i32 to index
            %get3A_455 = arith.index_cast %mul3A_453 : i32 to index
            %get3A_456 = tpu.vector_load %arg4[%get3A_454, %get3A_455] {strides = array<i32>} : memref<2x10000xf32, #tpu.memory_space<vmem>>, vector<16xf32>,
            %gt3A_457 = vector.broadcast %select_n3A_308 : f32 to vector<16xf32>
            %gt3A_458 = arith.cmpf ogt, %get3A_456, %gt3A_457 : vector<16xf32>
            %min3A_459 = arith.constant 23 : i32
            %min3A_460 = vector.broadcast %min3A_459 : i32 to vector<16xi32>
            %min3A_461 = arith.minsi %add3A_449, %min3A_460 : vector<16xi32>
            %mul3A_462 = arith.constant 16 : i32
            %mul3A_463 = vector.broadcast %mul3A_462 : i32 to vector<16xi32>
            %mul3A_464 = arith.muli %min3A_461, %mul3A_463 : vector<16xi32>
            %add3A_465 = arith.addi %mul3A_464, %iota3A : vector<16xi32>
            %mul3A_466 = arith.constant 16 : i32
            %mul3A_467 = arith.muli %scan3A_451, %mul3A_466 : i32
            %add3A_468 = vector.broadcast %mul3A_467 : i32 to vector<16xi32>
            %add3A_469 = arith.addi %iota3A, %add3A_468 : vector<16xi32>
            tpu.vector_store_idx %arg6[%add3A_465], %add3A_469 masked %gt3A_458 : memref<384xi32, #tpu.memory_space<vmem>>[vector<16xi32>], vector<16xi32>, vector<16xi1>
            %convert_element_type3A_470 = arith.extui %gt3A_458 : vector<16xi1> to vector<16xi32>
            %add3A_471 = arith.addi %add3A_449, %convert_element_type3A_470 : vector<16xi32>
            %scan3A_472 = arith.constant 6 : i32
            %scan3A_473 = arith.addi %scan3A_340, %scan3A_472 : i32
            %mul3A_474 = arith.constant 16 : i32
            %mul3A_475 = arith.muli %scan3A_473, %mul3A_474 : i32
            %get3A_476 = arith.index_cast %select_n3A_158 : i32 to index
            %get3A_477 = arith.index_cast %mul3A_475 : i32 to index
            %get3A_478 = tpu.vector_load %arg4[%get3A_476, %get3A_477] {strides = array<i32>} : memref<2x10000xf32, #tpu.memory_space<vmem>>, vector<16xf32>,
            %gt3A_479 = vector.broadcast %select_n3A_308 : f32 to vector<16xf32>
            %gt3A_480 = arith.cmpf ogt, %get3A_478, %gt3A_479 : vector<16xf32>
            %min3A_481 = arith.constant 23 : i32
            %min3A_482 = vector.broadcast %min3A_481 : i32 to vector<16xi32>
            %min3A_483 = arith.minsi %add3A_471, %min3A_482 : vector<16xi32>
            %mul3A_484 = arith.constant 16 : i32
            %mul3A_485 = vector.broadcast %mul3A_484 : i32 to vector<16xi32>
            %mul3A_486 = arith.muli %min3A_483, %mul3A_485 : vector<16xi32>
            %add3A_487 = arith.addi %mul3A_486, %iota3A : vector<16xi32>
            %mul3A_488 = arith.constant 16 : i32
            %mul3A_489 = arith.muli %scan3A_473, %mul3A_488 : i32
            %add3A_490 = vector.broadcast %mul3A_489 : i32 to vector<16xi32>
            %add3A_491 = arith.addi %iota3A, %add3A_490 : vector<16xi32>
            tpu.vector_store_idx %arg6[%add3A_487], %add3A_491 masked %gt3A_480 : memref<384xi32, #tpu.memory_space<vmem>>[vector<16xi32>], vector<16xi32>, vector<16xi1>
            %convert_element_type3A_492 = arith.extui %gt3A_480 : vector<16xi1> to vector<16xi32>
            %add3A_493 = arith.addi %add3A_471, %convert_element_type3A_492 : vector<16xi32>
            %scan3A_494 = arith.constant 7 : i32
            %scan3A_495 = arith.addi %scan3A_340, %scan3A_494 : i32
            %mul3A_496 = arith.constant 16 : i32
            %mul3A_497 = arith.muli %scan3A_495, %mul3A_496 : i32
            %get3A_498 = arith.index_cast %select_n3A_158 : i32 to index
            %get3A_499 = arith.index_cast %mul3A_497 : i32 to index
            %get3A_500 = tpu.vector_load %arg4[%get3A_498, %get3A_499] {strides = array<i32>} : memref<2x10000xf32, #tpu.memory_space<vmem>>, vector<16xf32>,
            %gt3A_501 = vector.broadcast %select_n3A_308 : f32 to vector<16xf32>
            %gt3A_502 = arith.cmpf ogt, %get3A_500, %gt3A_501 : vector<16xf32>
            %min3A_503 = arith.constant 23 : i32
            %min3A_504 = vector.broadcast %min3A_503 : i32 to vector<16xi32>
            %min3A_505 = arith.minsi %add3A_493, %min3A_504 : vector<16xi32>
            %mul3A_506 = arith.constant 16 : i32
            %mul3A_507 = vector.broadcast %mul3A_506 : i32 to vector<16xi32>
            %mul3A_508 = arith.muli %min3A_505, %mul3A_507 : vector<16xi32>
            %add3A_509 = arith.addi %mul3A_508, %iota3A : vector<16xi32>
            %mul3A_510 = arith.constant 16 : i32
            %mul3A_511 = arith.muli %scan3A_495, %mul3A_510 : i32
            %add3A_512 = vector.broadcast %mul3A_511 : i32 to vector<16xi32>
            %add3A_513 = arith.addi %iota3A, %add3A_512 : vector<16xi32>
            tpu.vector_store_idx %arg6[%add3A_509], %add3A_513 masked %gt3A_502 : memref<384xi32, #tpu.memory_space<vmem>>[vector<16xi32>], vector<16xi32>, vector<16xi1>
            %convert_element_type3A_514 = arith.extui %gt3A_502 : vector<16xi1> to vector<16xi32>
            %add3A_515 = arith.addi %add3A_493, %convert_element_type3A_514 : vector<16xi32>
            %scan3A_516 = arith.constant 8 : i32
            %scan3A_517 = arith.addi %scan3A_340, %scan3A_516 : i32
            %mul3A_518 = arith.constant 16 : i32
            %mul3A_519 = arith.muli %scan3A_517, %mul3A_518 : i32
            %get3A_520 = arith.index_cast %select_n3A_158 : i32 to index
            %get3A_521 = arith.index_cast %mul3A_519 : i32 to index
            %get3A_522 = tpu.vector_load %arg4[%get3A_520, %get3A_521] {strides = array<i32>} : memref<2x10000xf32, #tpu.memory_space<vmem>>, vector<16xf32>,
            %gt3A_523 = vector.broadcast %select_n3A_308 : f32 to vector<16xf32>
            %gt3A_524 = arith.cmpf ogt, %get3A_522, %gt3A_523 : vector<16xf32>
            %min3A_525 = arith.constant 23 : i32
            %min3A_526 = vector.broadcast %min3A_525 : i32 to vector<16xi32>
            %min3A_527 = arith.minsi %add3A_515, %min3A_526 : vector<16xi32>
            %mul3A_528 = arith.constant 16 : i32
            %mul3A_529 = vector.broadcast %mul3A_528 : i32 to vector<16xi32>
            %mul3A_530 = arith.muli %min3A_527, %mul3A_529 : vector<16xi32>
            %add3A_531 = arith.addi %mul3A_530, %iota3A : vector<16xi32>
            %mul3A_532 = arith.constant 16 : i32
            %mul3A_533 = arith.muli %scan3A_517, %mul3A_532 : i32
            %add3A_534 = vector.broadcast %mul3A_533 : i32 to vector<16xi32>
            %add3A_535 = arith.addi %iota3A, %add3A_534 : vector<16xi32>
            tpu.vector_store_idx %arg6[%add3A_531], %add3A_535 masked %gt3A_524 : memref<384xi32, #tpu.memory_space<vmem>>[vector<16xi32>], vector<16xi32>, vector<16xi1>
            %convert_element_type3A_536 = arith.extui %gt3A_524 : vector<16xi1> to vector<16xi32>
            %add3A_537 = arith.addi %add3A_515, %convert_element_type3A_536 : vector<16xi32>
            %scan3A_538 = arith.constant 9 : i32
            %scan3A_539 = arith.addi %scan3A_340, %scan3A_538 : i32
            %mul3A_540 = arith.constant 16 : i32
            %mul3A_541 = arith.muli %scan3A_539, %mul3A_540 : i32
            %get3A_542 = arith.index_cast %select_n3A_158 : i32 to index
            %get3A_543 = arith.index_cast %mul3A_541 : i32 to index
            %get3A_544 = tpu.vector_load %arg4[%get3A_542, %get3A_543] {strides = array<i32>} : memref<2x10000xf32, #tpu.memory_space<vmem>>, vector<16xf32>,
            %gt3A_545 = vector.broadcast %select_n3A_308 : f32 to vector<16xf32>
            %gt3A_546 = arith.cmpf ogt, %get3A_544, %gt3A_545 : vector<16xf32>
            %min3A_547 = arith.constant 23 : i32
            %min3A_548 = vector.broadcast %min3A_547 : i32 to vector<16xi32>
            %min3A_549 = arith.minsi %add3A_537, %min3A_548 : vector<16xi32>
            %mul3A_550 = arith.constant 16 : i32
            %mul3A_551 = vector.broadcast %mul3A_550 : i32 to vector<16xi32>
            %mul3A_552 = arith.muli %min3A_549, %mul3A_551 : vector<16xi32>
            %add3A_553 = arith.addi %mul3A_552, %iota3A : vector<16xi32>
            %mul3A_554 = arith.constant 16 : i32
            %mul3A_555 = arith.muli %scan3A_539, %mul3A_554 : i32
            %add3A_556 = vector.broadcast %mul3A_555 : i32 to vector<16xi32>
            %add3A_557 = arith.addi %iota3A, %add3A_556 : vector<16xi32>
            tpu.vector_store_idx %arg6[%add3A_553], %add3A_557 masked %gt3A_546 : memref<384xi32, #tpu.memory_space<vmem>>[vector<16xi32>], vector<16xi32>, vector<16xi1>
            %convert_element_type3A_558 = arith.extui %gt3A_546 : vector<16xi1> to vector<16xi32>
            %add3A_559 = arith.addi %add3A_537, %convert_element_type3A_558 : vector<16xi32>
            %scan3A_560 = arith.constant 10 : i32
            %scan3A_561 = arith.addi %scan3A_340, %scan3A_560 : i32
            %mul3A_562 = arith.constant 16 : i32
            %mul3A_563 = arith.muli %scan3A_561, %mul3A_562 : i32
            %get3A_564 = arith.index_cast %select_n3A_158 : i32 to index
            %get3A_565 = arith.index_cast %mul3A_563 : i32 to index
            %get3A_566 = tpu.vector_load %arg4[%get3A_564, %get3A_565] {strides = array<i32>} : memref<2x10000xf32, #tpu.memory_space<vmem>>, vector<16xf32>,
            %gt3A_567 = vector.broadcast %select_n3A_308 : f32 to vector<16xf32>
            %gt3A_568 = arith.cmpf ogt, %get3A_566, %gt3A_567 : vector<16xf32>
            %min3A_569 = arith.constant 23 : i32
            %min3A_570 = vector.broadcast %min3A_569 : i32 to vector<16xi32>
            %min3A_571 = arith.minsi %add3A_559, %min3A_570 : vector<16xi32>
            %mul3A_572 = arith.constant 16 : i32
            %mul3A_573 = vector.broadcast %mul3A_572 : i32 to vector<16xi32>
            %mul3A_574 = arith.muli %min3A_571, %mul3A_573 : vector<16xi32>
            %add3A_575 = arith.addi %mul3A_574, %iota3A : vector<16xi32>
            %mul3A_576 = arith.constant 16 : i32
            %mul3A_577 = arith.muli %scan3A_561, %mul3A_576 : i32
            %add3A_578 = vector.broadcast %mul3A_577 : i32 to vector<16xi32>
            %add3A_579 = arith.addi %iota3A, %add3A_578 : vector<16xi32>
            tpu.vector_store_idx %arg6[%add3A_575], %add3A_579 masked %gt3A_568 : memref<384xi32, #tpu.memory_space<vmem>>[vector<16xi32>], vector<16xi32>, vector<16xi1>
            %convert_element_type3A_580 = arith.extui %gt3A_568 : vector<16xi1> to vector<16xi32>
            %add3A_581 = arith.addi %add3A_559, %convert_element_type3A_580 : vector<16xi32>
            %scan3A_582 = arith.constant 11 : i32
            %scan3A_583 = arith.addi %scan3A_340, %scan3A_582 : i32
            %mul3A_584 = arith.constant 16 : i32
            %mul3A_585 = arith.muli %scan3A_583, %mul3A_584 : i32
            %get3A_586 = arith.index_cast %select_n3A_158 : i32 to index
            %get3A_587 = arith.index_cast %mul3A_585 : i32 to index
            %get3A_588 = tpu.vector_load %arg4[%get3A_586, %get3A_587] {strides = array<i32>} : memref<2x10000xf32, #tpu.memory_space<vmem>>, vector<16xf32>,
            %gt3A_589 = vector.broadcast %select_n3A_308 : f32 to vector<16xf32>
            %gt3A_590 = arith.cmpf ogt, %get3A_588, %gt3A_589 : vector<16xf32>
            %min3A_591 = arith.constant 23 : i32
            %min3A_592 = vector.broadcast %min3A_591 : i32 to vector<16xi32>
            %min3A_593 = arith.minsi %add3A_581, %min3A_592 : vector<16xi32>
            %mul3A_594 = arith.constant 16 : i32
            %mul3A_595 = vector.broadcast %mul3A_594 : i32 to vector<16xi32>
            %mul3A_596 = arith.muli %min3A_593, %mul3A_595 : vector<16xi32>
            %add3A_597 = arith.addi %mul3A_596, %iota3A : vector<16xi32>
            %mul3A_598 = arith.constant 16 : i32
            %mul3A_599 = arith.muli %scan3A_583, %mul3A_598 : i32
            %add3A_600 = vector.broadcast %mul3A_599 : i32 to vector<16xi32>
            %add3A_601 = arith.addi %iota3A, %add3A_600 : vector<16xi32>
            tpu.vector_store_idx %arg6[%add3A_597], %add3A_601 masked %gt3A_590 : memref<384xi32, #tpu.memory_space<vmem>>[vector<16xi32>], vector<16xi32>, vector<16xi1>
            %convert_element_type3A_602 = arith.extui %gt3A_590 : vector<16xi1> to vector<16xi32>
            %add3A_603 = arith.addi %add3A_581, %convert_element_type3A_602 : vector<16xi32>
            %scan3A_604 = arith.constant 12 : i32
            %scan3A_605 = arith.addi %scan3A_340, %scan3A_604 : i32
            %mul3A_606 = arith.constant 16 : i32
            %mul3A_607 = arith.muli %scan3A_605, %mul3A_606 : i32
            %get3A_608 = arith.index_cast %select_n3A_158 : i32 to index
            %get3A_609 = arith.index_cast %mul3A_607 : i32 to index
            %get3A_610 = tpu.vector_load %arg4[%get3A_608, %get3A_609] {strides = array<i32>} : memref<2x10000xf32, #tpu.memory_space<vmem>>, vector<16xf32>,
            %gt3A_611 = vector.broadcast %select_n3A_308 : f32 to vector<16xf32>
            %gt3A_612 = arith.cmpf ogt, %get3A_610, %gt3A_611 : vector<16xf32>
            %min3A_613 = arith.constant 23 : i32
            %min3A_614 = vector.broadcast %min3A_613 : i32 to vector<16xi32>
            %min3A_615 = arith.minsi %add3A_603, %min3A_614 : vector<16xi32>
            %mul3A_616 = arith.constant 16 : i32
            %mul3A_617 = vector.broadcast %mul3A_616 : i32 to vector<16xi32>
            %mul3A_618 = arith.muli %min3A_615, %mul3A_617 : vector<16xi32>
            %add3A_619 = arith.addi %mul3A_618, %iota3A : vector<16xi32>
            %mul3A_620 = arith.constant 16 : i32
            %mul3A_621 = arith.muli %scan3A_605, %mul3A_620 : i32
            %add3A_622 = vector.broadcast %mul3A_621 : i32 to vector<16xi32>
            %add3A_623 = arith.addi %iota3A, %add3A_622 : vector<16xi32>
            tpu.vector_store_idx %arg6[%add3A_619], %add3A_623 masked %gt3A_612 : memref<384xi32, #tpu.memory_space<vmem>>[vector<16xi32>], vector<16xi32>, vector<16xi1>
            %convert_element_type3A_624 = arith.extui %gt3A_612 : vector<16xi1> to vector<16xi32>
            %add3A_625 = arith.addi %add3A_603, %convert_element_type3A_624 : vector<16xi32>
            %scan3A_626 = arith.constant 13 : i32
            %scan3A_627 = arith.addi %scan3A_340, %scan3A_626 : i32
            %mul3A_628 = arith.constant 16 : i32
            %mul3A_629 = arith.muli %scan3A_627, %mul3A_628 : i32
            %get3A_630 = arith.index_cast %select_n3A_158 : i32 to index
            %get3A_631 = arith.index_cast %mul3A_629 : i32 to index
            %get3A_632 = tpu.vector_load %arg4[%get3A_630, %get3A_631] {strides = array<i32>} : memref<2x10000xf32, #tpu.memory_space<vmem>>, vector<16xf32>,
            %gt3A_633 = vector.broadcast %select_n3A_308 : f32 to vector<16xf32>
            %gt3A_634 = arith.cmpf ogt, %get3A_632, %gt3A_633 : vector<16xf32>
            %min3A_635 = arith.constant 23 : i32
            %min3A_636 = vector.broadcast %min3A_635 : i32 to vector<16xi32>
            %min3A_637 = arith.minsi %add3A_625, %min3A_636 : vector<16xi32>
            %mul3A_638 = arith.constant 16 : i32
            %mul3A_639 = vector.broadcast %mul3A_638 : i32 to vector<16xi32>
            %mul3A_640 = arith.muli %min3A_637, %mul3A_639 : vector<16xi32>
            %add3A_641 = arith.addi %mul3A_640, %iota3A : vector<16xi32>
            %mul3A_642 = arith.constant 16 : i32
            %mul3A_643 = arith.muli %scan3A_627, %mul3A_642 : i32
            %add3A_644 = vector.broadcast %mul3A_643 : i32 to vector<16xi32>
            %add3A_645 = arith.addi %iota3A, %add3A_644 : vector<16xi32>
            tpu.vector_store_idx %arg6[%add3A_641], %add3A_645 masked %gt3A_634 : memref<384xi32, #tpu.memory_space<vmem>>[vector<16xi32>], vector<16xi32>, vector<16xi1>
            %convert_element_type3A_646 = arith.extui %gt3A_634 : vector<16xi1> to vector<16xi32>
            %add3A_647 = arith.addi %add3A_625, %convert_element_type3A_646 : vector<16xi32>
            %scan3A_648 = arith.constant 14 : i32
            %scan3A_649 = arith.addi %scan3A_340, %scan3A_648 : i32
            %mul3A_650 = arith.constant 16 : i32
            %mul3A_651 = arith.muli %scan3A_649, %mul3A_650 : i32
            %get3A_652 = arith.index_cast %select_n3A_158 : i32 to index
            %get3A_653 = arith.index_cast %mul3A_651 : i32 to index
            %get3A_654 = tpu.vector_load %arg4[%get3A_652, %get3A_653] {strides = array<i32>} : memref<2x10000xf32, #tpu.memory_space<vmem>>, vector<16xf32>,
            %gt3A_655 = vector.broadcast %select_n3A_308 : f32 to vector<16xf32>
            %gt3A_656 = arith.cmpf ogt, %get3A_654, %gt3A_655 : vector<16xf32>
            %min3A_657 = arith.constant 23 : i32
            %min3A_658 = vector.broadcast %min3A_657 : i32 to vector<16xi32>
            %min3A_659 = arith.minsi %add3A_647, %min3A_658 : vector<16xi32>
            %mul3A_660 = arith.constant 16 : i32
            %mul3A_661 = vector.broadcast %mul3A_660 : i32 to vector<16xi32>
            %mul3A_662 = arith.muli %min3A_659, %mul3A_661 : vector<16xi32>
            %add3A_663 = arith.addi %mul3A_662, %iota3A : vector<16xi32>
            %mul3A_664 = arith.constant 16 : i32
            %mul3A_665 = arith.muli %scan3A_649, %mul3A_664 : i32
            %add3A_666 = vector.broadcast %mul3A_665 : i32 to vector<16xi32>
            %add3A_667 = arith.addi %iota3A, %add3A_666 : vector<16xi32>
            tpu.vector_store_idx %arg6[%add3A_663], %add3A_667 masked %gt3A_656 : memref<384xi32, #tpu.memory_space<vmem>>[vector<16xi32>], vector<16xi32>, vector<16xi1>
            %convert_element_type3A_668 = arith.extui %gt3A_656 : vector<16xi1> to vector<16xi32>
            %add3A_669 = arith.addi %add3A_647, %convert_element_type3A_668 : vector<16xi32>
            %scan3A_670 = arith.constant 15 : i32
            %scan3A_671 = arith.addi %scan3A_340, %scan3A_670 : i32
            %mul3A_672 = arith.constant 16 : i32
            %mul3A_673 = arith.muli %scan3A_671, %mul3A_672 : i32
            %get3A_674 = arith.index_cast %select_n3A_158 : i32 to index
            %get3A_675 = arith.index_cast %mul3A_673 : i32 to index
            %get3A_676 = tpu.vector_load %arg4[%get3A_674, %get3A_675] {strides = array<i32>} : memref<2x10000xf32, #tpu.memory_space<vmem>>, vector<16xf32>,
            %gt3A_677 = vector.broadcast %select_n3A_308 : f32 to vector<16xf32>
            %gt3A_678 = arith.cmpf ogt, %get3A_676, %gt3A_677 : vector<16xf32>
            %min3A_679 = arith.constant 23 : i32
            %min3A_680 = vector.broadcast %min3A_679 : i32 to vector<16xi32>
            %min3A_681 = arith.minsi %add3A_669, %min3A_680 : vector<16xi32>
            %mul3A_682 = arith.constant 16 : i32
            %mul3A_683 = vector.broadcast %mul3A_682 : i32 to vector<16xi32>
            %mul3A_684 = arith.muli %min3A_681, %mul3A_683 : vector<16xi32>
            %add3A_685 = arith.addi %mul3A_684, %iota3A : vector<16xi32>
            %mul3A_686 = arith.constant 16 : i32
            %mul3A_687 = arith.muli %scan3A_671, %mul3A_686 : i32
            %add3A_688 = vector.broadcast %mul3A_687 : i32 to vector<16xi32>
            %add3A_689 = arith.addi %iota3A, %add3A_688 : vector<16xi32>
            tpu.vector_store_idx %arg6[%add3A_685], %add3A_689 masked %gt3A_678 : memref<384xi32, #tpu.memory_space<vmem>>[vector<16xi32>], vector<16xi32>, vector<16xi1>
            %convert_element_type3A_690 = arith.extui %gt3A_678 : vector<16xi1> to vector<16xi32>
            %add3A_691 = arith.addi %add3A_669, %convert_element_type3A_690 : vector<16xi32>
            scf.yield %add3A_691 : vector<16xi32>
          }
          %scan3A_316 = arith.constant 624 : i32
          %scan3A_317 = arith.addi %scan3A_311, %scan3A_316 : i32
          %mul3A_318 = arith.constant 16 : i32
          %mul3A_319 = arith.muli %scan3A_317, %mul3A_318 : i32
          %get3A_320 = arith.index_cast %select_n3A_158 : i32 to index
          %get3A_321 = arith.index_cast %mul3A_319 : i32 to index
          %get3A_322 = tpu.vector_load %arg4[%get3A_320, %get3A_321] {strides = array<i32>} : memref<2x10000xf32, #tpu.memory_space<vmem>>, vector<16xf32>,
          %gt3A_323 = vector.broadcast %select_n3A_308 : f32 to vector<16xf32>
          %gt3A_324 = arith.cmpf ogt, %get3A_322, %gt3A_323 : vector<16xf32>
          %min3A_325 = arith.constant 23 : i32
          %min3A_326 = vector.broadcast %min3A_325 : i32 to vector<16xi32>
          %min3A_327 = arith.minsi %scan3A_315, %min3A_326 : vector<16xi32>
          %mul3A_328 = arith.constant 16 : i32
          %mul3A_329 = vector.broadcast %mul3A_328 : i32 to vector<16xi32>
          %mul3A_330 = arith.muli %min3A_327, %mul3A_329 : vector<16xi32>
          %add3A_331 = arith.addi %mul3A_330, %iota3A : vector<16xi32>
          %mul3A_332 = arith.constant 16 : i32
          %mul3A_333 = arith.muli %scan3A_317, %mul3A_332 : i32
          %add3A_334 = vector.broadcast %mul3A_333 : i32 to vector<16xi32>
          %add3A_335 = arith.addi %iota3A, %add3A_334 : vector<16xi32>
          tpu.vector_store_idx %arg6[%add3A_331], %add3A_335 masked %gt3A_324 : memref<384xi32, #tpu.memory_space<vmem>>[vector<16xi32>], vector<16xi32>, vector<16xi1>
          %convert_element_type3A_336 = arith.extui %gt3A_324 : vector<16xi1> to vector<16xi32>
          %add3A_337 = arith.addi %scan3A_315, %convert_element_type3A_336 : vector<16xi32>
          %scan3A_338 = arith.constant 625 : i32
          %cond3A_339 = arith.constant 1 : i32
          scf.yield %select_n3A_308, %add3A_337, %cond3A_339 : f32, vector<16xi32>, i32
        }
        scf.yield %cond3A_294#0, %cond3A_294#1, %cond3A_294#2 : f32, vector<16xi32>, i32
      } else {
        %cond3A_260 = arith.constant 1 : i32
        scf.yield %mul3A_184, %add3A_218, %cond3A_260 : f32, vector<16xi32>, i32
      }
      %ne3A_238 = arith.constant 0 : i32
      %ne3A_239 = arith.cmpi ne, %cond3A_237#2, %ne3A_238 : i32
      %convert_element_type3A_240 = arith.extui %ne3A_239 : i1 to i32
      %cond3A_241 = arith.constant 0 : i32
      %cond3A_242 = arith.cmpi ne, %convert_element_type3A_240, %cond3A_241 : i32
      %cond3A_243 = scf.if %cond3A_242 -> (f32) {
        %get3A_260 = arith.constant 0 : index
        %get3A_261 = tpu.vector_load %arg6[%get3A_260] {strides = array<i32>} : memref<384xi32, #tpu.memory_space<vmem>>, vector<16xi32>,
        %gather3A = tpu.vector_load_idx %arg4[%add3A_162, %get3A_261] : memref<2x10000xf32, #tpu.memory_space<vmem>>[vector<16xi32>, vector<16xi32>], vector<16xf32>,
        %gt3A_262 = arith.constant 0 : i32
        %gt3A_263 = vector.broadcast %gt3A_262 : i32 to vector<16xi32>
        %gt3A_264 = arith.cmpi sgt, %cond3A_237#1, %gt3A_263 : vector<16xi32>
        %jit3A_265 = arith.constant 0.000000e+00 : f32
        %broadcast_in_dim3A_266 = vector.broadcast %jit3A_265 : f32 to vector<16xf32>
        %select_n3A_267 = arith.select %gt3A_264, %gather3A, %broadcast_in_dim3A_266 : vector<16xi1>, vector<16xf32>
        %get3A_268 = arith.constant 16 : index
        %get3A_269 = tpu.vector_load %arg6[%get3A_268] {strides = array<i32>} : memref<384xi32, #tpu.memory_space<vmem>>, vector<16xi32>,
        %gather3A_270 = tpu.vector_load_idx %arg4[%add3A_162, %get3A_269] : memref<2x10000xf32, #tpu.memory_space<vmem>>[vector<16xi32>, vector<16xi32>], vector<16xf32>,
        %gt3A_271 = arith.constant 1 : i32
        %gt3A_272 = vector.broadcast %gt3A_271 : i32 to vector<16xi32>
        %gt3A_273 = arith.cmpi sgt, %cond3A_237#1, %gt3A_272 : vector<16xi32>
        %jit3A_274 = arith.constant 0.000000e+00 : f32
        %broadcast_in_dim3A_275 = vector.broadcast %jit3A_274 : f32 to vector<16xf32>
        %select_n3A_276 = arith.select %gt3A_273, %gather3A_270, %broadcast_in_dim3A_275 : vector<16xi1>, vector<16xf32>
        %get3A_277 = arith.constant 32 : index
        %get3A_278 = tpu.vector_load %arg6[%get3A_277] {strides = array<i32>} : memref<384xi32, #tpu.memory_space<vmem>>, vector<16xi32>,
        %gather3A_279 = tpu.vector_load_idx %arg4[%add3A_162, %get3A_278] : memref<2x10000xf32, #tpu.memory_space<vmem>>[vector<16xi32>, vector<16xi32>], vector<16xf32>,
        %gt3A_280 = arith.constant 2 : i32
        %gt3A_281 = vector.broadcast %gt3A_280 : i32 to vector<16xi32>
        %gt3A_282 = arith.cmpi sgt, %cond3A_237#1, %gt3A_281 : vector<16xi32>
        %jit3A_283 = arith.constant 0.000000e+00 : f32
        %broadcast_in_dim3A_284 = vector.broadcast %jit3A_283 : f32 to vector<16xf32>
        %select_n3A_285 = arith.select %gt3A_282, %gather3A_279, %broadcast_in_dim3A_284 : vector<16xi1>, vector<16xf32>
        %get3A_286 = arith.constant 48 : index
        %get3A_287 = tpu.vector_load %arg6[%get3A_286] {strides = array<i32>} : memref<384xi32, #tpu.memory_space<vmem>>, vector<16xi32>,
        %gather3A_288 = tpu.vector_load_idx %arg4[%add3A_162, %get3A_287] : memref<2x10000xf32, #tpu.memory_space<vmem>>[vector<16xi32>, vector<16xi32>], vector<16xf32>,
        %gt3A_289 = arith.constant 3 : i32
        %gt3A_290 = vector.broadcast %gt3A_289 : i32 to vector<16xi32>
        %gt3A_291 = arith.cmpi sgt, %cond3A_237#1, %gt3A_290 : vector<16xi32>
        %jit3A_292 = arith.constant 0.000000e+00 : f32
        %broadcast_in_dim3A_293 = vector.broadcast %jit3A_292 : f32 to vector<16xf32>
        %select_n3A_294 = arith.select %gt3A_291, %gather3A_288, %broadcast_in_dim3A_293 : vector<16xi1>, vector<16xf32>
        %get3A_295 = arith.constant 64 : index
        %get3A_296 = tpu.vector_load %arg6[%get3A_295] {strides = array<i32>} : memref<384xi32, #tpu.memory_space<vmem>>, vector<16xi32>,
        %gather3A_297 = tpu.vector_load_idx %arg4[%add3A_162, %get3A_296] : memref<2x10000xf32, #tpu.memory_space<vmem>>[vector<16xi32>, vector<16xi32>], vector<16xf32>,
        %gt3A_298 = arith.constant 4 : i32
        %gt3A_299 = vector.broadcast %gt3A_298 : i32 to vector<16xi32>
        %gt3A_300 = arith.cmpi sgt, %cond3A_237#1, %gt3A_299 : vector<16xi32>
        %jit3A_301 = arith.constant 0.000000e+00 : f32
        %broadcast_in_dim3A_302 = vector.broadcast %jit3A_301 : f32 to vector<16xf32>
        %select_n3A_303 = arith.select %gt3A_300, %gather3A_297, %broadcast_in_dim3A_302 : vector<16xi1>, vector<16xf32>
        %get3A_304 = arith.constant 80 : index
        %get3A_305 = tpu.vector_load %arg6[%get3A_304] {strides = array<i32>} : memref<384xi32, #tpu.memory_space<vmem>>, vector<16xi32>,
        %gather3A_306 = tpu.vector_load_idx %arg4[%add3A_162, %get3A_305] : memref<2x10000xf32, #tpu.memory_space<vmem>>[vector<16xi32>, vector<16xi32>], vector<16xf32>,
        %gt3A_307 = arith.constant 5 : i32
        %gt3A_308 = vector.broadcast %gt3A_307 : i32 to vector<16xi32>
        %gt3A_309 = arith.cmpi sgt, %cond3A_237#1, %gt3A_308 : vector<16xi32>
        %jit3A_310 = arith.constant 0.000000e+00 : f32
        %broadcast_in_dim3A_311 = vector.broadcast %jit3A_310 : f32 to vector<16xf32>
        %select_n3A_312 = arith.select %gt3A_309, %gather3A_306, %broadcast_in_dim3A_311 : vector<16xi1>, vector<16xf32>
        %get3A_313 = arith.constant 96 : index
        %get3A_314 = tpu.vector_load %arg6[%get3A_313] {strides = array<i32>} : memref<384xi32, #tpu.memory_space<vmem>>, vector<16xi32>,
        %gather3A_315 = tpu.vector_load_idx %arg4[%add3A_162, %get3A_314] : memref<2x10000xf32, #tpu.memory_space<vmem>>[vector<16xi32>, vector<16xi32>], vector<16xf32>,
        %gt3A_316 = arith.constant 6 : i32
        %gt3A_317 = vector.broadcast %gt3A_316 : i32 to vector<16xi32>
        %gt3A_318 = arith.cmpi sgt, %cond3A_237#1, %gt3A_317 : vector<16xi32>
        %jit3A_319 = arith.constant 0.000000e+00 : f32
        %broadcast_in_dim3A_320 = vector.broadcast %jit3A_319 : f32 to vector<16xf32>
        %select_n3A_321 = arith.select %gt3A_318, %gather3A_315, %broadcast_in_dim3A_320 : vector<16xi1>, vector<16xf32>
        %get3A_322 = arith.constant 112 : index
        %get3A_323 = tpu.vector_load %arg6[%get3A_322] {strides = array<i32>} : memref<384xi32, #tpu.memory_space<vmem>>, vector<16xi32>,
        %gather3A_324 = tpu.vector_load_idx %arg4[%add3A_162, %get3A_323] : memref<2x10000xf32, #tpu.memory_space<vmem>>[vector<16xi32>, vector<16xi32>], vector<16xf32>,
        %gt3A_325 = arith.constant 7 : i32
        %gt3A_326 = vector.broadcast %gt3A_325 : i32 to vector<16xi32>
        %gt3A_327 = arith.cmpi sgt, %cond3A_237#1, %gt3A_326 : vector<16xi32>
        %jit3A_328 = arith.constant 0.000000e+00 : f32
        %broadcast_in_dim3A_329 = vector.broadcast %jit3A_328 : f32 to vector<16xf32>
        %select_n3A_330 = arith.select %gt3A_327, %gather3A_324, %broadcast_in_dim3A_329 : vector<16xi1>, vector<16xf32>
        %get3A_331 = arith.constant 128 : index
        %get3A_332 = tpu.vector_load %arg6[%get3A_331] {strides = array<i32>} : memref<384xi32, #tpu.memory_space<vmem>>, vector<16xi32>,
        %gather3A_333 = tpu.vector_load_idx %arg4[%add3A_162, %get3A_332] : memref<2x10000xf32, #tpu.memory_space<vmem>>[vector<16xi32>, vector<16xi32>], vector<16xf32>,
        %gt3A_334 = arith.constant 8 : i32
        %gt3A_335 = vector.broadcast %gt3A_334 : i32 to vector<16xi32>
        %gt3A_336 = arith.cmpi sgt, %cond3A_237#1, %gt3A_335 : vector<16xi32>
        %jit3A_337 = arith.constant 0.000000e+00 : f32
        %broadcast_in_dim3A_338 = vector.broadcast %jit3A_337 : f32 to vector<16xf32>
        %select_n3A_339 = arith.select %gt3A_336, %gather3A_333, %broadcast_in_dim3A_338 : vector<16xi1>, vector<16xf32>
        %get3A_340 = arith.constant 144 : index
        %get3A_341 = tpu.vector_load %arg6[%get3A_340] {strides = array<i32>} : memref<384xi32, #tpu.memory_space<vmem>>, vector<16xi32>,
        %gather3A_342 = tpu.vector_load_idx %arg4[%add3A_162, %get3A_341] : memref<2x10000xf32, #tpu.memory_space<vmem>>[vector<16xi32>, vector<16xi32>], vector<16xf32>,
        %gt3A_343 = arith.constant 9 : i32
        %gt3A_344 = vector.broadcast %gt3A_343 : i32 to vector<16xi32>
        %gt3A_345 = arith.cmpi sgt, %cond3A_237#1, %gt3A_344 : vector<16xi32>
        %jit3A_346 = arith.constant 0.000000e+00 : f32
        %broadcast_in_dim3A_347 = vector.broadcast %jit3A_346 : f32 to vector<16xf32>
        %select_n3A_348 = arith.select %gt3A_345, %gather3A_342, %broadcast_in_dim3A_347 : vector<16xi1>, vector<16xf32>
        %get3A_349 = arith.constant 160 : index
        %get3A_350 = tpu.vector_load %arg6[%get3A_349] {strides = array<i32>} : memref<384xi32, #tpu.memory_space<vmem>>, vector<16xi32>,
        %gather3A_351 = tpu.vector_load_idx %arg4[%add3A_162, %get3A_350] : memref<2x10000xf32, #tpu.memory_space<vmem>>[vector<16xi32>, vector<16xi32>], vector<16xf32>,
        %gt3A_352 = arith.constant 10 : i32
        %gt3A_353 = vector.broadcast %gt3A_352 : i32 to vector<16xi32>
        %gt3A_354 = arith.cmpi sgt, %cond3A_237#1, %gt3A_353 : vector<16xi32>
        %jit3A_355 = arith.constant 0.000000e+00 : f32
        %broadcast_in_dim3A_356 = vector.broadcast %jit3A_355 : f32 to vector<16xf32>
        %select_n3A_357 = arith.select %gt3A_354, %gather3A_351, %broadcast_in_dim3A_356 : vector<16xi1>, vector<16xf32>
        %get3A_358 = arith.constant 176 : index
        %get3A_359 = tpu.vector_load %arg6[%get3A_358] {strides = array<i32>} : memref<384xi32, #tpu.memory_space<vmem>>, vector<16xi32>,
        %gather3A_360 = tpu.vector_load_idx %arg4[%add3A_162, %get3A_359] : memref<2x10000xf32, #tpu.memory_space<vmem>>[vector<16xi32>, vector<16xi32>], vector<16xf32>,
        %gt3A_361 = arith.constant 11 : i32
        %gt3A_362 = vector.broadcast %gt3A_361 : i32 to vector<16xi32>
        %gt3A_363 = arith.cmpi sgt, %cond3A_237#1, %gt3A_362 : vector<16xi32>
        %jit3A_364 = arith.constant 0.000000e+00 : f32
        %broadcast_in_dim3A_365 = vector.broadcast %jit3A_364 : f32 to vector<16xf32>
        %select_n3A_366 = arith.select %gt3A_363, %gather3A_360, %broadcast_in_dim3A_365 : vector<16xi1>, vector<16xf32>
        %get3A_367 = arith.constant 192 : index
        %get3A_368 = tpu.vector_load %arg6[%get3A_367] {strides = array<i32>} : memref<384xi32, #tpu.memory_space<vmem>>, vector<16xi32>,
        %gather3A_369 = tpu.vector_load_idx %arg4[%add3A_162, %get3A_368] : memref<2x10000xf32, #tpu.memory_space<vmem>>[vector<16xi32>, vector<16xi32>], vector<16xf32>,
        %gt3A_370 = arith.constant 12 : i32
        %gt3A_371 = vector.broadcast %gt3A_370 : i32 to vector<16xi32>
        %gt3A_372 = arith.cmpi sgt, %cond3A_237#1, %gt3A_371 : vector<16xi32>
        %jit3A_373 = arith.constant 0.000000e+00 : f32
        %broadcast_in_dim3A_374 = vector.broadcast %jit3A_373 : f32 to vector<16xf32>
        %select_n3A_375 = arith.select %gt3A_372, %gather3A_369, %broadcast_in_dim3A_374 : vector<16xi1>, vector<16xf32>
        %get3A_376 = arith.constant 208 : index
        %get3A_377 = tpu.vector_load %arg6[%get3A_376] {strides = array<i32>} : memref<384xi32, #tpu.memory_space<vmem>>, vector<16xi32>,
        %gather3A_378 = tpu.vector_load_idx %arg4[%add3A_162, %get3A_377] : memref<2x10000xf32, #tpu.memory_space<vmem>>[vector<16xi32>, vector<16xi32>], vector<16xf32>,
        %gt3A_379 = arith.constant 13 : i32
        %gt3A_380 = vector.broadcast %gt3A_379 : i32 to vector<16xi32>
        %gt3A_381 = arith.cmpi sgt, %cond3A_237#1, %gt3A_380 : vector<16xi32>
        %jit3A_382 = arith.constant 0.000000e+00 : f32
        %broadcast_in_dim3A_383 = vector.broadcast %jit3A_382 : f32 to vector<16xf32>
        %select_n3A_384 = arith.select %gt3A_381, %gather3A_378, %broadcast_in_dim3A_383 : vector<16xi1>, vector<16xf32>
        %get3A_385 = arith.constant 224 : index
        %get3A_386 = tpu.vector_load %arg6[%get3A_385] {strides = array<i32>} : memref<384xi32, #tpu.memory_space<vmem>>, vector<16xi32>,
        %gather3A_387 = tpu.vector_load_idx %arg4[%add3A_162, %get3A_386] : memref<2x10000xf32, #tpu.memory_space<vmem>>[vector<16xi32>, vector<16xi32>], vector<16xf32>,
        %gt3A_388 = arith.constant 14 : i32
        %gt3A_389 = vector.broadcast %gt3A_388 : i32 to vector<16xi32>
        %gt3A_390 = arith.cmpi sgt, %cond3A_237#1, %gt3A_389 : vector<16xi32>
        %jit3A_391 = arith.constant 0.000000e+00 : f32
        %broadcast_in_dim3A_392 = vector.broadcast %jit3A_391 : f32 to vector<16xf32>
        %select_n3A_393 = arith.select %gt3A_390, %gather3A_387, %broadcast_in_dim3A_392 : vector<16xi1>, vector<16xf32>
        %get3A_394 = arith.constant 240 : index
        %get3A_395 = tpu.vector_load %arg6[%get3A_394] {strides = array<i32>} : memref<384xi32, #tpu.memory_space<vmem>>, vector<16xi32>,
        %gather3A_396 = tpu.vector_load_idx %arg4[%add3A_162, %get3A_395] : memref<2x10000xf32, #tpu.memory_space<vmem>>[vector<16xi32>, vector<16xi32>], vector<16xf32>,
        %gt3A_397 = arith.constant 15 : i32
        %gt3A_398 = vector.broadcast %gt3A_397 : i32 to vector<16xi32>
        %gt3A_399 = arith.cmpi sgt, %cond3A_237#1, %gt3A_398 : vector<16xi32>
        %jit3A_400 = arith.constant 0.000000e+00 : f32
        %broadcast_in_dim3A_401 = vector.broadcast %jit3A_400 : f32 to vector<16xf32>
        %select_n3A_402 = arith.select %gt3A_399, %gather3A_396, %broadcast_in_dim3A_401 : vector<16xi1>, vector<16xf32>
        %get3A_403 = arith.constant 256 : index
        %get3A_404 = tpu.vector_load %arg6[%get3A_403] {strides = array<i32>} : memref<384xi32, #tpu.memory_space<vmem>>, vector<16xi32>,
        %gather3A_405 = tpu.vector_load_idx %arg4[%add3A_162, %get3A_404] : memref<2x10000xf32, #tpu.memory_space<vmem>>[vector<16xi32>, vector<16xi32>], vector<16xf32>,
        %gt3A_406 = arith.constant 16 : i32
        %gt3A_407 = vector.broadcast %gt3A_406 : i32 to vector<16xi32>
        %gt3A_408 = arith.cmpi sgt, %cond3A_237#1, %gt3A_407 : vector<16xi32>
        %jit3A_409 = arith.constant 0.000000e+00 : f32
        %broadcast_in_dim3A_410 = vector.broadcast %jit3A_409 : f32 to vector<16xf32>
        %select_n3A_411 = arith.select %gt3A_408, %gather3A_405, %broadcast_in_dim3A_410 : vector<16xi1>, vector<16xf32>
        %get3A_412 = arith.constant 272 : index
        %get3A_413 = tpu.vector_load %arg6[%get3A_412] {strides = array<i32>} : memref<384xi32, #tpu.memory_space<vmem>>, vector<16xi32>,
        %gather3A_414 = tpu.vector_load_idx %arg4[%add3A_162, %get3A_413] : memref<2x10000xf32, #tpu.memory_space<vmem>>[vector<16xi32>, vector<16xi32>], vector<16xf32>,
        %gt3A_415 = arith.constant 17 : i32
        %gt3A_416 = vector.broadcast %gt3A_415 : i32 to vector<16xi32>
        %gt3A_417 = arith.cmpi sgt, %cond3A_237#1, %gt3A_416 : vector<16xi32>
        %jit3A_418 = arith.constant 0.000000e+00 : f32
        %broadcast_in_dim3A_419 = vector.broadcast %jit3A_418 : f32 to vector<16xf32>
        %select_n3A_420 = arith.select %gt3A_417, %gather3A_414, %broadcast_in_dim3A_419 : vector<16xi1>, vector<16xf32>
        %get3A_421 = arith.constant 288 : index
        %get3A_422 = tpu.vector_load %arg6[%get3A_421] {strides = array<i32>} : memref<384xi32, #tpu.memory_space<vmem>>, vector<16xi32>,
        %gather3A_423 = tpu.vector_load_idx %arg4[%add3A_162, %get3A_422] : memref<2x10000xf32, #tpu.memory_space<vmem>>[vector<16xi32>, vector<16xi32>], vector<16xf32>,
        %gt3A_424 = arith.constant 18 : i32
        %gt3A_425 = vector.broadcast %gt3A_424 : i32 to vector<16xi32>
        %gt3A_426 = arith.cmpi sgt, %cond3A_237#1, %gt3A_425 : vector<16xi32>
        %jit3A_427 = arith.constant 0.000000e+00 : f32
        %broadcast_in_dim3A_428 = vector.broadcast %jit3A_427 : f32 to vector<16xf32>
        %select_n3A_429 = arith.select %gt3A_426, %gather3A_423, %broadcast_in_dim3A_428 : vector<16xi1>, vector<16xf32>
        %get3A_430 = arith.constant 304 : index
        %get3A_431 = tpu.vector_load %arg6[%get3A_430] {strides = array<i32>} : memref<384xi32, #tpu.memory_space<vmem>>, vector<16xi32>,
        %gather3A_432 = tpu.vector_load_idx %arg4[%add3A_162, %get3A_431] : memref<2x10000xf32, #tpu.memory_space<vmem>>[vector<16xi32>, vector<16xi32>], vector<16xf32>,
        %gt3A_433 = arith.constant 19 : i32
        %gt3A_434 = vector.broadcast %gt3A_433 : i32 to vector<16xi32>
        %gt3A_435 = arith.cmpi sgt, %cond3A_237#1, %gt3A_434 : vector<16xi32>
        %jit3A_436 = arith.constant 0.000000e+00 : f32
        %broadcast_in_dim3A_437 = vector.broadcast %jit3A_436 : f32 to vector<16xf32>
        %select_n3A_438 = arith.select %gt3A_435, %gather3A_432, %broadcast_in_dim3A_437 : vector<16xi1>, vector<16xf32>
        %get3A_439 = arith.constant 320 : index
        %get3A_440 = tpu.vector_load %arg6[%get3A_439] {strides = array<i32>} : memref<384xi32, #tpu.memory_space<vmem>>, vector<16xi32>,
        %gather3A_441 = tpu.vector_load_idx %arg4[%add3A_162, %get3A_440] : memref<2x10000xf32, #tpu.memory_space<vmem>>[vector<16xi32>, vector<16xi32>], vector<16xf32>,
        %gt3A_442 = arith.constant 20 : i32
        %gt3A_443 = vector.broadcast %gt3A_442 : i32 to vector<16xi32>
        %gt3A_444 = arith.cmpi sgt, %cond3A_237#1, %gt3A_443 : vector<16xi32>
        %jit3A_445 = arith.constant 0.000000e+00 : f32
        %broadcast_in_dim3A_446 = vector.broadcast %jit3A_445 : f32 to vector<16xf32>
        %select_n3A_447 = arith.select %gt3A_444, %gather3A_441, %broadcast_in_dim3A_446 : vector<16xi1>, vector<16xf32>
        %get3A_448 = arith.constant 336 : index
        %get3A_449 = tpu.vector_load %arg6[%get3A_448] {strides = array<i32>} : memref<384xi32, #tpu.memory_space<vmem>>, vector<16xi32>,
        %gather3A_450 = tpu.vector_load_idx %arg4[%add3A_162, %get3A_449] : memref<2x10000xf32, #tpu.memory_space<vmem>>[vector<16xi32>, vector<16xi32>], vector<16xf32>,
        %gt3A_451 = arith.constant 21 : i32
        %gt3A_452 = vector.broadcast %gt3A_451 : i32 to vector<16xi32>
        %gt3A_453 = arith.cmpi sgt, %cond3A_237#1, %gt3A_452 : vector<16xi32>
        %jit3A_454 = arith.constant 0.000000e+00 : f32
        %broadcast_in_dim3A_455 = vector.broadcast %jit3A_454 : f32 to vector<16xf32>
        %select_n3A_456 = arith.select %gt3A_453, %gather3A_450, %broadcast_in_dim3A_455 : vector<16xi1>, vector<16xf32>
        %get3A_457 = arith.constant 352 : index
        %get3A_458 = tpu.vector_load %arg6[%get3A_457] {strides = array<i32>} : memref<384xi32, #tpu.memory_space<vmem>>, vector<16xi32>,
        %gather3A_459 = tpu.vector_load_idx %arg4[%add3A_162, %get3A_458] : memref<2x10000xf32, #tpu.memory_space<vmem>>[vector<16xi32>, vector<16xi32>], vector<16xf32>,
        %gt3A_460 = arith.constant 22 : i32
        %gt3A_461 = vector.broadcast %gt3A_460 : i32 to vector<16xi32>
        %gt3A_462 = arith.cmpi sgt, %cond3A_237#1, %gt3A_461 : vector<16xi32>
        %jit3A_463 = arith.constant 0.000000e+00 : f32
        %broadcast_in_dim3A_464 = vector.broadcast %jit3A_463 : f32 to vector<16xf32>
        %select_n3A_465 = arith.select %gt3A_462, %gather3A_459, %broadcast_in_dim3A_464 : vector<16xi1>, vector<16xf32>
        %get3A_466 = arith.constant 368 : index
        %get3A_467 = tpu.vector_load %arg6[%get3A_466] {strides = array<i32>} : memref<384xi32, #tpu.memory_space<vmem>>, vector<16xi32>,
        %gather3A_468 = tpu.vector_load_idx %arg4[%add3A_162, %get3A_467] : memref<2x10000xf32, #tpu.memory_space<vmem>>[vector<16xi32>, vector<16xi32>], vector<16xf32>,
        %gt3A_469 = arith.constant 23 : i32
        %gt3A_470 = vector.broadcast %gt3A_469 : i32 to vector<16xi32>
        %gt3A_471 = arith.cmpi sgt, %cond3A_237#1, %gt3A_470 : vector<16xi32>
        %jit3A_472 = arith.constant 0.000000e+00 : f32
        %broadcast_in_dim3A_473 = vector.broadcast %jit3A_472 : f32 to vector<16xf32>
        %select_n3A_474 = arith.select %gt3A_471, %gather3A_468, %broadcast_in_dim3A_473 : vector<16xi1>, vector<16xf32>
        %max3A = arith.maximumf %select_n3A_267, %select_n3A_276 : vector<16xf32>
        %max3A_475 = arith.maximumf %max3A, %select_n3A_285 : vector<16xf32>
        %max3A_476 = arith.maximumf %max3A_475, %select_n3A_294 : vector<16xf32>
        %max3A_477 = arith.maximumf %max3A_476, %select_n3A_303 : vector<16xf32>
        %max3A_478 = arith.maximumf %max3A_477, %select_n3A_312 : vector<16xf32>
        %max3A_479 = arith.maximumf %max3A_478, %select_n3A_321 : vector<16xf32>
        %max3A_480 = arith.maximumf %max3A_479, %select_n3A_330 : vector<16xf32>
        %max3A_481 = arith.maximumf %max3A_480, %select_n3A_339 : vector<16xf32>
        %max3A_482 = arith.maximumf %max3A_481, %select_n3A_348 : vector<16xf32>
        %max3A_483 = arith.maximumf %max3A_482, %select_n3A_357 : vector<16xf32>
        %max3A_484 = arith.maximumf %max3A_483, %select_n3A_366 : vector<16xf32>
        %max3A_485 = arith.maximumf %max3A_484, %select_n3A_375 : vector<16xf32>
        %max3A_486 = arith.maximumf %max3A_485, %select_n3A_384 : vector<16xf32>
        %max3A_487 = arith.maximumf %max3A_486, %select_n3A_393 : vector<16xf32>
        %max3A_488 = arith.maximumf %max3A_487, %select_n3A_402 : vector<16xf32>
        %max3A_489 = arith.maximumf %max3A_488, %select_n3A_411 : vector<16xf32>
        %max3A_490 = arith.maximumf %max3A_489, %select_n3A_420 : vector<16xf32>
        %max3A_491 = arith.maximumf %max3A_490, %select_n3A_429 : vector<16xf32>
        %max3A_492 = arith.maximumf %max3A_491, %select_n3A_438 : vector<16xf32>
        %max3A_493 = arith.maximumf %max3A_492, %select_n3A_447 : vector<16xf32>
        %max3A_494 = arith.maximumf %max3A_493, %select_n3A_456 : vector<16xf32>
        %max3A_495 = arith.maximumf %max3A_494, %select_n3A_465 : vector<16xf32>
        %max3A_496 = arith.maximumf %max3A_495, %select_n3A_474 : vector<16xf32>
        %reduce_max3A_497 = arith.constant true
        %reduce_max3A_498 = vector.broadcast %reduce_max3A_497 : i1 to vector<16xi1>
        %reduce_max3A_499 = tpu.scan <max>, %max3A_496 masked %reduce_max3A_498 : vector<16xf32>, vector<16xi1> -> vector<16xf32>
        %reduce_max3A_500 = vector.extract %reduce_max3A_499[15] : f32 from vector<16xf32>
        %mul3A_501 = arith.constant 1.000100e+00 : f32
        %mul3A_502 = arith.mulf %reduce_max3A_500, %mul3A_501 : f32
        %add3A_503 = arith.constant 1.000000e-30 : f32
        %add3A_504 = arith.addf %mul3A_502, %add3A_503 : f32
        %scan3A_505 = arith.constant 0 : i32
        %scan3A_506 = arith.constant 24 : i32
        %scan3A_507 = arith.addi %scan3A_505, %scan3A_506 : i32
        %scan3A_508 = arith.constant 1 : i32
        %scan3A_509:2 = scf.for %scan3A_511 = %scan3A_505 to %scan3A_507 step %scan3A_508 iter_args(%scan3A_512 = %cond3A_237#0, %scan3A_513 = %add3A_504) -> (f32, f32)  : i32 {
          %add3A_514 = arith.addf %scan3A_512, %scan3A_513 : f32
          %mul3A_515 = arith.constant 5.000000e-01 : f32
          %mul3A_516 = arith.mulf %mul3A_515, %add3A_514 : f32
          %broadcast_in_dim3A_517 = arith.constant 0 : i32
          %broadcast_in_dim3A_518 = vector.broadcast %broadcast_in_dim3A_517 : i32 to vector<16xi32>
          %ge3A_519 = vector.broadcast %mul3A_516 : f32 to vector<16xf32>
          %ge3A_520 = arith.cmpf oge, %select_n3A_267, %ge3A_519 : vector<16xf32>
          %convert_element_type3A_521 = arith.extui %ge3A_520 : vector<16xi1> to vector<16xi32>
          %add3A_522 = arith.addi %broadcast_in_dim3A_518, %convert_element_type3A_521 : vector<16xi32>
          %ge3A_523 = vector.broadcast %mul3A_516 : f32 to vector<16xf32>
          %ge3A_524 = arith.cmpf oge, %select_n3A_276, %ge3A_523 : vector<16xf32>
          %convert_element_type3A_525 = arith.extui %ge3A_524 : vector<16xi1> to vector<16xi32>
          %add3A_526 = arith.addi %add3A_522, %convert_element_type3A_525 : vector<16xi32>
          %ge3A_527 = vector.broadcast %mul3A_516 : f32 to vector<16xf32>
          %ge3A_528 = arith.cmpf oge, %select_n3A_285, %ge3A_527 : vector<16xf32>
          %convert_element_type3A_529 = arith.extui %ge3A_528 : vector<16xi1> to vector<16xi32>
          %add3A_530 = arith.addi %add3A_526, %convert_element_type3A_529 : vector<16xi32>
          %ge3A_531 = vector.broadcast %mul3A_516 : f32 to vector<16xf32>
          %ge3A_532 = arith.cmpf oge, %select_n3A_294, %ge3A_531 : vector<16xf32>
          %convert_element_type3A_533 = arith.extui %ge3A_532 : vector<16xi1> to vector<16xi32>
          %add3A_534 = arith.addi %add3A_530, %convert_element_type3A_533 : vector<16xi32>
          %ge3A_535 = vector.broadcast %mul3A_516 : f32 to vector<16xf32>
          %ge3A_536 = arith.cmpf oge, %select_n3A_303, %ge3A_535 : vector<16xf32>
          %convert_element_type3A_537 = arith.extui %ge3A_536 : vector<16xi1> to vector<16xi32>
          %add3A_538 = arith.addi %add3A_534, %convert_element_type3A_537 : vector<16xi32>
          %ge3A_539 = vector.broadcast %mul3A_516 : f32 to vector<16xf32>
          %ge3A_540 = arith.cmpf oge, %select_n3A_312, %ge3A_539 : vector<16xf32>
          %convert_element_type3A_541 = arith.extui %ge3A_540 : vector<16xi1> to vector<16xi32>
          %add3A_542 = arith.addi %add3A_538, %convert_element_type3A_541 : vector<16xi32>
          %ge3A_543 = vector.broadcast %mul3A_516 : f32 to vector<16xf32>
          %ge3A_544 = arith.cmpf oge, %select_n3A_321, %ge3A_543 : vector<16xf32>
          %convert_element_type3A_545 = arith.extui %ge3A_544 : vector<16xi1> to vector<16xi32>
          %add3A_546 = arith.addi %add3A_542, %convert_element_type3A_545 : vector<16xi32>
          %ge3A_547 = vector.broadcast %mul3A_516 : f32 to vector<16xf32>
          %ge3A_548 = arith.cmpf oge, %select_n3A_330, %ge3A_547 : vector<16xf32>
          %convert_element_type3A_549 = arith.extui %ge3A_548 : vector<16xi1> to vector<16xi32>
          %add3A_550 = arith.addi %add3A_546, %convert_element_type3A_549 : vector<16xi32>
          %ge3A_551 = vector.broadcast %mul3A_516 : f32 to vector<16xf32>
          %ge3A_552 = arith.cmpf oge, %select_n3A_339, %ge3A_551 : vector<16xf32>
          %convert_element_type3A_553 = arith.extui %ge3A_552 : vector<16xi1> to vector<16xi32>
          %add3A_554 = arith.addi %add3A_550, %convert_element_type3A_553 : vector<16xi32>
          %ge3A_555 = vector.broadcast %mul3A_516 : f32 to vector<16xf32>
          %ge3A_556 = arith.cmpf oge, %select_n3A_348, %ge3A_555 : vector<16xf32>
          %convert_element_type3A_557 = arith.extui %ge3A_556 : vector<16xi1> to vector<16xi32>
          %add3A_558 = arith.addi %add3A_554, %convert_element_type3A_557 : vector<16xi32>
          %ge3A_559 = vector.broadcast %mul3A_516 : f32 to vector<16xf32>
          %ge3A_560 = arith.cmpf oge, %select_n3A_357, %ge3A_559 : vector<16xf32>
          %convert_element_type3A_561 = arith.extui %ge3A_560 : vector<16xi1> to vector<16xi32>
          %add3A_562 = arith.addi %add3A_558, %convert_element_type3A_561 : vector<16xi32>
          %ge3A_563 = vector.broadcast %mul3A_516 : f32 to vector<16xf32>
          %ge3A_564 = arith.cmpf oge, %select_n3A_366, %ge3A_563 : vector<16xf32>
          %convert_element_type3A_565 = arith.extui %ge3A_564 : vector<16xi1> to vector<16xi32>
          %add3A_566 = arith.addi %add3A_562, %convert_element_type3A_565 : vector<16xi32>
          %ge3A_567 = vector.broadcast %mul3A_516 : f32 to vector<16xf32>
          %ge3A_568 = arith.cmpf oge, %select_n3A_375, %ge3A_567 : vector<16xf32>
          %convert_element_type3A_569 = arith.extui %ge3A_568 : vector<16xi1> to vector<16xi32>
          %add3A_570 = arith.addi %add3A_566, %convert_element_type3A_569 : vector<16xi32>
          %ge3A_571 = vector.broadcast %mul3A_516 : f32 to vector<16xf32>
          %ge3A_572 = arith.cmpf oge, %select_n3A_384, %ge3A_571 : vector<16xf32>
          %convert_element_type3A_573 = arith.extui %ge3A_572 : vector<16xi1> to vector<16xi32>
          %add3A_574 = arith.addi %add3A_570, %convert_element_type3A_573 : vector<16xi32>
          %ge3A_575 = vector.broadcast %mul3A_516 : f32 to vector<16xf32>
          %ge3A_576 = arith.cmpf oge, %select_n3A_393, %ge3A_575 : vector<16xf32>
          %convert_element_type3A_577 = arith.extui %ge3A_576 : vector<16xi1> to vector<16xi32>
          %add3A_578 = arith.addi %add3A_574, %convert_element_type3A_577 : vector<16xi32>
          %ge3A_579 = vector.broadcast %mul3A_516 : f32 to vector<16xf32>
          %ge3A_580 = arith.cmpf oge, %select_n3A_402, %ge3A_579 : vector<16xf32>
          %convert_element_type3A_581 = arith.extui %ge3A_580 : vector<16xi1> to vector<16xi32>
          %add3A_582 = arith.addi %add3A_578, %convert_element_type3A_581 : vector<16xi32>
          %ge3A_583 = vector.broadcast %mul3A_516 : f32 to vector<16xf32>
          %ge3A_584 = arith.cmpf oge, %select_n3A_411, %ge3A_583 : vector<16xf32>
          %convert_element_type3A_585 = arith.extui %ge3A_584 : vector<16xi1> to vector<16xi32>
          %add3A_586 = arith.addi %add3A_582, %convert_element_type3A_585 : vector<16xi32>
          %ge3A_587 = vector.broadcast %mul3A_516 : f32 to vector<16xf32>
          %ge3A_588 = arith.cmpf oge, %select_n3A_420, %ge3A_587 : vector<16xf32>
          %convert_element_type3A_589 = arith.extui %ge3A_588 : vector<16xi1> to vector<16xi32>
          %add3A_590 = arith.addi %add3A_586, %convert_element_type3A_589 : vector<16xi32>
          %ge3A_591 = vector.broadcast %mul3A_516 : f32 to vector<16xf32>
          %ge3A_592 = arith.cmpf oge, %select_n3A_429, %ge3A_591 : vector<16xf32>
          %convert_element_type3A_593 = arith.extui %ge3A_592 : vector<16xi1> to vector<16xi32>
          %add3A_594 = arith.addi %add3A_590, %convert_element_type3A_593 : vector<16xi32>
          %ge3A_595 = vector.broadcast %mul3A_516 : f32 to vector<16xf32>
          %ge3A_596 = arith.cmpf oge, %select_n3A_438, %ge3A_595 : vector<16xf32>
          %convert_element_type3A_597 = arith.extui %ge3A_596 : vector<16xi1> to vector<16xi32>
          %add3A_598 = arith.addi %add3A_594, %convert_element_type3A_597 : vector<16xi32>
          %ge3A_599 = vector.broadcast %mul3A_516 : f32 to vector<16xf32>
          %ge3A_600 = arith.cmpf oge, %select_n3A_447, %ge3A_599 : vector<16xf32>
          %convert_element_type3A_601 = arith.extui %ge3A_600 : vector<16xi1> to vector<16xi32>
          %add3A_602 = arith.addi %add3A_598, %convert_element_type3A_601 : vector<16xi32>
          %ge3A_603 = vector.broadcast %mul3A_516 : f32 to vector<16xf32>
          %ge3A_604 = arith.cmpf oge, %select_n3A_456, %ge3A_603 : vector<16xf32>
          %convert_element_type3A_605 = arith.extui %ge3A_604 : vector<16xi1> to vector<16xi32>
          %add3A_606 = arith.addi %add3A_602, %convert_element_type3A_605 : vector<16xi32>
          %ge3A_607 = vector.broadcast %mul3A_516 : f32 to vector<16xf32>
          %ge3A_608 = arith.cmpf oge, %select_n3A_465, %ge3A_607 : vector<16xf32>
          %convert_element_type3A_609 = arith.extui %ge3A_608 : vector<16xi1> to vector<16xi32>
          %add3A_610 = arith.addi %add3A_606, %convert_element_type3A_609 : vector<16xi32>
          %ge3A_611 = vector.broadcast %mul3A_516 : f32 to vector<16xf32>
          %ge3A_612 = arith.cmpf oge, %select_n3A_474, %ge3A_611 : vector<16xf32>
          %convert_element_type3A_613 = arith.extui %ge3A_612 : vector<16xi1> to vector<16xi32>
          %add3A_614 = arith.addi %add3A_610, %convert_element_type3A_613 : vector<16xi32>
          %reduce_sum3A_615 = arith.constant true
          %reduce_sum3A_616 = vector.broadcast %reduce_sum3A_615 : i1 to vector<16xi1>
          %reduce_sum3A_617 = tpu.scan <sum>, %add3A_614 masked %reduce_sum3A_616 : vector<16xi32>, vector<16xi1> -> vector<16xi32>
          %reduce_sum3A_618 = vector.extract %reduce_sum3A_617[15] : i32 from vector<16xi32>
          %ge3A_619 = arith.constant 32 : i32
          %ge3A_620 = arith.cmpi sge, %reduce_sum3A_618, %ge3A_619 : i32
          %select_n3A_621 = arith.select %ge3A_620, %mul3A_516, %scan3A_512 : f32
          %select_n3A_622 = arith.select %ge3A_620, %scan3A_513, %mul3A_516 : f32
          scf.yield %select_n3A_621, %select_n3A_622 : f32, f32
        }
        %scan3A_510 = arith.constant 24 : i32
        scf.yield %scan3A_509#0 : f32
      } else {
        %cond3A_260 = arith.constant 0.000000e+00 : f32
        scf.yield %cond3A_260 : f32
      }
      %convert_element_type3A_244 = arith.extui %or3A : i1 to i32
      %cond3A_245 = arith.constant 0 : i32
      %cond3A_246 = arith.cmpi ne, %convert_element_type3A_244, %cond3A_245 : i32
      %cond3A_247 = scf.if %cond3A_246 -> (i32) {
        %scan3A_260 = arith.constant 0 : i32
        %scan3A_261 = arith.constant 0 : i32
        %scan3A_262 = arith.constant 624 : i32
        %scan3A_263 = arith.addi %scan3A_261, %scan3A_262 : i32
        %scan3A_264 = arith.constant 8 : i32
        %scan3A_265 = scf.for %scan3A_286 = %scan3A_261 to %scan3A_263 step %scan3A_264 iter_args(%scan3A_287 = %scan3A_260) -> (i32)  : i32 {
          %mul3A_288 = arith.constant 16 : i32
          %mul3A_289 = arith.muli %scan3A_286, %mul3A_288 : i32
          %get3A_290 = arith.index_cast %select_n3A_158 : i32 to index
          %get3A_291 = arith.index_cast %mul3A_289 : i32 to index
          %get3A_292 = tpu.vector_load %arg4[%get3A_290, %get3A_291] {strides = array<i32>} : memref<2x10000xf32, #tpu.memory_space<vmem>>, vector<16xf32>,
          %ge3A_293 = vector.broadcast %cond3A_243 : f32 to vector<16xf32>
          %ge3A_294 = arith.cmpf oge, %get3A_292, %ge3A_293 : vector<16xf32>
          %jit3A_295 = arith.constant 0.000000e+00 : f32
          %broadcast_in_dim3A_296 = vector.broadcast %jit3A_295 : f32 to vector<16xf32>
          %select_n3A_297 = arith.select %ge3A_294, %get3A_292, %broadcast_in_dim3A_296 : vector<16xi1>, vector<16xf32>
          %mul3A_298 = arith.constant 16 : i32
          %mul3A_299 = arith.muli %scan3A_286, %mul3A_298 : i32
          %swap3A_300 = arith.index_cast %select_n3A_158 : i32 to index
          %swap3A_301 = arith.index_cast %mul3A_299 : i32 to index
          %swap3A_302 = tpu.vector_load %arg5[%swap3A_300, %swap3A_301] {strides = array<i32>} : memref<2x10000xf32, #tpu.memory_space<vmem>>, vector<16xf32>,
          tpu.vector_store %arg5[%swap3A_300, %swap3A_301], %select_n3A_297 {strides = array<i32>} : memref<2x10000xf32, #tpu.memory_space<vmem>>, vector<16xf32>,
          %scan3A_303 = arith.constant 0 : i32
          %scan3A_304 = arith.constant 1 : i32
          %scan3A_305 = arith.addi %scan3A_286, %scan3A_304 : i32
          %mul3A_306 = arith.constant 16 : i32
          %mul3A_307 = arith.muli %scan3A_305, %mul3A_306 : i32
          %get3A_308 = arith.index_cast %select_n3A_158 : i32 to index
          %get3A_309 = arith.index_cast %mul3A_307 : i32 to index
          %get3A_310 = tpu.vector_load %arg4[%get3A_308, %get3A_309] {strides = array<i32>} : memref<2x10000xf32, #tpu.memory_space<vmem>>, vector<16xf32>,
          %ge3A_311 = vector.broadcast %cond3A_243 : f32 to vector<16xf32>
          %ge3A_312 = arith.cmpf oge, %get3A_310, %ge3A_311 : vector<16xf32>
          %jit3A_313 = arith.constant 0.000000e+00 : f32
          %broadcast_in_dim3A_314 = vector.broadcast %jit3A_313 : f32 to vector<16xf32>
          %select_n3A_315 = arith.select %ge3A_312, %get3A_310, %broadcast_in_dim3A_314 : vector<16xi1>, vector<16xf32>
          %mul3A_316 = arith.constant 16 : i32
          %mul3A_317 = arith.muli %scan3A_305, %mul3A_316 : i32
          %swap3A_318 = arith.index_cast %select_n3A_158 : i32 to index
          %swap3A_319 = arith.index_cast %mul3A_317 : i32 to index
          %swap3A_320 = tpu.vector_load %arg5[%swap3A_318, %swap3A_319] {strides = array<i32>} : memref<2x10000xf32, #tpu.memory_space<vmem>>, vector<16xf32>,
          tpu.vector_store %arg5[%swap3A_318, %swap3A_319], %select_n3A_315 {strides = array<i32>} : memref<2x10000xf32, #tpu.memory_space<vmem>>, vector<16xf32>,
          %scan3A_321 = arith.constant 0 : i32
          %scan3A_322 = arith.constant 2 : i32
          %scan3A_323 = arith.addi %scan3A_286, %scan3A_322 : i32
          %mul3A_324 = arith.constant 16 : i32
          %mul3A_325 = arith.muli %scan3A_323, %mul3A_324 : i32
          %get3A_326 = arith.index_cast %select_n3A_158 : i32 to index
          %get3A_327 = arith.index_cast %mul3A_325 : i32 to index
          %get3A_328 = tpu.vector_load %arg4[%get3A_326, %get3A_327] {strides = array<i32>} : memref<2x10000xf32, #tpu.memory_space<vmem>>, vector<16xf32>,
          %ge3A_329 = vector.broadcast %cond3A_243 : f32 to vector<16xf32>
          %ge3A_330 = arith.cmpf oge, %get3A_328, %ge3A_329 : vector<16xf32>
          %jit3A_331 = arith.constant 0.000000e+00 : f32
          %broadcast_in_dim3A_332 = vector.broadcast %jit3A_331 : f32 to vector<16xf32>
          %select_n3A_333 = arith.select %ge3A_330, %get3A_328, %broadcast_in_dim3A_332 : vector<16xi1>, vector<16xf32>
          %mul3A_334 = arith.constant 16 : i32
          %mul3A_335 = arith.muli %scan3A_323, %mul3A_334 : i32
          %swap3A_336 = arith.index_cast %select_n3A_158 : i32 to index
          %swap3A_337 = arith.index_cast %mul3A_335 : i32 to index
          %swap3A_338 = tpu.vector_load %arg5[%swap3A_336, %swap3A_337] {strides = array<i32>} : memref<2x10000xf32, #tpu.memory_space<vmem>>, vector<16xf32>,
          tpu.vector_store %arg5[%swap3A_336, %swap3A_337], %select_n3A_333 {strides = array<i32>} : memref<2x10000xf32, #tpu.memory_space<vmem>>, vector<16xf32>,
          %scan3A_339 = arith.constant 0 : i32
          %scan3A_340 = arith.constant 3 : i32
          %scan3A_341 = arith.addi %scan3A_286, %scan3A_340 : i32
          %mul3A_342 = arith.constant 16 : i32
          %mul3A_343 = arith.muli %scan3A_341, %mul3A_342 : i32
          %get3A_344 = arith.index_cast %select_n3A_158 : i32 to index
          %get3A_345 = arith.index_cast %mul3A_343 : i32 to index
          %get3A_346 = tpu.vector_load %arg4[%get3A_344, %get3A_345] {strides = array<i32>} : memref<2x10000xf32, #tpu.memory_space<vmem>>, vector<16xf32>,
          %ge3A_347 = vector.broadcast %cond3A_243 : f32 to vector<16xf32>
          %ge3A_348 = arith.cmpf oge, %get3A_346, %ge3A_347 : vector<16xf32>
          %jit3A_349 = arith.constant 0.000000e+00 : f32
          %broadcast_in_dim3A_350 = vector.broadcast %jit3A_349 : f32 to vector<16xf32>
          %select_n3A_351 = arith.select %ge3A_348, %get3A_346, %broadcast_in_dim3A_350 : vector<16xi1>, vector<16xf32>
          %mul3A_352 = arith.constant 16 : i32
          %mul3A_353 = arith.muli %scan3A_341, %mul3A_352 : i32
          %swap3A_354 = arith.index_cast %select_n3A_158 : i32 to index
          %swap3A_355 = arith.index_cast %mul3A_353 : i32 to index
          %swap3A_356 = tpu.vector_load %arg5[%swap3A_354, %swap3A_355] {strides = array<i32>} : memref<2x10000xf32, #tpu.memory_space<vmem>>, vector<16xf32>,
          tpu.vector_store %arg5[%swap3A_354, %swap3A_355], %select_n3A_351 {strides = array<i32>} : memref<2x10000xf32, #tpu.memory_space<vmem>>, vector<16xf32>,
          %scan3A_357 = arith.constant 0 : i32
          %scan3A_358 = arith.constant 4 : i32
          %scan3A_359 = arith.addi %scan3A_286, %scan3A_358 : i32
          %mul3A_360 = arith.constant 16 : i32
          %mul3A_361 = arith.muli %scan3A_359, %mul3A_360 : i32
          %get3A_362 = arith.index_cast %select_n3A_158 : i32 to index
          %get3A_363 = arith.index_cast %mul3A_361 : i32 to index
          %get3A_364 = tpu.vector_load %arg4[%get3A_362, %get3A_363] {strides = array<i32>} : memref<2x10000xf32, #tpu.memory_space<vmem>>, vector<16xf32>,
          %ge3A_365 = vector.broadcast %cond3A_243 : f32 to vector<16xf32>
          %ge3A_366 = arith.cmpf oge, %get3A_364, %ge3A_365 : vector<16xf32>
          %jit3A_367 = arith.constant 0.000000e+00 : f32
          %broadcast_in_dim3A_368 = vector.broadcast %jit3A_367 : f32 to vector<16xf32>
          %select_n3A_369 = arith.select %ge3A_366, %get3A_364, %broadcast_in_dim3A_368 : vector<16xi1>, vector<16xf32>
          %mul3A_370 = arith.constant 16 : i32
          %mul3A_371 = arith.muli %scan3A_359, %mul3A_370 : i32
          %swap3A_372 = arith.index_cast %select_n3A_158 : i32 to index
          %swap3A_373 = arith.index_cast %mul3A_371 : i32 to index
          %swap3A_374 = tpu.vector_load %arg5[%swap3A_372, %swap3A_373] {strides = array<i32>} : memref<2x10000xf32, #tpu.memory_space<vmem>>, vector<16xf32>,
          tpu.vector_store %arg5[%swap3A_372, %swap3A_373], %select_n3A_369 {strides = array<i32>} : memref<2x10000xf32, #tpu.memory_space<vmem>>, vector<16xf32>,
          %scan3A_375 = arith.constant 0 : i32
          %scan3A_376 = arith.constant 5 : i32
          %scan3A_377 = arith.addi %scan3A_286, %scan3A_376 : i32
          %mul3A_378 = arith.constant 16 : i32
          %mul3A_379 = arith.muli %scan3A_377, %mul3A_378 : i32
          %get3A_380 = arith.index_cast %select_n3A_158 : i32 to index
          %get3A_381 = arith.index_cast %mul3A_379 : i32 to index
          %get3A_382 = tpu.vector_load %arg4[%get3A_380, %get3A_381] {strides = array<i32>} : memref<2x10000xf32, #tpu.memory_space<vmem>>, vector<16xf32>,
          %ge3A_383 = vector.broadcast %cond3A_243 : f32 to vector<16xf32>
          %ge3A_384 = arith.cmpf oge, %get3A_382, %ge3A_383 : vector<16xf32>
          %jit3A_385 = arith.constant 0.000000e+00 : f32
          %broadcast_in_dim3A_386 = vector.broadcast %jit3A_385 : f32 to vector<16xf32>
          %select_n3A_387 = arith.select %ge3A_384, %get3A_382, %broadcast_in_dim3A_386 : vector<16xi1>, vector<16xf32>
          %mul3A_388 = arith.constant 16 : i32
          %mul3A_389 = arith.muli %scan3A_377, %mul3A_388 : i32
          %swap3A_390 = arith.index_cast %select_n3A_158 : i32 to index
          %swap3A_391 = arith.index_cast %mul3A_389 : i32 to index
          %swap3A_392 = tpu.vector_load %arg5[%swap3A_390, %swap3A_391] {strides = array<i32>} : memref<2x10000xf32, #tpu.memory_space<vmem>>, vector<16xf32>,
          tpu.vector_store %arg5[%swap3A_390, %swap3A_391], %select_n3A_387 {strides = array<i32>} : memref<2x10000xf32, #tpu.memory_space<vmem>>, vector<16xf32>,
          %scan3A_393 = arith.constant 0 : i32
          %scan3A_394 = arith.constant 6 : i32
          %scan3A_395 = arith.addi %scan3A_286, %scan3A_394 : i32
          %mul3A_396 = arith.constant 16 : i32
          %mul3A_397 = arith.muli %scan3A_395, %mul3A_396 : i32
          %get3A_398 = arith.index_cast %select_n3A_158 : i32 to index
          %get3A_399 = arith.index_cast %mul3A_397 : i32 to index
          %get3A_400 = tpu.vector_load %arg4[%get3A_398, %get3A_399] {strides = array<i32>} : memref<2x10000xf32, #tpu.memory_space<vmem>>, vector<16xf32>,
          %ge3A_401 = vector.broadcast %cond3A_243 : f32 to vector<16xf32>
          %ge3A_402 = arith.cmpf oge, %get3A_400, %ge3A_401 : vector<16xf32>
          %jit3A_403 = arith.constant 0.000000e+00 : f32
          %broadcast_in_dim3A_404 = vector.broadcast %jit3A_403 : f32 to vector<16xf32>
          %select_n3A_405 = arith.select %ge3A_402, %get3A_400, %broadcast_in_dim3A_404 : vector<16xi1>, vector<16xf32>
          %mul3A_406 = arith.constant 16 : i32
          %mul3A_407 = arith.muli %scan3A_395, %mul3A_406 : i32
          %swap3A_408 = arith.index_cast %select_n3A_158 : i32 to index
          %swap3A_409 = arith.index_cast %mul3A_407 : i32 to index
          %swap3A_410 = tpu.vector_load %arg5[%swap3A_408, %swap3A_409] {strides = array<i32>} : memref<2x10000xf32, #tpu.memory_space<vmem>>, vector<16xf32>,
          tpu.vector_store %arg5[%swap3A_408, %swap3A_409], %select_n3A_405 {strides = array<i32>} : memref<2x10000xf32, #tpu.memory_space<vmem>>, vector<16xf32>,
          %scan3A_411 = arith.constant 0 : i32
          %scan3A_412 = arith.constant 7 : i32
          %scan3A_413 = arith.addi %scan3A_286, %scan3A_412 : i32
          %mul3A_414 = arith.constant 16 : i32
          %mul3A_415 = arith.muli %scan3A_413, %mul3A_414 : i32
          %get3A_416 = arith.index_cast %select_n3A_158 : i32 to index
          %get3A_417 = arith.index_cast %mul3A_415 : i32 to index
          %get3A_418 = tpu.vector_load %arg4[%get3A_416, %get3A_417] {strides = array<i32>} : memref<2x10000xf32, #tpu.memory_space<vmem>>, vector<16xf32>,
          %ge3A_419 = vector.broadcast %cond3A_243 : f32 to vector<16xf32>
          %ge3A_420 = arith.cmpf oge, %get3A_418, %ge3A_419 : vector<16xf32>
          %jit3A_421 = arith.constant 0.000000e+00 : f32
          %broadcast_in_dim3A_422 = vector.broadcast %jit3A_421 : f32 to vector<16xf32>
          %select_n3A_423 = arith.select %ge3A_420, %get3A_418, %broadcast_in_dim3A_422 : vector<16xi1>, vector<16xf32>
          %mul3A_424 = arith.constant 16 : i32
          %mul3A_425 = arith.muli %scan3A_413, %mul3A_424 : i32
          %swap3A_426 = arith.index_cast %select_n3A_158 : i32 to index
          %swap3A_427 = arith.index_cast %mul3A_425 : i32 to index
          %swap3A_428 = tpu.vector_load %arg5[%swap3A_426, %swap3A_427] {strides = array<i32>} : memref<2x10000xf32, #tpu.memory_space<vmem>>, vector<16xf32>,
          tpu.vector_store %arg5[%swap3A_426, %swap3A_427], %select_n3A_423 {strides = array<i32>} : memref<2x10000xf32, #tpu.memory_space<vmem>>, vector<16xf32>,
          %scan3A_429 = arith.constant 0 : i32
          scf.yield %scan3A_429 : i32
        }
        %scan3A_266 = arith.constant 624 : i32
        %scan3A_267 = arith.addi %scan3A_261, %scan3A_266 : i32
        %mul3A_268 = arith.constant 16 : i32
        %mul3A_269 = arith.muli %scan3A_267, %mul3A_268 : i32
        %get3A_270 = arith.index_cast %select_n3A_158 : i32 to index
        %get3A_271 = arith.index_cast %mul3A_269 : i32 to index
        %get3A_272 = tpu.vector_load %arg4[%get3A_270, %get3A_271] {strides = array<i32>} : memref<2x10000xf32, #tpu.memory_space<vmem>>, vector<16xf32>,
        %ge3A_273 = vector.broadcast %cond3A_243 : f32 to vector<16xf32>
        %ge3A_274 = arith.cmpf oge, %get3A_272, %ge3A_273 : vector<16xf32>
        %jit3A_275 = arith.constant 0.000000e+00 : f32
        %broadcast_in_dim3A_276 = vector.broadcast %jit3A_275 : f32 to vector<16xf32>
        %select_n3A_277 = arith.select %ge3A_274, %get3A_272, %broadcast_in_dim3A_276 : vector<16xi1>, vector<16xf32>
        %mul3A_278 = arith.constant 16 : i32
        %mul3A_279 = arith.muli %scan3A_267, %mul3A_278 : i32
        %swap3A_280 = arith.index_cast %select_n3A_158 : i32 to index
        %swap3A_281 = arith.index_cast %mul3A_279 : i32 to index
        %swap3A_282 = tpu.vector_load %arg5[%swap3A_280, %swap3A_281] {strides = array<i32>} : memref<2x10000xf32, #tpu.memory_space<vmem>>, vector<16xf32>,
        tpu.vector_store %arg5[%swap3A_280, %swap3A_281], %select_n3A_277 {strides = array<i32>} : memref<2x10000xf32, #tpu.memory_space<vmem>>, vector<16xf32>,
        %scan3A_283 = arith.constant 0 : i32
        %scan3A_284 = arith.constant 625 : i32
        %cond3A_285 = arith.constant 0 : i32
        scf.yield %cond3A_285 : i32
      } else {
        %broadcast_in_dim3A_260 = arith.constant 0.000000e+00 : f32
        %broadcast_in_dim3A_261 = vector.broadcast %broadcast_in_dim3A_260 : f32 to vector<16xf32>
        %get3A_262 = arith.constant 0 : index
        %get3A_263 = tpu.vector_load %arg6[%get3A_262] {strides = array<i32>} : memref<384xi32, #tpu.memory_space<vmem>>, vector<16xi32>,
        %gather3A = tpu.vector_load_idx %arg4[%add3A_162, %get3A_263] : memref<2x10000xf32, #tpu.memory_space<vmem>>[vector<16xi32>, vector<16xi32>], vector<16xf32>,
        %gt3A_264 = arith.constant 0 : i32
        %gt3A_265 = vector.broadcast %gt3A_264 : i32 to vector<16xi32>
        %gt3A_266 = arith.cmpi sgt, %cond3A_237#1, %gt3A_265 : vector<16xi32>
        %jit3A_267 = arith.constant 0.000000e+00 : f32
        %broadcast_in_dim3A_268 = vector.broadcast %jit3A_267 : f32 to vector<16xf32>
        %select_n3A_269 = arith.select %gt3A_266, %gather3A, %broadcast_in_dim3A_268 : vector<16xi1>, vector<16xf32>
        %get3A_270 = arith.constant 16 : index
        %get3A_271 = tpu.vector_load %arg6[%get3A_270] {strides = array<i32>} : memref<384xi32, #tpu.memory_space<vmem>>, vector<16xi32>,
        %gather3A_272 = tpu.vector_load_idx %arg4[%add3A_162, %get3A_271] : memref<2x10000xf32, #tpu.memory_space<vmem>>[vector<16xi32>, vector<16xi32>], vector<16xf32>,
        %gt3A_273 = arith.constant 1 : i32
        %gt3A_274 = vector.broadcast %gt3A_273 : i32 to vector<16xi32>
        %gt3A_275 = arith.cmpi sgt, %cond3A_237#1, %gt3A_274 : vector<16xi32>
        %jit3A_276 = arith.constant 0.000000e+00 : f32
        %broadcast_in_dim3A_277 = vector.broadcast %jit3A_276 : f32 to vector<16xf32>
        %select_n3A_278 = arith.select %gt3A_275, %gather3A_272, %broadcast_in_dim3A_277 : vector<16xi1>, vector<16xf32>
        %get3A_279 = arith.constant 32 : index
        %get3A_280 = tpu.vector_load %arg6[%get3A_279] {strides = array<i32>} : memref<384xi32, #tpu.memory_space<vmem>>, vector<16xi32>,
        %gather3A_281 = tpu.vector_load_idx %arg4[%add3A_162, %get3A_280] : memref<2x10000xf32, #tpu.memory_space<vmem>>[vector<16xi32>, vector<16xi32>], vector<16xf32>,
        %gt3A_282 = arith.constant 2 : i32
        %gt3A_283 = vector.broadcast %gt3A_282 : i32 to vector<16xi32>
        %gt3A_284 = arith.cmpi sgt, %cond3A_237#1, %gt3A_283 : vector<16xi32>
        %jit3A_285 = arith.constant 0.000000e+00 : f32
        %broadcast_in_dim3A_286 = vector.broadcast %jit3A_285 : f32 to vector<16xf32>
        %select_n3A_287 = arith.select %gt3A_284, %gather3A_281, %broadcast_in_dim3A_286 : vector<16xi1>, vector<16xf32>
        %get3A_288 = arith.constant 48 : index
        %get3A_289 = tpu.vector_load %arg6[%get3A_288] {strides = array<i32>} : memref<384xi32, #tpu.memory_space<vmem>>, vector<16xi32>,
        %gather3A_290 = tpu.vector_load_idx %arg4[%add3A_162, %get3A_289] : memref<2x10000xf32, #tpu.memory_space<vmem>>[vector<16xi32>, vector<16xi32>], vector<16xf32>,
        %gt3A_291 = arith.constant 3 : i32
        %gt3A_292 = vector.broadcast %gt3A_291 : i32 to vector<16xi32>
        %gt3A_293 = arith.cmpi sgt, %cond3A_237#1, %gt3A_292 : vector<16xi32>
        %jit3A_294 = arith.constant 0.000000e+00 : f32
        %broadcast_in_dim3A_295 = vector.broadcast %jit3A_294 : f32 to vector<16xf32>
        %select_n3A_296 = arith.select %gt3A_293, %gather3A_290, %broadcast_in_dim3A_295 : vector<16xi1>, vector<16xf32>
        %get3A_297 = arith.constant 64 : index
        %get3A_298 = tpu.vector_load %arg6[%get3A_297] {strides = array<i32>} : memref<384xi32, #tpu.memory_space<vmem>>, vector<16xi32>,
        %gather3A_299 = tpu.vector_load_idx %arg4[%add3A_162, %get3A_298] : memref<2x10000xf32, #tpu.memory_space<vmem>>[vector<16xi32>, vector<16xi32>], vector<16xf32>,
        %gt3A_300 = arith.constant 4 : i32
        %gt3A_301 = vector.broadcast %gt3A_300 : i32 to vector<16xi32>
        %gt3A_302 = arith.cmpi sgt, %cond3A_237#1, %gt3A_301 : vector<16xi32>
        %jit3A_303 = arith.constant 0.000000e+00 : f32
        %broadcast_in_dim3A_304 = vector.broadcast %jit3A_303 : f32 to vector<16xf32>
        %select_n3A_305 = arith.select %gt3A_302, %gather3A_299, %broadcast_in_dim3A_304 : vector<16xi1>, vector<16xf32>
        %get3A_306 = arith.constant 80 : index
        %get3A_307 = tpu.vector_load %arg6[%get3A_306] {strides = array<i32>} : memref<384xi32, #tpu.memory_space<vmem>>, vector<16xi32>,
        %gather3A_308 = tpu.vector_load_idx %arg4[%add3A_162, %get3A_307] : memref<2x10000xf32, #tpu.memory_space<vmem>>[vector<16xi32>, vector<16xi32>], vector<16xf32>,
        %gt3A_309 = arith.constant 5 : i32
        %gt3A_310 = vector.broadcast %gt3A_309 : i32 to vector<16xi32>
        %gt3A_311 = arith.cmpi sgt, %cond3A_237#1, %gt3A_310 : vector<16xi32>
        %jit3A_312 = arith.constant 0.000000e+00 : f32
        %broadcast_in_dim3A_313 = vector.broadcast %jit3A_312 : f32 to vector<16xf32>
        %select_n3A_314 = arith.select %gt3A_311, %gather3A_308, %broadcast_in_dim3A_313 : vector<16xi1>, vector<16xf32>
        %get3A_315 = arith.constant 96 : index
        %get3A_316 = tpu.vector_load %arg6[%get3A_315] {strides = array<i32>} : memref<384xi32, #tpu.memory_space<vmem>>, vector<16xi32>,
        %gather3A_317 = tpu.vector_load_idx %arg4[%add3A_162, %get3A_316] : memref<2x10000xf32, #tpu.memory_space<vmem>>[vector<16xi32>, vector<16xi32>], vector<16xf32>,
        %gt3A_318 = arith.constant 6 : i32
        %gt3A_319 = vector.broadcast %gt3A_318 : i32 to vector<16xi32>
        %gt3A_320 = arith.cmpi sgt, %cond3A_237#1, %gt3A_319 : vector<16xi32>
        %jit3A_321 = arith.constant 0.000000e+00 : f32
        %broadcast_in_dim3A_322 = vector.broadcast %jit3A_321 : f32 to vector<16xf32>
        %select_n3A_323 = arith.select %gt3A_320, %gather3A_317, %broadcast_in_dim3A_322 : vector<16xi1>, vector<16xf32>
        %get3A_324 = arith.constant 112 : index
        %get3A_325 = tpu.vector_load %arg6[%get3A_324] {strides = array<i32>} : memref<384xi32, #tpu.memory_space<vmem>>, vector<16xi32>,
        %gather3A_326 = tpu.vector_load_idx %arg4[%add3A_162, %get3A_325] : memref<2x10000xf32, #tpu.memory_space<vmem>>[vector<16xi32>, vector<16xi32>], vector<16xf32>,
        %gt3A_327 = arith.constant 7 : i32
        %gt3A_328 = vector.broadcast %gt3A_327 : i32 to vector<16xi32>
        %gt3A_329 = arith.cmpi sgt, %cond3A_237#1, %gt3A_328 : vector<16xi32>
        %jit3A_330 = arith.constant 0.000000e+00 : f32
        %broadcast_in_dim3A_331 = vector.broadcast %jit3A_330 : f32 to vector<16xf32>
        %select_n3A_332 = arith.select %gt3A_329, %gather3A_326, %broadcast_in_dim3A_331 : vector<16xi1>, vector<16xf32>
        %get3A_333 = arith.constant 128 : index
        %get3A_334 = tpu.vector_load %arg6[%get3A_333] {strides = array<i32>} : memref<384xi32, #tpu.memory_space<vmem>>, vector<16xi32>,
        %gather3A_335 = tpu.vector_load_idx %arg4[%add3A_162, %get3A_334] : memref<2x10000xf32, #tpu.memory_space<vmem>>[vector<16xi32>, vector<16xi32>], vector<16xf32>,
        %gt3A_336 = arith.constant 8 : i32
        %gt3A_337 = vector.broadcast %gt3A_336 : i32 to vector<16xi32>
        %gt3A_338 = arith.cmpi sgt, %cond3A_237#1, %gt3A_337 : vector<16xi32>
        %jit3A_339 = arith.constant 0.000000e+00 : f32
        %broadcast_in_dim3A_340 = vector.broadcast %jit3A_339 : f32 to vector<16xf32>
        %select_n3A_341 = arith.select %gt3A_338, %gather3A_335, %broadcast_in_dim3A_340 : vector<16xi1>, vector<16xf32>
        %get3A_342 = arith.constant 144 : index
        %get3A_343 = tpu.vector_load %arg6[%get3A_342] {strides = array<i32>} : memref<384xi32, #tpu.memory_space<vmem>>, vector<16xi32>,
        %gather3A_344 = tpu.vector_load_idx %arg4[%add3A_162, %get3A_343] : memref<2x10000xf32, #tpu.memory_space<vmem>>[vector<16xi32>, vector<16xi32>], vector<16xf32>,
        %gt3A_345 = arith.constant 9 : i32
        %gt3A_346 = vector.broadcast %gt3A_345 : i32 to vector<16xi32>
        %gt3A_347 = arith.cmpi sgt, %cond3A_237#1, %gt3A_346 : vector<16xi32>
        %jit3A_348 = arith.constant 0.000000e+00 : f32
        %broadcast_in_dim3A_349 = vector.broadcast %jit3A_348 : f32 to vector<16xf32>
        %select_n3A_350 = arith.select %gt3A_347, %gather3A_344, %broadcast_in_dim3A_349 : vector<16xi1>, vector<16xf32>
        %get3A_351 = arith.constant 160 : index
        %get3A_352 = tpu.vector_load %arg6[%get3A_351] {strides = array<i32>} : memref<384xi32, #tpu.memory_space<vmem>>, vector<16xi32>,
        %gather3A_353 = tpu.vector_load_idx %arg4[%add3A_162, %get3A_352] : memref<2x10000xf32, #tpu.memory_space<vmem>>[vector<16xi32>, vector<16xi32>], vector<16xf32>,
        %gt3A_354 = arith.constant 10 : i32
        %gt3A_355 = vector.broadcast %gt3A_354 : i32 to vector<16xi32>
        %gt3A_356 = arith.cmpi sgt, %cond3A_237#1, %gt3A_355 : vector<16xi32>
        %jit3A_357 = arith.constant 0.000000e+00 : f32
        %broadcast_in_dim3A_358 = vector.broadcast %jit3A_357 : f32 to vector<16xf32>
        %select_n3A_359 = arith.select %gt3A_356, %gather3A_353, %broadcast_in_dim3A_358 : vector<16xi1>, vector<16xf32>
        %get3A_360 = arith.constant 176 : index
        %get3A_361 = tpu.vector_load %arg6[%get3A_360] {strides = array<i32>} : memref<384xi32, #tpu.memory_space<vmem>>, vector<16xi32>,
        %gather3A_362 = tpu.vector_load_idx %arg4[%add3A_162, %get3A_361] : memref<2x10000xf32, #tpu.memory_space<vmem>>[vector<16xi32>, vector<16xi32>], vector<16xf32>,
        %gt3A_363 = arith.constant 11 : i32
        %gt3A_364 = vector.broadcast %gt3A_363 : i32 to vector<16xi32>
        %gt3A_365 = arith.cmpi sgt, %cond3A_237#1, %gt3A_364 : vector<16xi32>
        %jit3A_366 = arith.constant 0.000000e+00 : f32
        %broadcast_in_dim3A_367 = vector.broadcast %jit3A_366 : f32 to vector<16xf32>
        %select_n3A_368 = arith.select %gt3A_365, %gather3A_362, %broadcast_in_dim3A_367 : vector<16xi1>, vector<16xf32>
        %get3A_369 = arith.constant 192 : index
        %get3A_370 = tpu.vector_load %arg6[%get3A_369] {strides = array<i32>} : memref<384xi32, #tpu.memory_space<vmem>>, vector<16xi32>,
        %gather3A_371 = tpu.vector_load_idx %arg4[%add3A_162, %get3A_370] : memref<2x10000xf32, #tpu.memory_space<vmem>>[vector<16xi32>, vector<16xi32>], vector<16xf32>,
        %gt3A_372 = arith.constant 12 : i32
        %gt3A_373 = vector.broadcast %gt3A_372 : i32 to vector<16xi32>
        %gt3A_374 = arith.cmpi sgt, %cond3A_237#1, %gt3A_373 : vector<16xi32>
        %jit3A_375 = arith.constant 0.000000e+00 : f32
        %broadcast_in_dim3A_376 = vector.broadcast %jit3A_375 : f32 to vector<16xf32>
        %select_n3A_377 = arith.select %gt3A_374, %gather3A_371, %broadcast_in_dim3A_376 : vector<16xi1>, vector<16xf32>
        %get3A_378 = arith.constant 208 : index
        %get3A_379 = tpu.vector_load %arg6[%get3A_378] {strides = array<i32>} : memref<384xi32, #tpu.memory_space<vmem>>, vector<16xi32>,
        %gather3A_380 = tpu.vector_load_idx %arg4[%add3A_162, %get3A_379] : memref<2x10000xf32, #tpu.memory_space<vmem>>[vector<16xi32>, vector<16xi32>], vector<16xf32>,
        %gt3A_381 = arith.constant 13 : i32
        %gt3A_382 = vector.broadcast %gt3A_381 : i32 to vector<16xi32>
        %gt3A_383 = arith.cmpi sgt, %cond3A_237#1, %gt3A_382 : vector<16xi32>
        %jit3A_384 = arith.constant 0.000000e+00 : f32
        %broadcast_in_dim3A_385 = vector.broadcast %jit3A_384 : f32 to vector<16xf32>
        %select_n3A_386 = arith.select %gt3A_383, %gather3A_380, %broadcast_in_dim3A_385 : vector<16xi1>, vector<16xf32>
        %get3A_387 = arith.constant 224 : index
        %get3A_388 = tpu.vector_load %arg6[%get3A_387] {strides = array<i32>} : memref<384xi32, #tpu.memory_space<vmem>>, vector<16xi32>,
        %gather3A_389 = tpu.vector_load_idx %arg4[%add3A_162, %get3A_388] : memref<2x10000xf32, #tpu.memory_space<vmem>>[vector<16xi32>, vector<16xi32>], vector<16xf32>,
        %gt3A_390 = arith.constant 14 : i32
        %gt3A_391 = vector.broadcast %gt3A_390 : i32 to vector<16xi32>
        %gt3A_392 = arith.cmpi sgt, %cond3A_237#1, %gt3A_391 : vector<16xi32>
        %jit3A_393 = arith.constant 0.000000e+00 : f32
        %broadcast_in_dim3A_394 = vector.broadcast %jit3A_393 : f32 to vector<16xf32>
        %select_n3A_395 = arith.select %gt3A_392, %gather3A_389, %broadcast_in_dim3A_394 : vector<16xi1>, vector<16xf32>
        %get3A_396 = arith.constant 240 : index
        %get3A_397 = tpu.vector_load %arg6[%get3A_396] {strides = array<i32>} : memref<384xi32, #tpu.memory_space<vmem>>, vector<16xi32>,
        %gather3A_398 = tpu.vector_load_idx %arg4[%add3A_162, %get3A_397] : memref<2x10000xf32, #tpu.memory_space<vmem>>[vector<16xi32>, vector<16xi32>], vector<16xf32>,
        %gt3A_399 = arith.constant 15 : i32
        %gt3A_400 = vector.broadcast %gt3A_399 : i32 to vector<16xi32>
        %gt3A_401 = arith.cmpi sgt, %cond3A_237#1, %gt3A_400 : vector<16xi32>
        %jit3A_402 = arith.constant 0.000000e+00 : f32
        %broadcast_in_dim3A_403 = vector.broadcast %jit3A_402 : f32 to vector<16xf32>
        %select_n3A_404 = arith.select %gt3A_401, %gather3A_398, %broadcast_in_dim3A_403 : vector<16xi1>, vector<16xf32>
        %get3A_405 = arith.constant 256 : index
        %get3A_406 = tpu.vector_load %arg6[%get3A_405] {strides = array<i32>} : memref<384xi32, #tpu.memory_space<vmem>>, vector<16xi32>,
        %gather3A_407 = tpu.vector_load_idx %arg4[%add3A_162, %get3A_406] : memref<2x10000xf32, #tpu.memory_space<vmem>>[vector<16xi32>, vector<16xi32>], vector<16xf32>,
        %gt3A_408 = arith.constant 16 : i32
        %gt3A_409 = vector.broadcast %gt3A_408 : i32 to vector<16xi32>
        %gt3A_410 = arith.cmpi sgt, %cond3A_237#1, %gt3A_409 : vector<16xi32>
        %jit3A_411 = arith.constant 0.000000e+00 : f32
        %broadcast_in_dim3A_412 = vector.broadcast %jit3A_411 : f32 to vector<16xf32>
        %select_n3A_413 = arith.select %gt3A_410, %gather3A_407, %broadcast_in_dim3A_412 : vector<16xi1>, vector<16xf32>
        %get3A_414 = arith.constant 272 : index
        %get3A_415 = tpu.vector_load %arg6[%get3A_414] {strides = array<i32>} : memref<384xi32, #tpu.memory_space<vmem>>, vector<16xi32>,
        %gather3A_416 = tpu.vector_load_idx %arg4[%add3A_162, %get3A_415] : memref<2x10000xf32, #tpu.memory_space<vmem>>[vector<16xi32>, vector<16xi32>], vector<16xf32>,
        %gt3A_417 = arith.constant 17 : i32
        %gt3A_418 = vector.broadcast %gt3A_417 : i32 to vector<16xi32>
        %gt3A_419 = arith.cmpi sgt, %cond3A_237#1, %gt3A_418 : vector<16xi32>
        %jit3A_420 = arith.constant 0.000000e+00 : f32
        %broadcast_in_dim3A_421 = vector.broadcast %jit3A_420 : f32 to vector<16xf32>
        %select_n3A_422 = arith.select %gt3A_419, %gather3A_416, %broadcast_in_dim3A_421 : vector<16xi1>, vector<16xf32>
        %get3A_423 = arith.constant 288 : index
        %get3A_424 = tpu.vector_load %arg6[%get3A_423] {strides = array<i32>} : memref<384xi32, #tpu.memory_space<vmem>>, vector<16xi32>,
        %gather3A_425 = tpu.vector_load_idx %arg4[%add3A_162, %get3A_424] : memref<2x10000xf32, #tpu.memory_space<vmem>>[vector<16xi32>, vector<16xi32>], vector<16xf32>,
        %gt3A_426 = arith.constant 18 : i32
        %gt3A_427 = vector.broadcast %gt3A_426 : i32 to vector<16xi32>
        %gt3A_428 = arith.cmpi sgt, %cond3A_237#1, %gt3A_427 : vector<16xi32>
        %jit3A_429 = arith.constant 0.000000e+00 : f32
        %broadcast_in_dim3A_430 = vector.broadcast %jit3A_429 : f32 to vector<16xf32>
        %select_n3A_431 = arith.select %gt3A_428, %gather3A_425, %broadcast_in_dim3A_430 : vector<16xi1>, vector<16xf32>
        %get3A_432 = arith.constant 304 : index
        %get3A_433 = tpu.vector_load %arg6[%get3A_432] {strides = array<i32>} : memref<384xi32, #tpu.memory_space<vmem>>, vector<16xi32>,
        %gather3A_434 = tpu.vector_load_idx %arg4[%add3A_162, %get3A_433] : memref<2x10000xf32, #tpu.memory_space<vmem>>[vector<16xi32>, vector<16xi32>], vector<16xf32>,
        %gt3A_435 = arith.constant 19 : i32
        %gt3A_436 = vector.broadcast %gt3A_435 : i32 to vector<16xi32>
        %gt3A_437 = arith.cmpi sgt, %cond3A_237#1, %gt3A_436 : vector<16xi32>
        %jit3A_438 = arith.constant 0.000000e+00 : f32
        %broadcast_in_dim3A_439 = vector.broadcast %jit3A_438 : f32 to vector<16xf32>
        %select_n3A_440 = arith.select %gt3A_437, %gather3A_434, %broadcast_in_dim3A_439 : vector<16xi1>, vector<16xf32>
        %get3A_441 = arith.constant 320 : index
        %get3A_442 = tpu.vector_load %arg6[%get3A_441] {strides = array<i32>} : memref<384xi32, #tpu.memory_space<vmem>>, vector<16xi32>,
        %gather3A_443 = tpu.vector_load_idx %arg4[%add3A_162, %get3A_442] : memref<2x10000xf32, #tpu.memory_space<vmem>>[vector<16xi32>, vector<16xi32>], vector<16xf32>,
        %gt3A_444 = arith.constant 20 : i32
        %gt3A_445 = vector.broadcast %gt3A_444 : i32 to vector<16xi32>
        %gt3A_446 = arith.cmpi sgt, %cond3A_237#1, %gt3A_445 : vector<16xi32>
        %jit3A_447 = arith.constant 0.000000e+00 : f32
        %broadcast_in_dim3A_448 = vector.broadcast %jit3A_447 : f32 to vector<16xf32>
        %select_n3A_449 = arith.select %gt3A_446, %gather3A_443, %broadcast_in_dim3A_448 : vector<16xi1>, vector<16xf32>
        %get3A_450 = arith.constant 336 : index
        %get3A_451 = tpu.vector_load %arg6[%get3A_450] {strides = array<i32>} : memref<384xi32, #tpu.memory_space<vmem>>, vector<16xi32>,
        %gather3A_452 = tpu.vector_load_idx %arg4[%add3A_162, %get3A_451] : memref<2x10000xf32, #tpu.memory_space<vmem>>[vector<16xi32>, vector<16xi32>], vector<16xf32>,
        %gt3A_453 = arith.constant 21 : i32
        %gt3A_454 = vector.broadcast %gt3A_453 : i32 to vector<16xi32>
        %gt3A_455 = arith.cmpi sgt, %cond3A_237#1, %gt3A_454 : vector<16xi32>
        %jit3A_456 = arith.constant 0.000000e+00 : f32
        %broadcast_in_dim3A_457 = vector.broadcast %jit3A_456 : f32 to vector<16xf32>
        %select_n3A_458 = arith.select %gt3A_455, %gather3A_452, %broadcast_in_dim3A_457 : vector<16xi1>, vector<16xf32>
        %get3A_459 = arith.constant 352 : index
        %get3A_460 = tpu.vector_load %arg6[%get3A_459] {strides = array<i32>} : memref<384xi32, #tpu.memory_space<vmem>>, vector<16xi32>,
        %gather3A_461 = tpu.vector_load_idx %arg4[%add3A_162, %get3A_460] : memref<2x10000xf32, #tpu.memory_space<vmem>>[vector<16xi32>, vector<16xi32>], vector<16xf32>,
        %gt3A_462 = arith.constant 22 : i32
        %gt3A_463 = vector.broadcast %gt3A_462 : i32 to vector<16xi32>
        %gt3A_464 = arith.cmpi sgt, %cond3A_237#1, %gt3A_463 : vector<16xi32>
        %jit3A_465 = arith.constant 0.000000e+00 : f32
        %broadcast_in_dim3A_466 = vector.broadcast %jit3A_465 : f32 to vector<16xf32>
        %select_n3A_467 = arith.select %gt3A_464, %gather3A_461, %broadcast_in_dim3A_466 : vector<16xi1>, vector<16xf32>
        %get3A_468 = arith.constant 368 : index
        %get3A_469 = tpu.vector_load %arg6[%get3A_468] {strides = array<i32>} : memref<384xi32, #tpu.memory_space<vmem>>, vector<16xi32>,
        %gather3A_470 = tpu.vector_load_idx %arg4[%add3A_162, %get3A_469] : memref<2x10000xf32, #tpu.memory_space<vmem>>[vector<16xi32>, vector<16xi32>], vector<16xf32>,
        %gt3A_471 = arith.constant 23 : i32
        %gt3A_472 = vector.broadcast %gt3A_471 : i32 to vector<16xi32>
        %gt3A_473 = arith.cmpi sgt, %cond3A_237#1, %gt3A_472 : vector<16xi32>
        %jit3A_474 = arith.constant 0.000000e+00 : f32
        %broadcast_in_dim3A_475 = vector.broadcast %jit3A_474 : f32 to vector<16xf32>
        %select_n3A_476 = arith.select %gt3A_473, %gather3A_470, %broadcast_in_dim3A_475 : vector<16xi1>, vector<16xf32>
        %get3A_477 = arith.constant 0 : index
        %get3A_478 = tpu.vector_load %arg6[%get3A_477] {strides = array<i32>} : memref<384xi32, #tpu.memory_space<vmem>>, vector<16xi32>,
        %gt3A_479 = arith.constant 0 : i32
        %gt3A_480 = vector.broadcast %gt3A_479 : i32 to vector<16xi32>
        %gt3A_481 = arith.cmpi sgt, %cond3A_237#1, %gt3A_480 : vector<16xi32>
        %lt3A_482 = vector.broadcast %cond3A_243 : f32 to vector<16xf32>
        %lt3A_483 = arith.cmpf olt, %select_n3A_269, %lt3A_482 : vector<16xf32>
        %and3A_484 = arith.andi %gt3A_481, %lt3A_483 : vector<16xi1>
        tpu.vector_store_idx %arg5[%add3A_162, %get3A_478], %broadcast_in_dim3A_261 masked %and3A_484 : memref<2x10000xf32, #tpu.memory_space<vmem>>[vector<16xi32>, vector<16xi32>], vector<16xf32>, vector<16xi1>
        %get3A_485 = arith.constant 16 : index
        %get3A_486 = tpu.vector_load %arg6[%get3A_485] {strides = array<i32>} : memref<384xi32, #tpu.memory_space<vmem>>, vector<16xi32>,
        %gt3A_487 = arith.constant 1 : i32
        %gt3A_488 = vector.broadcast %gt3A_487 : i32 to vector<16xi32>
        %gt3A_489 = arith.cmpi sgt, %cond3A_237#1, %gt3A_488 : vector<16xi32>
        %lt3A_490 = vector.broadcast %cond3A_243 : f32 to vector<16xf32>
        %lt3A_491 = arith.cmpf olt, %select_n3A_278, %lt3A_490 : vector<16xf32>
        %and3A_492 = arith.andi %gt3A_489, %lt3A_491 : vector<16xi1>
        tpu.vector_store_idx %arg5[%add3A_162, %get3A_486], %broadcast_in_dim3A_261 masked %and3A_492 : memref<2x10000xf32, #tpu.memory_space<vmem>>[vector<16xi32>, vector<16xi32>], vector<16xf32>, vector<16xi1>
        %get3A_493 = arith.constant 32 : index
        %get3A_494 = tpu.vector_load %arg6[%get3A_493] {strides = array<i32>} : memref<384xi32, #tpu.memory_space<vmem>>, vector<16xi32>,
        %gt3A_495 = arith.constant 2 : i32
        %gt3A_496 = vector.broadcast %gt3A_495 : i32 to vector<16xi32>
        %gt3A_497 = arith.cmpi sgt, %cond3A_237#1, %gt3A_496 : vector<16xi32>
        %lt3A_498 = vector.broadcast %cond3A_243 : f32 to vector<16xf32>
        %lt3A_499 = arith.cmpf olt, %select_n3A_287, %lt3A_498 : vector<16xf32>
        %and3A_500 = arith.andi %gt3A_497, %lt3A_499 : vector<16xi1>
        tpu.vector_store_idx %arg5[%add3A_162, %get3A_494], %broadcast_in_dim3A_261 masked %and3A_500 : memref<2x10000xf32, #tpu.memory_space<vmem>>[vector<16xi32>, vector<16xi32>], vector<16xf32>, vector<16xi1>
        %get3A_501 = arith.constant 48 : index
        %get3A_502 = tpu.vector_load %arg6[%get3A_501] {strides = array<i32>} : memref<384xi32, #tpu.memory_space<vmem>>, vector<16xi32>,
        %gt3A_503 = arith.constant 3 : i32
        %gt3A_504 = vector.broadcast %gt3A_503 : i32 to vector<16xi32>
        %gt3A_505 = arith.cmpi sgt, %cond3A_237#1, %gt3A_504 : vector<16xi32>
        %lt3A_506 = vector.broadcast %cond3A_243 : f32 to vector<16xf32>
        %lt3A_507 = arith.cmpf olt, %select_n3A_296, %lt3A_506 : vector<16xf32>
        %and3A_508 = arith.andi %gt3A_505, %lt3A_507 : vector<16xi1>
        tpu.vector_store_idx %arg5[%add3A_162, %get3A_502], %broadcast_in_dim3A_261 masked %and3A_508 : memref<2x10000xf32, #tpu.memory_space<vmem>>[vector<16xi32>, vector<16xi32>], vector<16xf32>, vector<16xi1>
        %get3A_509 = arith.constant 64 : index
        %get3A_510 = tpu.vector_load %arg6[%get3A_509] {strides = array<i32>} : memref<384xi32, #tpu.memory_space<vmem>>, vector<16xi32>,
        %gt3A_511 = arith.constant 4 : i32
        %gt3A_512 = vector.broadcast %gt3A_511 : i32 to vector<16xi32>
        %gt3A_513 = arith.cmpi sgt, %cond3A_237#1, %gt3A_512 : vector<16xi32>
        %lt3A_514 = vector.broadcast %cond3A_243 : f32 to vector<16xf32>
        %lt3A_515 = arith.cmpf olt, %select_n3A_305, %lt3A_514 : vector<16xf32>
        %and3A_516 = arith.andi %gt3A_513, %lt3A_515 : vector<16xi1>
        tpu.vector_store_idx %arg5[%add3A_162, %get3A_510], %broadcast_in_dim3A_261 masked %and3A_516 : memref<2x10000xf32, #tpu.memory_space<vmem>>[vector<16xi32>, vector<16xi32>], vector<16xf32>, vector<16xi1>
        %get3A_517 = arith.constant 80 : index
        %get3A_518 = tpu.vector_load %arg6[%get3A_517] {strides = array<i32>} : memref<384xi32, #tpu.memory_space<vmem>>, vector<16xi32>,
        %gt3A_519 = arith.constant 5 : i32
        %gt3A_520 = vector.broadcast %gt3A_519 : i32 to vector<16xi32>
        %gt3A_521 = arith.cmpi sgt, %cond3A_237#1, %gt3A_520 : vector<16xi32>
        %lt3A_522 = vector.broadcast %cond3A_243 : f32 to vector<16xf32>
        %lt3A_523 = arith.cmpf olt, %select_n3A_314, %lt3A_522 : vector<16xf32>
        %and3A_524 = arith.andi %gt3A_521, %lt3A_523 : vector<16xi1>
        tpu.vector_store_idx %arg5[%add3A_162, %get3A_518], %broadcast_in_dim3A_261 masked %and3A_524 : memref<2x10000xf32, #tpu.memory_space<vmem>>[vector<16xi32>, vector<16xi32>], vector<16xf32>, vector<16xi1>
        %get3A_525 = arith.constant 96 : index
        %get3A_526 = tpu.vector_load %arg6[%get3A_525] {strides = array<i32>} : memref<384xi32, #tpu.memory_space<vmem>>, vector<16xi32>,
        %gt3A_527 = arith.constant 6 : i32
        %gt3A_528 = vector.broadcast %gt3A_527 : i32 to vector<16xi32>
        %gt3A_529 = arith.cmpi sgt, %cond3A_237#1, %gt3A_528 : vector<16xi32>
        %lt3A_530 = vector.broadcast %cond3A_243 : f32 to vector<16xf32>
        %lt3A_531 = arith.cmpf olt, %select_n3A_323, %lt3A_530 : vector<16xf32>
        %and3A_532 = arith.andi %gt3A_529, %lt3A_531 : vector<16xi1>
        tpu.vector_store_idx %arg5[%add3A_162, %get3A_526], %broadcast_in_dim3A_261 masked %and3A_532 : memref<2x10000xf32, #tpu.memory_space<vmem>>[vector<16xi32>, vector<16xi32>], vector<16xf32>, vector<16xi1>
        %get3A_533 = arith.constant 112 : index
        %get3A_534 = tpu.vector_load %arg6[%get3A_533] {strides = array<i32>} : memref<384xi32, #tpu.memory_space<vmem>>, vector<16xi32>,
        %gt3A_535 = arith.constant 7 : i32
        %gt3A_536 = vector.broadcast %gt3A_535 : i32 to vector<16xi32>
        %gt3A_537 = arith.cmpi sgt, %cond3A_237#1, %gt3A_536 : vector<16xi32>
        %lt3A_538 = vector.broadcast %cond3A_243 : f32 to vector<16xf32>
        %lt3A_539 = arith.cmpf olt, %select_n3A_332, %lt3A_538 : vector<16xf32>
        %and3A_540 = arith.andi %gt3A_537, %lt3A_539 : vector<16xi1>
        tpu.vector_store_idx %arg5[%add3A_162, %get3A_534], %broadcast_in_dim3A_261 masked %and3A_540 : memref<2x10000xf32, #tpu.memory_space<vmem>>[vector<16xi32>, vector<16xi32>], vector<16xf32>, vector<16xi1>
        %get3A_541 = arith.constant 128 : index
        %get3A_542 = tpu.vector_load %arg6[%get3A_541] {strides = array<i32>} : memref<384xi32, #tpu.memory_space<vmem>>, vector<16xi32>,
        %gt3A_543 = arith.constant 8 : i32
        %gt3A_544 = vector.broadcast %gt3A_543 : i32 to vector<16xi32>
        %gt3A_545 = arith.cmpi sgt, %cond3A_237#1, %gt3A_544 : vector<16xi32>
        %lt3A_546 = vector.broadcast %cond3A_243 : f32 to vector<16xf32>
        %lt3A_547 = arith.cmpf olt, %select_n3A_341, %lt3A_546 : vector<16xf32>
        %and3A_548 = arith.andi %gt3A_545, %lt3A_547 : vector<16xi1>
        tpu.vector_store_idx %arg5[%add3A_162, %get3A_542], %broadcast_in_dim3A_261 masked %and3A_548 : memref<2x10000xf32, #tpu.memory_space<vmem>>[vector<16xi32>, vector<16xi32>], vector<16xf32>, vector<16xi1>
        %get3A_549 = arith.constant 144 : index
        %get3A_550 = tpu.vector_load %arg6[%get3A_549] {strides = array<i32>} : memref<384xi32, #tpu.memory_space<vmem>>, vector<16xi32>,
        %gt3A_551 = arith.constant 9 : i32
        %gt3A_552 = vector.broadcast %gt3A_551 : i32 to vector<16xi32>
        %gt3A_553 = arith.cmpi sgt, %cond3A_237#1, %gt3A_552 : vector<16xi32>
        %lt3A_554 = vector.broadcast %cond3A_243 : f32 to vector<16xf32>
        %lt3A_555 = arith.cmpf olt, %select_n3A_350, %lt3A_554 : vector<16xf32>
        %and3A_556 = arith.andi %gt3A_553, %lt3A_555 : vector<16xi1>
        tpu.vector_store_idx %arg5[%add3A_162, %get3A_550], %broadcast_in_dim3A_261 masked %and3A_556 : memref<2x10000xf32, #tpu.memory_space<vmem>>[vector<16xi32>, vector<16xi32>], vector<16xf32>, vector<16xi1>
        %get3A_557 = arith.constant 160 : index
        %get3A_558 = tpu.vector_load %arg6[%get3A_557] {strides = array<i32>} : memref<384xi32, #tpu.memory_space<vmem>>, vector<16xi32>,
        %gt3A_559 = arith.constant 10 : i32
        %gt3A_560 = vector.broadcast %gt3A_559 : i32 to vector<16xi32>
        %gt3A_561 = arith.cmpi sgt, %cond3A_237#1, %gt3A_560 : vector<16xi32>
        %lt3A_562 = vector.broadcast %cond3A_243 : f32 to vector<16xf32>
        %lt3A_563 = arith.cmpf olt, %select_n3A_359, %lt3A_562 : vector<16xf32>
        %and3A_564 = arith.andi %gt3A_561, %lt3A_563 : vector<16xi1>
        tpu.vector_store_idx %arg5[%add3A_162, %get3A_558], %broadcast_in_dim3A_261 masked %and3A_564 : memref<2x10000xf32, #tpu.memory_space<vmem>>[vector<16xi32>, vector<16xi32>], vector<16xf32>, vector<16xi1>
        %get3A_565 = arith.constant 176 : index
        %get3A_566 = tpu.vector_load %arg6[%get3A_565] {strides = array<i32>} : memref<384xi32, #tpu.memory_space<vmem>>, vector<16xi32>,
        %gt3A_567 = arith.constant 11 : i32
        %gt3A_568 = vector.broadcast %gt3A_567 : i32 to vector<16xi32>
        %gt3A_569 = arith.cmpi sgt, %cond3A_237#1, %gt3A_568 : vector<16xi32>
        %lt3A_570 = vector.broadcast %cond3A_243 : f32 to vector<16xf32>
        %lt3A_571 = arith.cmpf olt, %select_n3A_368, %lt3A_570 : vector<16xf32>
        %and3A_572 = arith.andi %gt3A_569, %lt3A_571 : vector<16xi1>
        tpu.vector_store_idx %arg5[%add3A_162, %get3A_566], %broadcast_in_dim3A_261 masked %and3A_572 : memref<2x10000xf32, #tpu.memory_space<vmem>>[vector<16xi32>, vector<16xi32>], vector<16xf32>, vector<16xi1>
        %get3A_573 = arith.constant 192 : index
        %get3A_574 = tpu.vector_load %arg6[%get3A_573] {strides = array<i32>} : memref<384xi32, #tpu.memory_space<vmem>>, vector<16xi32>,
        %gt3A_575 = arith.constant 12 : i32
        %gt3A_576 = vector.broadcast %gt3A_575 : i32 to vector<16xi32>
        %gt3A_577 = arith.cmpi sgt, %cond3A_237#1, %gt3A_576 : vector<16xi32>
        %lt3A_578 = vector.broadcast %cond3A_243 : f32 to vector<16xf32>
        %lt3A_579 = arith.cmpf olt, %select_n3A_377, %lt3A_578 : vector<16xf32>
        %and3A_580 = arith.andi %gt3A_577, %lt3A_579 : vector<16xi1>
        tpu.vector_store_idx %arg5[%add3A_162, %get3A_574], %broadcast_in_dim3A_261 masked %and3A_580 : memref<2x10000xf32, #tpu.memory_space<vmem>>[vector<16xi32>, vector<16xi32>], vector<16xf32>, vector<16xi1>
        %get3A_581 = arith.constant 208 : index
        %get3A_582 = tpu.vector_load %arg6[%get3A_581] {strides = array<i32>} : memref<384xi32, #tpu.memory_space<vmem>>, vector<16xi32>,
        %gt3A_583 = arith.constant 13 : i32
        %gt3A_584 = vector.broadcast %gt3A_583 : i32 to vector<16xi32>
        %gt3A_585 = arith.cmpi sgt, %cond3A_237#1, %gt3A_584 : vector<16xi32>
        %lt3A_586 = vector.broadcast %cond3A_243 : f32 to vector<16xf32>
        %lt3A_587 = arith.cmpf olt, %select_n3A_386, %lt3A_586 : vector<16xf32>
        %and3A_588 = arith.andi %gt3A_585, %lt3A_587 : vector<16xi1>
        tpu.vector_store_idx %arg5[%add3A_162, %get3A_582], %broadcast_in_dim3A_261 masked %and3A_588 : memref<2x10000xf32, #tpu.memory_space<vmem>>[vector<16xi32>, vector<16xi32>], vector<16xf32>, vector<16xi1>
        %get3A_589 = arith.constant 224 : index
        %get3A_590 = tpu.vector_load %arg6[%get3A_589] {strides = array<i32>} : memref<384xi32, #tpu.memory_space<vmem>>, vector<16xi32>,
        %gt3A_591 = arith.constant 14 : i32
        %gt3A_592 = vector.broadcast %gt3A_591 : i32 to vector<16xi32>
        %gt3A_593 = arith.cmpi sgt, %cond3A_237#1, %gt3A_592 : vector<16xi32>
        %lt3A_594 = vector.broadcast %cond3A_243 : f32 to vector<16xf32>
        %lt3A_595 = arith.cmpf olt, %select_n3A_395, %lt3A_594 : vector<16xf32>
        %and3A_596 = arith.andi %gt3A_593, %lt3A_595 : vector<16xi1>
        tpu.vector_store_idx %arg5[%add3A_162, %get3A_590], %broadcast_in_dim3A_261 masked %and3A_596 : memref<2x10000xf32, #tpu.memory_space<vmem>>[vector<16xi32>, vector<16xi32>], vector<16xf32>, vector<16xi1>
        %get3A_597 = arith.constant 240 : index
        %get3A_598 = tpu.vector_load %arg6[%get3A_597] {strides = array<i32>} : memref<384xi32, #tpu.memory_space<vmem>>, vector<16xi32>,
        %gt3A_599 = arith.constant 15 : i32
        %gt3A_600 = vector.broadcast %gt3A_599 : i32 to vector<16xi32>
        %gt3A_601 = arith.cmpi sgt, %cond3A_237#1, %gt3A_600 : vector<16xi32>
        %lt3A_602 = vector.broadcast %cond3A_243 : f32 to vector<16xf32>
        %lt3A_603 = arith.cmpf olt, %select_n3A_404, %lt3A_602 : vector<16xf32>
        %and3A_604 = arith.andi %gt3A_601, %lt3A_603 : vector<16xi1>
        tpu.vector_store_idx %arg5[%add3A_162, %get3A_598], %broadcast_in_dim3A_261 masked %and3A_604 : memref<2x10000xf32, #tpu.memory_space<vmem>>[vector<16xi32>, vector<16xi32>], vector<16xf32>, vector<16xi1>
        %get3A_605 = arith.constant 256 : index
        %get3A_606 = tpu.vector_load %arg6[%get3A_605] {strides = array<i32>} : memref<384xi32, #tpu.memory_space<vmem>>, vector<16xi32>,
        %gt3A_607 = arith.constant 16 : i32
        %gt3A_608 = vector.broadcast %gt3A_607 : i32 to vector<16xi32>
        %gt3A_609 = arith.cmpi sgt, %cond3A_237#1, %gt3A_608 : vector<16xi32>
        %lt3A_610 = vector.broadcast %cond3A_243 : f32 to vector<16xf32>
        %lt3A_611 = arith.cmpf olt, %select_n3A_413, %lt3A_610 : vector<16xf32>
        %and3A_612 = arith.andi %gt3A_609, %lt3A_611 : vector<16xi1>
        tpu.vector_store_idx %arg5[%add3A_162, %get3A_606], %broadcast_in_dim3A_261 masked %and3A_612 : memref<2x10000xf32, #tpu.memory_space<vmem>>[vector<16xi32>, vector<16xi32>], vector<16xf32>, vector<16xi1>
        %get3A_613 = arith.constant 272 : index
        %get3A_614 = tpu.vector_load %arg6[%get3A_613] {strides = array<i32>} : memref<384xi32, #tpu.memory_space<vmem>>, vector<16xi32>,
        %gt3A_615 = arith.constant 17 : i32
        %gt3A_616 = vector.broadcast %gt3A_615 : i32 to vector<16xi32>
        %gt3A_617 = arith.cmpi sgt, %cond3A_237#1, %gt3A_616 : vector<16xi32>
        %lt3A_618 = vector.broadcast %cond3A_243 : f32 to vector<16xf32>
        %lt3A_619 = arith.cmpf olt, %select_n3A_422, %lt3A_618 : vector<16xf32>
        %and3A_620 = arith.andi %gt3A_617, %lt3A_619 : vector<16xi1>
        tpu.vector_store_idx %arg5[%add3A_162, %get3A_614], %broadcast_in_dim3A_261 masked %and3A_620 : memref<2x10000xf32, #tpu.memory_space<vmem>>[vector<16xi32>, vector<16xi32>], vector<16xf32>, vector<16xi1>
        %get3A_621 = arith.constant 288 : index
        %get3A_622 = tpu.vector_load %arg6[%get3A_621] {strides = array<i32>} : memref<384xi32, #tpu.memory_space<vmem>>, vector<16xi32>,
        %gt3A_623 = arith.constant 18 : i32
        %gt3A_624 = vector.broadcast %gt3A_623 : i32 to vector<16xi32>
        %gt3A_625 = arith.cmpi sgt, %cond3A_237#1, %gt3A_624 : vector<16xi32>
        %lt3A_626 = vector.broadcast %cond3A_243 : f32 to vector<16xf32>
        %lt3A_627 = arith.cmpf olt, %select_n3A_431, %lt3A_626 : vector<16xf32>
        %and3A_628 = arith.andi %gt3A_625, %lt3A_627 : vector<16xi1>
        tpu.vector_store_idx %arg5[%add3A_162, %get3A_622], %broadcast_in_dim3A_261 masked %and3A_628 : memref<2x10000xf32, #tpu.memory_space<vmem>>[vector<16xi32>, vector<16xi32>], vector<16xf32>, vector<16xi1>
        %get3A_629 = arith.constant 304 : index
        %get3A_630 = tpu.vector_load %arg6[%get3A_629] {strides = array<i32>} : memref<384xi32, #tpu.memory_space<vmem>>, vector<16xi32>,
        %gt3A_631 = arith.constant 19 : i32
        %gt3A_632 = vector.broadcast %gt3A_631 : i32 to vector<16xi32>
        %gt3A_633 = arith.cmpi sgt, %cond3A_237#1, %gt3A_632 : vector<16xi32>
        %lt3A_634 = vector.broadcast %cond3A_243 : f32 to vector<16xf32>
        %lt3A_635 = arith.cmpf olt, %select_n3A_440, %lt3A_634 : vector<16xf32>
        %and3A_636 = arith.andi %gt3A_633, %lt3A_635 : vector<16xi1>
        tpu.vector_store_idx %arg5[%add3A_162, %get3A_630], %broadcast_in_dim3A_261 masked %and3A_636 : memref<2x10000xf32, #tpu.memory_space<vmem>>[vector<16xi32>, vector<16xi32>], vector<16xf32>, vector<16xi1>
        %get3A_637 = arith.constant 320 : index
        %get3A_638 = tpu.vector_load %arg6[%get3A_637] {strides = array<i32>} : memref<384xi32, #tpu.memory_space<vmem>>, vector<16xi32>,
        %gt3A_639 = arith.constant 20 : i32
        %gt3A_640 = vector.broadcast %gt3A_639 : i32 to vector<16xi32>
        %gt3A_641 = arith.cmpi sgt, %cond3A_237#1, %gt3A_640 : vector<16xi32>
        %lt3A_642 = vector.broadcast %cond3A_243 : f32 to vector<16xf32>
        %lt3A_643 = arith.cmpf olt, %select_n3A_449, %lt3A_642 : vector<16xf32>
        %and3A_644 = arith.andi %gt3A_641, %lt3A_643 : vector<16xi1>
        tpu.vector_store_idx %arg5[%add3A_162, %get3A_638], %broadcast_in_dim3A_261 masked %and3A_644 : memref<2x10000xf32, #tpu.memory_space<vmem>>[vector<16xi32>, vector<16xi32>], vector<16xf32>, vector<16xi1>
        %get3A_645 = arith.constant 336 : index
        %get3A_646 = tpu.vector_load %arg6[%get3A_645] {strides = array<i32>} : memref<384xi32, #tpu.memory_space<vmem>>, vector<16xi32>,
        %gt3A_647 = arith.constant 21 : i32
        %gt3A_648 = vector.broadcast %gt3A_647 : i32 to vector<16xi32>
        %gt3A_649 = arith.cmpi sgt, %cond3A_237#1, %gt3A_648 : vector<16xi32>
        %lt3A_650 = vector.broadcast %cond3A_243 : f32 to vector<16xf32>
        %lt3A_651 = arith.cmpf olt, %select_n3A_458, %lt3A_650 : vector<16xf32>
        %and3A_652 = arith.andi %gt3A_649, %lt3A_651 : vector<16xi1>
        tpu.vector_store_idx %arg5[%add3A_162, %get3A_646], %broadcast_in_dim3A_261 masked %and3A_652 : memref<2x10000xf32, #tpu.memory_space<vmem>>[vector<16xi32>, vector<16xi32>], vector<16xf32>, vector<16xi1>
        %get3A_653 = arith.constant 352 : index
        %get3A_654 = tpu.vector_load %arg6[%get3A_653] {strides = array<i32>} : memref<384xi32, #tpu.memory_space<vmem>>, vector<16xi32>,
        %gt3A_655 = arith.constant 22 : i32
        %gt3A_656 = vector.broadcast %gt3A_655 : i32 to vector<16xi32>
        %gt3A_657 = arith.cmpi sgt, %cond3A_237#1, %gt3A_656 : vector<16xi32>
        %lt3A_658 = vector.broadcast %cond3A_243 : f32 to vector<16xf32>
        %lt3A_659 = arith.cmpf olt, %select_n3A_467, %lt3A_658 : vector<16xf32>
        %and3A_660 = arith.andi %gt3A_657, %lt3A_659 : vector<16xi1>
        tpu.vector_store_idx %arg5[%add3A_162, %get3A_654], %broadcast_in_dim3A_261 masked %and3A_660 : memref<2x10000xf32, #tpu.memory_space<vmem>>[vector<16xi32>, vector<16xi32>], vector<16xf32>, vector<16xi1>
        %get3A_661 = arith.constant 368 : index
        %get3A_662 = tpu.vector_load %arg6[%get3A_661] {strides = array<i32>} : memref<384xi32, #tpu.memory_space<vmem>>, vector<16xi32>,
        %gt3A_663 = arith.constant 23 : i32
        %gt3A_664 = vector.broadcast %gt3A_663 : i32 to vector<16xi32>
        %gt3A_665 = arith.cmpi sgt, %cond3A_237#1, %gt3A_664 : vector<16xi32>
        %lt3A_666 = vector.broadcast %cond3A_243 : f32 to vector<16xf32>
        %lt3A_667 = arith.cmpf olt, %select_n3A_476, %lt3A_666 : vector<16xf32>
        %and3A_668 = arith.andi %gt3A_665, %lt3A_667 : vector<16xi1>
        tpu.vector_store_idx %arg5[%add3A_162, %get3A_662], %broadcast_in_dim3A_261 masked %and3A_668 : memref<2x10000xf32, #tpu.memory_space<vmem>>[vector<16xi32>, vector<16xi32>], vector<16xf32>, vector<16xi1>
        %cond3A_669 = arith.constant 0 : i32
        scf.yield %cond3A_669 : i32
      }
      %dma_start3A_248 = arith.constant 0 : i32
      %dma_start3A_249 = tpu.memref_slice %arg5[%select_n3A_158, %dma_start3A_248] : memref<2x10000xf32, #tpu.memory_space<vmem>> -> memref<1x10000xf32, #tpu.memory_space<vmem>>
      %dma_start3A_250 = tpu.memref_squeeze %dma_start3A_249 : memref<1x10000xf32, #tpu.memory_space<vmem>> -> memref<10000xf32, #tpu.memory_space<vmem>>
      %dma_start3A_251 = arith.constant 0 : i32
      %dma_start3A_252 = tpu.memref_slice %arg3[%add3A_149, %dma_start3A_251] : memref<10000x10000xf32, #tpu.memory_space<hbm>> -> memref<1x10000xf32, #tpu.memory_space<hbm>>
      %dma_start3A_253 = tpu.memref_squeeze %dma_start3A_252 : memref<1x10000xf32, #tpu.memory_space<hbm>> -> memref<10000xf32, #tpu.memory_space<hbm>>
      %dma_start3A_254 = arith.constant 0 : i32
      %dma_start3A_255 = tpu.memref_slice %arg3[%add3A_149, %dma_start3A_254] : memref<10000x10000xf32, #tpu.memory_space<hbm>> -> memref<1x10000xf32, #tpu.memory_space<hbm>>
      %dma_start3A_256 = tpu.memref_squeeze %dma_start3A_255 : memref<1x10000xf32, #tpu.memory_space<hbm>> -> memref<10000xf32, #tpu.memory_space<hbm>>
      %dma_start3A_257 = arith.constant 0 : i32
      %dma_start3A_258 = tpu.memref_slice %arg5[%select_n3A_158, %dma_start3A_257] : memref<2x10000xf32, #tpu.memory_space<vmem>> -> memref<1x10000xf32, #tpu.memory_space<vmem>>
      %dma_start3A_259 = tpu.memref_squeeze %dma_start3A_258 : memref<1x10000xf32, #tpu.memory_space<vmem>> -> memref<10000xf32, #tpu.memory_space<vmem>>
      tpu.enqueue_dma source(%dma_start3A_259 : memref<10000xf32, #tpu.memory_space<vmem>>) target(%dma_start3A_256 : memref<10000xf32, #tpu.memory_space<hbm>>) target_semaphore(%arg8 : memref<!tpu.dma_semaphore, #tpu.memory_space<semaphore_mem>>)
      scf.yield %cond3A_243 : f32
    }
    %while3A_120 = arith.constant 1 : i32
    %while3A_121 = scf.for %while3A_147 = %while3A_117 to %while3A_113 step %while3A_120 iter_args(%while3A_148 = %while3A_119) -> (f32)  : i32 {
      %add3A_149 = arith.addi %mul3A_2, %while3A_147 : i32
      %jit3A = arith.constant 2 : i32
      %eq3A = arith.constant 0 : i32
      %eq3A_150 = arith.cmpi eq, %jit3A, %eq3A : i32
      %jit3A_151 = arith.constant 1 : i32
      %select_n3A = arith.select %eq3A_150, %jit3A_151, %jit3A : i32
      %rem3A = arith.remsi %while3A_147, %select_n3A : i32
      %ne3A = arith.constant 0 : i32
      %ne3A_152 = arith.cmpi ne, %rem3A, %ne3A : i32
      %lt3A = arith.constant 0 : i32
      %lt3A_153 = arith.cmpi slt, %rem3A, %lt3A : i32
      %lt3A_154 = arith.constant 0 : i32
      %lt3A_155 = arith.cmpi slt, %select_n3A, %lt3A_154 : i32
      %ne3A_156 = arith.xori %lt3A_153, %lt3A_155 : i1
      %and3A = arith.andi %ne3A_156, %ne3A_152 : i1
      %add3A_157 = arith.addi %rem3A, %select_n3A : i32
      %select_n3A_158 = arith.select %and3A, %add3A_157, %rem3A : i32
      %broadcast_in_dim3A_159 = arith.constant 0 : i32
      %broadcast_in_dim3A_160 = vector.broadcast %broadcast_in_dim3A_159 : i32 to vector<16xi32>
      %add3A_161 = vector.broadcast %select_n3A_158 : i32 to vector<16xi32>
      %add3A_162 = arith.addi %broadcast_in_dim3A_160, %add3A_161 : vector<16xi32>
      %dma_wait3A_163 = arith.constant 0 : i32
      %dma_wait3A_164 = tpu.memref_slice %arg4[%select_n3A_158, %dma_wait3A_163] : memref<2x10000xf32, #tpu.memory_space<vmem>> -> memref<1x10000xf32, #tpu.memory_space<vmem>>
      %dma_wait3A_165 = tpu.memref_squeeze %dma_wait3A_164 : memref<1x10000xf32, #tpu.memory_space<vmem>> -> memref<10000xf32, #tpu.memory_space<vmem>>
      %dma_wait3A_166 = arith.constant 0 : i32
      %dma_wait3A_167 = tpu.memref_slice %arg2[%add3A_149, %dma_wait3A_166] : memref<10000x10000xf32, #tpu.memory_space<hbm>> -> memref<1x10000xf32, #tpu.memory_space<hbm>>
      %dma_wait3A_168 = tpu.memref_squeeze %dma_wait3A_167 : memref<1x10000xf32, #tpu.memory_space<hbm>> -> memref<10000xf32, #tpu.memory_space<hbm>>
      %dma_wait3A_169 = arith.constant 0 : i32
      %dma_wait3A_170 = tpu.memref_slice %arg4[%select_n3A_158, %dma_wait3A_169] : memref<2x10000xf32, #tpu.memory_space<vmem>> -> memref<1x10000xf32, #tpu.memory_space<vmem>>
      %dma_wait3A_171 = tpu.memref_squeeze %dma_wait3A_170 : memref<1x10000xf32, #tpu.memory_space<vmem>> -> memref<10000xf32, #tpu.memory_space<vmem>>
      %dma_wait3A_172 = arith.constant 0 : i32
      %dma_wait3A_173 = tpu.memref_slice %arg2[%add3A_149, %dma_wait3A_172] : memref<10000x10000xf32, #tpu.memory_space<hbm>> -> memref<1x10000xf32, #tpu.memory_space<hbm>>
      %dma_wait3A_174 = tpu.memref_squeeze %dma_wait3A_173 : memref<1x10000xf32, #tpu.memory_space<hbm>> -> memref<10000xf32, #tpu.memory_space<hbm>>
      tpu.wait_dma2 semaphore(%arg7 : memref<!tpu.dma_semaphore, #tpu.memory_space<semaphore_mem>>) src(%dma_wait3A_174 : memref<10000xf32, #tpu.memory_space<hbm>>) dst(%dma_wait3A_171 : memref<10000xf32, #tpu.memory_space<vmem>>)
      %add3A_175 = arith.constant 1 : i32
      %add3A_176 = arith.addi %while3A_147, %add3A_175 : i32
      %lt3A_177 = arith.cmpi slt, %add3A_176, %min3A_4 : i32
      %convert_element_type3A = arith.extui %lt3A_177 : i1 to i32
      %cond3A = arith.constant 0 : i32
      %cond3A_178 = arith.cmpi ne, %convert_element_type3A, %cond3A : i32
      scf.if %cond3A_178 {
        %add3A_260 = arith.constant 1 : i32
        %add3A_261 = arith.addi %add3A_149, %add3A_260 : i32
        %sub3A_262 = arith.constant 1 : i32
        %sub3A_263 = arith.subi %sub3A_262, %select_n3A_158 : i32
        %dma_start3A_264 = arith.constant 0 : i32
        %dma_start3A_265 = tpu.memref_slice %arg4[%sub3A_263, %dma_start3A_264] : memref<2x10000xf32, #tpu.memory_space<vmem>> -> memref<1x10000xf32, #tpu.memory_space<vmem>>
        %dma_start3A_266 = tpu.memref_squeeze %dma_start3A_265 : memref<1x10000xf32, #tpu.memory_space<vmem>> -> memref<10000xf32, #tpu.memory_space<vmem>>
        %dma_start3A_267 = arith.constant 0 : i32
        %dma_start3A_268 = tpu.memref_slice %arg2[%add3A_261, %dma_start3A_267] : memref<10000x10000xf32, #tpu.memory_space<hbm>> -> memref<1x10000xf32, #tpu.memory_space<hbm>>
        %dma_start3A_269 = tpu.memref_squeeze %dma_start3A_268 : memref<1x10000xf32, #tpu.memory_space<hbm>> -> memref<10000xf32, #tpu.memory_space<hbm>>
        %dma_start3A_270 = arith.constant 0 : i32
        %dma_start3A_271 = tpu.memref_slice %arg4[%sub3A_263, %dma_start3A_270] : memref<2x10000xf32, #tpu.memory_space<vmem>> -> memref<1x10000xf32, #tpu.memory_space<vmem>>
        %dma_start3A_272 = tpu.memref_squeeze %dma_start3A_271 : memref<1x10000xf32, #tpu.memory_space<vmem>> -> memref<10000xf32, #tpu.memory_space<vmem>>
        %dma_start3A_273 = arith.constant 0 : i32
        %dma_start3A_274 = tpu.memref_slice %arg2[%add3A_261, %dma_start3A_273] : memref<10000x10000xf32, #tpu.memory_space<hbm>> -> memref<1x10000xf32, #tpu.memory_space<hbm>>
        %dma_start3A_275 = tpu.memref_squeeze %dma_start3A_274 : memref<1x10000xf32, #tpu.memory_space<hbm>> -> memref<10000xf32, #tpu.memory_space<hbm>>
        tpu.enqueue_dma source(%dma_start3A_275 : memref<10000xf32, #tpu.memory_space<hbm>>) target(%dma_start3A_272 : memref<10000xf32, #tpu.memory_space<vmem>>) target_semaphore(%arg7 : memref<!tpu.dma_semaphore, #tpu.memory_space<semaphore_mem>>)
      } else {
      }
      %ge3A = arith.constant 2 : i32
      %ge3A_179 = arith.cmpi sge, %while3A_147, %ge3A : i32
      %convert_element_type3A_180 = arith.extui %ge3A_179 : i1 to i32
      %cond3A_181 = arith.constant 0 : i32
      %cond3A_182 = arith.cmpi ne, %convert_element_type3A_180, %cond3A_181 : i32
      scf.if %cond3A_182 {
        %sub3A_260 = arith.constant 2 : i32
        %sub3A_261 = arith.subi %add3A_149, %sub3A_260 : i32
        %dma_wait3A_262 = arith.constant 0 : i32
        %dma_wait3A_263 = tpu.memref_slice %arg5[%select_n3A_158, %dma_wait3A_262] : memref<2x10000xf32, #tpu.memory_space<vmem>> -> memref<1x10000xf32, #tpu.memory_space<vmem>>
        %dma_wait3A_264 = tpu.memref_squeeze %dma_wait3A_263 : memref<1x10000xf32, #tpu.memory_space<vmem>> -> memref<10000xf32, #tpu.memory_space<vmem>>
        %dma_wait3A_265 = arith.constant 0 : i32
        %dma_wait3A_266 = tpu.memref_slice %arg3[%sub3A_261, %dma_wait3A_265] : memref<10000x10000xf32, #tpu.memory_space<hbm>> -> memref<1x10000xf32, #tpu.memory_space<hbm>>
        %dma_wait3A_267 = tpu.memref_squeeze %dma_wait3A_266 : memref<1x10000xf32, #tpu.memory_space<hbm>> -> memref<10000xf32, #tpu.memory_space<hbm>>
        %dma_wait3A_268 = arith.constant 0 : i32
        %dma_wait3A_269 = tpu.memref_slice %arg3[%sub3A_261, %dma_wait3A_268] : memref<10000x10000xf32, #tpu.memory_space<hbm>> -> memref<1x10000xf32, #tpu.memory_space<hbm>>
        %dma_wait3A_270 = tpu.memref_squeeze %dma_wait3A_269 : memref<1x10000xf32, #tpu.memory_space<hbm>> -> memref<10000xf32, #tpu.memory_space<hbm>>
        %dma_wait3A_271 = arith.constant 0 : i32
        %dma_wait3A_272 = tpu.memref_slice %arg5[%select_n3A_158, %dma_wait3A_271] : memref<2x10000xf32, #tpu.memory_space<vmem>> -> memref<1x10000xf32, #tpu.memory_space<vmem>>
        %dma_wait3A_273 = tpu.memref_squeeze %dma_wait3A_272 : memref<1x10000xf32, #tpu.memory_space<vmem>> -> memref<10000xf32, #tpu.memory_space<vmem>>
        tpu.wait_dma2 semaphore(%arg8 : memref<!tpu.dma_semaphore, #tpu.memory_space<semaphore_mem>>) src(%dma_wait3A_273 : memref<10000xf32, #tpu.memory_space<vmem>>) dst(%dma_wait3A_270 : memref<10000xf32, #tpu.memory_space<hbm>>)
      } else {
      }
      %mul3A_183 = arith.constant 8.500000e-01 : f32
      %mul3A_184 = arith.mulf %while3A_148, %mul3A_183 : f32
      %broadcast_in_dim3A_185 = arith.constant 0 : i32
      %broadcast_in_dim3A_186 = vector.broadcast %broadcast_in_dim3A_185 : i32 to vector<16xi32>
      %scan3A = arith.constant 0 : i32
      %scan3A_187 = arith.constant 624 : i32
      %scan3A_188 = arith.addi %scan3A, %scan3A_187 : i32
      %scan3A_189 = arith.constant 16 : i32
      %scan3A_190 = scf.for %scan3A_260 = %scan3A to %scan3A_188 step %scan3A_189 iter_args(%scan3A_261 = %broadcast_in_dim3A_186) -> (vector<16xi32>)  : i32 {
        %mul3A_262 = arith.constant 16 : i32
        %mul3A_263 = arith.muli %scan3A_260, %mul3A_262 : i32
        %get3A_264 = arith.index_cast %select_n3A_158 : i32 to index
        %get3A_265 = arith.index_cast %mul3A_263 : i32 to index
        %get3A_266 = tpu.vector_load %arg4[%get3A_264, %get3A_265] {strides = array<i32>} : memref<2x10000xf32, #tpu.memory_space<vmem>>, vector<16xf32>,
        %gt3A_267 = vector.broadcast %mul3A_184 : f32 to vector<16xf32>
        %gt3A_268 = arith.cmpf ogt, %get3A_266, %gt3A_267 : vector<16xf32>
        %jit3A_269 = arith.constant 0.000000e+00 : f32
        %broadcast_in_dim3A_270 = vector.broadcast %jit3A_269 : f32 to vector<16xf32>
        %select_n3A_271 = arith.select %gt3A_268, %get3A_266, %broadcast_in_dim3A_270 : vector<16xi1>, vector<16xf32>
        %mul3A_272 = arith.constant 16 : i32
        %mul3A_273 = arith.muli %scan3A_260, %mul3A_272 : i32
        %swap3A_274 = arith.index_cast %select_n3A_158 : i32 to index
        %swap3A_275 = arith.index_cast %mul3A_273 : i32 to index
        %swap3A_276 = tpu.vector_load %arg5[%swap3A_274, %swap3A_275] {strides = array<i32>} : memref<2x10000xf32, #tpu.memory_space<vmem>>, vector<16xf32>,
        tpu.vector_store %arg5[%swap3A_274, %swap3A_275], %select_n3A_271 {strides = array<i32>} : memref<2x10000xf32, #tpu.memory_space<vmem>>, vector<16xf32>,
        %min3A_277 = arith.constant 23 : i32
        %min3A_278 = vector.broadcast %min3A_277 : i32 to vector<16xi32>
        %min3A_279 = arith.minsi %scan3A_261, %min3A_278 : vector<16xi32>
        %mul3A_280 = arith.constant 16 : i32
        %mul3A_281 = vector.broadcast %mul3A_280 : i32 to vector<16xi32>
        %mul3A_282 = arith.muli %min3A_279, %mul3A_281 : vector<16xi32>
        %add3A_283 = arith.addi %mul3A_282, %iota3A : vector<16xi32>
        %mul3A_284 = arith.constant 16 : i32
        %mul3A_285 = arith.muli %scan3A_260, %mul3A_284 : i32
        %add3A_286 = vector.broadcast %mul3A_285 : i32 to vector<16xi32>
        %add3A_287 = arith.addi %iota3A, %add3A_286 : vector<16xi32>
        tpu.vector_store_idx %arg6[%add3A_283], %add3A_287 masked %gt3A_268 : memref<384xi32, #tpu.memory_space<vmem>>[vector<16xi32>], vector<16xi32>, vector<16xi1>
        %convert_element_type3A_288 = arith.extui %gt3A_268 : vector<16xi1> to vector<16xi32>
        %add3A_289 = arith.addi %scan3A_261, %convert_element_type3A_288 : vector<16xi32>
        %scan3A_290 = arith.constant 1 : i32
        %scan3A_291 = arith.addi %scan3A_260, %scan3A_290 : i32
        %mul3A_292 = arith.constant 16 : i32
        %mul3A_293 = arith.muli %scan3A_291, %mul3A_292 : i32
        %get3A_294 = arith.index_cast %select_n3A_158 : i32 to index
        %get3A_295 = arith.index_cast %mul3A_293 : i32 to index
        %get3A_296 = tpu.vector_load %arg4[%get3A_294, %get3A_295] {strides = array<i32>} : memref<2x10000xf32, #tpu.memory_space<vmem>>, vector<16xf32>,
        %gt3A_297 = vector.broadcast %mul3A_184 : f32 to vector<16xf32>
        %gt3A_298 = arith.cmpf ogt, %get3A_296, %gt3A_297 : vector<16xf32>
        %jit3A_299 = arith.constant 0.000000e+00 : f32
        %broadcast_in_dim3A_300 = vector.broadcast %jit3A_299 : f32 to vector<16xf32>
        %select_n3A_301 = arith.select %gt3A_298, %get3A_296, %broadcast_in_dim3A_300 : vector<16xi1>, vector<16xf32>
        %mul3A_302 = arith.constant 16 : i32
        %mul3A_303 = arith.muli %scan3A_291, %mul3A_302 : i32
        %swap3A_304 = arith.index_cast %select_n3A_158 : i32 to index
        %swap3A_305 = arith.index_cast %mul3A_303 : i32 to index
        %swap3A_306 = tpu.vector_load %arg5[%swap3A_304, %swap3A_305] {strides = array<i32>} : memref<2x10000xf32, #tpu.memory_space<vmem>>, vector<16xf32>,
        tpu.vector_store %arg5[%swap3A_304, %swap3A_305], %select_n3A_301 {strides = array<i32>} : memref<2x10000xf32, #tpu.memory_space<vmem>>, vector<16xf32>,
        %min3A_307 = arith.constant 23 : i32
        %min3A_308 = vector.broadcast %min3A_307 : i32 to vector<16xi32>
        %min3A_309 = arith.minsi %add3A_289, %min3A_308 : vector<16xi32>
        %mul3A_310 = arith.constant 16 : i32
        %mul3A_311 = vector.broadcast %mul3A_310 : i32 to vector<16xi32>
        %mul3A_312 = arith.muli %min3A_309, %mul3A_311 : vector<16xi32>
        %add3A_313 = arith.addi %mul3A_312, %iota3A : vector<16xi32>
        %mul3A_314 = arith.constant 16 : i32
        %mul3A_315 = arith.muli %scan3A_291, %mul3A_314 : i32
        %add3A_316 = vector.broadcast %mul3A_315 : i32 to vector<16xi32>
        %add3A_317 = arith.addi %iota3A, %add3A_316 : vector<16xi32>
        tpu.vector_store_idx %arg6[%add3A_313], %add3A_317 masked %gt3A_298 : memref<384xi32, #tpu.memory_space<vmem>>[vector<16xi32>], vector<16xi32>, vector<16xi1>
        %convert_element_type3A_318 = arith.extui %gt3A_298 : vector<16xi1> to vector<16xi32>
        %add3A_319 = arith.addi %add3A_289, %convert_element_type3A_318 : vector<16xi32>
        %scan3A_320 = arith.constant 2 : i32
        %scan3A_321 = arith.addi %scan3A_260, %scan3A_320 : i32
        %mul3A_322 = arith.constant 16 : i32
        %mul3A_323 = arith.muli %scan3A_321, %mul3A_322 : i32
        %get3A_324 = arith.index_cast %select_n3A_158 : i32 to index
        %get3A_325 = arith.index_cast %mul3A_323 : i32 to index
        %get3A_326 = tpu.vector_load %arg4[%get3A_324, %get3A_325] {strides = array<i32>} : memref<2x10000xf32, #tpu.memory_space<vmem>>, vector<16xf32>,
        %gt3A_327 = vector.broadcast %mul3A_184 : f32 to vector<16xf32>
        %gt3A_328 = arith.cmpf ogt, %get3A_326, %gt3A_327 : vector<16xf32>
        %jit3A_329 = arith.constant 0.000000e+00 : f32
        %broadcast_in_dim3A_330 = vector.broadcast %jit3A_329 : f32 to vector<16xf32>
        %select_n3A_331 = arith.select %gt3A_328, %get3A_326, %broadcast_in_dim3A_330 : vector<16xi1>, vector<16xf32>
        %mul3A_332 = arith.constant 16 : i32
        %mul3A_333 = arith.muli %scan3A_321, %mul3A_332 : i32
        %swap3A_334 = arith.index_cast %select_n3A_158 : i32 to index
        %swap3A_335 = arith.index_cast %mul3A_333 : i32 to index
        %swap3A_336 = tpu.vector_load %arg5[%swap3A_334, %swap3A_335] {strides = array<i32>} : memref<2x10000xf32, #tpu.memory_space<vmem>>, vector<16xf32>,
        tpu.vector_store %arg5[%swap3A_334, %swap3A_335], %select_n3A_331 {strides = array<i32>} : memref<2x10000xf32, #tpu.memory_space<vmem>>, vector<16xf32>,
        %min3A_337 = arith.constant 23 : i32
        %min3A_338 = vector.broadcast %min3A_337 : i32 to vector<16xi32>
        %min3A_339 = arith.minsi %add3A_319, %min3A_338 : vector<16xi32>
        %mul3A_340 = arith.constant 16 : i32
        %mul3A_341 = vector.broadcast %mul3A_340 : i32 to vector<16xi32>
        %mul3A_342 = arith.muli %min3A_339, %mul3A_341 : vector<16xi32>
        %add3A_343 = arith.addi %mul3A_342, %iota3A : vector<16xi32>
        %mul3A_344 = arith.constant 16 : i32
        %mul3A_345 = arith.muli %scan3A_321, %mul3A_344 : i32
        %add3A_346 = vector.broadcast %mul3A_345 : i32 to vector<16xi32>
        %add3A_347 = arith.addi %iota3A, %add3A_346 : vector<16xi32>
        tpu.vector_store_idx %arg6[%add3A_343], %add3A_347 masked %gt3A_328 : memref<384xi32, #tpu.memory_space<vmem>>[vector<16xi32>], vector<16xi32>, vector<16xi1>
        %convert_element_type3A_348 = arith.extui %gt3A_328 : vector<16xi1> to vector<16xi32>
        %add3A_349 = arith.addi %add3A_319, %convert_element_type3A_348 : vector<16xi32>
        %scan3A_350 = arith.constant 3 : i32
        %scan3A_351 = arith.addi %scan3A_260, %scan3A_350 : i32
        %mul3A_352 = arith.constant 16 : i32
        %mul3A_353 = arith.muli %scan3A_351, %mul3A_352 : i32
        %get3A_354 = arith.index_cast %select_n3A_158 : i32 to index
        %get3A_355 = arith.index_cast %mul3A_353 : i32 to index
        %get3A_356 = tpu.vector_load %arg4[%get3A_354, %get3A_355] {strides = array<i32>} : memref<2x10000xf32, #tpu.memory_space<vmem>>, vector<16xf32>,
        %gt3A_357 = vector.broadcast %mul3A_184 : f32 to vector<16xf32>
        %gt3A_358 = arith.cmpf ogt, %get3A_356, %gt3A_357 : vector<16xf32>
        %jit3A_359 = arith.constant 0.000000e+00 : f32
        %broadcast_in_dim3A_360 = vector.broadcast %jit3A_359 : f32 to vector<16xf32>
        %select_n3A_361 = arith.select %gt3A_358, %get3A_356, %broadcast_in_dim3A_360 : vector<16xi1>, vector<16xf32>
        %mul3A_362 = arith.constant 16 : i32
        %mul3A_363 = arith.muli %scan3A_351, %mul3A_362 : i32
        %swap3A_364 = arith.index_cast %select_n3A_158 : i32 to index
        %swap3A_365 = arith.index_cast %mul3A_363 : i32 to index
        %swap3A_366 = tpu.vector_load %arg5[%swap3A_364, %swap3A_365] {strides = array<i32>} : memref<2x10000xf32, #tpu.memory_space<vmem>>, vector<16xf32>,
        tpu.vector_store %arg5[%swap3A_364, %swap3A_365], %select_n3A_361 {strides = array<i32>} : memref<2x10000xf32, #tpu.memory_space<vmem>>, vector<16xf32>,
        %min3A_367 = arith.constant 23 : i32
        %min3A_368 = vector.broadcast %min3A_367 : i32 to vector<16xi32>
        %min3A_369 = arith.minsi %add3A_349, %min3A_368 : vector<16xi32>
        %mul3A_370 = arith.constant 16 : i32
        %mul3A_371 = vector.broadcast %mul3A_370 : i32 to vector<16xi32>
        %mul3A_372 = arith.muli %min3A_369, %mul3A_371 : vector<16xi32>
        %add3A_373 = arith.addi %mul3A_372, %iota3A : vector<16xi32>
        %mul3A_374 = arith.constant 16 : i32
        %mul3A_375 = arith.muli %scan3A_351, %mul3A_374 : i32
        %add3A_376 = vector.broadcast %mul3A_375 : i32 to vector<16xi32>
        %add3A_377 = arith.addi %iota3A, %add3A_376 : vector<16xi32>
        tpu.vector_store_idx %arg6[%add3A_373], %add3A_377 masked %gt3A_358 : memref<384xi32, #tpu.memory_space<vmem>>[vector<16xi32>], vector<16xi32>, vector<16xi1>
        %convert_element_type3A_378 = arith.extui %gt3A_358 : vector<16xi1> to vector<16xi32>
        %add3A_379 = arith.addi %add3A_349, %convert_element_type3A_378 : vector<16xi32>
        %scan3A_380 = arith.constant 4 : i32
        %scan3A_381 = arith.addi %scan3A_260, %scan3A_380 : i32
        %mul3A_382 = arith.constant 16 : i32
        %mul3A_383 = arith.muli %scan3A_381, %mul3A_382 : i32
        %get3A_384 = arith.index_cast %select_n3A_158 : i32 to index
        %get3A_385 = arith.index_cast %mul3A_383 : i32 to index
        %get3A_386 = tpu.vector_load %arg4[%get3A_384, %get3A_385] {strides = array<i32>} : memref<2x10000xf32, #tpu.memory_space<vmem>>, vector<16xf32>,
        %gt3A_387 = vector.broadcast %mul3A_184 : f32 to vector<16xf32>
        %gt3A_388 = arith.cmpf ogt, %get3A_386, %gt3A_387 : vector<16xf32>
        %jit3A_389 = arith.constant 0.000000e+00 : f32
        %broadcast_in_dim3A_390 = vector.broadcast %jit3A_389 : f32 to vector<16xf32>
        %select_n3A_391 = arith.select %gt3A_388, %get3A_386, %broadcast_in_dim3A_390 : vector<16xi1>, vector<16xf32>
        %mul3A_392 = arith.constant 16 : i32
        %mul3A_393 = arith.muli %scan3A_381, %mul3A_392 : i32
        %swap3A_394 = arith.index_cast %select_n3A_158 : i32 to index
        %swap3A_395 = arith.index_cast %mul3A_393 : i32 to index
        %swap3A_396 = tpu.vector_load %arg5[%swap3A_394, %swap3A_395] {strides = array<i32>} : memref<2x10000xf32, #tpu.memory_space<vmem>>, vector<16xf32>,
        tpu.vector_store %arg5[%swap3A_394, %swap3A_395], %select_n3A_391 {strides = array<i32>} : memref<2x10000xf32, #tpu.memory_space<vmem>>, vector<16xf32>,
        %min3A_397 = arith.constant 23 : i32
        %min3A_398 = vector.broadcast %min3A_397 : i32 to vector<16xi32>
        %min3A_399 = arith.minsi %add3A_379, %min3A_398 : vector<16xi32>
        %mul3A_400 = arith.constant 16 : i32
        %mul3A_401 = vector.broadcast %mul3A_400 : i32 to vector<16xi32>
        %mul3A_402 = arith.muli %min3A_399, %mul3A_401 : vector<16xi32>
        %add3A_403 = arith.addi %mul3A_402, %iota3A : vector<16xi32>
        %mul3A_404 = arith.constant 16 : i32
        %mul3A_405 = arith.muli %scan3A_381, %mul3A_404 : i32
        %add3A_406 = vector.broadcast %mul3A_405 : i32 to vector<16xi32>
        %add3A_407 = arith.addi %iota3A, %add3A_406 : vector<16xi32>
        tpu.vector_store_idx %arg6[%add3A_403], %add3A_407 masked %gt3A_388 : memref<384xi32, #tpu.memory_space<vmem>>[vector<16xi32>], vector<16xi32>, vector<16xi1>
        %convert_element_type3A_408 = arith.extui %gt3A_388 : vector<16xi1> to vector<16xi32>
        %add3A_409 = arith.addi %add3A_379, %convert_element_type3A_408 : vector<16xi32>
        %scan3A_410 = arith.constant 5 : i32
        %scan3A_411 = arith.addi %scan3A_260, %scan3A_410 : i32
        %mul3A_412 = arith.constant 16 : i32
        %mul3A_413 = arith.muli %scan3A_411, %mul3A_412 : i32
        %get3A_414 = arith.index_cast %select_n3A_158 : i32 to index
        %get3A_415 = arith.index_cast %mul3A_413 : i32 to index
        %get3A_416 = tpu.vector_load %arg4[%get3A_414, %get3A_415] {strides = array<i32>} : memref<2x10000xf32, #tpu.memory_space<vmem>>, vector<16xf32>,
        %gt3A_417 = vector.broadcast %mul3A_184 : f32 to vector<16xf32>
        %gt3A_418 = arith.cmpf ogt, %get3A_416, %gt3A_417 : vector<16xf32>
        %jit3A_419 = arith.constant 0.000000e+00 : f32
        %broadcast_in_dim3A_420 = vector.broadcast %jit3A_419 : f32 to vector<16xf32>
        %select_n3A_421 = arith.select %gt3A_418, %get3A_416, %broadcast_in_dim3A_420 : vector<16xi1>, vector<16xf32>
        %mul3A_422 = arith.constant 16 : i32
        %mul3A_423 = arith.muli %scan3A_411, %mul3A_422 : i32
        %swap3A_424 = arith.index_cast %select_n3A_158 : i32 to index
        %swap3A_425 = arith.index_cast %mul3A_423 : i32 to index
        %swap3A_426 = tpu.vector_load %arg5[%swap3A_424, %swap3A_425] {strides = array<i32>} : memref<2x10000xf32, #tpu.memory_space<vmem>>, vector<16xf32>,
        tpu.vector_store %arg5[%swap3A_424, %swap3A_425], %select_n3A_421 {strides = array<i32>} : memref<2x10000xf32, #tpu.memory_space<vmem>>, vector<16xf32>,
        %min3A_427 = arith.constant 23 : i32
        %min3A_428 = vector.broadcast %min3A_427 : i32 to vector<16xi32>
        %min3A_429 = arith.minsi %add3A_409, %min3A_428 : vector<16xi32>
        %mul3A_430 = arith.constant 16 : i32
        %mul3A_431 = vector.broadcast %mul3A_430 : i32 to vector<16xi32>
        %mul3A_432 = arith.muli %min3A_429, %mul3A_431 : vector<16xi32>
        %add3A_433 = arith.addi %mul3A_432, %iota3A : vector<16xi32>
        %mul3A_434 = arith.constant 16 : i32
        %mul3A_435 = arith.muli %scan3A_411, %mul3A_434 : i32
        %add3A_436 = vector.broadcast %mul3A_435 : i32 to vector<16xi32>
        %add3A_437 = arith.addi %iota3A, %add3A_436 : vector<16xi32>
        tpu.vector_store_idx %arg6[%add3A_433], %add3A_437 masked %gt3A_418 : memref<384xi32, #tpu.memory_space<vmem>>[vector<16xi32>], vector<16xi32>, vector<16xi1>
        %convert_element_type3A_438 = arith.extui %gt3A_418 : vector<16xi1> to vector<16xi32>
        %add3A_439 = arith.addi %add3A_409, %convert_element_type3A_438 : vector<16xi32>
        %scan3A_440 = arith.constant 6 : i32
        %scan3A_441 = arith.addi %scan3A_260, %scan3A_440 : i32
        %mul3A_442 = arith.constant 16 : i32
        %mul3A_443 = arith.muli %scan3A_441, %mul3A_442 : i32
        %get3A_444 = arith.index_cast %select_n3A_158 : i32 to index
        %get3A_445 = arith.index_cast %mul3A_443 : i32 to index
        %get3A_446 = tpu.vector_load %arg4[%get3A_444, %get3A_445] {strides = array<i32>} : memref<2x10000xf32, #tpu.memory_space<vmem>>, vector<16xf32>,
        %gt3A_447 = vector.broadcast %mul3A_184 : f32 to vector<16xf32>
        %gt3A_448 = arith.cmpf ogt, %get3A_446, %gt3A_447 : vector<16xf32>
        %jit3A_449 = arith.constant 0.000000e+00 : f32
        %broadcast_in_dim3A_450 = vector.broadcast %jit3A_449 : f32 to vector<16xf32>
        %select_n3A_451 = arith.select %gt3A_448, %get3A_446, %broadcast_in_dim3A_450 : vector<16xi1>, vector<16xf32>
        %mul3A_452 = arith.constant 16 : i32
        %mul3A_453 = arith.muli %scan3A_441, %mul3A_452 : i32
        %swap3A_454 = arith.index_cast %select_n3A_158 : i32 to index
        %swap3A_455 = arith.index_cast %mul3A_453 : i32 to index
        %swap3A_456 = tpu.vector_load %arg5[%swap3A_454, %swap3A_455] {strides = array<i32>} : memref<2x10000xf32, #tpu.memory_space<vmem>>, vector<16xf32>,
        tpu.vector_store %arg5[%swap3A_454, %swap3A_455], %select_n3A_451 {strides = array<i32>} : memref<2x10000xf32, #tpu.memory_space<vmem>>, vector<16xf32>,
        %min3A_457 = arith.constant 23 : i32
        %min3A_458 = vector.broadcast %min3A_457 : i32 to vector<16xi32>
        %min3A_459 = arith.minsi %add3A_439, %min3A_458 : vector<16xi32>
        %mul3A_460 = arith.constant 16 : i32
        %mul3A_461 = vector.broadcast %mul3A_460 : i32 to vector<16xi32>
        %mul3A_462 = arith.muli %min3A_459, %mul3A_461 : vector<16xi32>
        %add3A_463 = arith.addi %mul3A_462, %iota3A : vector<16xi32>
        %mul3A_464 = arith.constant 16 : i32
        %mul3A_465 = arith.muli %scan3A_441, %mul3A_464 : i32
        %add3A_466 = vector.broadcast %mul3A_465 : i32 to vector<16xi32>
        %add3A_467 = arith.addi %iota3A, %add3A_466 : vector<16xi32>
        tpu.vector_store_idx %arg6[%add3A_463], %add3A_467 masked %gt3A_448 : memref<384xi32, #tpu.memory_space<vmem>>[vector<16xi32>], vector<16xi32>, vector<16xi1>
        %convert_element_type3A_468 = arith.extui %gt3A_448 : vector<16xi1> to vector<16xi32>
        %add3A_469 = arith.addi %add3A_439, %convert_element_type3A_468 : vector<16xi32>
        %scan3A_470 = arith.constant 7 : i32
        %scan3A_471 = arith.addi %scan3A_260, %scan3A_470 : i32
        %mul3A_472 = arith.constant 16 : i32
        %mul3A_473 = arith.muli %scan3A_471, %mul3A_472 : i32
        %get3A_474 = arith.index_cast %select_n3A_158 : i32 to index
        %get3A_475 = arith.index_cast %mul3A_473 : i32 to index
        %get3A_476 = tpu.vector_load %arg4[%get3A_474, %get3A_475] {strides = array<i32>} : memref<2x10000xf32, #tpu.memory_space<vmem>>, vector<16xf32>,
        %gt3A_477 = vector.broadcast %mul3A_184 : f32 to vector<16xf32>
        %gt3A_478 = arith.cmpf ogt, %get3A_476, %gt3A_477 : vector<16xf32>
        %jit3A_479 = arith.constant 0.000000e+00 : f32
        %broadcast_in_dim3A_480 = vector.broadcast %jit3A_479 : f32 to vector<16xf32>
        %select_n3A_481 = arith.select %gt3A_478, %get3A_476, %broadcast_in_dim3A_480 : vector<16xi1>, vector<16xf32>
        %mul3A_482 = arith.constant 16 : i32
        %mul3A_483 = arith.muli %scan3A_471, %mul3A_482 : i32
        %swap3A_484 = arith.index_cast %select_n3A_158 : i32 to index
        %swap3A_485 = arith.index_cast %mul3A_483 : i32 to index
        %swap3A_486 = tpu.vector_load %arg5[%swap3A_484, %swap3A_485] {strides = array<i32>} : memref<2x10000xf32, #tpu.memory_space<vmem>>, vector<16xf32>,
        tpu.vector_store %arg5[%swap3A_484, %swap3A_485], %select_n3A_481 {strides = array<i32>} : memref<2x10000xf32, #tpu.memory_space<vmem>>, vector<16xf32>,
        %min3A_487 = arith.constant 23 : i32
        %min3A_488 = vector.broadcast %min3A_487 : i32 to vector<16xi32>
        %min3A_489 = arith.minsi %add3A_469, %min3A_488 : vector<16xi32>
        %mul3A_490 = arith.constant 16 : i32
        %mul3A_491 = vector.broadcast %mul3A_490 : i32 to vector<16xi32>
        %mul3A_492 = arith.muli %min3A_489, %mul3A_491 : vector<16xi32>
        %add3A_493 = arith.addi %mul3A_492, %iota3A : vector<16xi32>
        %mul3A_494 = arith.constant 16 : i32
        %mul3A_495 = arith.muli %scan3A_471, %mul3A_494 : i32
        %add3A_496 = vector.broadcast %mul3A_495 : i32 to vector<16xi32>
        %add3A_497 = arith.addi %iota3A, %add3A_496 : vector<16xi32>
        tpu.vector_store_idx %arg6[%add3A_493], %add3A_497 masked %gt3A_478 : memref<384xi32, #tpu.memory_space<vmem>>[vector<16xi32>], vector<16xi32>, vector<16xi1>
        %convert_element_type3A_498 = arith.extui %gt3A_478 : vector<16xi1> to vector<16xi32>
        %add3A_499 = arith.addi %add3A_469, %convert_element_type3A_498 : vector<16xi32>
        %scan3A_500 = arith.constant 8 : i32
        %scan3A_501 = arith.addi %scan3A_260, %scan3A_500 : i32
        %mul3A_502 = arith.constant 16 : i32
        %mul3A_503 = arith.muli %scan3A_501, %mul3A_502 : i32
        %get3A_504 = arith.index_cast %select_n3A_158 : i32 to index
        %get3A_505 = arith.index_cast %mul3A_503 : i32 to index
        %get3A_506 = tpu.vector_load %arg4[%get3A_504, %get3A_505] {strides = array<i32>} : memref<2x10000xf32, #tpu.memory_space<vmem>>, vector<16xf32>,
        %gt3A_507 = vector.broadcast %mul3A_184 : f32 to vector<16xf32>
        %gt3A_508 = arith.cmpf ogt, %get3A_506, %gt3A_507 : vector<16xf32>
        %jit3A_509 = arith.constant 0.000000e+00 : f32
        %broadcast_in_dim3A_510 = vector.broadcast %jit3A_509 : f32 to vector<16xf32>
        %select_n3A_511 = arith.select %gt3A_508, %get3A_506, %broadcast_in_dim3A_510 : vector<16xi1>, vector<16xf32>
        %mul3A_512 = arith.constant 16 : i32
        %mul3A_513 = arith.muli %scan3A_501, %mul3A_512 : i32
        %swap3A_514 = arith.index_cast %select_n3A_158 : i32 to index
        %swap3A_515 = arith.index_cast %mul3A_513 : i32 to index
        %swap3A_516 = tpu.vector_load %arg5[%swap3A_514, %swap3A_515] {strides = array<i32>} : memref<2x10000xf32, #tpu.memory_space<vmem>>, vector<16xf32>,
        tpu.vector_store %arg5[%swap3A_514, %swap3A_515], %select_n3A_511 {strides = array<i32>} : memref<2x10000xf32, #tpu.memory_space<vmem>>, vector<16xf32>,
        %min3A_517 = arith.constant 23 : i32
        %min3A_518 = vector.broadcast %min3A_517 : i32 to vector<16xi32>
        %min3A_519 = arith.minsi %add3A_499, %min3A_518 : vector<16xi32>
        %mul3A_520 = arith.constant 16 : i32
        %mul3A_521 = vector.broadcast %mul3A_520 : i32 to vector<16xi32>
        %mul3A_522 = arith.muli %min3A_519, %mul3A_521 : vector<16xi32>
        %add3A_523 = arith.addi %mul3A_522, %iota3A : vector<16xi32>
        %mul3A_524 = arith.constant 16 : i32
        %mul3A_525 = arith.muli %scan3A_501, %mul3A_524 : i32
        %add3A_526 = vector.broadcast %mul3A_525 : i32 to vector<16xi32>
        %add3A_527 = arith.addi %iota3A, %add3A_526 : vector<16xi32>
        tpu.vector_store_idx %arg6[%add3A_523], %add3A_527 masked %gt3A_508 : memref<384xi32, #tpu.memory_space<vmem>>[vector<16xi32>], vector<16xi32>, vector<16xi1>
        %convert_element_type3A_528 = arith.extui %gt3A_508 : vector<16xi1> to vector<16xi32>
        %add3A_529 = arith.addi %add3A_499, %convert_element_type3A_528 : vector<16xi32>
        %scan3A_530 = arith.constant 9 : i32
        %scan3A_531 = arith.addi %scan3A_260, %scan3A_530 : i32
        %mul3A_532 = arith.constant 16 : i32
        %mul3A_533 = arith.muli %scan3A_531, %mul3A_532 : i32
        %get3A_534 = arith.index_cast %select_n3A_158 : i32 to index
        %get3A_535 = arith.index_cast %mul3A_533 : i32 to index
        %get3A_536 = tpu.vector_load %arg4[%get3A_534, %get3A_535] {strides = array<i32>} : memref<2x10000xf32, #tpu.memory_space<vmem>>, vector<16xf32>,
        %gt3A_537 = vector.broadcast %mul3A_184 : f32 to vector<16xf32>
        %gt3A_538 = arith.cmpf ogt, %get3A_536, %gt3A_537 : vector<16xf32>
        %jit3A_539 = arith.constant 0.000000e+00 : f32
        %broadcast_in_dim3A_540 = vector.broadcast %jit3A_539 : f32 to vector<16xf32>
        %select_n3A_541 = arith.select %gt3A_538, %get3A_536, %broadcast_in_dim3A_540 : vector<16xi1>, vector<16xf32>
        %mul3A_542 = arith.constant 16 : i32
        %mul3A_543 = arith.muli %scan3A_531, %mul3A_542 : i32
        %swap3A_544 = arith.index_cast %select_n3A_158 : i32 to index
        %swap3A_545 = arith.index_cast %mul3A_543 : i32 to index
        %swap3A_546 = tpu.vector_load %arg5[%swap3A_544, %swap3A_545] {strides = array<i32>} : memref<2x10000xf32, #tpu.memory_space<vmem>>, vector<16xf32>,
        tpu.vector_store %arg5[%swap3A_544, %swap3A_545], %select_n3A_541 {strides = array<i32>} : memref<2x10000xf32, #tpu.memory_space<vmem>>, vector<16xf32>,
        %min3A_547 = arith.constant 23 : i32
        %min3A_548 = vector.broadcast %min3A_547 : i32 to vector<16xi32>
        %min3A_549 = arith.minsi %add3A_529, %min3A_548 : vector<16xi32>
        %mul3A_550 = arith.constant 16 : i32
        %mul3A_551 = vector.broadcast %mul3A_550 : i32 to vector<16xi32>
        %mul3A_552 = arith.muli %min3A_549, %mul3A_551 : vector<16xi32>
        %add3A_553 = arith.addi %mul3A_552, %iota3A : vector<16xi32>
        %mul3A_554 = arith.constant 16 : i32
        %mul3A_555 = arith.muli %scan3A_531, %mul3A_554 : i32
        %add3A_556 = vector.broadcast %mul3A_555 : i32 to vector<16xi32>
        %add3A_557 = arith.addi %iota3A, %add3A_556 : vector<16xi32>
        tpu.vector_store_idx %arg6[%add3A_553], %add3A_557 masked %gt3A_538 : memref<384xi32, #tpu.memory_space<vmem>>[vector<16xi32>], vector<16xi32>, vector<16xi1>
        %convert_element_type3A_558 = arith.extui %gt3A_538 : vector<16xi1> to vector<16xi32>
        %add3A_559 = arith.addi %add3A_529, %convert_element_type3A_558 : vector<16xi32>
        %scan3A_560 = arith.constant 10 : i32
        %scan3A_561 = arith.addi %scan3A_260, %scan3A_560 : i32
        %mul3A_562 = arith.constant 16 : i32
        %mul3A_563 = arith.muli %scan3A_561, %mul3A_562 : i32
        %get3A_564 = arith.index_cast %select_n3A_158 : i32 to index
        %get3A_565 = arith.index_cast %mul3A_563 : i32 to index
        %get3A_566 = tpu.vector_load %arg4[%get3A_564, %get3A_565] {strides = array<i32>} : memref<2x10000xf32, #tpu.memory_space<vmem>>, vector<16xf32>,
        %gt3A_567 = vector.broadcast %mul3A_184 : f32 to vector<16xf32>
        %gt3A_568 = arith.cmpf ogt, %get3A_566, %gt3A_567 : vector<16xf32>
        %jit3A_569 = arith.constant 0.000000e+00 : f32
        %broadcast_in_dim3A_570 = vector.broadcast %jit3A_569 : f32 to vector<16xf32>
        %select_n3A_571 = arith.select %gt3A_568, %get3A_566, %broadcast_in_dim3A_570 : vector<16xi1>, vector<16xf32>
        %mul3A_572 = arith.constant 16 : i32
        %mul3A_573 = arith.muli %scan3A_561, %mul3A_572 : i32
        %swap3A_574 = arith.index_cast %select_n3A_158 : i32 to index
        %swap3A_575 = arith.index_cast %mul3A_573 : i32 to index
        %swap3A_576 = tpu.vector_load %arg5[%swap3A_574, %swap3A_575] {strides = array<i32>} : memref<2x10000xf32, #tpu.memory_space<vmem>>, vector<16xf32>,
        tpu.vector_store %arg5[%swap3A_574, %swap3A_575], %select_n3A_571 {strides = array<i32>} : memref<2x10000xf32, #tpu.memory_space<vmem>>, vector<16xf32>,
        %min3A_577 = arith.constant 23 : i32
        %min3A_578 = vector.broadcast %min3A_577 : i32 to vector<16xi32>
        %min3A_579 = arith.minsi %add3A_559, %min3A_578 : vector<16xi32>
        %mul3A_580 = arith.constant 16 : i32
        %mul3A_581 = vector.broadcast %mul3A_580 : i32 to vector<16xi32>
        %mul3A_582 = arith.muli %min3A_579, %mul3A_581 : vector<16xi32>
        %add3A_583 = arith.addi %mul3A_582, %iota3A : vector<16xi32>
        %mul3A_584 = arith.constant 16 : i32
        %mul3A_585 = arith.muli %scan3A_561, %mul3A_584 : i32
        %add3A_586 = vector.broadcast %mul3A_585 : i32 to vector<16xi32>
        %add3A_587 = arith.addi %iota3A, %add3A_586 : vector<16xi32>
        tpu.vector_store_idx %arg6[%add3A_583], %add3A_587 masked %gt3A_568 : memref<384xi32, #tpu.memory_space<vmem>>[vector<16xi32>], vector<16xi32>, vector<16xi1>
        %convert_element_type3A_588 = arith.extui %gt3A_568 : vector<16xi1> to vector<16xi32>
        %add3A_589 = arith.addi %add3A_559, %convert_element_type3A_588 : vector<16xi32>
        %scan3A_590 = arith.constant 11 : i32
        %scan3A_591 = arith.addi %scan3A_260, %scan3A_590 : i32
        %mul3A_592 = arith.constant 16 : i32
        %mul3A_593 = arith.muli %scan3A_591, %mul3A_592 : i32
        %get3A_594 = arith.index_cast %select_n3A_158 : i32 to index
        %get3A_595 = arith.index_cast %mul3A_593 : i32 to index
        %get3A_596 = tpu.vector_load %arg4[%get3A_594, %get3A_595] {strides = array<i32>} : memref<2x10000xf32, #tpu.memory_space<vmem>>, vector<16xf32>,
        %gt3A_597 = vector.broadcast %mul3A_184 : f32 to vector<16xf32>
        %gt3A_598 = arith.cmpf ogt, %get3A_596, %gt3A_597 : vector<16xf32>
        %jit3A_599 = arith.constant 0.000000e+00 : f32
        %broadcast_in_dim3A_600 = vector.broadcast %jit3A_599 : f32 to vector<16xf32>
        %select_n3A_601 = arith.select %gt3A_598, %get3A_596, %broadcast_in_dim3A_600 : vector<16xi1>, vector<16xf32>
        %mul3A_602 = arith.constant 16 : i32
        %mul3A_603 = arith.muli %scan3A_591, %mul3A_602 : i32
        %swap3A_604 = arith.index_cast %select_n3A_158 : i32 to index
        %swap3A_605 = arith.index_cast %mul3A_603 : i32 to index
        %swap3A_606 = tpu.vector_load %arg5[%swap3A_604, %swap3A_605] {strides = array<i32>} : memref<2x10000xf32, #tpu.memory_space<vmem>>, vector<16xf32>,
        tpu.vector_store %arg5[%swap3A_604, %swap3A_605], %select_n3A_601 {strides = array<i32>} : memref<2x10000xf32, #tpu.memory_space<vmem>>, vector<16xf32>,
        %min3A_607 = arith.constant 23 : i32
        %min3A_608 = vector.broadcast %min3A_607 : i32 to vector<16xi32>
        %min3A_609 = arith.minsi %add3A_589, %min3A_608 : vector<16xi32>
        %mul3A_610 = arith.constant 16 : i32
        %mul3A_611 = vector.broadcast %mul3A_610 : i32 to vector<16xi32>
        %mul3A_612 = arith.muli %min3A_609, %mul3A_611 : vector<16xi32>
        %add3A_613 = arith.addi %mul3A_612, %iota3A : vector<16xi32>
        %mul3A_614 = arith.constant 16 : i32
        %mul3A_615 = arith.muli %scan3A_591, %mul3A_614 : i32
        %add3A_616 = vector.broadcast %mul3A_615 : i32 to vector<16xi32>
        %add3A_617 = arith.addi %iota3A, %add3A_616 : vector<16xi32>
        tpu.vector_store_idx %arg6[%add3A_613], %add3A_617 masked %gt3A_598 : memref<384xi32, #tpu.memory_space<vmem>>[vector<16xi32>], vector<16xi32>, vector<16xi1>
        %convert_element_type3A_618 = arith.extui %gt3A_598 : vector<16xi1> to vector<16xi32>
        %add3A_619 = arith.addi %add3A_589, %convert_element_type3A_618 : vector<16xi32>
        %scan3A_620 = arith.constant 12 : i32
        %scan3A_621 = arith.addi %scan3A_260, %scan3A_620 : i32
        %mul3A_622 = arith.constant 16 : i32
        %mul3A_623 = arith.muli %scan3A_621, %mul3A_622 : i32
        %get3A_624 = arith.index_cast %select_n3A_158 : i32 to index
        %get3A_625 = arith.index_cast %mul3A_623 : i32 to index
        %get3A_626 = tpu.vector_load %arg4[%get3A_624, %get3A_625] {strides = array<i32>} : memref<2x10000xf32, #tpu.memory_space<vmem>>, vector<16xf32>,
        %gt3A_627 = vector.broadcast %mul3A_184 : f32 to vector<16xf32>
        %gt3A_628 = arith.cmpf ogt, %get3A_626, %gt3A_627 : vector<16xf32>
        %jit3A_629 = arith.constant 0.000000e+00 : f32
        %broadcast_in_dim3A_630 = vector.broadcast %jit3A_629 : f32 to vector<16xf32>
        %select_n3A_631 = arith.select %gt3A_628, %get3A_626, %broadcast_in_dim3A_630 : vector<16xi1>, vector<16xf32>
        %mul3A_632 = arith.constant 16 : i32
        %mul3A_633 = arith.muli %scan3A_621, %mul3A_632 : i32
        %swap3A_634 = arith.index_cast %select_n3A_158 : i32 to index
        %swap3A_635 = arith.index_cast %mul3A_633 : i32 to index
        %swap3A_636 = tpu.vector_load %arg5[%swap3A_634, %swap3A_635] {strides = array<i32>} : memref<2x10000xf32, #tpu.memory_space<vmem>>, vector<16xf32>,
        tpu.vector_store %arg5[%swap3A_634, %swap3A_635], %select_n3A_631 {strides = array<i32>} : memref<2x10000xf32, #tpu.memory_space<vmem>>, vector<16xf32>,
        %min3A_637 = arith.constant 23 : i32
        %min3A_638 = vector.broadcast %min3A_637 : i32 to vector<16xi32>
        %min3A_639 = arith.minsi %add3A_619, %min3A_638 : vector<16xi32>
        %mul3A_640 = arith.constant 16 : i32
        %mul3A_641 = vector.broadcast %mul3A_640 : i32 to vector<16xi32>
        %mul3A_642 = arith.muli %min3A_639, %mul3A_641 : vector<16xi32>
        %add3A_643 = arith.addi %mul3A_642, %iota3A : vector<16xi32>
        %mul3A_644 = arith.constant 16 : i32
        %mul3A_645 = arith.muli %scan3A_621, %mul3A_644 : i32
        %add3A_646 = vector.broadcast %mul3A_645 : i32 to vector<16xi32>
        %add3A_647 = arith.addi %iota3A, %add3A_646 : vector<16xi32>
        tpu.vector_store_idx %arg6[%add3A_643], %add3A_647 masked %gt3A_628 : memref<384xi32, #tpu.memory_space<vmem>>[vector<16xi32>], vector<16xi32>, vector<16xi1>
        %convert_element_type3A_648 = arith.extui %gt3A_628 : vector<16xi1> to vector<16xi32>
        %add3A_649 = arith.addi %add3A_619, %convert_element_type3A_648 : vector<16xi32>
        %scan3A_650 = arith.constant 13 : i32
        %scan3A_651 = arith.addi %scan3A_260, %scan3A_650 : i32
        %mul3A_652 = arith.constant 16 : i32
        %mul3A_653 = arith.muli %scan3A_651, %mul3A_652 : i32
        %get3A_654 = arith.index_cast %select_n3A_158 : i32 to index
        %get3A_655 = arith.index_cast %mul3A_653 : i32 to index
        %get3A_656 = tpu.vector_load %arg4[%get3A_654, %get3A_655] {strides = array<i32>} : memref<2x10000xf32, #tpu.memory_space<vmem>>, vector<16xf32>,
        %gt3A_657 = vector.broadcast %mul3A_184 : f32 to vector<16xf32>
        %gt3A_658 = arith.cmpf ogt, %get3A_656, %gt3A_657 : vector<16xf32>
        %jit3A_659 = arith.constant 0.000000e+00 : f32
        %broadcast_in_dim3A_660 = vector.broadcast %jit3A_659 : f32 to vector<16xf32>
        %select_n3A_661 = arith.select %gt3A_658, %get3A_656, %broadcast_in_dim3A_660 : vector<16xi1>, vector<16xf32>
        %mul3A_662 = arith.constant 16 : i32
        %mul3A_663 = arith.muli %scan3A_651, %mul3A_662 : i32
        %swap3A_664 = arith.index_cast %select_n3A_158 : i32 to index
        %swap3A_665 = arith.index_cast %mul3A_663 : i32 to index
        %swap3A_666 = tpu.vector_load %arg5[%swap3A_664, %swap3A_665] {strides = array<i32>} : memref<2x10000xf32, #tpu.memory_space<vmem>>, vector<16xf32>,
        tpu.vector_store %arg5[%swap3A_664, %swap3A_665], %select_n3A_661 {strides = array<i32>} : memref<2x10000xf32, #tpu.memory_space<vmem>>, vector<16xf32>,
        %min3A_667 = arith.constant 23 : i32
        %min3A_668 = vector.broadcast %min3A_667 : i32 to vector<16xi32>
        %min3A_669 = arith.minsi %add3A_649, %min3A_668 : vector<16xi32>
        %mul3A_670 = arith.constant 16 : i32
        %mul3A_671 = vector.broadcast %mul3A_670 : i32 to vector<16xi32>
        %mul3A_672 = arith.muli %min3A_669, %mul3A_671 : vector<16xi32>
        %add3A_673 = arith.addi %mul3A_672, %iota3A : vector<16xi32>
        %mul3A_674 = arith.constant 16 : i32
        %mul3A_675 = arith.muli %scan3A_651, %mul3A_674 : i32
        %add3A_676 = vector.broadcast %mul3A_675 : i32 to vector<16xi32>
        %add3A_677 = arith.addi %iota3A, %add3A_676 : vector<16xi32>
        tpu.vector_store_idx %arg6[%add3A_673], %add3A_677 masked %gt3A_658 : memref<384xi32, #tpu.memory_space<vmem>>[vector<16xi32>], vector<16xi32>, vector<16xi1>
        %convert_element_type3A_678 = arith.extui %gt3A_658 : vector<16xi1> to vector<16xi32>
        %add3A_679 = arith.addi %add3A_649, %convert_element_type3A_678 : vector<16xi32>
        %scan3A_680 = arith.constant 14 : i32
        %scan3A_681 = arith.addi %scan3A_260, %scan3A_680 : i32
        %mul3A_682 = arith.constant 16 : i32
        %mul3A_683 = arith.muli %scan3A_681, %mul3A_682 : i32
        %get3A_684 = arith.index_cast %select_n3A_158 : i32 to index
        %get3A_685 = arith.index_cast %mul3A_683 : i32 to index
        %get3A_686 = tpu.vector_load %arg4[%get3A_684, %get3A_685] {strides = array<i32>} : memref<2x10000xf32, #tpu.memory_space<vmem>>, vector<16xf32>,
        %gt3A_687 = vector.broadcast %mul3A_184 : f32 to vector<16xf32>
        %gt3A_688 = arith.cmpf ogt, %get3A_686, %gt3A_687 : vector<16xf32>
        %jit3A_689 = arith.constant 0.000000e+00 : f32
        %broadcast_in_dim3A_690 = vector.broadcast %jit3A_689 : f32 to vector<16xf32>
        %select_n3A_691 = arith.select %gt3A_688, %get3A_686, %broadcast_in_dim3A_690 : vector<16xi1>, vector<16xf32>
        %mul3A_692 = arith.constant 16 : i32
        %mul3A_693 = arith.muli %scan3A_681, %mul3A_692 : i32
        %swap3A_694 = arith.index_cast %select_n3A_158 : i32 to index
        %swap3A_695 = arith.index_cast %mul3A_693 : i32 to index
        %swap3A_696 = tpu.vector_load %arg5[%swap3A_694, %swap3A_695] {strides = array<i32>} : memref<2x10000xf32, #tpu.memory_space<vmem>>, vector<16xf32>,
        tpu.vector_store %arg5[%swap3A_694, %swap3A_695], %select_n3A_691 {strides = array<i32>} : memref<2x10000xf32, #tpu.memory_space<vmem>>, vector<16xf32>,
        %min3A_697 = arith.constant 23 : i32
        %min3A_698 = vector.broadcast %min3A_697 : i32 to vector<16xi32>
        %min3A_699 = arith.minsi %add3A_679, %min3A_698 : vector<16xi32>
        %mul3A_700 = arith.constant 16 : i32
        %mul3A_701 = vector.broadcast %mul3A_700 : i32 to vector<16xi32>
        %mul3A_702 = arith.muli %min3A_699, %mul3A_701 : vector<16xi32>
        %add3A_703 = arith.addi %mul3A_702, %iota3A : vector<16xi32>
        %mul3A_704 = arith.constant 16 : i32
        %mul3A_705 = arith.muli %scan3A_681, %mul3A_704 : i32
        %add3A_706 = vector.broadcast %mul3A_705 : i32 to vector<16xi32>
        %add3A_707 = arith.addi %iota3A, %add3A_706 : vector<16xi32>
        tpu.vector_store_idx %arg6[%add3A_703], %add3A_707 masked %gt3A_688 : memref<384xi32, #tpu.memory_space<vmem>>[vector<16xi32>], vector<16xi32>, vector<16xi1>
        %convert_element_type3A_708 = arith.extui %gt3A_688 : vector<16xi1> to vector<16xi32>
        %add3A_709 = arith.addi %add3A_679, %convert_element_type3A_708 : vector<16xi32>
        %scan3A_710 = arith.constant 15 : i32
        %scan3A_711 = arith.addi %scan3A_260, %scan3A_710 : i32
        %mul3A_712 = arith.constant 16 : i32
        %mul3A_713 = arith.muli %scan3A_711, %mul3A_712 : i32
        %get3A_714 = arith.index_cast %select_n3A_158 : i32 to index
        %get3A_715 = arith.index_cast %mul3A_713 : i32 to index
        %get3A_716 = tpu.vector_load %arg4[%get3A_714, %get3A_715] {strides = array<i32>} : memref<2x10000xf32, #tpu.memory_space<vmem>>, vector<16xf32>,
        %gt3A_717 = vector.broadcast %mul3A_184 : f32 to vector<16xf32>
        %gt3A_718 = arith.cmpf ogt, %get3A_716, %gt3A_717 : vector<16xf32>
        %jit3A_719 = arith.constant 0.000000e+00 : f32
        %broadcast_in_dim3A_720 = vector.broadcast %jit3A_719 : f32 to vector<16xf32>
        %select_n3A_721 = arith.select %gt3A_718, %get3A_716, %broadcast_in_dim3A_720 : vector<16xi1>, vector<16xf32>
        %mul3A_722 = arith.constant 16 : i32
        %mul3A_723 = arith.muli %scan3A_711, %mul3A_722 : i32
        %swap3A_724 = arith.index_cast %select_n3A_158 : i32 to index
        %swap3A_725 = arith.index_cast %mul3A_723 : i32 to index
        %swap3A_726 = tpu.vector_load %arg5[%swap3A_724, %swap3A_725] {strides = array<i32>} : memref<2x10000xf32, #tpu.memory_space<vmem>>, vector<16xf32>,
        tpu.vector_store %arg5[%swap3A_724, %swap3A_725], %select_n3A_721 {strides = array<i32>} : memref<2x10000xf32, #tpu.memory_space<vmem>>, vector<16xf32>,
        %min3A_727 = arith.constant 23 : i32
        %min3A_728 = vector.broadcast %min3A_727 : i32 to vector<16xi32>
        %min3A_729 = arith.minsi %add3A_709, %min3A_728 : vector<16xi32>
        %mul3A_730 = arith.constant 16 : i32
        %mul3A_731 = vector.broadcast %mul3A_730 : i32 to vector<16xi32>
        %mul3A_732 = arith.muli %min3A_729, %mul3A_731 : vector<16xi32>
        %add3A_733 = arith.addi %mul3A_732, %iota3A : vector<16xi32>
        %mul3A_734 = arith.constant 16 : i32
        %mul3A_735 = arith.muli %scan3A_711, %mul3A_734 : i32
        %add3A_736 = vector.broadcast %mul3A_735 : i32 to vector<16xi32>
        %add3A_737 = arith.addi %iota3A, %add3A_736 : vector<16xi32>
        tpu.vector_store_idx %arg6[%add3A_733], %add3A_737 masked %gt3A_718 : memref<384xi32, #tpu.memory_space<vmem>>[vector<16xi32>], vector<16xi32>, vector<16xi1>
        %convert_element_type3A_738 = arith.extui %gt3A_718 : vector<16xi1> to vector<16xi32>
        %add3A_739 = arith.addi %add3A_709, %convert_element_type3A_738 : vector<16xi32>
        scf.yield %add3A_739 : vector<16xi32>
      }
      %scan3A_191 = arith.constant 624 : i32
      %scan3A_192 = arith.addi %scan3A, %scan3A_191 : i32
      %mul3A_193 = arith.constant 16 : i32
      %mul3A_194 = arith.muli %scan3A_192, %mul3A_193 : i32
      %get3A = arith.index_cast %select_n3A_158 : i32 to index
      %get3A_195 = arith.index_cast %mul3A_194 : i32 to index
      %get3A_196 = tpu.vector_load %arg4[%get3A, %get3A_195] {strides = array<i32>} : memref<2x10000xf32, #tpu.memory_space<vmem>>, vector<16xf32>,
      %gt3A = vector.broadcast %mul3A_184 : f32 to vector<16xf32>
      %gt3A_197 = arith.cmpf ogt, %get3A_196, %gt3A : vector<16xf32>
      %jit3A_198 = arith.constant 0.000000e+00 : f32
      %broadcast_in_dim3A_199 = vector.broadcast %jit3A_198 : f32 to vector<16xf32>
      %select_n3A_200 = arith.select %gt3A_197, %get3A_196, %broadcast_in_dim3A_199 : vector<16xi1>, vector<16xf32>
      %mul3A_201 = arith.constant 16 : i32
      %mul3A_202 = arith.muli %scan3A_192, %mul3A_201 : i32
      %swap3A_203 = arith.index_cast %select_n3A_158 : i32 to index
      %swap3A_204 = arith.index_cast %mul3A_202 : i32 to index
      %swap3A_205 = tpu.vector_load %arg5[%swap3A_203, %swap3A_204] {strides = array<i32>} : memref<2x10000xf32, #tpu.memory_space<vmem>>, vector<16xf32>,
      tpu.vector_store %arg5[%swap3A_203, %swap3A_204], %select_n3A_200 {strides = array<i32>} : memref<2x10000xf32, #tpu.memory_space<vmem>>, vector<16xf32>,
      %min3A_206 = arith.constant 23 : i32
      %min3A_207 = vector.broadcast %min3A_206 : i32 to vector<16xi32>
      %min3A_208 = arith.minsi %scan3A_190, %min3A_207 : vector<16xi32>
      %mul3A_209 = arith.constant 16 : i32
      %mul3A_210 = vector.broadcast %mul3A_209 : i32 to vector<16xi32>
      %mul3A_211 = arith.muli %min3A_208, %mul3A_210 : vector<16xi32>
      %add3A_212 = arith.addi %mul3A_211, %iota3A : vector<16xi32>
      %mul3A_213 = arith.constant 16 : i32
      %mul3A_214 = arith.muli %scan3A_192, %mul3A_213 : i32
      %add3A_215 = vector.broadcast %mul3A_214 : i32 to vector<16xi32>
      %add3A_216 = arith.addi %iota3A, %add3A_215 : vector<16xi32>
      tpu.vector_store_idx %arg6[%add3A_212], %add3A_216 masked %gt3A_197 : memref<384xi32, #tpu.memory_space<vmem>>[vector<16xi32>], vector<16xi32>, vector<16xi1>
      %convert_element_type3A_217 = arith.extui %gt3A_197 : vector<16xi1> to vector<16xi32>
      %add3A_218 = arith.addi %scan3A_190, %convert_element_type3A_217 : vector<16xi32>
      %scan3A_219 = arith.constant 625 : i32
      %reduce_sum3A = arith.constant true
      %reduce_sum3A_220 = vector.broadcast %reduce_sum3A : i1 to vector<16xi1>
      %reduce_sum3A_221 = tpu.scan <sum>, %add3A_218 masked %reduce_sum3A_220 : vector<16xi32>, vector<16xi1> -> vector<16xi32>
      %reduce_sum3A_222 = vector.extract %reduce_sum3A_221[15] : i32 from vector<16xi32>
      %reduce_max3A = arith.constant true
      %reduce_max3A_223 = vector.broadcast %reduce_max3A : i1 to vector<16xi1>
      %reduce_max3A_224 = arith.constant -2147483648 : i32
      %reduce_max3A_225 = vector.broadcast %reduce_max3A_224 : i32 to vector<16xi32>
      %reduce_max3A_226 = arith.xori %add3A_218, %reduce_max3A_225 : vector<16xi32>
      %reduce_max3A_227 = tpu.scan <max>, %reduce_max3A_226 masked %reduce_max3A_223 : vector<16xi32>, vector<16xi1> -> vector<16xi32>
      %reduce_max3A_228 = arith.xori %reduce_max3A_227, %reduce_max3A_225 : vector<16xi32>
      %reduce_max3A_229 = vector.extract %reduce_max3A_228[15] : i32 from vector<16xi32>
      %lt3A_230 = arith.constant 32 : i32
      %lt3A_231 = arith.cmpi slt, %reduce_sum3A_222, %lt3A_230 : i32
      %gt3A_232 = arith.constant 24 : i32
      %gt3A_233 = arith.cmpi sgt, %reduce_max3A_229, %gt3A_232 : i32
      %or3A = arith.ori %lt3A_231, %gt3A_233 : i1
      %convert_element_type3A_234 = arith.extui %or3A : i1 to i32
      %cond3A_235 = arith.constant 0 : i32
      %cond3A_236 = arith.cmpi ne, %convert_element_type3A_234, %cond3A_235 : i32
      %cond3A_237:3 = scf.if %cond3A_236 -> (f32, vector<16xi32>, i32) {
        %broadcast_in_dim3A_260 = arith.constant 0 : i32
        %broadcast_in_dim3A_261 = vector.broadcast %broadcast_in_dim3A_260 : i32 to vector<16xi32>
        %broadcast_in_dim3A_262 = arith.constant 0xFF800000 : f32
        %broadcast_in_dim3A_263 = vector.broadcast %broadcast_in_dim3A_262 : f32 to vector<16xf32>
        %scan3A_264 = arith.constant 0 : i32
        %scan3A_265 = arith.constant 624 : i32
        %scan3A_266 = arith.addi %scan3A_264, %scan3A_265 : i32
        %scan3A_267 = arith.constant 8 : i32
        %scan3A_268:2 = scf.for %scan3A_295 = %scan3A_264 to %scan3A_266 step %scan3A_267 iter_args(%scan3A_296 = %broadcast_in_dim3A_261, %scan3A_297 = %broadcast_in_dim3A_263) -> (vector<16xi32>, vector<16xf32>)  : i32 {
          %mul3A_298 = arith.constant 16 : i32
          %mul3A_299 = arith.muli %scan3A_295, %mul3A_298 : i32
          %get3A_300 = arith.index_cast %select_n3A_158 : i32 to index
          %get3A_301 = arith.index_cast %mul3A_299 : i32 to index
          %get3A_302 = tpu.vector_load %arg4[%get3A_300, %get3A_301] {strides = array<i32>} : memref<2x10000xf32, #tpu.memory_space<vmem>>, vector<16xf32>,
          %gt3A_303 = arith.constant 0.000000e+00 : f32
          %gt3A_304 = vector.broadcast %gt3A_303 : f32 to vector<16xf32>
          %gt3A_305 = arith.cmpf ogt, %get3A_302, %gt3A_304 : vector<16xf32>
          %convert_element_type3A_306 = arith.extui %gt3A_305 : vector<16xi1> to vector<16xi32>
          %add3A_307 = arith.addi %scan3A_296, %convert_element_type3A_306 : vector<16xi32>
          %max3A_308 = arith.maximumf %scan3A_297, %get3A_302 : vector<16xf32>
          %scan3A_309 = arith.constant 1 : i32
          %scan3A_310 = arith.addi %scan3A_295, %scan3A_309 : i32
          %mul3A_311 = arith.constant 16 : i32
          %mul3A_312 = arith.muli %scan3A_310, %mul3A_311 : i32
          %get3A_313 = arith.index_cast %select_n3A_158 : i32 to index
          %get3A_314 = arith.index_cast %mul3A_312 : i32 to index
          %get3A_315 = tpu.vector_load %arg4[%get3A_313, %get3A_314] {strides = array<i32>} : memref<2x10000xf32, #tpu.memory_space<vmem>>, vector<16xf32>,
          %gt3A_316 = arith.constant 0.000000e+00 : f32
          %gt3A_317 = vector.broadcast %gt3A_316 : f32 to vector<16xf32>
          %gt3A_318 = arith.cmpf ogt, %get3A_315, %gt3A_317 : vector<16xf32>
          %convert_element_type3A_319 = arith.extui %gt3A_318 : vector<16xi1> to vector<16xi32>
          %add3A_320 = arith.addi %add3A_307, %convert_element_type3A_319 : vector<16xi32>
          %max3A_321 = arith.maximumf %max3A_308, %get3A_315 : vector<16xf32>
          %scan3A_322 = arith.constant 2 : i32
          %scan3A_323 = arith.addi %scan3A_295, %scan3A_322 : i32
          %mul3A_324 = arith.constant 16 : i32
          %mul3A_325 = arith.muli %scan3A_323, %mul3A_324 : i32
          %get3A_326 = arith.index_cast %select_n3A_158 : i32 to index
          %get3A_327 = arith.index_cast %mul3A_325 : i32 to index
          %get3A_328 = tpu.vector_load %arg4[%get3A_326, %get3A_327] {strides = array<i32>} : memref<2x10000xf32, #tpu.memory_space<vmem>>, vector<16xf32>,
          %gt3A_329 = arith.constant 0.000000e+00 : f32
          %gt3A_330 = vector.broadcast %gt3A_329 : f32 to vector<16xf32>
          %gt3A_331 = arith.cmpf ogt, %get3A_328, %gt3A_330 : vector<16xf32>
          %convert_element_type3A_332 = arith.extui %gt3A_331 : vector<16xi1> to vector<16xi32>
          %add3A_333 = arith.addi %add3A_320, %convert_element_type3A_332 : vector<16xi32>
          %max3A_334 = arith.maximumf %max3A_321, %get3A_328 : vector<16xf32>
          %scan3A_335 = arith.constant 3 : i32
          %scan3A_336 = arith.addi %scan3A_295, %scan3A_335 : i32
          %mul3A_337 = arith.constant 16 : i32
          %mul3A_338 = arith.muli %scan3A_336, %mul3A_337 : i32
          %get3A_339 = arith.index_cast %select_n3A_158 : i32 to index
          %get3A_340 = arith.index_cast %mul3A_338 : i32 to index
          %get3A_341 = tpu.vector_load %arg4[%get3A_339, %get3A_340] {strides = array<i32>} : memref<2x10000xf32, #tpu.memory_space<vmem>>, vector<16xf32>,
          %gt3A_342 = arith.constant 0.000000e+00 : f32
          %gt3A_343 = vector.broadcast %gt3A_342 : f32 to vector<16xf32>
          %gt3A_344 = arith.cmpf ogt, %get3A_341, %gt3A_343 : vector<16xf32>
          %convert_element_type3A_345 = arith.extui %gt3A_344 : vector<16xi1> to vector<16xi32>
          %add3A_346 = arith.addi %add3A_333, %convert_element_type3A_345 : vector<16xi32>
          %max3A_347 = arith.maximumf %max3A_334, %get3A_341 : vector<16xf32>
          %scan3A_348 = arith.constant 4 : i32
          %scan3A_349 = arith.addi %scan3A_295, %scan3A_348 : i32
          %mul3A_350 = arith.constant 16 : i32
          %mul3A_351 = arith.muli %scan3A_349, %mul3A_350 : i32
          %get3A_352 = arith.index_cast %select_n3A_158 : i32 to index
          %get3A_353 = arith.index_cast %mul3A_351 : i32 to index
          %get3A_354 = tpu.vector_load %arg4[%get3A_352, %get3A_353] {strides = array<i32>} : memref<2x10000xf32, #tpu.memory_space<vmem>>, vector<16xf32>,
          %gt3A_355 = arith.constant 0.000000e+00 : f32
          %gt3A_356 = vector.broadcast %gt3A_355 : f32 to vector<16xf32>
          %gt3A_357 = arith.cmpf ogt, %get3A_354, %gt3A_356 : vector<16xf32>
          %convert_element_type3A_358 = arith.extui %gt3A_357 : vector<16xi1> to vector<16xi32>
          %add3A_359 = arith.addi %add3A_346, %convert_element_type3A_358 : vector<16xi32>
          %max3A_360 = arith.maximumf %max3A_347, %get3A_354 : vector<16xf32>
          %scan3A_361 = arith.constant 5 : i32
          %scan3A_362 = arith.addi %scan3A_295, %scan3A_361 : i32
          %mul3A_363 = arith.constant 16 : i32
          %mul3A_364 = arith.muli %scan3A_362, %mul3A_363 : i32
          %get3A_365 = arith.index_cast %select_n3A_158 : i32 to index
          %get3A_366 = arith.index_cast %mul3A_364 : i32 to index
          %get3A_367 = tpu.vector_load %arg4[%get3A_365, %get3A_366] {strides = array<i32>} : memref<2x10000xf32, #tpu.memory_space<vmem>>, vector<16xf32>,
          %gt3A_368 = arith.constant 0.000000e+00 : f32
          %gt3A_369 = vector.broadcast %gt3A_368 : f32 to vector<16xf32>
          %gt3A_370 = arith.cmpf ogt, %get3A_367, %gt3A_369 : vector<16xf32>
          %convert_element_type3A_371 = arith.extui %gt3A_370 : vector<16xi1> to vector<16xi32>
          %add3A_372 = arith.addi %add3A_359, %convert_element_type3A_371 : vector<16xi32>
          %max3A_373 = arith.maximumf %max3A_360, %get3A_367 : vector<16xf32>
          %scan3A_374 = arith.constant 6 : i32
          %scan3A_375 = arith.addi %scan3A_295, %scan3A_374 : i32
          %mul3A_376 = arith.constant 16 : i32
          %mul3A_377 = arith.muli %scan3A_375, %mul3A_376 : i32
          %get3A_378 = arith.index_cast %select_n3A_158 : i32 to index
          %get3A_379 = arith.index_cast %mul3A_377 : i32 to index
          %get3A_380 = tpu.vector_load %arg4[%get3A_378, %get3A_379] {strides = array<i32>} : memref<2x10000xf32, #tpu.memory_space<vmem>>, vector<16xf32>,
          %gt3A_381 = arith.constant 0.000000e+00 : f32
          %gt3A_382 = vector.broadcast %gt3A_381 : f32 to vector<16xf32>
          %gt3A_383 = arith.cmpf ogt, %get3A_380, %gt3A_382 : vector<16xf32>
          %convert_element_type3A_384 = arith.extui %gt3A_383 : vector<16xi1> to vector<16xi32>
          %add3A_385 = arith.addi %add3A_372, %convert_element_type3A_384 : vector<16xi32>
          %max3A_386 = arith.maximumf %max3A_373, %get3A_380 : vector<16xf32>
          %scan3A_387 = arith.constant 7 : i32
          %scan3A_388 = arith.addi %scan3A_295, %scan3A_387 : i32
          %mul3A_389 = arith.constant 16 : i32
          %mul3A_390 = arith.muli %scan3A_388, %mul3A_389 : i32
          %get3A_391 = arith.index_cast %select_n3A_158 : i32 to index
          %get3A_392 = arith.index_cast %mul3A_390 : i32 to index
          %get3A_393 = tpu.vector_load %arg4[%get3A_391, %get3A_392] {strides = array<i32>} : memref<2x10000xf32, #tpu.memory_space<vmem>>, vector<16xf32>,
          %gt3A_394 = arith.constant 0.000000e+00 : f32
          %gt3A_395 = vector.broadcast %gt3A_394 : f32 to vector<16xf32>
          %gt3A_396 = arith.cmpf ogt, %get3A_393, %gt3A_395 : vector<16xf32>
          %convert_element_type3A_397 = arith.extui %gt3A_396 : vector<16xi1> to vector<16xi32>
          %add3A_398 = arith.addi %add3A_385, %convert_element_type3A_397 : vector<16xi32>
          %max3A_399 = arith.maximumf %max3A_386, %get3A_393 : vector<16xf32>
          scf.yield %add3A_398, %max3A_399 : vector<16xi32>, vector<16xf32>
        }
        %scan3A_269 = arith.constant 624 : i32
        %scan3A_270 = arith.addi %scan3A_264, %scan3A_269 : i32
        %mul3A_271 = arith.constant 16 : i32
        %mul3A_272 = arith.muli %scan3A_270, %mul3A_271 : i32
        %get3A_273 = arith.index_cast %select_n3A_158 : i32 to index
        %get3A_274 = arith.index_cast %mul3A_272 : i32 to index
        %get3A_275 = tpu.vector_load %arg4[%get3A_273, %get3A_274] {strides = array<i32>} : memref<2x10000xf32, #tpu.memory_space<vmem>>, vector<16xf32>,
        %gt3A_276 = arith.constant 0.000000e+00 : f32
        %gt3A_277 = vector.broadcast %gt3A_276 : f32 to vector<16xf32>
        %gt3A_278 = arith.cmpf ogt, %get3A_275, %gt3A_277 : vector<16xf32>
        %convert_element_type3A_279 = arith.extui %gt3A_278 : vector<16xi1> to vector<16xi32>
        %add3A_280 = arith.addi %scan3A_268#0, %convert_element_type3A_279 : vector<16xi32>
        %max3A = arith.maximumf %scan3A_268#1, %get3A_275 : vector<16xf32>
        %scan3A_281 = arith.constant 625 : i32
        %reduce_sum3A_282 = arith.constant true
        %reduce_sum3A_283 = vector.broadcast %reduce_sum3A_282 : i1 to vector<16xi1>
        %reduce_sum3A_284 = tpu.scan <sum>, %add3A_280 masked %reduce_sum3A_283 : vector<16xi32>, vector<16xi1> -> vector<16xi32>
        %reduce_sum3A_285 = vector.extract %reduce_sum3A_284[15] : i32 from vector<16xi32>
        %reduce_max3A_286 = arith.constant true
        %reduce_max3A_287 = vector.broadcast %reduce_max3A_286 : i1 to vector<16xi1>
        %reduce_max3A_288 = tpu.scan <max>, %max3A masked %reduce_max3A_287 : vector<16xf32>, vector<16xi1> -> vector<16xf32>
        %reduce_max3A_289 = vector.extract %reduce_max3A_288[15] : f32 from vector<16xf32>
        %le3A = arith.constant 32 : i32
        %le3A_290 = arith.cmpi sle, %reduce_sum3A_285, %le3A : i32
        %convert_element_type3A_291 = arith.extui %le3A_290 : i1 to i32
        %cond3A_292 = arith.constant 0 : i32
        %cond3A_293 = arith.cmpi ne, %convert_element_type3A_291, %cond3A_292 : i32
        %cond3A_294:3 = scf.if %cond3A_293 -> (f32, vector<16xi32>, i32) {
          %broadcast_in_dim3A_295 = arith.constant 0 : i32
          %broadcast_in_dim3A_296 = vector.broadcast %broadcast_in_dim3A_295 : i32 to vector<16xi32>
          %cond3A_297 = arith.constant 0.000000e+00 : f32
          %cond3A_298 = arith.constant 0 : i32
          scf.yield %cond3A_297, %broadcast_in_dim3A_296, %cond3A_298 : f32, vector<16xi32>, i32
        } else {
          %mul3A_295 = arith.constant 1.000100e+00 : f32
          %mul3A_296 = arith.mulf %reduce_max3A_289, %mul3A_295 : f32
          %add3A_297 = arith.constant 1.000000e-30 : f32
          %add3A_298 = arith.addf %mul3A_296, %add3A_297 : f32
          %while3A_299 = arith.constant 0.000000e+00 : f32
          %while3A_300 = arith.constant 0.000000e+00 : f32
          %while3A_301 = arith.constant 0 : i32
          %while3A_302:5 = scf.while (%while3A_340 = %while3A_299, %while3A_341 = %add3A_298, %while3A_342 = %while3A_300, %while3A_343 = %reduce_sum3A_285, %while3A_344 = %while3A_301) : (f32, f32, f32, i32, i32) -> (f32, f32, f32, i32, i32) {
            %lt3A_345 = arith.constant 32 : i32
            %lt3A_346 = arith.cmpi slt, %while3A_343, %lt3A_345 : i32
            %gt3A_347 = arith.constant 144 : i32
            %gt3A_348 = arith.cmpi sgt, %while3A_343, %gt3A_347 : i32
            %or3A_349 = arith.ori %lt3A_346, %gt3A_348 : i1
            %lt3A_350 = arith.constant 40 : i32
            %lt3A_351 = arith.cmpi slt, %while3A_344, %lt3A_350 : i32
            %and3A_352 = arith.andi %or3A_349, %lt3A_351 : i1
            scf.condition(%and3A_352) %while3A_340, %while3A_341, %while3A_342, %while3A_343, %while3A_344 : f32, f32, f32, i32, i32
          } do {
          ^bb0(%while3A_340: f32, %while3A_341: f32, %while3A_342: f32, %while3A_343: i32, %while3A_344: i32):
            %add3A_345 = arith.addf %while3A_340, %while3A_341 : f32
            %mul3A_346 = arith.constant 5.000000e-01 : f32
            %mul3A_347 = arith.mulf %mul3A_346, %add3A_345 : f32
            %broadcast_in_dim3A_348 = arith.constant 0 : i32
            %broadcast_in_dim3A_349 = vector.broadcast %broadcast_in_dim3A_348 : i32 to vector<16xi32>
            %broadcast_in_dim3A_350 = arith.constant 0xFF800000 : f32
            %broadcast_in_dim3A_351 = vector.broadcast %broadcast_in_dim3A_350 : f32 to vector<16xf32>
            %scan3A_352 = arith.constant 0 : i32
            %scan3A_353 = arith.constant 624 : i32
            %scan3A_354 = arith.addi %scan3A_352, %scan3A_353 : i32
            %scan3A_355 = arith.constant 8 : i32
            %scan3A_356:2 = scf.for %scan3A_384 = %scan3A_352 to %scan3A_354 step %scan3A_355 iter_args(%scan3A_385 = %broadcast_in_dim3A_349, %scan3A_386 = %broadcast_in_dim3A_351) -> (vector<16xi32>, vector<16xf32>)  : i32 {
              %mul3A_387 = arith.constant 16 : i32
              %mul3A_388 = arith.muli %scan3A_384, %mul3A_387 : i32
              %get3A_389 = arith.index_cast %select_n3A_158 : i32 to index
              %get3A_390 = arith.index_cast %mul3A_388 : i32 to index
              %get3A_391 = tpu.vector_load %arg4[%get3A_389, %get3A_390] {strides = array<i32>} : memref<2x10000xf32, #tpu.memory_space<vmem>>, vector<16xf32>,
              %gt3A_392 = vector.broadcast %mul3A_347 : f32 to vector<16xf32>
              %gt3A_393 = arith.cmpf ogt, %get3A_391, %gt3A_392 : vector<16xf32>
              %convert_element_type3A_394 = arith.extui %gt3A_393 : vector<16xi1> to vector<16xi32>
              %add3A_395 = arith.addi %scan3A_385, %convert_element_type3A_394 : vector<16xi32>
              %max3A_396 = arith.maximumf %scan3A_386, %get3A_391 : vector<16xf32>
              %scan3A_397 = arith.constant 1 : i32
              %scan3A_398 = arith.addi %scan3A_384, %scan3A_397 : i32
              %mul3A_399 = arith.constant 16 : i32
              %mul3A_400 = arith.muli %scan3A_398, %mul3A_399 : i32
              %get3A_401 = arith.index_cast %select_n3A_158 : i32 to index
              %get3A_402 = arith.index_cast %mul3A_400 : i32 to index
              %get3A_403 = tpu.vector_load %arg4[%get3A_401, %get3A_402] {strides = array<i32>} : memref<2x10000xf32, #tpu.memory_space<vmem>>, vector<16xf32>,
              %gt3A_404 = vector.broadcast %mul3A_347 : f32 to vector<16xf32>
              %gt3A_405 = arith.cmpf ogt, %get3A_403, %gt3A_404 : vector<16xf32>
              %convert_element_type3A_406 = arith.extui %gt3A_405 : vector<16xi1> to vector<16xi32>
              %add3A_407 = arith.addi %add3A_395, %convert_element_type3A_406 : vector<16xi32>
              %max3A_408 = arith.maximumf %max3A_396, %get3A_403 : vector<16xf32>
              %scan3A_409 = arith.constant 2 : i32
              %scan3A_410 = arith.addi %scan3A_384, %scan3A_409 : i32
              %mul3A_411 = arith.constant 16 : i32
              %mul3A_412 = arith.muli %scan3A_410, %mul3A_411 : i32
              %get3A_413 = arith.index_cast %select_n3A_158 : i32 to index
              %get3A_414 = arith.index_cast %mul3A_412 : i32 to index
              %get3A_415 = tpu.vector_load %arg4[%get3A_413, %get3A_414] {strides = array<i32>} : memref<2x10000xf32, #tpu.memory_space<vmem>>, vector<16xf32>,
              %gt3A_416 = vector.broadcast %mul3A_347 : f32 to vector<16xf32>
              %gt3A_417 = arith.cmpf ogt, %get3A_415, %gt3A_416 : vector<16xf32>
              %convert_element_type3A_418 = arith.extui %gt3A_417 : vector<16xi1> to vector<16xi32>
              %add3A_419 = arith.addi %add3A_407, %convert_element_type3A_418 : vector<16xi32>
              %max3A_420 = arith.maximumf %max3A_408, %get3A_415 : vector<16xf32>
              %scan3A_421 = arith.constant 3 : i32
              %scan3A_422 = arith.addi %scan3A_384, %scan3A_421 : i32
              %mul3A_423 = arith.constant 16 : i32
              %mul3A_424 = arith.muli %scan3A_422, %mul3A_423 : i32
              %get3A_425 = arith.index_cast %select_n3A_158 : i32 to index
              %get3A_426 = arith.index_cast %mul3A_424 : i32 to index
              %get3A_427 = tpu.vector_load %arg4[%get3A_425, %get3A_426] {strides = array<i32>} : memref<2x10000xf32, #tpu.memory_space<vmem>>, vector<16xf32>,
              %gt3A_428 = vector.broadcast %mul3A_347 : f32 to vector<16xf32>
              %gt3A_429 = arith.cmpf ogt, %get3A_427, %gt3A_428 : vector<16xf32>
              %convert_element_type3A_430 = arith.extui %gt3A_429 : vector<16xi1> to vector<16xi32>
              %add3A_431 = arith.addi %add3A_419, %convert_element_type3A_430 : vector<16xi32>
              %max3A_432 = arith.maximumf %max3A_420, %get3A_427 : vector<16xf32>
              %scan3A_433 = arith.constant 4 : i32
              %scan3A_434 = arith.addi %scan3A_384, %scan3A_433 : i32
              %mul3A_435 = arith.constant 16 : i32
              %mul3A_436 = arith.muli %scan3A_434, %mul3A_435 : i32
              %get3A_437 = arith.index_cast %select_n3A_158 : i32 to index
              %get3A_438 = arith.index_cast %mul3A_436 : i32 to index
              %get3A_439 = tpu.vector_load %arg4[%get3A_437, %get3A_438] {strides = array<i32>} : memref<2x10000xf32, #tpu.memory_space<vmem>>, vector<16xf32>,
              %gt3A_440 = vector.broadcast %mul3A_347 : f32 to vector<16xf32>
              %gt3A_441 = arith.cmpf ogt, %get3A_439, %gt3A_440 : vector<16xf32>
              %convert_element_type3A_442 = arith.extui %gt3A_441 : vector<16xi1> to vector<16xi32>
              %add3A_443 = arith.addi %add3A_431, %convert_element_type3A_442 : vector<16xi32>
              %max3A_444 = arith.maximumf %max3A_432, %get3A_439 : vector<16xf32>
              %scan3A_445 = arith.constant 5 : i32
              %scan3A_446 = arith.addi %scan3A_384, %scan3A_445 : i32
              %mul3A_447 = arith.constant 16 : i32
              %mul3A_448 = arith.muli %scan3A_446, %mul3A_447 : i32
              %get3A_449 = arith.index_cast %select_n3A_158 : i32 to index
              %get3A_450 = arith.index_cast %mul3A_448 : i32 to index
              %get3A_451 = tpu.vector_load %arg4[%get3A_449, %get3A_450] {strides = array<i32>} : memref<2x10000xf32, #tpu.memory_space<vmem>>, vector<16xf32>,
              %gt3A_452 = vector.broadcast %mul3A_347 : f32 to vector<16xf32>
              %gt3A_453 = arith.cmpf ogt, %get3A_451, %gt3A_452 : vector<16xf32>
              %convert_element_type3A_454 = arith.extui %gt3A_453 : vector<16xi1> to vector<16xi32>
              %add3A_455 = arith.addi %add3A_443, %convert_element_type3A_454 : vector<16xi32>
              %max3A_456 = arith.maximumf %max3A_444, %get3A_451 : vector<16xf32>
              %scan3A_457 = arith.constant 6 : i32
              %scan3A_458 = arith.addi %scan3A_384, %scan3A_457 : i32
              %mul3A_459 = arith.constant 16 : i32
              %mul3A_460 = arith.muli %scan3A_458, %mul3A_459 : i32
              %get3A_461 = arith.index_cast %select_n3A_158 : i32 to index
              %get3A_462 = arith.index_cast %mul3A_460 : i32 to index
              %get3A_463 = tpu.vector_load %arg4[%get3A_461, %get3A_462] {strides = array<i32>} : memref<2x10000xf32, #tpu.memory_space<vmem>>, vector<16xf32>,
              %gt3A_464 = vector.broadcast %mul3A_347 : f32 to vector<16xf32>
              %gt3A_465 = arith.cmpf ogt, %get3A_463, %gt3A_464 : vector<16xf32>
              %convert_element_type3A_466 = arith.extui %gt3A_465 : vector<16xi1> to vector<16xi32>
              %add3A_467 = arith.addi %add3A_455, %convert_element_type3A_466 : vector<16xi32>
              %max3A_468 = arith.maximumf %max3A_456, %get3A_463 : vector<16xf32>
              %scan3A_469 = arith.constant 7 : i32
              %scan3A_470 = arith.addi %scan3A_384, %scan3A_469 : i32
              %mul3A_471 = arith.constant 16 : i32
              %mul3A_472 = arith.muli %scan3A_470, %mul3A_471 : i32
              %get3A_473 = arith.index_cast %select_n3A_158 : i32 to index
              %get3A_474 = arith.index_cast %mul3A_472 : i32 to index
              %get3A_475 = tpu.vector_load %arg4[%get3A_473, %get3A_474] {strides = array<i32>} : memref<2x10000xf32, #tpu.memory_space<vmem>>, vector<16xf32>,
              %gt3A_476 = vector.broadcast %mul3A_347 : f32 to vector<16xf32>
              %gt3A_477 = arith.cmpf ogt, %get3A_475, %gt3A_476 : vector<16xf32>
              %convert_element_type3A_478 = arith.extui %gt3A_477 : vector<16xi1> to vector<16xi32>
              %add3A_479 = arith.addi %add3A_467, %convert_element_type3A_478 : vector<16xi32>
              %max3A_480 = arith.maximumf %max3A_468, %get3A_475 : vector<16xf32>
              scf.yield %add3A_479, %max3A_480 : vector<16xi32>, vector<16xf32>
            }
            %scan3A_357 = arith.constant 624 : i32
            %scan3A_358 = arith.addi %scan3A_352, %scan3A_357 : i32
            %mul3A_359 = arith.constant 16 : i32
            %mul3A_360 = arith.muli %scan3A_358, %mul3A_359 : i32
            %get3A_361 = arith.index_cast %select_n3A_158 : i32 to index
            %get3A_362 = arith.index_cast %mul3A_360 : i32 to index
            %get3A_363 = tpu.vector_load %arg4[%get3A_361, %get3A_362] {strides = array<i32>} : memref<2x10000xf32, #tpu.memory_space<vmem>>, vector<16xf32>,
            %gt3A_364 = vector.broadcast %mul3A_347 : f32 to vector<16xf32>
            %gt3A_365 = arith.cmpf ogt, %get3A_363, %gt3A_364 : vector<16xf32>
            %convert_element_type3A_366 = arith.extui %gt3A_365 : vector<16xi1> to vector<16xi32>
            %add3A_367 = arith.addi %scan3A_356#0, %convert_element_type3A_366 : vector<16xi32>
            %max3A_368 = arith.maximumf %scan3A_356#1, %get3A_363 : vector<16xf32>
            %scan3A_369 = arith.constant 625 : i32
            %reduce_sum3A_370 = arith.constant true
            %reduce_sum3A_371 = vector.broadcast %reduce_sum3A_370 : i1 to vector<16xi1>
            %reduce_sum3A_372 = tpu.scan <sum>, %add3A_367 masked %reduce_sum3A_371 : vector<16xi32>, vector<16xi1> -> vector<16xi32>
            %reduce_sum3A_373 = vector.extract %reduce_sum3A_372[15] : i32 from vector<16xi32>
            %reduce_max3A_374 = arith.constant true
            %reduce_max3A_375 = vector.broadcast %reduce_max3A_374 : i1 to vector<16xi1>
            %reduce_max3A_376 = tpu.scan <max>, %max3A_368 masked %reduce_max3A_375 : vector<16xf32>, vector<16xi1> -> vector<16xf32>
            %reduce_max3A_377 = vector.extract %reduce_max3A_376[15] : f32 from vector<16xf32>
            %ge3A_378 = arith.constant 32 : i32
            %ge3A_379 = arith.cmpi sge, %reduce_sum3A_373, %ge3A_378 : i32
            %select_n3A_380 = arith.select %ge3A_379, %mul3A_347, %while3A_340 : f32
            %select_n3A_381 = arith.select %ge3A_379, %while3A_341, %mul3A_347 : f32
            %add3A_382 = arith.constant 1 : i32
            %add3A_383 = arith.addi %while3A_344, %add3A_382 : i32
            scf.yield %select_n3A_380, %select_n3A_381, %mul3A_347, %reduce_sum3A_373, %add3A_383 : f32, f32, f32, i32, i32
          }
          %lt3A_303 = arith.constant 32 : i32
          %lt3A_304 = arith.cmpi slt, %while3A_302#3, %lt3A_303 : i32
          %gt3A_305 = arith.constant 144 : i32
          %gt3A_306 = arith.cmpi sgt, %while3A_302#3, %gt3A_305 : i32
          %or3A_307 = arith.ori %lt3A_304, %gt3A_306 : i1
          %select_n3A_308 = arith.select %or3A_307, %while3A_302#0, %while3A_302#2 : f32
          %broadcast_in_dim3A_309 = arith.constant 0 : i32
          %broadcast_in_dim3A_310 = vector.broadcast %broadcast_in_dim3A_309 : i32 to vector<16xi32>
          %scan3A_311 = arith.constant 0 : i32
          %scan3A_312 = arith.constant 624 : i32
          %scan3A_313 = arith.addi %scan3A_311, %scan3A_312 : i32
          %scan3A_314 = arith.constant 16 : i32
          %scan3A_315 = scf.for %scan3A_340 = %scan3A_311 to %scan3A_313 step %scan3A_314 iter_args(%scan3A_341 = %broadcast_in_dim3A_310) -> (vector<16xi32>)  : i32 {
            %mul3A_342 = arith.constant 16 : i32
            %mul3A_343 = arith.muli %scan3A_340, %mul3A_342 : i32
            %get3A_344 = arith.index_cast %select_n3A_158 : i32 to index
            %get3A_345 = arith.index_cast %mul3A_343 : i32 to index
            %get3A_346 = tpu.vector_load %arg4[%get3A_344, %get3A_345] {strides = array<i32>} : memref<2x10000xf32, #tpu.memory_space<vmem>>, vector<16xf32>,
            %gt3A_347 = vector.broadcast %select_n3A_308 : f32 to vector<16xf32>
            %gt3A_348 = arith.cmpf ogt, %get3A_346, %gt3A_347 : vector<16xf32>
            %min3A_349 = arith.constant 23 : i32
            %min3A_350 = vector.broadcast %min3A_349 : i32 to vector<16xi32>
            %min3A_351 = arith.minsi %scan3A_341, %min3A_350 : vector<16xi32>
            %mul3A_352 = arith.constant 16 : i32
            %mul3A_353 = vector.broadcast %mul3A_352 : i32 to vector<16xi32>
            %mul3A_354 = arith.muli %min3A_351, %mul3A_353 : vector<16xi32>
            %add3A_355 = arith.addi %mul3A_354, %iota3A : vector<16xi32>
            %mul3A_356 = arith.constant 16 : i32
            %mul3A_357 = arith.muli %scan3A_340, %mul3A_356 : i32
            %add3A_358 = vector.broadcast %mul3A_357 : i32 to vector<16xi32>
            %add3A_359 = arith.addi %iota3A, %add3A_358 : vector<16xi32>
            tpu.vector_store_idx %arg6[%add3A_355], %add3A_359 masked %gt3A_348 : memref<384xi32, #tpu.memory_space<vmem>>[vector<16xi32>], vector<16xi32>, vector<16xi1>
            %convert_element_type3A_360 = arith.extui %gt3A_348 : vector<16xi1> to vector<16xi32>
            %add3A_361 = arith.addi %scan3A_341, %convert_element_type3A_360 : vector<16xi32>
            %scan3A_362 = arith.constant 1 : i32
            %scan3A_363 = arith.addi %scan3A_340, %scan3A_362 : i32
            %mul3A_364 = arith.constant 16 : i32
            %mul3A_365 = arith.muli %scan3A_363, %mul3A_364 : i32
            %get3A_366 = arith.index_cast %select_n3A_158 : i32 to index
            %get3A_367 = arith.index_cast %mul3A_365 : i32 to index
            %get3A_368 = tpu.vector_load %arg4[%get3A_366, %get3A_367] {strides = array<i32>} : memref<2x10000xf32, #tpu.memory_space<vmem>>, vector<16xf32>,
            %gt3A_369 = vector.broadcast %select_n3A_308 : f32 to vector<16xf32>
            %gt3A_370 = arith.cmpf ogt, %get3A_368, %gt3A_369 : vector<16xf32>
            %min3A_371 = arith.constant 23 : i32
            %min3A_372 = vector.broadcast %min3A_371 : i32 to vector<16xi32>
            %min3A_373 = arith.minsi %add3A_361, %min3A_372 : vector<16xi32>
            %mul3A_374 = arith.constant 16 : i32
            %mul3A_375 = vector.broadcast %mul3A_374 : i32 to vector<16xi32>
            %mul3A_376 = arith.muli %min3A_373, %mul3A_375 : vector<16xi32>
            %add3A_377 = arith.addi %mul3A_376, %iota3A : vector<16xi32>
            %mul3A_378 = arith.constant 16 : i32
            %mul3A_379 = arith.muli %scan3A_363, %mul3A_378 : i32
            %add3A_380 = vector.broadcast %mul3A_379 : i32 to vector<16xi32>
            %add3A_381 = arith.addi %iota3A, %add3A_380 : vector<16xi32>
            tpu.vector_store_idx %arg6[%add3A_377], %add3A_381 masked %gt3A_370 : memref<384xi32, #tpu.memory_space<vmem>>[vector<16xi32>], vector<16xi32>, vector<16xi1>
            %convert_element_type3A_382 = arith.extui %gt3A_370 : vector<16xi1> to vector<16xi32>
            %add3A_383 = arith.addi %add3A_361, %convert_element_type3A_382 : vector<16xi32>
            %scan3A_384 = arith.constant 2 : i32
            %scan3A_385 = arith.addi %scan3A_340, %scan3A_384 : i32
            %mul3A_386 = arith.constant 16 : i32
            %mul3A_387 = arith.muli %scan3A_385, %mul3A_386 : i32
            %get3A_388 = arith.index_cast %select_n3A_158 : i32 to index
            %get3A_389 = arith.index_cast %mul3A_387 : i32 to index
            %get3A_390 = tpu.vector_load %arg4[%get3A_388, %get3A_389] {strides = array<i32>} : memref<2x10000xf32, #tpu.memory_space<vmem>>, vector<16xf32>,
            %gt3A_391 = vector.broadcast %select_n3A_308 : f32 to vector<16xf32>
            %gt3A_392 = arith.cmpf ogt, %get3A_390, %gt3A_391 : vector<16xf32>
            %min3A_393 = arith.constant 23 : i32
            %min3A_394 = vector.broadcast %min3A_393 : i32 to vector<16xi32>
            %min3A_395 = arith.minsi %add3A_383, %min3A_394 : vector<16xi32>
            %mul3A_396 = arith.constant 16 : i32
            %mul3A_397 = vector.broadcast %mul3A_396 : i32 to vector<16xi32>
            %mul3A_398 = arith.muli %min3A_395, %mul3A_397 : vector<16xi32>
            %add3A_399 = arith.addi %mul3A_398, %iota3A : vector<16xi32>
            %mul3A_400 = arith.constant 16 : i32
            %mul3A_401 = arith.muli %scan3A_385, %mul3A_400 : i32
            %add3A_402 = vector.broadcast %mul3A_401 : i32 to vector<16xi32>
            %add3A_403 = arith.addi %iota3A, %add3A_402 : vector<16xi32>
            tpu.vector_store_idx %arg6[%add3A_399], %add3A_403 masked %gt3A_392 : memref<384xi32, #tpu.memory_space<vmem>>[vector<16xi32>], vector<16xi32>, vector<16xi1>
            %convert_element_type3A_404 = arith.extui %gt3A_392 : vector<16xi1> to vector<16xi32>
            %add3A_405 = arith.addi %add3A_383, %convert_element_type3A_404 : vector<16xi32>
            %scan3A_406 = arith.constant 3 : i32
            %scan3A_407 = arith.addi %scan3A_340, %scan3A_406 : i32
            %mul3A_408 = arith.constant 16 : i32
            %mul3A_409 = arith.muli %scan3A_407, %mul3A_408 : i32
            %get3A_410 = arith.index_cast %select_n3A_158 : i32 to index
            %get3A_411 = arith.index_cast %mul3A_409 : i32 to index
            %get3A_412 = tpu.vector_load %arg4[%get3A_410, %get3A_411] {strides = array<i32>} : memref<2x10000xf32, #tpu.memory_space<vmem>>, vector<16xf32>,
            %gt3A_413 = vector.broadcast %select_n3A_308 : f32 to vector<16xf32>
            %gt3A_414 = arith.cmpf ogt, %get3A_412, %gt3A_413 : vector<16xf32>
            %min3A_415 = arith.constant 23 : i32
            %min3A_416 = vector.broadcast %min3A_415 : i32 to vector<16xi32>
            %min3A_417 = arith.minsi %add3A_405, %min3A_416 : vector<16xi32>
            %mul3A_418 = arith.constant 16 : i32
            %mul3A_419 = vector.broadcast %mul3A_418 : i32 to vector<16xi32>
            %mul3A_420 = arith.muli %min3A_417, %mul3A_419 : vector<16xi32>
            %add3A_421 = arith.addi %mul3A_420, %iota3A : vector<16xi32>
            %mul3A_422 = arith.constant 16 : i32
            %mul3A_423 = arith.muli %scan3A_407, %mul3A_422 : i32
            %add3A_424 = vector.broadcast %mul3A_423 : i32 to vector<16xi32>
            %add3A_425 = arith.addi %iota3A, %add3A_424 : vector<16xi32>
            tpu.vector_store_idx %arg6[%add3A_421], %add3A_425 masked %gt3A_414 : memref<384xi32, #tpu.memory_space<vmem>>[vector<16xi32>], vector<16xi32>, vector<16xi1>
            %convert_element_type3A_426 = arith.extui %gt3A_414 : vector<16xi1> to vector<16xi32>
            %add3A_427 = arith.addi %add3A_405, %convert_element_type3A_426 : vector<16xi32>
            %scan3A_428 = arith.constant 4 : i32
            %scan3A_429 = arith.addi %scan3A_340, %scan3A_428 : i32
            %mul3A_430 = arith.constant 16 : i32
            %mul3A_431 = arith.muli %scan3A_429, %mul3A_430 : i32
            %get3A_432 = arith.index_cast %select_n3A_158 : i32 to index
            %get3A_433 = arith.index_cast %mul3A_431 : i32 to index
            %get3A_434 = tpu.vector_load %arg4[%get3A_432, %get3A_433] {strides = array<i32>} : memref<2x10000xf32, #tpu.memory_space<vmem>>, vector<16xf32>,
            %gt3A_435 = vector.broadcast %select_n3A_308 : f32 to vector<16xf32>
            %gt3A_436 = arith.cmpf ogt, %get3A_434, %gt3A_435 : vector<16xf32>
            %min3A_437 = arith.constant 23 : i32
            %min3A_438 = vector.broadcast %min3A_437 : i32 to vector<16xi32>
            %min3A_439 = arith.minsi %add3A_427, %min3A_438 : vector<16xi32>
            %mul3A_440 = arith.constant 16 : i32
            %mul3A_441 = vector.broadcast %mul3A_440 : i32 to vector<16xi32>
            %mul3A_442 = arith.muli %min3A_439, %mul3A_441 : vector<16xi32>
            %add3A_443 = arith.addi %mul3A_442, %iota3A : vector<16xi32>
            %mul3A_444 = arith.constant 16 : i32
            %mul3A_445 = arith.muli %scan3A_429, %mul3A_444 : i32
            %add3A_446 = vector.broadcast %mul3A_445 : i32 to vector<16xi32>
            %add3A_447 = arith.addi %iota3A, %add3A_446 : vector<16xi32>
            tpu.vector_store_idx %arg6[%add3A_443], %add3A_447 masked %gt3A_436 : memref<384xi32, #tpu.memory_space<vmem>>[vector<16xi32>], vector<16xi32>, vector<16xi1>
            %convert_element_type3A_448 = arith.extui %gt3A_436 : vector<16xi1> to vector<16xi32>
            %add3A_449 = arith.addi %add3A_427, %convert_element_type3A_448 : vector<16xi32>
            %scan3A_450 = arith.constant 5 : i32
            %scan3A_451 = arith.addi %scan3A_340, %scan3A_450 : i32
            %mul3A_452 = arith.constant 16 : i32
            %mul3A_453 = arith.muli %scan3A_451, %mul3A_452 : i32
            %get3A_454 = arith.index_cast %select_n3A_158 : i32 to index
            %get3A_455 = arith.index_cast %mul3A_453 : i32 to index
            %get3A_456 = tpu.vector_load %arg4[%get3A_454, %get3A_455] {strides = array<i32>} : memref<2x10000xf32, #tpu.memory_space<vmem>>, vector<16xf32>,
            %gt3A_457 = vector.broadcast %select_n3A_308 : f32 to vector<16xf32>
            %gt3A_458 = arith.cmpf ogt, %get3A_456, %gt3A_457 : vector<16xf32>
            %min3A_459 = arith.constant 23 : i32
            %min3A_460 = vector.broadcast %min3A_459 : i32 to vector<16xi32>
            %min3A_461 = arith.minsi %add3A_449, %min3A_460 : vector<16xi32>
            %mul3A_462 = arith.constant 16 : i32
            %mul3A_463 = vector.broadcast %mul3A_462 : i32 to vector<16xi32>
            %mul3A_464 = arith.muli %min3A_461, %mul3A_463 : vector<16xi32>
            %add3A_465 = arith.addi %mul3A_464, %iota3A : vector<16xi32>
            %mul3A_466 = arith.constant 16 : i32
            %mul3A_467 = arith.muli %scan3A_451, %mul3A_466 : i32
            %add3A_468 = vector.broadcast %mul3A_467 : i32 to vector<16xi32>
            %add3A_469 = arith.addi %iota3A, %add3A_468 : vector<16xi32>
            tpu.vector_store_idx %arg6[%add3A_465], %add3A_469 masked %gt3A_458 : memref<384xi32, #tpu.memory_space<vmem>>[vector<16xi32>], vector<16xi32>, vector<16xi1>
            %convert_element_type3A_470 = arith.extui %gt3A_458 : vector<16xi1> to vector<16xi32>
            %add3A_471 = arith.addi %add3A_449, %convert_element_type3A_470 : vector<16xi32>
            %scan3A_472 = arith.constant 6 : i32
            %scan3A_473 = arith.addi %scan3A_340, %scan3A_472 : i32
            %mul3A_474 = arith.constant 16 : i32
            %mul3A_475 = arith.muli %scan3A_473, %mul3A_474 : i32
            %get3A_476 = arith.index_cast %select_n3A_158 : i32 to index
            %get3A_477 = arith.index_cast %mul3A_475 : i32 to index
            %get3A_478 = tpu.vector_load %arg4[%get3A_476, %get3A_477] {strides = array<i32>} : memref<2x10000xf32, #tpu.memory_space<vmem>>, vector<16xf32>,
            %gt3A_479 = vector.broadcast %select_n3A_308 : f32 to vector<16xf32>
            %gt3A_480 = arith.cmpf ogt, %get3A_478, %gt3A_479 : vector<16xf32>
            %min3A_481 = arith.constant 23 : i32
            %min3A_482 = vector.broadcast %min3A_481 : i32 to vector<16xi32>
            %min3A_483 = arith.minsi %add3A_471, %min3A_482 : vector<16xi32>
            %mul3A_484 = arith.constant 16 : i32
            %mul3A_485 = vector.broadcast %mul3A_484 : i32 to vector<16xi32>
            %mul3A_486 = arith.muli %min3A_483, %mul3A_485 : vector<16xi32>
            %add3A_487 = arith.addi %mul3A_486, %iota3A : vector<16xi32>
            %mul3A_488 = arith.constant 16 : i32
            %mul3A_489 = arith.muli %scan3A_473, %mul3A_488 : i32
            %add3A_490 = vector.broadcast %mul3A_489 : i32 to vector<16xi32>
            %add3A_491 = arith.addi %iota3A, %add3A_490 : vector<16xi32>
            tpu.vector_store_idx %arg6[%add3A_487], %add3A_491 masked %gt3A_480 : memref<384xi32, #tpu.memory_space<vmem>>[vector<16xi32>], vector<16xi32>, vector<16xi1>
            %convert_element_type3A_492 = arith.extui %gt3A_480 : vector<16xi1> to vector<16xi32>
            %add3A_493 = arith.addi %add3A_471, %convert_element_type3A_492 : vector<16xi32>
            %scan3A_494 = arith.constant 7 : i32
            %scan3A_495 = arith.addi %scan3A_340, %scan3A_494 : i32
            %mul3A_496 = arith.constant 16 : i32
            %mul3A_497 = arith.muli %scan3A_495, %mul3A_496 : i32
            %get3A_498 = arith.index_cast %select_n3A_158 : i32 to index
            %get3A_499 = arith.index_cast %mul3A_497 : i32 to index
            %get3A_500 = tpu.vector_load %arg4[%get3A_498, %get3A_499] {strides = array<i32>} : memref<2x10000xf32, #tpu.memory_space<vmem>>, vector<16xf32>,
            %gt3A_501 = vector.broadcast %select_n3A_308 : f32 to vector<16xf32>
            %gt3A_502 = arith.cmpf ogt, %get3A_500, %gt3A_501 : vector<16xf32>
            %min3A_503 = arith.constant 23 : i32
            %min3A_504 = vector.broadcast %min3A_503 : i32 to vector<16xi32>
            %min3A_505 = arith.minsi %add3A_493, %min3A_504 : vector<16xi32>
            %mul3A_506 = arith.constant 16 : i32
            %mul3A_507 = vector.broadcast %mul3A_506 : i32 to vector<16xi32>
            %mul3A_508 = arith.muli %min3A_505, %mul3A_507 : vector<16xi32>
            %add3A_509 = arith.addi %mul3A_508, %iota3A : vector<16xi32>
            %mul3A_510 = arith.constant 16 : i32
            %mul3A_511 = arith.muli %scan3A_495, %mul3A_510 : i32
            %add3A_512 = vector.broadcast %mul3A_511 : i32 to vector<16xi32>
            %add3A_513 = arith.addi %iota3A, %add3A_512 : vector<16xi32>
            tpu.vector_store_idx %arg6[%add3A_509], %add3A_513 masked %gt3A_502 : memref<384xi32, #tpu.memory_space<vmem>>[vector<16xi32>], vector<16xi32>, vector<16xi1>
            %convert_element_type3A_514 = arith.extui %gt3A_502 : vector<16xi1> to vector<16xi32>
            %add3A_515 = arith.addi %add3A_493, %convert_element_type3A_514 : vector<16xi32>
            %scan3A_516 = arith.constant 8 : i32
            %scan3A_517 = arith.addi %scan3A_340, %scan3A_516 : i32
            %mul3A_518 = arith.constant 16 : i32
            %mul3A_519 = arith.muli %scan3A_517, %mul3A_518 : i32
            %get3A_520 = arith.index_cast %select_n3A_158 : i32 to index
            %get3A_521 = arith.index_cast %mul3A_519 : i32 to index
            %get3A_522 = tpu.vector_load %arg4[%get3A_520, %get3A_521] {strides = array<i32>} : memref<2x10000xf32, #tpu.memory_space<vmem>>, vector<16xf32>,
            %gt3A_523 = vector.broadcast %select_n3A_308 : f32 to vector<16xf32>
            %gt3A_524 = arith.cmpf ogt, %get3A_522, %gt3A_523 : vector<16xf32>
            %min3A_525 = arith.constant 23 : i32
            %min3A_526 = vector.broadcast %min3A_525 : i32 to vector<16xi32>
            %min3A_527 = arith.minsi %add3A_515, %min3A_526 : vector<16xi32>
            %mul3A_528 = arith.constant 16 : i32
            %mul3A_529 = vector.broadcast %mul3A_528 : i32 to vector<16xi32>
            %mul3A_530 = arith.muli %min3A_527, %mul3A_529 : vector<16xi32>
            %add3A_531 = arith.addi %mul3A_530, %iota3A : vector<16xi32>
            %mul3A_532 = arith.constant 16 : i32
            %mul3A_533 = arith.muli %scan3A_517, %mul3A_532 : i32
            %add3A_534 = vector.broadcast %mul3A_533 : i32 to vector<16xi32>
            %add3A_535 = arith.addi %iota3A, %add3A_534 : vector<16xi32>
            tpu.vector_store_idx %arg6[%add3A_531], %add3A_535 masked %gt3A_524 : memref<384xi32, #tpu.memory_space<vmem>>[vector<16xi32>], vector<16xi32>, vector<16xi1>
            %convert_element_type3A_536 = arith.extui %gt3A_524 : vector<16xi1> to vector<16xi32>
            %add3A_537 = arith.addi %add3A_515, %convert_element_type3A_536 : vector<16xi32>
            %scan3A_538 = arith.constant 9 : i32
            %scan3A_539 = arith.addi %scan3A_340, %scan3A_538 : i32
            %mul3A_540 = arith.constant 16 : i32
            %mul3A_541 = arith.muli %scan3A_539, %mul3A_540 : i32
            %get3A_542 = arith.index_cast %select_n3A_158 : i32 to index
            %get3A_543 = arith.index_cast %mul3A_541 : i32 to index
            %get3A_544 = tpu.vector_load %arg4[%get3A_542, %get3A_543] {strides = array<i32>} : memref<2x10000xf32, #tpu.memory_space<vmem>>, vector<16xf32>,
            %gt3A_545 = vector.broadcast %select_n3A_308 : f32 to vector<16xf32>
            %gt3A_546 = arith.cmpf ogt, %get3A_544, %gt3A_545 : vector<16xf32>
            %min3A_547 = arith.constant 23 : i32
            %min3A_548 = vector.broadcast %min3A_547 : i32 to vector<16xi32>
            %min3A_549 = arith.minsi %add3A_537, %min3A_548 : vector<16xi32>
            %mul3A_550 = arith.constant 16 : i32
            %mul3A_551 = vector.broadcast %mul3A_550 : i32 to vector<16xi32>
            %mul3A_552 = arith.muli %min3A_549, %mul3A_551 : vector<16xi32>
            %add3A_553 = arith.addi %mul3A_552, %iota3A : vector<16xi32>
            %mul3A_554 = arith.constant 16 : i32
            %mul3A_555 = arith.muli %scan3A_539, %mul3A_554 : i32
            %add3A_556 = vector.broadcast %mul3A_555 : i32 to vector<16xi32>
            %add3A_557 = arith.addi %iota3A, %add3A_556 : vector<16xi32>
            tpu.vector_store_idx %arg6[%add3A_553], %add3A_557 masked %gt3A_546 : memref<384xi32, #tpu.memory_space<vmem>>[vector<16xi32>], vector<16xi32>, vector<16xi1>
            %convert_element_type3A_558 = arith.extui %gt3A_546 : vector<16xi1> to vector<16xi32>
            %add3A_559 = arith.addi %add3A_537, %convert_element_type3A_558 : vector<16xi32>
            %scan3A_560 = arith.constant 10 : i32
            %scan3A_561 = arith.addi %scan3A_340, %scan3A_560 : i32
            %mul3A_562 = arith.constant 16 : i32
            %mul3A_563 = arith.muli %scan3A_561, %mul3A_562 : i32
            %get3A_564 = arith.index_cast %select_n3A_158 : i32 to index
            %get3A_565 = arith.index_cast %mul3A_563 : i32 to index
            %get3A_566 = tpu.vector_load %arg4[%get3A_564, %get3A_565] {strides = array<i32>} : memref<2x10000xf32, #tpu.memory_space<vmem>>, vector<16xf32>,
            %gt3A_567 = vector.broadcast %select_n3A_308 : f32 to vector<16xf32>
            %gt3A_568 = arith.cmpf ogt, %get3A_566, %gt3A_567 : vector<16xf32>
            %min3A_569 = arith.constant 23 : i32
            %min3A_570 = vector.broadcast %min3A_569 : i32 to vector<16xi32>
            %min3A_571 = arith.minsi %add3A_559, %min3A_570 : vector<16xi32>
            %mul3A_572 = arith.constant 16 : i32
            %mul3A_573 = vector.broadcast %mul3A_572 : i32 to vector<16xi32>
            %mul3A_574 = arith.muli %min3A_571, %mul3A_573 : vector<16xi32>
            %add3A_575 = arith.addi %mul3A_574, %iota3A : vector<16xi32>
            %mul3A_576 = arith.constant 16 : i32
            %mul3A_577 = arith.muli %scan3A_561, %mul3A_576 : i32
            %add3A_578 = vector.broadcast %mul3A_577 : i32 to vector<16xi32>
            %add3A_579 = arith.addi %iota3A, %add3A_578 : vector<16xi32>
            tpu.vector_store_idx %arg6[%add3A_575], %add3A_579 masked %gt3A_568 : memref<384xi32, #tpu.memory_space<vmem>>[vector<16xi32>], vector<16xi32>, vector<16xi1>
            %convert_element_type3A_580 = arith.extui %gt3A_568 : vector<16xi1> to vector<16xi32>
            %add3A_581 = arith.addi %add3A_559, %convert_element_type3A_580 : vector<16xi32>
            %scan3A_582 = arith.constant 11 : i32
            %scan3A_583 = arith.addi %scan3A_340, %scan3A_582 : i32
            %mul3A_584 = arith.constant 16 : i32
            %mul3A_585 = arith.muli %scan3A_583, %mul3A_584 : i32
            %get3A_586 = arith.index_cast %select_n3A_158 : i32 to index
            %get3A_587 = arith.index_cast %mul3A_585 : i32 to index
            %get3A_588 = tpu.vector_load %arg4[%get3A_586, %get3A_587] {strides = array<i32>} : memref<2x10000xf32, #tpu.memory_space<vmem>>, vector<16xf32>,
            %gt3A_589 = vector.broadcast %select_n3A_308 : f32 to vector<16xf32>
            %gt3A_590 = arith.cmpf ogt, %get3A_588, %gt3A_589 : vector<16xf32>
            %min3A_591 = arith.constant 23 : i32
            %min3A_592 = vector.broadcast %min3A_591 : i32 to vector<16xi32>
            %min3A_593 = arith.minsi %add3A_581, %min3A_592 : vector<16xi32>
            %mul3A_594 = arith.constant 16 : i32
            %mul3A_595 = vector.broadcast %mul3A_594 : i32 to vector<16xi32>
            %mul3A_596 = arith.muli %min3A_593, %mul3A_595 : vector<16xi32>
            %add3A_597 = arith.addi %mul3A_596, %iota3A : vector<16xi32>
            %mul3A_598 = arith.constant 16 : i32
            %mul3A_599 = arith.muli %scan3A_583, %mul3A_598 : i32
            %add3A_600 = vector.broadcast %mul3A_599 : i32 to vector<16xi32>
            %add3A_601 = arith.addi %iota3A, %add3A_600 : vector<16xi32>
            tpu.vector_store_idx %arg6[%add3A_597], %add3A_601 masked %gt3A_590 : memref<384xi32, #tpu.memory_space<vmem>>[vector<16xi32>], vector<16xi32>, vector<16xi1>
            %convert_element_type3A_602 = arith.extui %gt3A_590 : vector<16xi1> to vector<16xi32>
            %add3A_603 = arith.addi %add3A_581, %convert_element_type3A_602 : vector<16xi32>
            %scan3A_604 = arith.constant 12 : i32
            %scan3A_605 = arith.addi %scan3A_340, %scan3A_604 : i32
            %mul3A_606 = arith.constant 16 : i32
            %mul3A_607 = arith.muli %scan3A_605, %mul3A_606 : i32
            %get3A_608 = arith.index_cast %select_n3A_158 : i32 to index
            %get3A_609 = arith.index_cast %mul3A_607 : i32 to index
            %get3A_610 = tpu.vector_load %arg4[%get3A_608, %get3A_609] {strides = array<i32>} : memref<2x10000xf32, #tpu.memory_space<vmem>>, vector<16xf32>,
            %gt3A_611 = vector.broadcast %select_n3A_308 : f32 to vector<16xf32>
            %gt3A_612 = arith.cmpf ogt, %get3A_610, %gt3A_611 : vector<16xf32>
            %min3A_613 = arith.constant 23 : i32
            %min3A_614 = vector.broadcast %min3A_613 : i32 to vector<16xi32>
            %min3A_615 = arith.minsi %add3A_603, %min3A_614 : vector<16xi32>
            %mul3A_616 = arith.constant 16 : i32
            %mul3A_617 = vector.broadcast %mul3A_616 : i32 to vector<16xi32>
            %mul3A_618 = arith.muli %min3A_615, %mul3A_617 : vector<16xi32>
            %add3A_619 = arith.addi %mul3A_618, %iota3A : vector<16xi32>
            %mul3A_620 = arith.constant 16 : i32
            %mul3A_621 = arith.muli %scan3A_605, %mul3A_620 : i32
            %add3A_622 = vector.broadcast %mul3A_621 : i32 to vector<16xi32>
            %add3A_623 = arith.addi %iota3A, %add3A_622 : vector<16xi32>
            tpu.vector_store_idx %arg6[%add3A_619], %add3A_623 masked %gt3A_612 : memref<384xi32, #tpu.memory_space<vmem>>[vector<16xi32>], vector<16xi32>, vector<16xi1>
            %convert_element_type3A_624 = arith.extui %gt3A_612 : vector<16xi1> to vector<16xi32>
            %add3A_625 = arith.addi %add3A_603, %convert_element_type3A_624 : vector<16xi32>
            %scan3A_626 = arith.constant 13 : i32
            %scan3A_627 = arith.addi %scan3A_340, %scan3A_626 : i32
            %mul3A_628 = arith.constant 16 : i32
            %mul3A_629 = arith.muli %scan3A_627, %mul3A_628 : i32
            %get3A_630 = arith.index_cast %select_n3A_158 : i32 to index
            %get3A_631 = arith.index_cast %mul3A_629 : i32 to index
            %get3A_632 = tpu.vector_load %arg4[%get3A_630, %get3A_631] {strides = array<i32>} : memref<2x10000xf32, #tpu.memory_space<vmem>>, vector<16xf32>,
            %gt3A_633 = vector.broadcast %select_n3A_308 : f32 to vector<16xf32>
            %gt3A_634 = arith.cmpf ogt, %get3A_632, %gt3A_633 : vector<16xf32>
            %min3A_635 = arith.constant 23 : i32
            %min3A_636 = vector.broadcast %min3A_635 : i32 to vector<16xi32>
            %min3A_637 = arith.minsi %add3A_625, %min3A_636 : vector<16xi32>
            %mul3A_638 = arith.constant 16 : i32
            %mul3A_639 = vector.broadcast %mul3A_638 : i32 to vector<16xi32>
            %mul3A_640 = arith.muli %min3A_637, %mul3A_639 : vector<16xi32>
            %add3A_641 = arith.addi %mul3A_640, %iota3A : vector<16xi32>
            %mul3A_642 = arith.constant 16 : i32
            %mul3A_643 = arith.muli %scan3A_627, %mul3A_642 : i32
            %add3A_644 = vector.broadcast %mul3A_643 : i32 to vector<16xi32>
            %add3A_645 = arith.addi %iota3A, %add3A_644 : vector<16xi32>
            tpu.vector_store_idx %arg6[%add3A_641], %add3A_645 masked %gt3A_634 : memref<384xi32, #tpu.memory_space<vmem>>[vector<16xi32>], vector<16xi32>, vector<16xi1>
            %convert_element_type3A_646 = arith.extui %gt3A_634 : vector<16xi1> to vector<16xi32>
            %add3A_647 = arith.addi %add3A_625, %convert_element_type3A_646 : vector<16xi32>
            %scan3A_648 = arith.constant 14 : i32
            %scan3A_649 = arith.addi %scan3A_340, %scan3A_648 : i32
            %mul3A_650 = arith.constant 16 : i32
            %mul3A_651 = arith.muli %scan3A_649, %mul3A_650 : i32
            %get3A_652 = arith.index_cast %select_n3A_158 : i32 to index
            %get3A_653 = arith.index_cast %mul3A_651 : i32 to index
            %get3A_654 = tpu.vector_load %arg4[%get3A_652, %get3A_653] {strides = array<i32>} : memref<2x10000xf32, #tpu.memory_space<vmem>>, vector<16xf32>,
            %gt3A_655 = vector.broadcast %select_n3A_308 : f32 to vector<16xf32>
            %gt3A_656 = arith.cmpf ogt, %get3A_654, %gt3A_655 : vector<16xf32>
            %min3A_657 = arith.constant 23 : i32
            %min3A_658 = vector.broadcast %min3A_657 : i32 to vector<16xi32>
            %min3A_659 = arith.minsi %add3A_647, %min3A_658 : vector<16xi32>
            %mul3A_660 = arith.constant 16 : i32
            %mul3A_661 = vector.broadcast %mul3A_660 : i32 to vector<16xi32>
            %mul3A_662 = arith.muli %min3A_659, %mul3A_661 : vector<16xi32>
            %add3A_663 = arith.addi %mul3A_662, %iota3A : vector<16xi32>
            %mul3A_664 = arith.constant 16 : i32
            %mul3A_665 = arith.muli %scan3A_649, %mul3A_664 : i32
            %add3A_666 = vector.broadcast %mul3A_665 : i32 to vector<16xi32>
            %add3A_667 = arith.addi %iota3A, %add3A_666 : vector<16xi32>
            tpu.vector_store_idx %arg6[%add3A_663], %add3A_667 masked %gt3A_656 : memref<384xi32, #tpu.memory_space<vmem>>[vector<16xi32>], vector<16xi32>, vector<16xi1>
            %convert_element_type3A_668 = arith.extui %gt3A_656 : vector<16xi1> to vector<16xi32>
            %add3A_669 = arith.addi %add3A_647, %convert_element_type3A_668 : vector<16xi32>
            %scan3A_670 = arith.constant 15 : i32
            %scan3A_671 = arith.addi %scan3A_340, %scan3A_670 : i32
            %mul3A_672 = arith.constant 16 : i32
            %mul3A_673 = arith.muli %scan3A_671, %mul3A_672 : i32
            %get3A_674 = arith.index_cast %select_n3A_158 : i32 to index
            %get3A_675 = arith.index_cast %mul3A_673 : i32 to index
            %get3A_676 = tpu.vector_load %arg4[%get3A_674, %get3A_675] {strides = array<i32>} : memref<2x10000xf32, #tpu.memory_space<vmem>>, vector<16xf32>,
            %gt3A_677 = vector.broadcast %select_n3A_308 : f32 to vector<16xf32>
            %gt3A_678 = arith.cmpf ogt, %get3A_676, %gt3A_677 : vector<16xf32>
            %min3A_679 = arith.constant 23 : i32
            %min3A_680 = vector.broadcast %min3A_679 : i32 to vector<16xi32>
            %min3A_681 = arith.minsi %add3A_669, %min3A_680 : vector<16xi32>
            %mul3A_682 = arith.constant 16 : i32
            %mul3A_683 = vector.broadcast %mul3A_682 : i32 to vector<16xi32>
            %mul3A_684 = arith.muli %min3A_681, %mul3A_683 : vector<16xi32>
            %add3A_685 = arith.addi %mul3A_684, %iota3A : vector<16xi32>
            %mul3A_686 = arith.constant 16 : i32
            %mul3A_687 = arith.muli %scan3A_671, %mul3A_686 : i32
            %add3A_688 = vector.broadcast %mul3A_687 : i32 to vector<16xi32>
            %add3A_689 = arith.addi %iota3A, %add3A_688 : vector<16xi32>
            tpu.vector_store_idx %arg6[%add3A_685], %add3A_689 masked %gt3A_678 : memref<384xi32, #tpu.memory_space<vmem>>[vector<16xi32>], vector<16xi32>, vector<16xi1>
            %convert_element_type3A_690 = arith.extui %gt3A_678 : vector<16xi1> to vector<16xi32>
            %add3A_691 = arith.addi %add3A_669, %convert_element_type3A_690 : vector<16xi32>
            scf.yield %add3A_691 : vector<16xi32>
          }
          %scan3A_316 = arith.constant 624 : i32
          %scan3A_317 = arith.addi %scan3A_311, %scan3A_316 : i32
          %mul3A_318 = arith.constant 16 : i32
          %mul3A_319 = arith.muli %scan3A_317, %mul3A_318 : i32
          %get3A_320 = arith.index_cast %select_n3A_158 : i32 to index
          %get3A_321 = arith.index_cast %mul3A_319 : i32 to index
          %get3A_322 = tpu.vector_load %arg4[%get3A_320, %get3A_321] {strides = array<i32>} : memref<2x10000xf32, #tpu.memory_space<vmem>>, vector<16xf32>,
          %gt3A_323 = vector.broadcast %select_n3A_308 : f32 to vector<16xf32>
          %gt3A_324 = arith.cmpf ogt, %get3A_322, %gt3A_323 : vector<16xf32>
          %min3A_325 = arith.constant 23 : i32
          %min3A_326 = vector.broadcast %min3A_325 : i32 to vector<16xi32>
          %min3A_327 = arith.minsi %scan3A_315, %min3A_326 : vector<16xi32>
          %mul3A_328 = arith.constant 16 : i32
          %mul3A_329 = vector.broadcast %mul3A_328 : i32 to vector<16xi32>
          %mul3A_330 = arith.muli %min3A_327, %mul3A_329 : vector<16xi32>
          %add3A_331 = arith.addi %mul3A_330, %iota3A : vector<16xi32>
          %mul3A_332 = arith.constant 16 : i32
          %mul3A_333 = arith.muli %scan3A_317, %mul3A_332 : i32
          %add3A_334 = vector.broadcast %mul3A_333 : i32 to vector<16xi32>
          %add3A_335 = arith.addi %iota3A, %add3A_334 : vector<16xi32>
          tpu.vector_store_idx %arg6[%add3A_331], %add3A_335 masked %gt3A_324 : memref<384xi32, #tpu.memory_space<vmem>>[vector<16xi32>], vector<16xi32>, vector<16xi1>
          %convert_element_type3A_336 = arith.extui %gt3A_324 : vector<16xi1> to vector<16xi32>
          %add3A_337 = arith.addi %scan3A_315, %convert_element_type3A_336 : vector<16xi32>
          %scan3A_338 = arith.constant 625 : i32
          %cond3A_339 = arith.constant 1 : i32
          scf.yield %select_n3A_308, %add3A_337, %cond3A_339 : f32, vector<16xi32>, i32
        }
        scf.yield %cond3A_294#0, %cond3A_294#1, %cond3A_294#2 : f32, vector<16xi32>, i32
      } else {
        %cond3A_260 = arith.constant 1 : i32
        scf.yield %mul3A_184, %add3A_218, %cond3A_260 : f32, vector<16xi32>, i32
      }
      %ne3A_238 = arith.constant 0 : i32
      %ne3A_239 = arith.cmpi ne, %cond3A_237#2, %ne3A_238 : i32
      %convert_element_type3A_240 = arith.extui %ne3A_239 : i1 to i32
      %cond3A_241 = arith.constant 0 : i32
      %cond3A_242 = arith.cmpi ne, %convert_element_type3A_240, %cond3A_241 : i32
      %cond3A_243 = scf.if %cond3A_242 -> (f32) {
        %get3A_260 = arith.constant 0 : index
        %get3A_261 = tpu.vector_load %arg6[%get3A_260] {strides = array<i32>} : memref<384xi32, #tpu.memory_space<vmem>>, vector<16xi32>,
        %gather3A = tpu.vector_load_idx %arg4[%add3A_162, %get3A_261] : memref<2x10000xf32, #tpu.memory_space<vmem>>[vector<16xi32>, vector<16xi32>], vector<16xf32>,
        %gt3A_262 = arith.constant 0 : i32
        %gt3A_263 = vector.broadcast %gt3A_262 : i32 to vector<16xi32>
        %gt3A_264 = arith.cmpi sgt, %cond3A_237#1, %gt3A_263 : vector<16xi32>
        %jit3A_265 = arith.constant 0.000000e+00 : f32
        %broadcast_in_dim3A_266 = vector.broadcast %jit3A_265 : f32 to vector<16xf32>
        %select_n3A_267 = arith.select %gt3A_264, %gather3A, %broadcast_in_dim3A_266 : vector<16xi1>, vector<16xf32>
        %get3A_268 = arith.constant 16 : index
        %get3A_269 = tpu.vector_load %arg6[%get3A_268] {strides = array<i32>} : memref<384xi32, #tpu.memory_space<vmem>>, vector<16xi32>,
        %gather3A_270 = tpu.vector_load_idx %arg4[%add3A_162, %get3A_269] : memref<2x10000xf32, #tpu.memory_space<vmem>>[vector<16xi32>, vector<16xi32>], vector<16xf32>,
        %gt3A_271 = arith.constant 1 : i32
        %gt3A_272 = vector.broadcast %gt3A_271 : i32 to vector<16xi32>
        %gt3A_273 = arith.cmpi sgt, %cond3A_237#1, %gt3A_272 : vector<16xi32>
        %jit3A_274 = arith.constant 0.000000e+00 : f32
        %broadcast_in_dim3A_275 = vector.broadcast %jit3A_274 : f32 to vector<16xf32>
        %select_n3A_276 = arith.select %gt3A_273, %gather3A_270, %broadcast_in_dim3A_275 : vector<16xi1>, vector<16xf32>
        %get3A_277 = arith.constant 32 : index
        %get3A_278 = tpu.vector_load %arg6[%get3A_277] {strides = array<i32>} : memref<384xi32, #tpu.memory_space<vmem>>, vector<16xi32>,
        %gather3A_279 = tpu.vector_load_idx %arg4[%add3A_162, %get3A_278] : memref<2x10000xf32, #tpu.memory_space<vmem>>[vector<16xi32>, vector<16xi32>], vector<16xf32>,
        %gt3A_280 = arith.constant 2 : i32
        %gt3A_281 = vector.broadcast %gt3A_280 : i32 to vector<16xi32>
        %gt3A_282 = arith.cmpi sgt, %cond3A_237#1, %gt3A_281 : vector<16xi32>
        %jit3A_283 = arith.constant 0.000000e+00 : f32
        %broadcast_in_dim3A_284 = vector.broadcast %jit3A_283 : f32 to vector<16xf32>
        %select_n3A_285 = arith.select %gt3A_282, %gather3A_279, %broadcast_in_dim3A_284 : vector<16xi1>, vector<16xf32>
        %get3A_286 = arith.constant 48 : index
        %get3A_287 = tpu.vector_load %arg6[%get3A_286] {strides = array<i32>} : memref<384xi32, #tpu.memory_space<vmem>>, vector<16xi32>,
        %gather3A_288 = tpu.vector_load_idx %arg4[%add3A_162, %get3A_287] : memref<2x10000xf32, #tpu.memory_space<vmem>>[vector<16xi32>, vector<16xi32>], vector<16xf32>,
        %gt3A_289 = arith.constant 3 : i32
        %gt3A_290 = vector.broadcast %gt3A_289 : i32 to vector<16xi32>
        %gt3A_291 = arith.cmpi sgt, %cond3A_237#1, %gt3A_290 : vector<16xi32>
        %jit3A_292 = arith.constant 0.000000e+00 : f32
        %broadcast_in_dim3A_293 = vector.broadcast %jit3A_292 : f32 to vector<16xf32>
        %select_n3A_294 = arith.select %gt3A_291, %gather3A_288, %broadcast_in_dim3A_293 : vector<16xi1>, vector<16xf32>
        %get3A_295 = arith.constant 64 : index
        %get3A_296 = tpu.vector_load %arg6[%get3A_295] {strides = array<i32>} : memref<384xi32, #tpu.memory_space<vmem>>, vector<16xi32>,
        %gather3A_297 = tpu.vector_load_idx %arg4[%add3A_162, %get3A_296] : memref<2x10000xf32, #tpu.memory_space<vmem>>[vector<16xi32>, vector<16xi32>], vector<16xf32>,
        %gt3A_298 = arith.constant 4 : i32
        %gt3A_299 = vector.broadcast %gt3A_298 : i32 to vector<16xi32>
        %gt3A_300 = arith.cmpi sgt, %cond3A_237#1, %gt3A_299 : vector<16xi32>
        %jit3A_301 = arith.constant 0.000000e+00 : f32
        %broadcast_in_dim3A_302 = vector.broadcast %jit3A_301 : f32 to vector<16xf32>
        %select_n3A_303 = arith.select %gt3A_300, %gather3A_297, %broadcast_in_dim3A_302 : vector<16xi1>, vector<16xf32>
        %get3A_304 = arith.constant 80 : index
        %get3A_305 = tpu.vector_load %arg6[%get3A_304] {strides = array<i32>} : memref<384xi32, #tpu.memory_space<vmem>>, vector<16xi32>,
        %gather3A_306 = tpu.vector_load_idx %arg4[%add3A_162, %get3A_305] : memref<2x10000xf32, #tpu.memory_space<vmem>>[vector<16xi32>, vector<16xi32>], vector<16xf32>,
        %gt3A_307 = arith.constant 5 : i32
        %gt3A_308 = vector.broadcast %gt3A_307 : i32 to vector<16xi32>
        %gt3A_309 = arith.cmpi sgt, %cond3A_237#1, %gt3A_308 : vector<16xi32>
        %jit3A_310 = arith.constant 0.000000e+00 : f32
        %broadcast_in_dim3A_311 = vector.broadcast %jit3A_310 : f32 to vector<16xf32>
        %select_n3A_312 = arith.select %gt3A_309, %gather3A_306, %broadcast_in_dim3A_311 : vector<16xi1>, vector<16xf32>
        %get3A_313 = arith.constant 96 : index
        %get3A_314 = tpu.vector_load %arg6[%get3A_313] {strides = array<i32>} : memref<384xi32, #tpu.memory_space<vmem>>, vector<16xi32>,
        %gather3A_315 = tpu.vector_load_idx %arg4[%add3A_162, %get3A_314] : memref<2x10000xf32, #tpu.memory_space<vmem>>[vector<16xi32>, vector<16xi32>], vector<16xf32>,
        %gt3A_316 = arith.constant 6 : i32
        %gt3A_317 = vector.broadcast %gt3A_316 : i32 to vector<16xi32>
        %gt3A_318 = arith.cmpi sgt, %cond3A_237#1, %gt3A_317 : vector<16xi32>
        %jit3A_319 = arith.constant 0.000000e+00 : f32
        %broadcast_in_dim3A_320 = vector.broadcast %jit3A_319 : f32 to vector<16xf32>
        %select_n3A_321 = arith.select %gt3A_318, %gather3A_315, %broadcast_in_dim3A_320 : vector<16xi1>, vector<16xf32>
        %get3A_322 = arith.constant 112 : index
        %get3A_323 = tpu.vector_load %arg6[%get3A_322] {strides = array<i32>} : memref<384xi32, #tpu.memory_space<vmem>>, vector<16xi32>,
        %gather3A_324 = tpu.vector_load_idx %arg4[%add3A_162, %get3A_323] : memref<2x10000xf32, #tpu.memory_space<vmem>>[vector<16xi32>, vector<16xi32>], vector<16xf32>,
        %gt3A_325 = arith.constant 7 : i32
        %gt3A_326 = vector.broadcast %gt3A_325 : i32 to vector<16xi32>
        %gt3A_327 = arith.cmpi sgt, %cond3A_237#1, %gt3A_326 : vector<16xi32>
        %jit3A_328 = arith.constant 0.000000e+00 : f32
        %broadcast_in_dim3A_329 = vector.broadcast %jit3A_328 : f32 to vector<16xf32>
        %select_n3A_330 = arith.select %gt3A_327, %gather3A_324, %broadcast_in_dim3A_329 : vector<16xi1>, vector<16xf32>
        %get3A_331 = arith.constant 128 : index
        %get3A_332 = tpu.vector_load %arg6[%get3A_331] {strides = array<i32>} : memref<384xi32, #tpu.memory_space<vmem>>, vector<16xi32>,
        %gather3A_333 = tpu.vector_load_idx %arg4[%add3A_162, %get3A_332] : memref<2x10000xf32, #tpu.memory_space<vmem>>[vector<16xi32>, vector<16xi32>], vector<16xf32>,
        %gt3A_334 = arith.constant 8 : i32
        %gt3A_335 = vector.broadcast %gt3A_334 : i32 to vector<16xi32>
        %gt3A_336 = arith.cmpi sgt, %cond3A_237#1, %gt3A_335 : vector<16xi32>
        %jit3A_337 = arith.constant 0.000000e+00 : f32
        %broadcast_in_dim3A_338 = vector.broadcast %jit3A_337 : f32 to vector<16xf32>
        %select_n3A_339 = arith.select %gt3A_336, %gather3A_333, %broadcast_in_dim3A_338 : vector<16xi1>, vector<16xf32>
        %get3A_340 = arith.constant 144 : index
        %get3A_341 = tpu.vector_load %arg6[%get3A_340] {strides = array<i32>} : memref<384xi32, #tpu.memory_space<vmem>>, vector<16xi32>,
        %gather3A_342 = tpu.vector_load_idx %arg4[%add3A_162, %get3A_341] : memref<2x10000xf32, #tpu.memory_space<vmem>>[vector<16xi32>, vector<16xi32>], vector<16xf32>,
        %gt3A_343 = arith.constant 9 : i32
        %gt3A_344 = vector.broadcast %gt3A_343 : i32 to vector<16xi32>
        %gt3A_345 = arith.cmpi sgt, %cond3A_237#1, %gt3A_344 : vector<16xi32>
        %jit3A_346 = arith.constant 0.000000e+00 : f32
        %broadcast_in_dim3A_347 = vector.broadcast %jit3A_346 : f32 to vector<16xf32>
        %select_n3A_348 = arith.select %gt3A_345, %gather3A_342, %broadcast_in_dim3A_347 : vector<16xi1>, vector<16xf32>
        %get3A_349 = arith.constant 160 : index
        %get3A_350 = tpu.vector_load %arg6[%get3A_349] {strides = array<i32>} : memref<384xi32, #tpu.memory_space<vmem>>, vector<16xi32>,
        %gather3A_351 = tpu.vector_load_idx %arg4[%add3A_162, %get3A_350] : memref<2x10000xf32, #tpu.memory_space<vmem>>[vector<16xi32>, vector<16xi32>], vector<16xf32>,
        %gt3A_352 = arith.constant 10 : i32
        %gt3A_353 = vector.broadcast %gt3A_352 : i32 to vector<16xi32>
        %gt3A_354 = arith.cmpi sgt, %cond3A_237#1, %gt3A_353 : vector<16xi32>
        %jit3A_355 = arith.constant 0.000000e+00 : f32
        %broadcast_in_dim3A_356 = vector.broadcast %jit3A_355 : f32 to vector<16xf32>
        %select_n3A_357 = arith.select %gt3A_354, %gather3A_351, %broadcast_in_dim3A_356 : vector<16xi1>, vector<16xf32>
        %get3A_358 = arith.constant 176 : index
        %get3A_359 = tpu.vector_load %arg6[%get3A_358] {strides = array<i32>} : memref<384xi32, #tpu.memory_space<vmem>>, vector<16xi32>,
        %gather3A_360 = tpu.vector_load_idx %arg4[%add3A_162, %get3A_359] : memref<2x10000xf32, #tpu.memory_space<vmem>>[vector<16xi32>, vector<16xi32>], vector<16xf32>,
        %gt3A_361 = arith.constant 11 : i32
        %gt3A_362 = vector.broadcast %gt3A_361 : i32 to vector<16xi32>
        %gt3A_363 = arith.cmpi sgt, %cond3A_237#1, %gt3A_362 : vector<16xi32>
        %jit3A_364 = arith.constant 0.000000e+00 : f32
        %broadcast_in_dim3A_365 = vector.broadcast %jit3A_364 : f32 to vector<16xf32>
        %select_n3A_366 = arith.select %gt3A_363, %gather3A_360, %broadcast_in_dim3A_365 : vector<16xi1>, vector<16xf32>
        %get3A_367 = arith.constant 192 : index
        %get3A_368 = tpu.vector_load %arg6[%get3A_367] {strides = array<i32>} : memref<384xi32, #tpu.memory_space<vmem>>, vector<16xi32>,
        %gather3A_369 = tpu.vector_load_idx %arg4[%add3A_162, %get3A_368] : memref<2x10000xf32, #tpu.memory_space<vmem>>[vector<16xi32>, vector<16xi32>], vector<16xf32>,
        %gt3A_370 = arith.constant 12 : i32
        %gt3A_371 = vector.broadcast %gt3A_370 : i32 to vector<16xi32>
        %gt3A_372 = arith.cmpi sgt, %cond3A_237#1, %gt3A_371 : vector<16xi32>
        %jit3A_373 = arith.constant 0.000000e+00 : f32
        %broadcast_in_dim3A_374 = vector.broadcast %jit3A_373 : f32 to vector<16xf32>
        %select_n3A_375 = arith.select %gt3A_372, %gather3A_369, %broadcast_in_dim3A_374 : vector<16xi1>, vector<16xf32>
        %get3A_376 = arith.constant 208 : index
        %get3A_377 = tpu.vector_load %arg6[%get3A_376] {strides = array<i32>} : memref<384xi32, #tpu.memory_space<vmem>>, vector<16xi32>,
        %gather3A_378 = tpu.vector_load_idx %arg4[%add3A_162, %get3A_377] : memref<2x10000xf32, #tpu.memory_space<vmem>>[vector<16xi32>, vector<16xi32>], vector<16xf32>,
        %gt3A_379 = arith.constant 13 : i32
        %gt3A_380 = vector.broadcast %gt3A_379 : i32 to vector<16xi32>
        %gt3A_381 = arith.cmpi sgt, %cond3A_237#1, %gt3A_380 : vector<16xi32>
        %jit3A_382 = arith.constant 0.000000e+00 : f32
        %broadcast_in_dim3A_383 = vector.broadcast %jit3A_382 : f32 to vector<16xf32>
        %select_n3A_384 = arith.select %gt3A_381, %gather3A_378, %broadcast_in_dim3A_383 : vector<16xi1>, vector<16xf32>
        %get3A_385 = arith.constant 224 : index
        %get3A_386 = tpu.vector_load %arg6[%get3A_385] {strides = array<i32>} : memref<384xi32, #tpu.memory_space<vmem>>, vector<16xi32>,
        %gather3A_387 = tpu.vector_load_idx %arg4[%add3A_162, %get3A_386] : memref<2x10000xf32, #tpu.memory_space<vmem>>[vector<16xi32>, vector<16xi32>], vector<16xf32>,
        %gt3A_388 = arith.constant 14 : i32
        %gt3A_389 = vector.broadcast %gt3A_388 : i32 to vector<16xi32>
        %gt3A_390 = arith.cmpi sgt, %cond3A_237#1, %gt3A_389 : vector<16xi32>
        %jit3A_391 = arith.constant 0.000000e+00 : f32
        %broadcast_in_dim3A_392 = vector.broadcast %jit3A_391 : f32 to vector<16xf32>
        %select_n3A_393 = arith.select %gt3A_390, %gather3A_387, %broadcast_in_dim3A_392 : vector<16xi1>, vector<16xf32>
        %get3A_394 = arith.constant 240 : index
        %get3A_395 = tpu.vector_load %arg6[%get3A_394] {strides = array<i32>} : memref<384xi32, #tpu.memory_space<vmem>>, vector<16xi32>,
        %gather3A_396 = tpu.vector_load_idx %arg4[%add3A_162, %get3A_395] : memref<2x10000xf32, #tpu.memory_space<vmem>>[vector<16xi32>, vector<16xi32>], vector<16xf32>,
        %gt3A_397 = arith.constant 15 : i32
        %gt3A_398 = vector.broadcast %gt3A_397 : i32 to vector<16xi32>
        %gt3A_399 = arith.cmpi sgt, %cond3A_237#1, %gt3A_398 : vector<16xi32>
        %jit3A_400 = arith.constant 0.000000e+00 : f32
        %broadcast_in_dim3A_401 = vector.broadcast %jit3A_400 : f32 to vector<16xf32>
        %select_n3A_402 = arith.select %gt3A_399, %gather3A_396, %broadcast_in_dim3A_401 : vector<16xi1>, vector<16xf32>
        %get3A_403 = arith.constant 256 : index
        %get3A_404 = tpu.vector_load %arg6[%get3A_403] {strides = array<i32>} : memref<384xi32, #tpu.memory_space<vmem>>, vector<16xi32>,
        %gather3A_405 = tpu.vector_load_idx %arg4[%add3A_162, %get3A_404] : memref<2x10000xf32, #tpu.memory_space<vmem>>[vector<16xi32>, vector<16xi32>], vector<16xf32>,
        %gt3A_406 = arith.constant 16 : i32
        %gt3A_407 = vector.broadcast %gt3A_406 : i32 to vector<16xi32>
        %gt3A_408 = arith.cmpi sgt, %cond3A_237#1, %gt3A_407 : vector<16xi32>
        %jit3A_409 = arith.constant 0.000000e+00 : f32
        %broadcast_in_dim3A_410 = vector.broadcast %jit3A_409 : f32 to vector<16xf32>
        %select_n3A_411 = arith.select %gt3A_408, %gather3A_405, %broadcast_in_dim3A_410 : vector<16xi1>, vector<16xf32>
        %get3A_412 = arith.constant 272 : index
        %get3A_413 = tpu.vector_load %arg6[%get3A_412] {strides = array<i32>} : memref<384xi32, #tpu.memory_space<vmem>>, vector<16xi32>,
        %gather3A_414 = tpu.vector_load_idx %arg4[%add3A_162, %get3A_413] : memref<2x10000xf32, #tpu.memory_space<vmem>>[vector<16xi32>, vector<16xi32>], vector<16xf32>,
        %gt3A_415 = arith.constant 17 : i32
        %gt3A_416 = vector.broadcast %gt3A_415 : i32 to vector<16xi32>
        %gt3A_417 = arith.cmpi sgt, %cond3A_237#1, %gt3A_416 : vector<16xi32>
        %jit3A_418 = arith.constant 0.000000e+00 : f32
        %broadcast_in_dim3A_419 = vector.broadcast %jit3A_418 : f32 to vector<16xf32>
        %select_n3A_420 = arith.select %gt3A_417, %gather3A_414, %broadcast_in_dim3A_419 : vector<16xi1>, vector<16xf32>
        %get3A_421 = arith.constant 288 : index
        %get3A_422 = tpu.vector_load %arg6[%get3A_421] {strides = array<i32>} : memref<384xi32, #tpu.memory_space<vmem>>, vector<16xi32>,
        %gather3A_423 = tpu.vector_load_idx %arg4[%add3A_162, %get3A_422] : memref<2x10000xf32, #tpu.memory_space<vmem>>[vector<16xi32>, vector<16xi32>], vector<16xf32>,
        %gt3A_424 = arith.constant 18 : i32
        %gt3A_425 = vector.broadcast %gt3A_424 : i32 to vector<16xi32>
        %gt3A_426 = arith.cmpi sgt, %cond3A_237#1, %gt3A_425 : vector<16xi32>
        %jit3A_427 = arith.constant 0.000000e+00 : f32
        %broadcast_in_dim3A_428 = vector.broadcast %jit3A_427 : f32 to vector<16xf32>
        %select_n3A_429 = arith.select %gt3A_426, %gather3A_423, %broadcast_in_dim3A_428 : vector<16xi1>, vector<16xf32>
        %get3A_430 = arith.constant 304 : index
        %get3A_431 = tpu.vector_load %arg6[%get3A_430] {strides = array<i32>} : memref<384xi32, #tpu.memory_space<vmem>>, vector<16xi32>,
        %gather3A_432 = tpu.vector_load_idx %arg4[%add3A_162, %get3A_431] : memref<2x10000xf32, #tpu.memory_space<vmem>>[vector<16xi32>, vector<16xi32>], vector<16xf32>,
        %gt3A_433 = arith.constant 19 : i32
        %gt3A_434 = vector.broadcast %gt3A_433 : i32 to vector<16xi32>
        %gt3A_435 = arith.cmpi sgt, %cond3A_237#1, %gt3A_434 : vector<16xi32>
        %jit3A_436 = arith.constant 0.000000e+00 : f32
        %broadcast_in_dim3A_437 = vector.broadcast %jit3A_436 : f32 to vector<16xf32>
        %select_n3A_438 = arith.select %gt3A_435, %gather3A_432, %broadcast_in_dim3A_437 : vector<16xi1>, vector<16xf32>
        %get3A_439 = arith.constant 320 : index
        %get3A_440 = tpu.vector_load %arg6[%get3A_439] {strides = array<i32>} : memref<384xi32, #tpu.memory_space<vmem>>, vector<16xi32>,
        %gather3A_441 = tpu.vector_load_idx %arg4[%add3A_162, %get3A_440] : memref<2x10000xf32, #tpu.memory_space<vmem>>[vector<16xi32>, vector<16xi32>], vector<16xf32>,
        %gt3A_442 = arith.constant 20 : i32
        %gt3A_443 = vector.broadcast %gt3A_442 : i32 to vector<16xi32>
        %gt3A_444 = arith.cmpi sgt, %cond3A_237#1, %gt3A_443 : vector<16xi32>
        %jit3A_445 = arith.constant 0.000000e+00 : f32
        %broadcast_in_dim3A_446 = vector.broadcast %jit3A_445 : f32 to vector<16xf32>
        %select_n3A_447 = arith.select %gt3A_444, %gather3A_441, %broadcast_in_dim3A_446 : vector<16xi1>, vector<16xf32>
        %get3A_448 = arith.constant 336 : index
        %get3A_449 = tpu.vector_load %arg6[%get3A_448] {strides = array<i32>} : memref<384xi32, #tpu.memory_space<vmem>>, vector<16xi32>,
        %gather3A_450 = tpu.vector_load_idx %arg4[%add3A_162, %get3A_449] : memref<2x10000xf32, #tpu.memory_space<vmem>>[vector<16xi32>, vector<16xi32>], vector<16xf32>,
        %gt3A_451 = arith.constant 21 : i32
        %gt3A_452 = vector.broadcast %gt3A_451 : i32 to vector<16xi32>
        %gt3A_453 = arith.cmpi sgt, %cond3A_237#1, %gt3A_452 : vector<16xi32>
        %jit3A_454 = arith.constant 0.000000e+00 : f32
        %broadcast_in_dim3A_455 = vector.broadcast %jit3A_454 : f32 to vector<16xf32>
        %select_n3A_456 = arith.select %gt3A_453, %gather3A_450, %broadcast_in_dim3A_455 : vector<16xi1>, vector<16xf32>
        %get3A_457 = arith.constant 352 : index
        %get3A_458 = tpu.vector_load %arg6[%get3A_457] {strides = array<i32>} : memref<384xi32, #tpu.memory_space<vmem>>, vector<16xi32>,
        %gather3A_459 = tpu.vector_load_idx %arg4[%add3A_162, %get3A_458] : memref<2x10000xf32, #tpu.memory_space<vmem>>[vector<16xi32>, vector<16xi32>], vector<16xf32>,
        %gt3A_460 = arith.constant 22 : i32
        %gt3A_461 = vector.broadcast %gt3A_460 : i32 to vector<16xi32>
        %gt3A_462 = arith.cmpi sgt, %cond3A_237#1, %gt3A_461 : vector<16xi32>
        %jit3A_463 = arith.constant 0.000000e+00 : f32
        %broadcast_in_dim3A_464 = vector.broadcast %jit3A_463 : f32 to vector<16xf32>
        %select_n3A_465 = arith.select %gt3A_462, %gather3A_459, %broadcast_in_dim3A_464 : vector<16xi1>, vector<16xf32>
        %get3A_466 = arith.constant 368 : index
        %get3A_467 = tpu.vector_load %arg6[%get3A_466] {strides = array<i32>} : memref<384xi32, #tpu.memory_space<vmem>>, vector<16xi32>,
        %gather3A_468 = tpu.vector_load_idx %arg4[%add3A_162, %get3A_467] : memref<2x10000xf32, #tpu.memory_space<vmem>>[vector<16xi32>, vector<16xi32>], vector<16xf32>,
        %gt3A_469 = arith.constant 23 : i32
        %gt3A_470 = vector.broadcast %gt3A_469 : i32 to vector<16xi32>
        %gt3A_471 = arith.cmpi sgt, %cond3A_237#1, %gt3A_470 : vector<16xi32>
        %jit3A_472 = arith.constant 0.000000e+00 : f32
        %broadcast_in_dim3A_473 = vector.broadcast %jit3A_472 : f32 to vector<16xf32>
        %select_n3A_474 = arith.select %gt3A_471, %gather3A_468, %broadcast_in_dim3A_473 : vector<16xi1>, vector<16xf32>
        %max3A = arith.maximumf %select_n3A_267, %select_n3A_276 : vector<16xf32>
        %max3A_475 = arith.maximumf %max3A, %select_n3A_285 : vector<16xf32>
        %max3A_476 = arith.maximumf %max3A_475, %select_n3A_294 : vector<16xf32>
        %max3A_477 = arith.maximumf %max3A_476, %select_n3A_303 : vector<16xf32>
        %max3A_478 = arith.maximumf %max3A_477, %select_n3A_312 : vector<16xf32>
        %max3A_479 = arith.maximumf %max3A_478, %select_n3A_321 : vector<16xf32>
        %max3A_480 = arith.maximumf %max3A_479, %select_n3A_330 : vector<16xf32>
        %max3A_481 = arith.maximumf %max3A_480, %select_n3A_339 : vector<16xf32>
        %max3A_482 = arith.maximumf %max3A_481, %select_n3A_348 : vector<16xf32>
        %max3A_483 = arith.maximumf %max3A_482, %select_n3A_357 : vector<16xf32>
        %max3A_484 = arith.maximumf %max3A_483, %select_n3A_366 : vector<16xf32>
        %max3A_485 = arith.maximumf %max3A_484, %select_n3A_375 : vector<16xf32>
        %max3A_486 = arith.maximumf %max3A_485, %select_n3A_384 : vector<16xf32>
        %max3A_487 = arith.maximumf %max3A_486, %select_n3A_393 : vector<16xf32>
        %max3A_488 = arith.maximumf %max3A_487, %select_n3A_402 : vector<16xf32>
        %max3A_489 = arith.maximumf %max3A_488, %select_n3A_411 : vector<16xf32>
        %max3A_490 = arith.maximumf %max3A_489, %select_n3A_420 : vector<16xf32>
        %max3A_491 = arith.maximumf %max3A_490, %select_n3A_429 : vector<16xf32>
        %max3A_492 = arith.maximumf %max3A_491, %select_n3A_438 : vector<16xf32>
        %max3A_493 = arith.maximumf %max3A_492, %select_n3A_447 : vector<16xf32>
        %max3A_494 = arith.maximumf %max3A_493, %select_n3A_456 : vector<16xf32>
        %max3A_495 = arith.maximumf %max3A_494, %select_n3A_465 : vector<16xf32>
        %max3A_496 = arith.maximumf %max3A_495, %select_n3A_474 : vector<16xf32>
        %reduce_max3A_497 = arith.constant true
        %reduce_max3A_498 = vector.broadcast %reduce_max3A_497 : i1 to vector<16xi1>
        %reduce_max3A_499 = tpu.scan <max>, %max3A_496 masked %reduce_max3A_498 : vector<16xf32>, vector<16xi1> -> vector<16xf32>
        %reduce_max3A_500 = vector.extract %reduce_max3A_499[15] : f32 from vector<16xf32>
        %mul3A_501 = arith.constant 1.000100e+00 : f32
        %mul3A_502 = arith.mulf %reduce_max3A_500, %mul3A_501 : f32
        %add3A_503 = arith.constant 1.000000e-30 : f32
        %add3A_504 = arith.addf %mul3A_502, %add3A_503 : f32
        %scan3A_505 = arith.constant 0 : i32
        %scan3A_506 = arith.constant 24 : i32
        %scan3A_507 = arith.addi %scan3A_505, %scan3A_506 : i32
        %scan3A_508 = arith.constant 1 : i32
        %scan3A_509:2 = scf.for %scan3A_511 = %scan3A_505 to %scan3A_507 step %scan3A_508 iter_args(%scan3A_512 = %cond3A_237#0, %scan3A_513 = %add3A_504) -> (f32, f32)  : i32 {
          %add3A_514 = arith.addf %scan3A_512, %scan3A_513 : f32
          %mul3A_515 = arith.constant 5.000000e-01 : f32
          %mul3A_516 = arith.mulf %mul3A_515, %add3A_514 : f32
          %broadcast_in_dim3A_517 = arith.constant 0 : i32
          %broadcast_in_dim3A_518 = vector.broadcast %broadcast_in_dim3A_517 : i32 to vector<16xi32>
          %ge3A_519 = vector.broadcast %mul3A_516 : f32 to vector<16xf32>
          %ge3A_520 = arith.cmpf oge, %select_n3A_267, %ge3A_519 : vector<16xf32>
          %convert_element_type3A_521 = arith.extui %ge3A_520 : vector<16xi1> to vector<16xi32>
          %add3A_522 = arith.addi %broadcast_in_dim3A_518, %convert_element_type3A_521 : vector<16xi32>
          %ge3A_523 = vector.broadcast %mul3A_516 : f32 to vector<16xf32>
          %ge3A_524 = arith.cmpf oge, %select_n3A_276, %ge3A_523 : vector<16xf32>
          %convert_element_type3A_525 = arith.extui %ge3A_524 : vector<16xi1> to vector<16xi32>
          %add3A_526 = arith.addi %add3A_522, %convert_element_type3A_525 : vector<16xi32>
          %ge3A_527 = vector.broadcast %mul3A_516 : f32 to vector<16xf32>
          %ge3A_528 = arith.cmpf oge, %select_n3A_285, %ge3A_527 : vector<16xf32>
          %convert_element_type3A_529 = arith.extui %ge3A_528 : vector<16xi1> to vector<16xi32>
          %add3A_530 = arith.addi %add3A_526, %convert_element_type3A_529 : vector<16xi32>
          %ge3A_531 = vector.broadcast %mul3A_516 : f32 to vector<16xf32>
          %ge3A_532 = arith.cmpf oge, %select_n3A_294, %ge3A_531 : vector<16xf32>
          %convert_element_type3A_533 = arith.extui %ge3A_532 : vector<16xi1> to vector<16xi32>
          %add3A_534 = arith.addi %add3A_530, %convert_element_type3A_533 : vector<16xi32>
          %ge3A_535 = vector.broadcast %mul3A_516 : f32 to vector<16xf32>
          %ge3A_536 = arith.cmpf oge, %select_n3A_303, %ge3A_535 : vector<16xf32>
          %convert_element_type3A_537 = arith.extui %ge3A_536 : vector<16xi1> to vector<16xi32>
          %add3A_538 = arith.addi %add3A_534, %convert_element_type3A_537 : vector<16xi32>
          %ge3A_539 = vector.broadcast %mul3A_516 : f32 to vector<16xf32>
          %ge3A_540 = arith.cmpf oge, %select_n3A_312, %ge3A_539 : vector<16xf32>
          %convert_element_type3A_541 = arith.extui %ge3A_540 : vector<16xi1> to vector<16xi32>
          %add3A_542 = arith.addi %add3A_538, %convert_element_type3A_541 : vector<16xi32>
          %ge3A_543 = vector.broadcast %mul3A_516 : f32 to vector<16xf32>
          %ge3A_544 = arith.cmpf oge, %select_n3A_321, %ge3A_543 : vector<16xf32>
          %convert_element_type3A_545 = arith.extui %ge3A_544 : vector<16xi1> to vector<16xi32>
          %add3A_546 = arith.addi %add3A_542, %convert_element_type3A_545 : vector<16xi32>
          %ge3A_547 = vector.broadcast %mul3A_516 : f32 to vector<16xf32>
          %ge3A_548 = arith.cmpf oge, %select_n3A_330, %ge3A_547 : vector<16xf32>
          %convert_element_type3A_549 = arith.extui %ge3A_548 : vector<16xi1> to vector<16xi32>
          %add3A_550 = arith.addi %add3A_546, %convert_element_type3A_549 : vector<16xi32>
          %ge3A_551 = vector.broadcast %mul3A_516 : f32 to vector<16xf32>
          %ge3A_552 = arith.cmpf oge, %select_n3A_339, %ge3A_551 : vector<16xf32>
          %convert_element_type3A_553 = arith.extui %ge3A_552 : vector<16xi1> to vector<16xi32>
          %add3A_554 = arith.addi %add3A_550, %convert_element_type3A_553 : vector<16xi32>
          %ge3A_555 = vector.broadcast %mul3A_516 : f32 to vector<16xf32>
          %ge3A_556 = arith.cmpf oge, %select_n3A_348, %ge3A_555 : vector<16xf32>
          %convert_element_type3A_557 = arith.extui %ge3A_556 : vector<16xi1> to vector<16xi32>
          %add3A_558 = arith.addi %add3A_554, %convert_element_type3A_557 : vector<16xi32>
          %ge3A_559 = vector.broadcast %mul3A_516 : f32 to vector<16xf32>
          %ge3A_560 = arith.cmpf oge, %select_n3A_357, %ge3A_559 : vector<16xf32>
          %convert_element_type3A_561 = arith.extui %ge3A_560 : vector<16xi1> to vector<16xi32>
          %add3A_562 = arith.addi %add3A_558, %convert_element_type3A_561 : vector<16xi32>
          %ge3A_563 = vector.broadcast %mul3A_516 : f32 to vector<16xf32>
          %ge3A_564 = arith.cmpf oge, %select_n3A_366, %ge3A_563 : vector<16xf32>
          %convert_element_type3A_565 = arith.extui %ge3A_564 : vector<16xi1> to vector<16xi32>
          %add3A_566 = arith.addi %add3A_562, %convert_element_type3A_565 : vector<16xi32>
          %ge3A_567 = vector.broadcast %mul3A_516 : f32 to vector<16xf32>
          %ge3A_568 = arith.cmpf oge, %select_n3A_375, %ge3A_567 : vector<16xf32>
          %convert_element_type3A_569 = arith.extui %ge3A_568 : vector<16xi1> to vector<16xi32>
          %add3A_570 = arith.addi %add3A_566, %convert_element_type3A_569 : vector<16xi32>
          %ge3A_571 = vector.broadcast %mul3A_516 : f32 to vector<16xf32>
          %ge3A_572 = arith.cmpf oge, %select_n3A_384, %ge3A_571 : vector<16xf32>
          %convert_element_type3A_573 = arith.extui %ge3A_572 : vector<16xi1> to vector<16xi32>
          %add3A_574 = arith.addi %add3A_570, %convert_element_type3A_573 : vector<16xi32>
          %ge3A_575 = vector.broadcast %mul3A_516 : f32 to vector<16xf32>
          %ge3A_576 = arith.cmpf oge, %select_n3A_393, %ge3A_575 : vector<16xf32>
          %convert_element_type3A_577 = arith.extui %ge3A_576 : vector<16xi1> to vector<16xi32>
          %add3A_578 = arith.addi %add3A_574, %convert_element_type3A_577 : vector<16xi32>
          %ge3A_579 = vector.broadcast %mul3A_516 : f32 to vector<16xf32>
          %ge3A_580 = arith.cmpf oge, %select_n3A_402, %ge3A_579 : vector<16xf32>
          %convert_element_type3A_581 = arith.extui %ge3A_580 : vector<16xi1> to vector<16xi32>
          %add3A_582 = arith.addi %add3A_578, %convert_element_type3A_581 : vector<16xi32>
          %ge3A_583 = vector.broadcast %mul3A_516 : f32 to vector<16xf32>
          %ge3A_584 = arith.cmpf oge, %select_n3A_411, %ge3A_583 : vector<16xf32>
          %convert_element_type3A_585 = arith.extui %ge3A_584 : vector<16xi1> to vector<16xi32>
          %add3A_586 = arith.addi %add3A_582, %convert_element_type3A_585 : vector<16xi32>
          %ge3A_587 = vector.broadcast %mul3A_516 : f32 to vector<16xf32>
          %ge3A_588 = arith.cmpf oge, %select_n3A_420, %ge3A_587 : vector<16xf32>
          %convert_element_type3A_589 = arith.extui %ge3A_588 : vector<16xi1> to vector<16xi32>
          %add3A_590 = arith.addi %add3A_586, %convert_element_type3A_589 : vector<16xi32>
          %ge3A_591 = vector.broadcast %mul3A_516 : f32 to vector<16xf32>
          %ge3A_592 = arith.cmpf oge, %select_n3A_429, %ge3A_591 : vector<16xf32>
          %convert_element_type3A_593 = arith.extui %ge3A_592 : vector<16xi1> to vector<16xi32>
          %add3A_594 = arith.addi %add3A_590, %convert_element_type3A_593 : vector<16xi32>
          %ge3A_595 = vector.broadcast %mul3A_516 : f32 to vector<16xf32>
          %ge3A_596 = arith.cmpf oge, %select_n3A_438, %ge3A_595 : vector<16xf32>
          %convert_element_type3A_597 = arith.extui %ge3A_596 : vector<16xi1> to vector<16xi32>
          %add3A_598 = arith.addi %add3A_594, %convert_element_type3A_597 : vector<16xi32>
          %ge3A_599 = vector.broadcast %mul3A_516 : f32 to vector<16xf32>
          %ge3A_600 = arith.cmpf oge, %select_n3A_447, %ge3A_599 : vector<16xf32>
          %convert_element_type3A_601 = arith.extui %ge3A_600 : vector<16xi1> to vector<16xi32>
          %add3A_602 = arith.addi %add3A_598, %convert_element_type3A_601 : vector<16xi32>
          %ge3A_603 = vector.broadcast %mul3A_516 : f32 to vector<16xf32>
          %ge3A_604 = arith.cmpf oge, %select_n3A_456, %ge3A_603 : vector<16xf32>
          %convert_element_type3A_605 = arith.extui %ge3A_604 : vector<16xi1> to vector<16xi32>
          %add3A_606 = arith.addi %add3A_602, %convert_element_type3A_605 : vector<16xi32>
          %ge3A_607 = vector.broadcast %mul3A_516 : f32 to vector<16xf32>
          %ge3A_608 = arith.cmpf oge, %select_n3A_465, %ge3A_607 : vector<16xf32>
          %convert_element_type3A_609 = arith.extui %ge3A_608 : vector<16xi1> to vector<16xi32>
          %add3A_610 = arith.addi %add3A_606, %convert_element_type3A_609 : vector<16xi32>
          %ge3A_611 = vector.broadcast %mul3A_516 : f32 to vector<16xf32>
          %ge3A_612 = arith.cmpf oge, %select_n3A_474, %ge3A_611 : vector<16xf32>
          %convert_element_type3A_613 = arith.extui %ge3A_612 : vector<16xi1> to vector<16xi32>
          %add3A_614 = arith.addi %add3A_610, %convert_element_type3A_613 : vector<16xi32>
          %reduce_sum3A_615 = arith.constant true
          %reduce_sum3A_616 = vector.broadcast %reduce_sum3A_615 : i1 to vector<16xi1>
          %reduce_sum3A_617 = tpu.scan <sum>, %add3A_614 masked %reduce_sum3A_616 : vector<16xi32>, vector<16xi1> -> vector<16xi32>
          %reduce_sum3A_618 = vector.extract %reduce_sum3A_617[15] : i32 from vector<16xi32>
          %ge3A_619 = arith.constant 32 : i32
          %ge3A_620 = arith.cmpi sge, %reduce_sum3A_618, %ge3A_619 : i32
          %select_n3A_621 = arith.select %ge3A_620, %mul3A_516, %scan3A_512 : f32
          %select_n3A_622 = arith.select %ge3A_620, %scan3A_513, %mul3A_516 : f32
          scf.yield %select_n3A_621, %select_n3A_622 : f32, f32
        }
        %scan3A_510 = arith.constant 24 : i32
        scf.yield %scan3A_509#0 : f32
      } else {
        %cond3A_260 = arith.constant 0.000000e+00 : f32
        scf.yield %cond3A_260 : f32
      }
      %convert_element_type3A_244 = arith.extui %or3A : i1 to i32
      %cond3A_245 = arith.constant 0 : i32
      %cond3A_246 = arith.cmpi ne, %convert_element_type3A_244, %cond3A_245 : i32
      %cond3A_247 = scf.if %cond3A_246 -> (i32) {
        %scan3A_260 = arith.constant 0 : i32
        %scan3A_261 = arith.constant 0 : i32
        %scan3A_262 = arith.constant 624 : i32
        %scan3A_263 = arith.addi %scan3A_261, %scan3A_262 : i32
        %scan3A_264 = arith.constant 8 : i32
        %scan3A_265 = scf.for %scan3A_286 = %scan3A_261 to %scan3A_263 step %scan3A_264 iter_args(%scan3A_287 = %scan3A_260) -> (i32)  : i32 {
          %mul3A_288 = arith.constant 16 : i32
          %mul3A_289 = arith.muli %scan3A_286, %mul3A_288 : i32
          %get3A_290 = arith.index_cast %select_n3A_158 : i32 to index
          %get3A_291 = arith.index_cast %mul3A_289 : i32 to index
          %get3A_292 = tpu.vector_load %arg4[%get3A_290, %get3A_291] {strides = array<i32>} : memref<2x10000xf32, #tpu.memory_space<vmem>>, vector<16xf32>,
          %ge3A_293 = vector.broadcast %cond3A_243 : f32 to vector<16xf32>
          %ge3A_294 = arith.cmpf oge, %get3A_292, %ge3A_293 : vector<16xf32>
          %jit3A_295 = arith.constant 0.000000e+00 : f32
          %broadcast_in_dim3A_296 = vector.broadcast %jit3A_295 : f32 to vector<16xf32>
          %select_n3A_297 = arith.select %ge3A_294, %get3A_292, %broadcast_in_dim3A_296 : vector<16xi1>, vector<16xf32>
          %mul3A_298 = arith.constant 16 : i32
          %mul3A_299 = arith.muli %scan3A_286, %mul3A_298 : i32
          %swap3A_300 = arith.index_cast %select_n3A_158 : i32 to index
          %swap3A_301 = arith.index_cast %mul3A_299 : i32 to index
          %swap3A_302 = tpu.vector_load %arg5[%swap3A_300, %swap3A_301] {strides = array<i32>} : memref<2x10000xf32, #tpu.memory_space<vmem>>, vector<16xf32>,
          tpu.vector_store %arg5[%swap3A_300, %swap3A_301], %select_n3A_297 {strides = array<i32>} : memref<2x10000xf32, #tpu.memory_space<vmem>>, vector<16xf32>,
          %scan3A_303 = arith.constant 0 : i32
          %scan3A_304 = arith.constant 1 : i32
          %scan3A_305 = arith.addi %scan3A_286, %scan3A_304 : i32
          %mul3A_306 = arith.constant 16 : i32
          %mul3A_307 = arith.muli %scan3A_305, %mul3A_306 : i32
          %get3A_308 = arith.index_cast %select_n3A_158 : i32 to index
          %get3A_309 = arith.index_cast %mul3A_307 : i32 to index
          %get3A_310 = tpu.vector_load %arg4[%get3A_308, %get3A_309] {strides = array<i32>} : memref<2x10000xf32, #tpu.memory_space<vmem>>, vector<16xf32>,
          %ge3A_311 = vector.broadcast %cond3A_243 : f32 to vector<16xf32>
          %ge3A_312 = arith.cmpf oge, %get3A_310, %ge3A_311 : vector<16xf32>
          %jit3A_313 = arith.constant 0.000000e+00 : f32
          %broadcast_in_dim3A_314 = vector.broadcast %jit3A_313 : f32 to vector<16xf32>
          %select_n3A_315 = arith.select %ge3A_312, %get3A_310, %broadcast_in_dim3A_314 : vector<16xi1>, vector<16xf32>
          %mul3A_316 = arith.constant 16 : i32
          %mul3A_317 = arith.muli %scan3A_305, %mul3A_316 : i32
          %swap3A_318 = arith.index_cast %select_n3A_158 : i32 to index
          %swap3A_319 = arith.index_cast %mul3A_317 : i32 to index
          %swap3A_320 = tpu.vector_load %arg5[%swap3A_318, %swap3A_319] {strides = array<i32>} : memref<2x10000xf32, #tpu.memory_space<vmem>>, vector<16xf32>,
          tpu.vector_store %arg5[%swap3A_318, %swap3A_319], %select_n3A_315 {strides = array<i32>} : memref<2x10000xf32, #tpu.memory_space<vmem>>, vector<16xf32>,
          %scan3A_321 = arith.constant 0 : i32
          %scan3A_322 = arith.constant 2 : i32
          %scan3A_323 = arith.addi %scan3A_286, %scan3A_322 : i32
          %mul3A_324 = arith.constant 16 : i32
          %mul3A_325 = arith.muli %scan3A_323, %mul3A_324 : i32
          %get3A_326 = arith.index_cast %select_n3A_158 : i32 to index
          %get3A_327 = arith.index_cast %mul3A_325 : i32 to index
          %get3A_328 = tpu.vector_load %arg4[%get3A_326, %get3A_327] {strides = array<i32>} : memref<2x10000xf32, #tpu.memory_space<vmem>>, vector<16xf32>,
          %ge3A_329 = vector.broadcast %cond3A_243 : f32 to vector<16xf32>
          %ge3A_330 = arith.cmpf oge, %get3A_328, %ge3A_329 : vector<16xf32>
          %jit3A_331 = arith.constant 0.000000e+00 : f32
          %broadcast_in_dim3A_332 = vector.broadcast %jit3A_331 : f32 to vector<16xf32>
          %select_n3A_333 = arith.select %ge3A_330, %get3A_328, %broadcast_in_dim3A_332 : vector<16xi1>, vector<16xf32>
          %mul3A_334 = arith.constant 16 : i32
          %mul3A_335 = arith.muli %scan3A_323, %mul3A_334 : i32
          %swap3A_336 = arith.index_cast %select_n3A_158 : i32 to index
          %swap3A_337 = arith.index_cast %mul3A_335 : i32 to index
          %swap3A_338 = tpu.vector_load %arg5[%swap3A_336, %swap3A_337] {strides = array<i32>} : memref<2x10000xf32, #tpu.memory_space<vmem>>, vector<16xf32>,
          tpu.vector_store %arg5[%swap3A_336, %swap3A_337], %select_n3A_333 {strides = array<i32>} : memref<2x10000xf32, #tpu.memory_space<vmem>>, vector<16xf32>,
          %scan3A_339 = arith.constant 0 : i32
          %scan3A_340 = arith.constant 3 : i32
          %scan3A_341 = arith.addi %scan3A_286, %scan3A_340 : i32
          %mul3A_342 = arith.constant 16 : i32
          %mul3A_343 = arith.muli %scan3A_341, %mul3A_342 : i32
          %get3A_344 = arith.index_cast %select_n3A_158 : i32 to index
          %get3A_345 = arith.index_cast %mul3A_343 : i32 to index
          %get3A_346 = tpu.vector_load %arg4[%get3A_344, %get3A_345] {strides = array<i32>} : memref<2x10000xf32, #tpu.memory_space<vmem>>, vector<16xf32>,
          %ge3A_347 = vector.broadcast %cond3A_243 : f32 to vector<16xf32>
          %ge3A_348 = arith.cmpf oge, %get3A_346, %ge3A_347 : vector<16xf32>
          %jit3A_349 = arith.constant 0.000000e+00 : f32
          %broadcast_in_dim3A_350 = vector.broadcast %jit3A_349 : f32 to vector<16xf32>
          %select_n3A_351 = arith.select %ge3A_348, %get3A_346, %broadcast_in_dim3A_350 : vector<16xi1>, vector<16xf32>
          %mul3A_352 = arith.constant 16 : i32
          %mul3A_353 = arith.muli %scan3A_341, %mul3A_352 : i32
          %swap3A_354 = arith.index_cast %select_n3A_158 : i32 to index
          %swap3A_355 = arith.index_cast %mul3A_353 : i32 to index
          %swap3A_356 = tpu.vector_load %arg5[%swap3A_354, %swap3A_355] {strides = array<i32>} : memref<2x10000xf32, #tpu.memory_space<vmem>>, vector<16xf32>,
          tpu.vector_store %arg5[%swap3A_354, %swap3A_355], %select_n3A_351 {strides = array<i32>} : memref<2x10000xf32, #tpu.memory_space<vmem>>, vector<16xf32>,
          %scan3A_357 = arith.constant 0 : i32
          %scan3A_358 = arith.constant 4 : i32
          %scan3A_359 = arith.addi %scan3A_286, %scan3A_358 : i32
          %mul3A_360 = arith.constant 16 : i32
          %mul3A_361 = arith.muli %scan3A_359, %mul3A_360 : i32
          %get3A_362 = arith.index_cast %select_n3A_158 : i32 to index
          %get3A_363 = arith.index_cast %mul3A_361 : i32 to index
          %get3A_364 = tpu.vector_load %arg4[%get3A_362, %get3A_363] {strides = array<i32>} : memref<2x10000xf32, #tpu.memory_space<vmem>>, vector<16xf32>,
          %ge3A_365 = vector.broadcast %cond3A_243 : f32 to vector<16xf32>
          %ge3A_366 = arith.cmpf oge, %get3A_364, %ge3A_365 : vector<16xf32>
          %jit3A_367 = arith.constant 0.000000e+00 : f32
          %broadcast_in_dim3A_368 = vector.broadcast %jit3A_367 : f32 to vector<16xf32>
          %select_n3A_369 = arith.select %ge3A_366, %get3A_364, %broadcast_in_dim3A_368 : vector<16xi1>, vector<16xf32>
          %mul3A_370 = arith.constant 16 : i32
          %mul3A_371 = arith.muli %scan3A_359, %mul3A_370 : i32
          %swap3A_372 = arith.index_cast %select_n3A_158 : i32 to index
          %swap3A_373 = arith.index_cast %mul3A_371 : i32 to index
          %swap3A_374 = tpu.vector_load %arg5[%swap3A_372, %swap3A_373] {strides = array<i32>} : memref<2x10000xf32, #tpu.memory_space<vmem>>, vector<16xf32>,
          tpu.vector_store %arg5[%swap3A_372, %swap3A_373], %select_n3A_369 {strides = array<i32>} : memref<2x10000xf32, #tpu.memory_space<vmem>>, vector<16xf32>,
          %scan3A_375 = arith.constant 0 : i32
          %scan3A_376 = arith.constant 5 : i32
          %scan3A_377 = arith.addi %scan3A_286, %scan3A_376 : i32
          %mul3A_378 = arith.constant 16 : i32
          %mul3A_379 = arith.muli %scan3A_377, %mul3A_378 : i32
          %get3A_380 = arith.index_cast %select_n3A_158 : i32 to index
          %get3A_381 = arith.index_cast %mul3A_379 : i32 to index
          %get3A_382 = tpu.vector_load %arg4[%get3A_380, %get3A_381] {strides = array<i32>} : memref<2x10000xf32, #tpu.memory_space<vmem>>, vector<16xf32>,
          %ge3A_383 = vector.broadcast %cond3A_243 : f32 to vector<16xf32>
          %ge3A_384 = arith.cmpf oge, %get3A_382, %ge3A_383 : vector<16xf32>
          %jit3A_385 = arith.constant 0.000000e+00 : f32
          %broadcast_in_dim3A_386 = vector.broadcast %jit3A_385 : f32 to vector<16xf32>
          %select_n3A_387 = arith.select %ge3A_384, %get3A_382, %broadcast_in_dim3A_386 : vector<16xi1>, vector<16xf32>
          %mul3A_388 = arith.constant 16 : i32
          %mul3A_389 = arith.muli %scan3A_377, %mul3A_388 : i32
          %swap3A_390 = arith.index_cast %select_n3A_158 : i32 to index
          %swap3A_391 = arith.index_cast %mul3A_389 : i32 to index
          %swap3A_392 = tpu.vector_load %arg5[%swap3A_390, %swap3A_391] {strides = array<i32>} : memref<2x10000xf32, #tpu.memory_space<vmem>>, vector<16xf32>,
          tpu.vector_store %arg5[%swap3A_390, %swap3A_391], %select_n3A_387 {strides = array<i32>} : memref<2x10000xf32, #tpu.memory_space<vmem>>, vector<16xf32>,
          %scan3A_393 = arith.constant 0 : i32
          %scan3A_394 = arith.constant 6 : i32
          %scan3A_395 = arith.addi %scan3A_286, %scan3A_394 : i32
          %mul3A_396 = arith.constant 16 : i32
          %mul3A_397 = arith.muli %scan3A_395, %mul3A_396 : i32
          %get3A_398 = arith.index_cast %select_n3A_158 : i32 to index
          %get3A_399 = arith.index_cast %mul3A_397 : i32 to index
          %get3A_400 = tpu.vector_load %arg4[%get3A_398, %get3A_399] {strides = array<i32>} : memref<2x10000xf32, #tpu.memory_space<vmem>>, vector<16xf32>,
          %ge3A_401 = vector.broadcast %cond3A_243 : f32 to vector<16xf32>
          %ge3A_402 = arith.cmpf oge, %get3A_400, %ge3A_401 : vector<16xf32>
          %jit3A_403 = arith.constant 0.000000e+00 : f32
          %broadcast_in_dim3A_404 = vector.broadcast %jit3A_403 : f32 to vector<16xf32>
          %select_n3A_405 = arith.select %ge3A_402, %get3A_400, %broadcast_in_dim3A_404 : vector<16xi1>, vector<16xf32>
          %mul3A_406 = arith.constant 16 : i32
          %mul3A_407 = arith.muli %scan3A_395, %mul3A_406 : i32
          %swap3A_408 = arith.index_cast %select_n3A_158 : i32 to index
          %swap3A_409 = arith.index_cast %mul3A_407 : i32 to index
          %swap3A_410 = tpu.vector_load %arg5[%swap3A_408, %swap3A_409] {strides = array<i32>} : memref<2x10000xf32, #tpu.memory_space<vmem>>, vector<16xf32>,
          tpu.vector_store %arg5[%swap3A_408, %swap3A_409], %select_n3A_405 {strides = array<i32>} : memref<2x10000xf32, #tpu.memory_space<vmem>>, vector<16xf32>,
          %scan3A_411 = arith.constant 0 : i32
          %scan3A_412 = arith.constant 7 : i32
          %scan3A_413 = arith.addi %scan3A_286, %scan3A_412 : i32
          %mul3A_414 = arith.constant 16 : i32
          %mul3A_415 = arith.muli %scan3A_413, %mul3A_414 : i32
          %get3A_416 = arith.index_cast %select_n3A_158 : i32 to index
          %get3A_417 = arith.index_cast %mul3A_415 : i32 to index
          %get3A_418 = tpu.vector_load %arg4[%get3A_416, %get3A_417] {strides = array<i32>} : memref<2x10000xf32, #tpu.memory_space<vmem>>, vector<16xf32>,
          %ge3A_419 = vector.broadcast %cond3A_243 : f32 to vector<16xf32>
          %ge3A_420 = arith.cmpf oge, %get3A_418, %ge3A_419 : vector<16xf32>
          %jit3A_421 = arith.constant 0.000000e+00 : f32
          %broadcast_in_dim3A_422 = vector.broadcast %jit3A_421 : f32 to vector<16xf32>
          %select_n3A_423 = arith.select %ge3A_420, %get3A_418, %broadcast_in_dim3A_422 : vector<16xi1>, vector<16xf32>
          %mul3A_424 = arith.constant 16 : i32
          %mul3A_425 = arith.muli %scan3A_413, %mul3A_424 : i32
          %swap3A_426 = arith.index_cast %select_n3A_158 : i32 to index
          %swap3A_427 = arith.index_cast %mul3A_425 : i32 to index
          %swap3A_428 = tpu.vector_load %arg5[%swap3A_426, %swap3A_427] {strides = array<i32>} : memref<2x10000xf32, #tpu.memory_space<vmem>>, vector<16xf32>,
          tpu.vector_store %arg5[%swap3A_426, %swap3A_427], %select_n3A_423 {strides = array<i32>} : memref<2x10000xf32, #tpu.memory_space<vmem>>, vector<16xf32>,
          %scan3A_429 = arith.constant 0 : i32
          scf.yield %scan3A_429 : i32
        }
        %scan3A_266 = arith.constant 624 : i32
        %scan3A_267 = arith.addi %scan3A_261, %scan3A_266 : i32
        %mul3A_268 = arith.constant 16 : i32
        %mul3A_269 = arith.muli %scan3A_267, %mul3A_268 : i32
        %get3A_270 = arith.index_cast %select_n3A_158 : i32 to index
        %get3A_271 = arith.index_cast %mul3A_269 : i32 to index
        %get3A_272 = tpu.vector_load %arg4[%get3A_270, %get3A_271] {strides = array<i32>} : memref<2x10000xf32, #tpu.memory_space<vmem>>, vector<16xf32>,
        %ge3A_273 = vector.broadcast %cond3A_243 : f32 to vector<16xf32>
        %ge3A_274 = arith.cmpf oge, %get3A_272, %ge3A_273 : vector<16xf32>
        %jit3A_275 = arith.constant 0.000000e+00 : f32
        %broadcast_in_dim3A_276 = vector.broadcast %jit3A_275 : f32 to vector<16xf32>
        %select_n3A_277 = arith.select %ge3A_274, %get3A_272, %broadcast_in_dim3A_276 : vector<16xi1>, vector<16xf32>
        %mul3A_278 = arith.constant 16 : i32
        %mul3A_279 = arith.muli %scan3A_267, %mul3A_278 : i32
        %swap3A_280 = arith.index_cast %select_n3A_158 : i32 to index
        %swap3A_281 = arith.index_cast %mul3A_279 : i32 to index
        %swap3A_282 = tpu.vector_load %arg5[%swap3A_280, %swap3A_281] {strides = array<i32>} : memref<2x10000xf32, #tpu.memory_space<vmem>>, vector<16xf32>,
        tpu.vector_store %arg5[%swap3A_280, %swap3A_281], %select_n3A_277 {strides = array<i32>} : memref<2x10000xf32, #tpu.memory_space<vmem>>, vector<16xf32>,
        %scan3A_283 = arith.constant 0 : i32
        %scan3A_284 = arith.constant 625 : i32
        %cond3A_285 = arith.constant 0 : i32
        scf.yield %cond3A_285 : i32
      } else {
        %broadcast_in_dim3A_260 = arith.constant 0.000000e+00 : f32
        %broadcast_in_dim3A_261 = vector.broadcast %broadcast_in_dim3A_260 : f32 to vector<16xf32>
        %get3A_262 = arith.constant 0 : index
        %get3A_263 = tpu.vector_load %arg6[%get3A_262] {strides = array<i32>} : memref<384xi32, #tpu.memory_space<vmem>>, vector<16xi32>,
        %gather3A = tpu.vector_load_idx %arg4[%add3A_162, %get3A_263] : memref<2x10000xf32, #tpu.memory_space<vmem>>[vector<16xi32>, vector<16xi32>], vector<16xf32>,
        %gt3A_264 = arith.constant 0 : i32
        %gt3A_265 = vector.broadcast %gt3A_264 : i32 to vector<16xi32>
        %gt3A_266 = arith.cmpi sgt, %cond3A_237#1, %gt3A_265 : vector<16xi32>
        %jit3A_267 = arith.constant 0.000000e+00 : f32
        %broadcast_in_dim3A_268 = vector.broadcast %jit3A_267 : f32 to vector<16xf32>
        %select_n3A_269 = arith.select %gt3A_266, %gather3A, %broadcast_in_dim3A_268 : vector<16xi1>, vector<16xf32>
        %get3A_270 = arith.constant 16 : index
        %get3A_271 = tpu.vector_load %arg6[%get3A_270] {strides = array<i32>} : memref<384xi32, #tpu.memory_space<vmem>>, vector<16xi32>,
        %gather3A_272 = tpu.vector_load_idx %arg4[%add3A_162, %get3A_271] : memref<2x10000xf32, #tpu.memory_space<vmem>>[vector<16xi32>, vector<16xi32>], vector<16xf32>,
        %gt3A_273 = arith.constant 1 : i32
        %gt3A_274 = vector.broadcast %gt3A_273 : i32 to vector<16xi32>
        %gt3A_275 = arith.cmpi sgt, %cond3A_237#1, %gt3A_274 : vector<16xi32>
        %jit3A_276 = arith.constant 0.000000e+00 : f32
        %broadcast_in_dim3A_277 = vector.broadcast %jit3A_276 : f32 to vector<16xf32>
        %select_n3A_278 = arith.select %gt3A_275, %gather3A_272, %broadcast_in_dim3A_277 : vector<16xi1>, vector<16xf32>
        %get3A_279 = arith.constant 32 : index
        %get3A_280 = tpu.vector_load %arg6[%get3A_279] {strides = array<i32>} : memref<384xi32, #tpu.memory_space<vmem>>, vector<16xi32>,
        %gather3A_281 = tpu.vector_load_idx %arg4[%add3A_162, %get3A_280] : memref<2x10000xf32, #tpu.memory_space<vmem>>[vector<16xi32>, vector<16xi32>], vector<16xf32>,
        %gt3A_282 = arith.constant 2 : i32
        %gt3A_283 = vector.broadcast %gt3A_282 : i32 to vector<16xi32>
        %gt3A_284 = arith.cmpi sgt, %cond3A_237#1, %gt3A_283 : vector<16xi32>
        %jit3A_285 = arith.constant 0.000000e+00 : f32
        %broadcast_in_dim3A_286 = vector.broadcast %jit3A_285 : f32 to vector<16xf32>
        %select_n3A_287 = arith.select %gt3A_284, %gather3A_281, %broadcast_in_dim3A_286 : vector<16xi1>, vector<16xf32>
        %get3A_288 = arith.constant 48 : index
        %get3A_289 = tpu.vector_load %arg6[%get3A_288] {strides = array<i32>} : memref<384xi32, #tpu.memory_space<vmem>>, vector<16xi32>,
        %gather3A_290 = tpu.vector_load_idx %arg4[%add3A_162, %get3A_289] : memref<2x10000xf32, #tpu.memory_space<vmem>>[vector<16xi32>, vector<16xi32>], vector<16xf32>,
        %gt3A_291 = arith.constant 3 : i32
        %gt3A_292 = vector.broadcast %gt3A_291 : i32 to vector<16xi32>
        %gt3A_293 = arith.cmpi sgt, %cond3A_237#1, %gt3A_292 : vector<16xi32>
        %jit3A_294 = arith.constant 0.000000e+00 : f32
        %broadcast_in_dim3A_295 = vector.broadcast %jit3A_294 : f32 to vector<16xf32>
        %select_n3A_296 = arith.select %gt3A_293, %gather3A_290, %broadcast_in_dim3A_295 : vector<16xi1>, vector<16xf32>
        %get3A_297 = arith.constant 64 : index
        %get3A_298 = tpu.vector_load %arg6[%get3A_297] {strides = array<i32>} : memref<384xi32, #tpu.memory_space<vmem>>, vector<16xi32>,
        %gather3A_299 = tpu.vector_load_idx %arg4[%add3A_162, %get3A_298] : memref<2x10000xf32, #tpu.memory_space<vmem>>[vector<16xi32>, vector<16xi32>], vector<16xf32>,
        %gt3A_300 = arith.constant 4 : i32
        %gt3A_301 = vector.broadcast %gt3A_300 : i32 to vector<16xi32>
        %gt3A_302 = arith.cmpi sgt, %cond3A_237#1, %gt3A_301 : vector<16xi32>
        %jit3A_303 = arith.constant 0.000000e+00 : f32
        %broadcast_in_dim3A_304 = vector.broadcast %jit3A_303 : f32 to vector<16xf32>
        %select_n3A_305 = arith.select %gt3A_302, %gather3A_299, %broadcast_in_dim3A_304 : vector<16xi1>, vector<16xf32>
        %get3A_306 = arith.constant 80 : index
        %get3A_307 = tpu.vector_load %arg6[%get3A_306] {strides = array<i32>} : memref<384xi32, #tpu.memory_space<vmem>>, vector<16xi32>,
        %gather3A_308 = tpu.vector_load_idx %arg4[%add3A_162, %get3A_307] : memref<2x10000xf32, #tpu.memory_space<vmem>>[vector<16xi32>, vector<16xi32>], vector<16xf32>,
        %gt3A_309 = arith.constant 5 : i32
        %gt3A_310 = vector.broadcast %gt3A_309 : i32 to vector<16xi32>
        %gt3A_311 = arith.cmpi sgt, %cond3A_237#1, %gt3A_310 : vector<16xi32>
        %jit3A_312 = arith.constant 0.000000e+00 : f32
        %broadcast_in_dim3A_313 = vector.broadcast %jit3A_312 : f32 to vector<16xf32>
        %select_n3A_314 = arith.select %gt3A_311, %gather3A_308, %broadcast_in_dim3A_313 : vector<16xi1>, vector<16xf32>
        %get3A_315 = arith.constant 96 : index
        %get3A_316 = tpu.vector_load %arg6[%get3A_315] {strides = array<i32>} : memref<384xi32, #tpu.memory_space<vmem>>, vector<16xi32>,
        %gather3A_317 = tpu.vector_load_idx %arg4[%add3A_162, %get3A_316] : memref<2x10000xf32, #tpu.memory_space<vmem>>[vector<16xi32>, vector<16xi32>], vector<16xf32>,
        %gt3A_318 = arith.constant 6 : i32
        %gt3A_319 = vector.broadcast %gt3A_318 : i32 to vector<16xi32>
        %gt3A_320 = arith.cmpi sgt, %cond3A_237#1, %gt3A_319 : vector<16xi32>
        %jit3A_321 = arith.constant 0.000000e+00 : f32
        %broadcast_in_dim3A_322 = vector.broadcast %jit3A_321 : f32 to vector<16xf32>
        %select_n3A_323 = arith.select %gt3A_320, %gather3A_317, %broadcast_in_dim3A_322 : vector<16xi1>, vector<16xf32>
        %get3A_324 = arith.constant 112 : index
        %get3A_325 = tpu.vector_load %arg6[%get3A_324] {strides = array<i32>} : memref<384xi32, #tpu.memory_space<vmem>>, vector<16xi32>,
        %gather3A_326 = tpu.vector_load_idx %arg4[%add3A_162, %get3A_325] : memref<2x10000xf32, #tpu.memory_space<vmem>>[vector<16xi32>, vector<16xi32>], vector<16xf32>,
        %gt3A_327 = arith.constant 7 : i32
        %gt3A_328 = vector.broadcast %gt3A_327 : i32 to vector<16xi32>
        %gt3A_329 = arith.cmpi sgt, %cond3A_237#1, %gt3A_328 : vector<16xi32>
        %jit3A_330 = arith.constant 0.000000e+00 : f32
        %broadcast_in_dim3A_331 = vector.broadcast %jit3A_330 : f32 to vector<16xf32>
        %select_n3A_332 = arith.select %gt3A_329, %gather3A_326, %broadcast_in_dim3A_331 : vector<16xi1>, vector<16xf32>
        %get3A_333 = arith.constant 128 : index
        %get3A_334 = tpu.vector_load %arg6[%get3A_333] {strides = array<i32>} : memref<384xi32, #tpu.memory_space<vmem>>, vector<16xi32>,
        %gather3A_335 = tpu.vector_load_idx %arg4[%add3A_162, %get3A_334] : memref<2x10000xf32, #tpu.memory_space<vmem>>[vector<16xi32>, vector<16xi32>], vector<16xf32>,
        %gt3A_336 = arith.constant 8 : i32
        %gt3A_337 = vector.broadcast %gt3A_336 : i32 to vector<16xi32>
        %gt3A_338 = arith.cmpi sgt, %cond3A_237#1, %gt3A_337 : vector<16xi32>
        %jit3A_339 = arith.constant 0.000000e+00 : f32
        %broadcast_in_dim3A_340 = vector.broadcast %jit3A_339 : f32 to vector<16xf32>
        %select_n3A_341 = arith.select %gt3A_338, %gather3A_335, %broadcast_in_dim3A_340 : vector<16xi1>, vector<16xf32>
        %get3A_342 = arith.constant 144 : index
        %get3A_343 = tpu.vector_load %arg6[%get3A_342] {strides = array<i32>} : memref<384xi32, #tpu.memory_space<vmem>>, vector<16xi32>,
        %gather3A_344 = tpu.vector_load_idx %arg4[%add3A_162, %get3A_343] : memref<2x10000xf32, #tpu.memory_space<vmem>>[vector<16xi32>, vector<16xi32>], vector<16xf32>,
        %gt3A_345 = arith.constant 9 : i32
        %gt3A_346 = vector.broadcast %gt3A_345 : i32 to vector<16xi32>
        %gt3A_347 = arith.cmpi sgt, %cond3A_237#1, %gt3A_346 : vector<16xi32>
        %jit3A_348 = arith.constant 0.000000e+00 : f32
        %broadcast_in_dim3A_349 = vector.broadcast %jit3A_348 : f32 to vector<16xf32>
        %select_n3A_350 = arith.select %gt3A_347, %gather3A_344, %broadcast_in_dim3A_349 : vector<16xi1>, vector<16xf32>
        %get3A_351 = arith.constant 160 : index
        %get3A_352 = tpu.vector_load %arg6[%get3A_351] {strides = array<i32>} : memref<384xi32, #tpu.memory_space<vmem>>, vector<16xi32>,
        %gather3A_353 = tpu.vector_load_idx %arg4[%add3A_162, %get3A_352] : memref<2x10000xf32, #tpu.memory_space<vmem>>[vector<16xi32>, vector<16xi32>], vector<16xf32>,
        %gt3A_354 = arith.constant 10 : i32
        %gt3A_355 = vector.broadcast %gt3A_354 : i32 to vector<16xi32>
        %gt3A_356 = arith.cmpi sgt, %cond3A_237#1, %gt3A_355 : vector<16xi32>
        %jit3A_357 = arith.constant 0.000000e+00 : f32
        %broadcast_in_dim3A_358 = vector.broadcast %jit3A_357 : f32 to vector<16xf32>
        %select_n3A_359 = arith.select %gt3A_356, %gather3A_353, %broadcast_in_dim3A_358 : vector<16xi1>, vector<16xf32>
        %get3A_360 = arith.constant 176 : index
        %get3A_361 = tpu.vector_load %arg6[%get3A_360] {strides = array<i32>} : memref<384xi32, #tpu.memory_space<vmem>>, vector<16xi32>,
        %gather3A_362 = tpu.vector_load_idx %arg4[%add3A_162, %get3A_361] : memref<2x10000xf32, #tpu.memory_space<vmem>>[vector<16xi32>, vector<16xi32>], vector<16xf32>,
        %gt3A_363 = arith.constant 11 : i32
        %gt3A_364 = vector.broadcast %gt3A_363 : i32 to vector<16xi32>
        %gt3A_365 = arith.cmpi sgt, %cond3A_237#1, %gt3A_364 : vector<16xi32>
        %jit3A_366 = arith.constant 0.000000e+00 : f32
        %broadcast_in_dim3A_367 = vector.broadcast %jit3A_366 : f32 to vector<16xf32>
        %select_n3A_368 = arith.select %gt3A_365, %gather3A_362, %broadcast_in_dim3A_367 : vector<16xi1>, vector<16xf32>
        %get3A_369 = arith.constant 192 : index
        %get3A_370 = tpu.vector_load %arg6[%get3A_369] {strides = array<i32>} : memref<384xi32, #tpu.memory_space<vmem>>, vector<16xi32>,
        %gather3A_371 = tpu.vector_load_idx %arg4[%add3A_162, %get3A_370] : memref<2x10000xf32, #tpu.memory_space<vmem>>[vector<16xi32>, vector<16xi32>], vector<16xf32>,
        %gt3A_372 = arith.constant 12 : i32
        %gt3A_373 = vector.broadcast %gt3A_372 : i32 to vector<16xi32>
        %gt3A_374 = arith.cmpi sgt, %cond3A_237#1, %gt3A_373 : vector<16xi32>
        %jit3A_375 = arith.constant 0.000000e+00 : f32
        %broadcast_in_dim3A_376 = vector.broadcast %jit3A_375 : f32 to vector<16xf32>
        %select_n3A_377 = arith.select %gt3A_374, %gather3A_371, %broadcast_in_dim3A_376 : vector<16xi1>, vector<16xf32>
        %get3A_378 = arith.constant 208 : index
        %get3A_379 = tpu.vector_load %arg6[%get3A_378] {strides = array<i32>} : memref<384xi32, #tpu.memory_space<vmem>>, vector<16xi32>,
        %gather3A_380 = tpu.vector_load_idx %arg4[%add3A_162, %get3A_379] : memref<2x10000xf32, #tpu.memory_space<vmem>>[vector<16xi32>, vector<16xi32>], vector<16xf32>,
        %gt3A_381 = arith.constant 13 : i32
        %gt3A_382 = vector.broadcast %gt3A_381 : i32 to vector<16xi32>
        %gt3A_383 = arith.cmpi sgt, %cond3A_237#1, %gt3A_382 : vector<16xi32>
        %jit3A_384 = arith.constant 0.000000e+00 : f32
        %broadcast_in_dim3A_385 = vector.broadcast %jit3A_384 : f32 to vector<16xf32>
        %select_n3A_386 = arith.select %gt3A_383, %gather3A_380, %broadcast_in_dim3A_385 : vector<16xi1>, vector<16xf32>
        %get3A_387 = arith.constant 224 : index
        %get3A_388 = tpu.vector_load %arg6[%get3A_387] {strides = array<i32>} : memref<384xi32, #tpu.memory_space<vmem>>, vector<16xi32>,
        %gather3A_389 = tpu.vector_load_idx %arg4[%add3A_162, %get3A_388] : memref<2x10000xf32, #tpu.memory_space<vmem>>[vector<16xi32>, vector<16xi32>], vector<16xf32>,
        %gt3A_390 = arith.constant 14 : i32
        %gt3A_391 = vector.broadcast %gt3A_390 : i32 to vector<16xi32>
        %gt3A_392 = arith.cmpi sgt, %cond3A_237#1, %gt3A_391 : vector<16xi32>
        %jit3A_393 = arith.constant 0.000000e+00 : f32
        %broadcast_in_dim3A_394 = vector.broadcast %jit3A_393 : f32 to vector<16xf32>
        %select_n3A_395 = arith.select %gt3A_392, %gather3A_389, %broadcast_in_dim3A_394 : vector<16xi1>, vector<16xf32>
        %get3A_396 = arith.constant 240 : index
        %get3A_397 = tpu.vector_load %arg6[%get3A_396] {strides = array<i32>} : memref<384xi32, #tpu.memory_space<vmem>>, vector<16xi32>,
        %gather3A_398 = tpu.vector_load_idx %arg4[%add3A_162, %get3A_397] : memref<2x10000xf32, #tpu.memory_space<vmem>>[vector<16xi32>, vector<16xi32>], vector<16xf32>,
        %gt3A_399 = arith.constant 15 : i32
        %gt3A_400 = vector.broadcast %gt3A_399 : i32 to vector<16xi32>
        %gt3A_401 = arith.cmpi sgt, %cond3A_237#1, %gt3A_400 : vector<16xi32>
        %jit3A_402 = arith.constant 0.000000e+00 : f32
        %broadcast_in_dim3A_403 = vector.broadcast %jit3A_402 : f32 to vector<16xf32>
        %select_n3A_404 = arith.select %gt3A_401, %gather3A_398, %broadcast_in_dim3A_403 : vector<16xi1>, vector<16xf32>
        %get3A_405 = arith.constant 256 : index
        %get3A_406 = tpu.vector_load %arg6[%get3A_405] {strides = array<i32>} : memref<384xi32, #tpu.memory_space<vmem>>, vector<16xi32>,
        %gather3A_407 = tpu.vector_load_idx %arg4[%add3A_162, %get3A_406] : memref<2x10000xf32, #tpu.memory_space<vmem>>[vector<16xi32>, vector<16xi32>], vector<16xf32>,
        %gt3A_408 = arith.constant 16 : i32
        %gt3A_409 = vector.broadcast %gt3A_408 : i32 to vector<16xi32>
        %gt3A_410 = arith.cmpi sgt, %cond3A_237#1, %gt3A_409 : vector<16xi32>
        %jit3A_411 = arith.constant 0.000000e+00 : f32
        %broadcast_in_dim3A_412 = vector.broadcast %jit3A_411 : f32 to vector<16xf32>
        %select_n3A_413 = arith.select %gt3A_410, %gather3A_407, %broadcast_in_dim3A_412 : vector<16xi1>, vector<16xf32>
        %get3A_414 = arith.constant 272 : index
        %get3A_415 = tpu.vector_load %arg6[%get3A_414] {strides = array<i32>} : memref<384xi32, #tpu.memory_space<vmem>>, vector<16xi32>,
        %gather3A_416 = tpu.vector_load_idx %arg4[%add3A_162, %get3A_415] : memref<2x10000xf32, #tpu.memory_space<vmem>>[vector<16xi32>, vector<16xi32>], vector<16xf32>,
        %gt3A_417 = arith.constant 17 : i32
        %gt3A_418 = vector.broadcast %gt3A_417 : i32 to vector<16xi32>
        %gt3A_419 = arith.cmpi sgt, %cond3A_237#1, %gt3A_418 : vector<16xi32>
        %jit3A_420 = arith.constant 0.000000e+00 : f32
        %broadcast_in_dim3A_421 = vector.broadcast %jit3A_420 : f32 to vector<16xf32>
        %select_n3A_422 = arith.select %gt3A_419, %gather3A_416, %broadcast_in_dim3A_421 : vector<16xi1>, vector<16xf32>
        %get3A_423 = arith.constant 288 : index
        %get3A_424 = tpu.vector_load %arg6[%get3A_423] {strides = array<i32>} : memref<384xi32, #tpu.memory_space<vmem>>, vector<16xi32>,
        %gather3A_425 = tpu.vector_load_idx %arg4[%add3A_162, %get3A_424] : memref<2x10000xf32, #tpu.memory_space<vmem>>[vector<16xi32>, vector<16xi32>], vector<16xf32>,
        %gt3A_426 = arith.constant 18 : i32
        %gt3A_427 = vector.broadcast %gt3A_426 : i32 to vector<16xi32>
        %gt3A_428 = arith.cmpi sgt, %cond3A_237#1, %gt3A_427 : vector<16xi32>
        %jit3A_429 = arith.constant 0.000000e+00 : f32
        %broadcast_in_dim3A_430 = vector.broadcast %jit3A_429 : f32 to vector<16xf32>
        %select_n3A_431 = arith.select %gt3A_428, %gather3A_425, %broadcast_in_dim3A_430 : vector<16xi1>, vector<16xf32>
        %get3A_432 = arith.constant 304 : index
        %get3A_433 = tpu.vector_load %arg6[%get3A_432] {strides = array<i32>} : memref<384xi32, #tpu.memory_space<vmem>>, vector<16xi32>,
        %gather3A_434 = tpu.vector_load_idx %arg4[%add3A_162, %get3A_433] : memref<2x10000xf32, #tpu.memory_space<vmem>>[vector<16xi32>, vector<16xi32>], vector<16xf32>,
        %gt3A_435 = arith.constant 19 : i32
        %gt3A_436 = vector.broadcast %gt3A_435 : i32 to vector<16xi32>
        %gt3A_437 = arith.cmpi sgt, %cond3A_237#1, %gt3A_436 : vector<16xi32>
        %jit3A_438 = arith.constant 0.000000e+00 : f32
        %broadcast_in_dim3A_439 = vector.broadcast %jit3A_438 : f32 to vector<16xf32>
        %select_n3A_440 = arith.select %gt3A_437, %gather3A_434, %broadcast_in_dim3A_439 : vector<16xi1>, vector<16xf32>
        %get3A_441 = arith.constant 320 : index
        %get3A_442 = tpu.vector_load %arg6[%get3A_441] {strides = array<i32>} : memref<384xi32, #tpu.memory_space<vmem>>, vector<16xi32>,
        %gather3A_443 = tpu.vector_load_idx %arg4[%add3A_162, %get3A_442] : memref<2x10000xf32, #tpu.memory_space<vmem>>[vector<16xi32>, vector<16xi32>], vector<16xf32>,
        %gt3A_444 = arith.constant 20 : i32
        %gt3A_445 = vector.broadcast %gt3A_444 : i32 to vector<16xi32>
        %gt3A_446 = arith.cmpi sgt, %cond3A_237#1, %gt3A_445 : vector<16xi32>
        %jit3A_447 = arith.constant 0.000000e+00 : f32
        %broadcast_in_dim3A_448 = vector.broadcast %jit3A_447 : f32 to vector<16xf32>
        %select_n3A_449 = arith.select %gt3A_446, %gather3A_443, %broadcast_in_dim3A_448 : vector<16xi1>, vector<16xf32>
        %get3A_450 = arith.constant 336 : index
        %get3A_451 = tpu.vector_load %arg6[%get3A_450] {strides = array<i32>} : memref<384xi32, #tpu.memory_space<vmem>>, vector<16xi32>,
        %gather3A_452 = tpu.vector_load_idx %arg4[%add3A_162, %get3A_451] : memref<2x10000xf32, #tpu.memory_space<vmem>>[vector<16xi32>, vector<16xi32>], vector<16xf32>,
        %gt3A_453 = arith.constant 21 : i32
        %gt3A_454 = vector.broadcast %gt3A_453 : i32 to vector<16xi32>
        %gt3A_455 = arith.cmpi sgt, %cond3A_237#1, %gt3A_454 : vector<16xi32>
        %jit3A_456 = arith.constant 0.000000e+00 : f32
        %broadcast_in_dim3A_457 = vector.broadcast %jit3A_456 : f32 to vector<16xf32>
        %select_n3A_458 = arith.select %gt3A_455, %gather3A_452, %broadcast_in_dim3A_457 : vector<16xi1>, vector<16xf32>
        %get3A_459 = arith.constant 352 : index
        %get3A_460 = tpu.vector_load %arg6[%get3A_459] {strides = array<i32>} : memref<384xi32, #tpu.memory_space<vmem>>, vector<16xi32>,
        %gather3A_461 = tpu.vector_load_idx %arg4[%add3A_162, %get3A_460] : memref<2x10000xf32, #tpu.memory_space<vmem>>[vector<16xi32>, vector<16xi32>], vector<16xf32>,
        %gt3A_462 = arith.constant 22 : i32
        %gt3A_463 = vector.broadcast %gt3A_462 : i32 to vector<16xi32>
        %gt3A_464 = arith.cmpi sgt, %cond3A_237#1, %gt3A_463 : vector<16xi32>
        %jit3A_465 = arith.constant 0.000000e+00 : f32
        %broadcast_in_dim3A_466 = vector.broadcast %jit3A_465 : f32 to vector<16xf32>
        %select_n3A_467 = arith.select %gt3A_464, %gather3A_461, %broadcast_in_dim3A_466 : vector<16xi1>, vector<16xf32>
        %get3A_468 = arith.constant 368 : index
        %get3A_469 = tpu.vector_load %arg6[%get3A_468] {strides = array<i32>} : memref<384xi32, #tpu.memory_space<vmem>>, vector<16xi32>,
        %gather3A_470 = tpu.vector_load_idx %arg4[%add3A_162, %get3A_469] : memref<2x10000xf32, #tpu.memory_space<vmem>>[vector<16xi32>, vector<16xi32>], vector<16xf32>,
        %gt3A_471 = arith.constant 23 : i32
        %gt3A_472 = vector.broadcast %gt3A_471 : i32 to vector<16xi32>
        %gt3A_473 = arith.cmpi sgt, %cond3A_237#1, %gt3A_472 : vector<16xi32>
        %jit3A_474 = arith.constant 0.000000e+00 : f32
        %broadcast_in_dim3A_475 = vector.broadcast %jit3A_474 : f32 to vector<16xf32>
        %select_n3A_476 = arith.select %gt3A_473, %gather3A_470, %broadcast_in_dim3A_475 : vector<16xi1>, vector<16xf32>
        %get3A_477 = arith.constant 0 : index
        %get3A_478 = tpu.vector_load %arg6[%get3A_477] {strides = array<i32>} : memref<384xi32, #tpu.memory_space<vmem>>, vector<16xi32>,
        %gt3A_479 = arith.constant 0 : i32
        %gt3A_480 = vector.broadcast %gt3A_479 : i32 to vector<16xi32>
        %gt3A_481 = arith.cmpi sgt, %cond3A_237#1, %gt3A_480 : vector<16xi32>
        %lt3A_482 = vector.broadcast %cond3A_243 : f32 to vector<16xf32>
        %lt3A_483 = arith.cmpf olt, %select_n3A_269, %lt3A_482 : vector<16xf32>
        %and3A_484 = arith.andi %gt3A_481, %lt3A_483 : vector<16xi1>
        tpu.vector_store_idx %arg5[%add3A_162, %get3A_478], %broadcast_in_dim3A_261 masked %and3A_484 : memref<2x10000xf32, #tpu.memory_space<vmem>>[vector<16xi32>, vector<16xi32>], vector<16xf32>, vector<16xi1>
        %get3A_485 = arith.constant 16 : index
        %get3A_486 = tpu.vector_load %arg6[%get3A_485] {strides = array<i32>} : memref<384xi32, #tpu.memory_space<vmem>>, vector<16xi32>,
        %gt3A_487 = arith.constant 1 : i32
        %gt3A_488 = vector.broadcast %gt3A_487 : i32 to vector<16xi32>
        %gt3A_489 = arith.cmpi sgt, %cond3A_237#1, %gt3A_488 : vector<16xi32>
        %lt3A_490 = vector.broadcast %cond3A_243 : f32 to vector<16xf32>
        %lt3A_491 = arith.cmpf olt, %select_n3A_278, %lt3A_490 : vector<16xf32>
        %and3A_492 = arith.andi %gt3A_489, %lt3A_491 : vector<16xi1>
        tpu.vector_store_idx %arg5[%add3A_162, %get3A_486], %broadcast_in_dim3A_261 masked %and3A_492 : memref<2x10000xf32, #tpu.memory_space<vmem>>[vector<16xi32>, vector<16xi32>], vector<16xf32>, vector<16xi1>
        %get3A_493 = arith.constant 32 : index
        %get3A_494 = tpu.vector_load %arg6[%get3A_493] {strides = array<i32>} : memref<384xi32, #tpu.memory_space<vmem>>, vector<16xi32>,
        %gt3A_495 = arith.constant 2 : i32
        %gt3A_496 = vector.broadcast %gt3A_495 : i32 to vector<16xi32>
        %gt3A_497 = arith.cmpi sgt, %cond3A_237#1, %gt3A_496 : vector<16xi32>
        %lt3A_498 = vector.broadcast %cond3A_243 : f32 to vector<16xf32>
        %lt3A_499 = arith.cmpf olt, %select_n3A_287, %lt3A_498 : vector<16xf32>
        %and3A_500 = arith.andi %gt3A_497, %lt3A_499 : vector<16xi1>
        tpu.vector_store_idx %arg5[%add3A_162, %get3A_494], %broadcast_in_dim3A_261 masked %and3A_500 : memref<2x10000xf32, #tpu.memory_space<vmem>>[vector<16xi32>, vector<16xi32>], vector<16xf32>, vector<16xi1>
        %get3A_501 = arith.constant 48 : index
        %get3A_502 = tpu.vector_load %arg6[%get3A_501] {strides = array<i32>} : memref<384xi32, #tpu.memory_space<vmem>>, vector<16xi32>,
        %gt3A_503 = arith.constant 3 : i32
        %gt3A_504 = vector.broadcast %gt3A_503 : i32 to vector<16xi32>
        %gt3A_505 = arith.cmpi sgt, %cond3A_237#1, %gt3A_504 : vector<16xi32>
        %lt3A_506 = vector.broadcast %cond3A_243 : f32 to vector<16xf32>
        %lt3A_507 = arith.cmpf olt, %select_n3A_296, %lt3A_506 : vector<16xf32>
        %and3A_508 = arith.andi %gt3A_505, %lt3A_507 : vector<16xi1>
        tpu.vector_store_idx %arg5[%add3A_162, %get3A_502], %broadcast_in_dim3A_261 masked %and3A_508 : memref<2x10000xf32, #tpu.memory_space<vmem>>[vector<16xi32>, vector<16xi32>], vector<16xf32>, vector<16xi1>
        %get3A_509 = arith.constant 64 : index
        %get3A_510 = tpu.vector_load %arg6[%get3A_509] {strides = array<i32>} : memref<384xi32, #tpu.memory_space<vmem>>, vector<16xi32>,
        %gt3A_511 = arith.constant 4 : i32
        %gt3A_512 = vector.broadcast %gt3A_511 : i32 to vector<16xi32>
        %gt3A_513 = arith.cmpi sgt, %cond3A_237#1, %gt3A_512 : vector<16xi32>
        %lt3A_514 = vector.broadcast %cond3A_243 : f32 to vector<16xf32>
        %lt3A_515 = arith.cmpf olt, %select_n3A_305, %lt3A_514 : vector<16xf32>
        %and3A_516 = arith.andi %gt3A_513, %lt3A_515 : vector<16xi1>
        tpu.vector_store_idx %arg5[%add3A_162, %get3A_510], %broadcast_in_dim3A_261 masked %and3A_516 : memref<2x10000xf32, #tpu.memory_space<vmem>>[vector<16xi32>, vector<16xi32>], vector<16xf32>, vector<16xi1>
        %get3A_517 = arith.constant 80 : index
        %get3A_518 = tpu.vector_load %arg6[%get3A_517] {strides = array<i32>} : memref<384xi32, #tpu.memory_space<vmem>>, vector<16xi32>,
        %gt3A_519 = arith.constant 5 : i32
        %gt3A_520 = vector.broadcast %gt3A_519 : i32 to vector<16xi32>
        %gt3A_521 = arith.cmpi sgt, %cond3A_237#1, %gt3A_520 : vector<16xi32>
        %lt3A_522 = vector.broadcast %cond3A_243 : f32 to vector<16xf32>
        %lt3A_523 = arith.cmpf olt, %select_n3A_314, %lt3A_522 : vector<16xf32>
        %and3A_524 = arith.andi %gt3A_521, %lt3A_523 : vector<16xi1>
        tpu.vector_store_idx %arg5[%add3A_162, %get3A_518], %broadcast_in_dim3A_261 masked %and3A_524 : memref<2x10000xf32, #tpu.memory_space<vmem>>[vector<16xi32>, vector<16xi32>], vector<16xf32>, vector<16xi1>
        %get3A_525 = arith.constant 96 : index
        %get3A_526 = tpu.vector_load %arg6[%get3A_525] {strides = array<i32>} : memref<384xi32, #tpu.memory_space<vmem>>, vector<16xi32>,
        %gt3A_527 = arith.constant 6 : i32
        %gt3A_528 = vector.broadcast %gt3A_527 : i32 to vector<16xi32>
        %gt3A_529 = arith.cmpi sgt, %cond3A_237#1, %gt3A_528 : vector<16xi32>
        %lt3A_530 = vector.broadcast %cond3A_243 : f32 to vector<16xf32>
        %lt3A_531 = arith.cmpf olt, %select_n3A_323, %lt3A_530 : vector<16xf32>
        %and3A_532 = arith.andi %gt3A_529, %lt3A_531 : vector<16xi1>
        tpu.vector_store_idx %arg5[%add3A_162, %get3A_526], %broadcast_in_dim3A_261 masked %and3A_532 : memref<2x10000xf32, #tpu.memory_space<vmem>>[vector<16xi32>, vector<16xi32>], vector<16xf32>, vector<16xi1>
        %get3A_533 = arith.constant 112 : index
        %get3A_534 = tpu.vector_load %arg6[%get3A_533] {strides = array<i32>} : memref<384xi32, #tpu.memory_space<vmem>>, vector<16xi32>,
        %gt3A_535 = arith.constant 7 : i32
        %gt3A_536 = vector.broadcast %gt3A_535 : i32 to vector<16xi32>
        %gt3A_537 = arith.cmpi sgt, %cond3A_237#1, %gt3A_536 : vector<16xi32>
        %lt3A_538 = vector.broadcast %cond3A_243 : f32 to vector<16xf32>
        %lt3A_539 = arith.cmpf olt, %select_n3A_332, %lt3A_538 : vector<16xf32>
        %and3A_540 = arith.andi %gt3A_537, %lt3A_539 : vector<16xi1>
        tpu.vector_store_idx %arg5[%add3A_162, %get3A_534], %broadcast_in_dim3A_261 masked %and3A_540 : memref<2x10000xf32, #tpu.memory_space<vmem>>[vector<16xi32>, vector<16xi32>], vector<16xf32>, vector<16xi1>
        %get3A_541 = arith.constant 128 : index
        %get3A_542 = tpu.vector_load %arg6[%get3A_541] {strides = array<i32>} : memref<384xi32, #tpu.memory_space<vmem>>, vector<16xi32>,
        %gt3A_543 = arith.constant 8 : i32
        %gt3A_544 = vector.broadcast %gt3A_543 : i32 to vector<16xi32>
        %gt3A_545 = arith.cmpi sgt, %cond3A_237#1, %gt3A_544 : vector<16xi32>
        %lt3A_546 = vector.broadcast %cond3A_243 : f32 to vector<16xf32>
        %lt3A_547 = arith.cmpf olt, %select_n3A_341, %lt3A_546 : vector<16xf32>
        %and3A_548 = arith.andi %gt3A_545, %lt3A_547 : vector<16xi1>
        tpu.vector_store_idx %arg5[%add3A_162, %get3A_542], %broadcast_in_dim3A_261 masked %and3A_548 : memref<2x10000xf32, #tpu.memory_space<vmem>>[vector<16xi32>, vector<16xi32>], vector<16xf32>, vector<16xi1>
        %get3A_549 = arith.constant 144 : index
        %get3A_550 = tpu.vector_load %arg6[%get3A_549] {strides = array<i32>} : memref<384xi32, #tpu.memory_space<vmem>>, vector<16xi32>,
        %gt3A_551 = arith.constant 9 : i32
        %gt3A_552 = vector.broadcast %gt3A_551 : i32 to vector<16xi32>
        %gt3A_553 = arith.cmpi sgt, %cond3A_237#1, %gt3A_552 : vector<16xi32>
        %lt3A_554 = vector.broadcast %cond3A_243 : f32 to vector<16xf32>
        %lt3A_555 = arith.cmpf olt, %select_n3A_350, %lt3A_554 : vector<16xf32>
        %and3A_556 = arith.andi %gt3A_553, %lt3A_555 : vector<16xi1>
        tpu.vector_store_idx %arg5[%add3A_162, %get3A_550], %broadcast_in_dim3A_261 masked %and3A_556 : memref<2x10000xf32, #tpu.memory_space<vmem>>[vector<16xi32>, vector<16xi32>], vector<16xf32>, vector<16xi1>
        %get3A_557 = arith.constant 160 : index
        %get3A_558 = tpu.vector_load %arg6[%get3A_557] {strides = array<i32>} : memref<384xi32, #tpu.memory_space<vmem>>, vector<16xi32>,
        %gt3A_559 = arith.constant 10 : i32
        %gt3A_560 = vector.broadcast %gt3A_559 : i32 to vector<16xi32>
        %gt3A_561 = arith.cmpi sgt, %cond3A_237#1, %gt3A_560 : vector<16xi32>
        %lt3A_562 = vector.broadcast %cond3A_243 : f32 to vector<16xf32>
        %lt3A_563 = arith.cmpf olt, %select_n3A_359, %lt3A_562 : vector<16xf32>
        %and3A_564 = arith.andi %gt3A_561, %lt3A_563 : vector<16xi1>
        tpu.vector_store_idx %arg5[%add3A_162, %get3A_558], %broadcast_in_dim3A_261 masked %and3A_564 : memref<2x10000xf32, #tpu.memory_space<vmem>>[vector<16xi32>, vector<16xi32>], vector<16xf32>, vector<16xi1>
        %get3A_565 = arith.constant 176 : index
        %get3A_566 = tpu.vector_load %arg6[%get3A_565] {strides = array<i32>} : memref<384xi32, #tpu.memory_space<vmem>>, vector<16xi32>,
        %gt3A_567 = arith.constant 11 : i32
        %gt3A_568 = vector.broadcast %gt3A_567 : i32 to vector<16xi32>
        %gt3A_569 = arith.cmpi sgt, %cond3A_237#1, %gt3A_568 : vector<16xi32>
        %lt3A_570 = vector.broadcast %cond3A_243 : f32 to vector<16xf32>
        %lt3A_571 = arith.cmpf olt, %select_n3A_368, %lt3A_570 : vector<16xf32>
        %and3A_572 = arith.andi %gt3A_569, %lt3A_571 : vector<16xi1>
        tpu.vector_store_idx %arg5[%add3A_162, %get3A_566], %broadcast_in_dim3A_261 masked %and3A_572 : memref<2x10000xf32, #tpu.memory_space<vmem>>[vector<16xi32>, vector<16xi32>], vector<16xf32>, vector<16xi1>
        %get3A_573 = arith.constant 192 : index
        %get3A_574 = tpu.vector_load %arg6[%get3A_573] {strides = array<i32>} : memref<384xi32, #tpu.memory_space<vmem>>, vector<16xi32>,
        %gt3A_575 = arith.constant 12 : i32
        %gt3A_576 = vector.broadcast %gt3A_575 : i32 to vector<16xi32>
        %gt3A_577 = arith.cmpi sgt, %cond3A_237#1, %gt3A_576 : vector<16xi32>
        %lt3A_578 = vector.broadcast %cond3A_243 : f32 to vector<16xf32>
        %lt3A_579 = arith.cmpf olt, %select_n3A_377, %lt3A_578 : vector<16xf32>
        %and3A_580 = arith.andi %gt3A_577, %lt3A_579 : vector<16xi1>
        tpu.vector_store_idx %arg5[%add3A_162, %get3A_574], %broadcast_in_dim3A_261 masked %and3A_580 : memref<2x10000xf32, #tpu.memory_space<vmem>>[vector<16xi32>, vector<16xi32>], vector<16xf32>, vector<16xi1>
        %get3A_581 = arith.constant 208 : index
        %get3A_582 = tpu.vector_load %arg6[%get3A_581] {strides = array<i32>} : memref<384xi32, #tpu.memory_space<vmem>>, vector<16xi32>,
        %gt3A_583 = arith.constant 13 : i32
        %gt3A_584 = vector.broadcast %gt3A_583 : i32 to vector<16xi32>
        %gt3A_585 = arith.cmpi sgt, %cond3A_237#1, %gt3A_584 : vector<16xi32>
        %lt3A_586 = vector.broadcast %cond3A_243 : f32 to vector<16xf32>
        %lt3A_587 = arith.cmpf olt, %select_n3A_386, %lt3A_586 : vector<16xf32>
        %and3A_588 = arith.andi %gt3A_585, %lt3A_587 : vector<16xi1>
        tpu.vector_store_idx %arg5[%add3A_162, %get3A_582], %broadcast_in_dim3A_261 masked %and3A_588 : memref<2x10000xf32, #tpu.memory_space<vmem>>[vector<16xi32>, vector<16xi32>], vector<16xf32>, vector<16xi1>
        %get3A_589 = arith.constant 224 : index
        %get3A_590 = tpu.vector_load %arg6[%get3A_589] {strides = array<i32>} : memref<384xi32, #tpu.memory_space<vmem>>, vector<16xi32>,
        %gt3A_591 = arith.constant 14 : i32
        %gt3A_592 = vector.broadcast %gt3A_591 : i32 to vector<16xi32>
        %gt3A_593 = arith.cmpi sgt, %cond3A_237#1, %gt3A_592 : vector<16xi32>
        %lt3A_594 = vector.broadcast %cond3A_243 : f32 to vector<16xf32>
        %lt3A_595 = arith.cmpf olt, %select_n3A_395, %lt3A_594 : vector<16xf32>
        %and3A_596 = arith.andi %gt3A_593, %lt3A_595 : vector<16xi1>
        tpu.vector_store_idx %arg5[%add3A_162, %get3A_590], %broadcast_in_dim3A_261 masked %and3A_596 : memref<2x10000xf32, #tpu.memory_space<vmem>>[vector<16xi32>, vector<16xi32>], vector<16xf32>, vector<16xi1>
        %get3A_597 = arith.constant 240 : index
        %get3A_598 = tpu.vector_load %arg6[%get3A_597] {strides = array<i32>} : memref<384xi32, #tpu.memory_space<vmem>>, vector<16xi32>,
        %gt3A_599 = arith.constant 15 : i32
        %gt3A_600 = vector.broadcast %gt3A_599 : i32 to vector<16xi32>
        %gt3A_601 = arith.cmpi sgt, %cond3A_237#1, %gt3A_600 : vector<16xi32>
        %lt3A_602 = vector.broadcast %cond3A_243 : f32 to vector<16xf32>
        %lt3A_603 = arith.cmpf olt, %select_n3A_404, %lt3A_602 : vector<16xf32>
        %and3A_604 = arith.andi %gt3A_601, %lt3A_603 : vector<16xi1>
        tpu.vector_store_idx %arg5[%add3A_162, %get3A_598], %broadcast_in_dim3A_261 masked %and3A_604 : memref<2x10000xf32, #tpu.memory_space<vmem>>[vector<16xi32>, vector<16xi32>], vector<16xf32>, vector<16xi1>
        %get3A_605 = arith.constant 256 : index
        %get3A_606 = tpu.vector_load %arg6[%get3A_605] {strides = array<i32>} : memref<384xi32, #tpu.memory_space<vmem>>, vector<16xi32>,
        %gt3A_607 = arith.constant 16 : i32
        %gt3A_608 = vector.broadcast %gt3A_607 : i32 to vector<16xi32>
        %gt3A_609 = arith.cmpi sgt, %cond3A_237#1, %gt3A_608 : vector<16xi32>
        %lt3A_610 = vector.broadcast %cond3A_243 : f32 to vector<16xf32>
        %lt3A_611 = arith.cmpf olt, %select_n3A_413, %lt3A_610 : vector<16xf32>
        %and3A_612 = arith.andi %gt3A_609, %lt3A_611 : vector<16xi1>
        tpu.vector_store_idx %arg5[%add3A_162, %get3A_606], %broadcast_in_dim3A_261 masked %and3A_612 : memref<2x10000xf32, #tpu.memory_space<vmem>>[vector<16xi32>, vector<16xi32>], vector<16xf32>, vector<16xi1>
        %get3A_613 = arith.constant 272 : index
        %get3A_614 = tpu.vector_load %arg6[%get3A_613] {strides = array<i32>} : memref<384xi32, #tpu.memory_space<vmem>>, vector<16xi32>,
        %gt3A_615 = arith.constant 17 : i32
        %gt3A_616 = vector.broadcast %gt3A_615 : i32 to vector<16xi32>
        %gt3A_617 = arith.cmpi sgt, %cond3A_237#1, %gt3A_616 : vector<16xi32>
        %lt3A_618 = vector.broadcast %cond3A_243 : f32 to vector<16xf32>
        %lt3A_619 = arith.cmpf olt, %select_n3A_422, %lt3A_618 : vector<16xf32>
        %and3A_620 = arith.andi %gt3A_617, %lt3A_619 : vector<16xi1>
        tpu.vector_store_idx %arg5[%add3A_162, %get3A_614], %broadcast_in_dim3A_261 masked %and3A_620 : memref<2x10000xf32, #tpu.memory_space<vmem>>[vector<16xi32>, vector<16xi32>], vector<16xf32>, vector<16xi1>
        %get3A_621 = arith.constant 288 : index
        %get3A_622 = tpu.vector_load %arg6[%get3A_621] {strides = array<i32>} : memref<384xi32, #tpu.memory_space<vmem>>, vector<16xi32>,
        %gt3A_623 = arith.constant 18 : i32
        %gt3A_624 = vector.broadcast %gt3A_623 : i32 to vector<16xi32>
        %gt3A_625 = arith.cmpi sgt, %cond3A_237#1, %gt3A_624 : vector<16xi32>
        %lt3A_626 = vector.broadcast %cond3A_243 : f32 to vector<16xf32>
        %lt3A_627 = arith.cmpf olt, %select_n3A_431, %lt3A_626 : vector<16xf32>
        %and3A_628 = arith.andi %gt3A_625, %lt3A_627 : vector<16xi1>
        tpu.vector_store_idx %arg5[%add3A_162, %get3A_622], %broadcast_in_dim3A_261 masked %and3A_628 : memref<2x10000xf32, #tpu.memory_space<vmem>>[vector<16xi32>, vector<16xi32>], vector<16xf32>, vector<16xi1>
        %get3A_629 = arith.constant 304 : index
        %get3A_630 = tpu.vector_load %arg6[%get3A_629] {strides = array<i32>} : memref<384xi32, #tpu.memory_space<vmem>>, vector<16xi32>,
        %gt3A_631 = arith.constant 19 : i32
        %gt3A_632 = vector.broadcast %gt3A_631 : i32 to vector<16xi32>
        %gt3A_633 = arith.cmpi sgt, %cond3A_237#1, %gt3A_632 : vector<16xi32>
        %lt3A_634 = vector.broadcast %cond3A_243 : f32 to vector<16xf32>
        %lt3A_635 = arith.cmpf olt, %select_n3A_440, %lt3A_634 : vector<16xf32>
        %and3A_636 = arith.andi %gt3A_633, %lt3A_635 : vector<16xi1>
        tpu.vector_store_idx %arg5[%add3A_162, %get3A_630], %broadcast_in_dim3A_261 masked %and3A_636 : memref<2x10000xf32, #tpu.memory_space<vmem>>[vector<16xi32>, vector<16xi32>], vector<16xf32>, vector<16xi1>
        %get3A_637 = arith.constant 320 : index
        %get3A_638 = tpu.vector_load %arg6[%get3A_637] {strides = array<i32>} : memref<384xi32, #tpu.memory_space<vmem>>, vector<16xi32>,
        %gt3A_639 = arith.constant 20 : i32
        %gt3A_640 = vector.broadcast %gt3A_639 : i32 to vector<16xi32>
        %gt3A_641 = arith.cmpi sgt, %cond3A_237#1, %gt3A_640 : vector<16xi32>
        %lt3A_642 = vector.broadcast %cond3A_243 : f32 to vector<16xf32>
        %lt3A_643 = arith.cmpf olt, %select_n3A_449, %lt3A_642 : vector<16xf32>
        %and3A_644 = arith.andi %gt3A_641, %lt3A_643 : vector<16xi1>
        tpu.vector_store_idx %arg5[%add3A_162, %get3A_638], %broadcast_in_dim3A_261 masked %and3A_644 : memref<2x10000xf32, #tpu.memory_space<vmem>>[vector<16xi32>, vector<16xi32>], vector<16xf32>, vector<16xi1>
        %get3A_645 = arith.constant 336 : index
        %get3A_646 = tpu.vector_load %arg6[%get3A_645] {strides = array<i32>} : memref<384xi32, #tpu.memory_space<vmem>>, vector<16xi32>,
        %gt3A_647 = arith.constant 21 : i32
        %gt3A_648 = vector.broadcast %gt3A_647 : i32 to vector<16xi32>
        %gt3A_649 = arith.cmpi sgt, %cond3A_237#1, %gt3A_648 : vector<16xi32>
        %lt3A_650 = vector.broadcast %cond3A_243 : f32 to vector<16xf32>
        %lt3A_651 = arith.cmpf olt, %select_n3A_458, %lt3A_650 : vector<16xf32>
        %and3A_652 = arith.andi %gt3A_649, %lt3A_651 : vector<16xi1>
        tpu.vector_store_idx %arg5[%add3A_162, %get3A_646], %broadcast_in_dim3A_261 masked %and3A_652 : memref<2x10000xf32, #tpu.memory_space<vmem>>[vector<16xi32>, vector<16xi32>], vector<16xf32>, vector<16xi1>
        %get3A_653 = arith.constant 352 : index
        %get3A_654 = tpu.vector_load %arg6[%get3A_653] {strides = array<i32>} : memref<384xi32, #tpu.memory_space<vmem>>, vector<16xi32>,
        %gt3A_655 = arith.constant 22 : i32
        %gt3A_656 = vector.broadcast %gt3A_655 : i32 to vector<16xi32>
        %gt3A_657 = arith.cmpi sgt, %cond3A_237#1, %gt3A_656 : vector<16xi32>
        %lt3A_658 = vector.broadcast %cond3A_243 : f32 to vector<16xf32>
        %lt3A_659 = arith.cmpf olt, %select_n3A_467, %lt3A_658 : vector<16xf32>
        %and3A_660 = arith.andi %gt3A_657, %lt3A_659 : vector<16xi1>
        tpu.vector_store_idx %arg5[%add3A_162, %get3A_654], %broadcast_in_dim3A_261 masked %and3A_660 : memref<2x10000xf32, #tpu.memory_space<vmem>>[vector<16xi32>, vector<16xi32>], vector<16xf32>, vector<16xi1>
        %get3A_661 = arith.constant 368 : index
        %get3A_662 = tpu.vector_load %arg6[%get3A_661] {strides = array<i32>} : memref<384xi32, #tpu.memory_space<vmem>>, vector<16xi32>,
        %gt3A_663 = arith.constant 23 : i32
        %gt3A_664 = vector.broadcast %gt3A_663 : i32 to vector<16xi32>
        %gt3A_665 = arith.cmpi sgt, %cond3A_237#1, %gt3A_664 : vector<16xi32>
        %lt3A_666 = vector.broadcast %cond3A_243 : f32 to vector<16xf32>
        %lt3A_667 = arith.cmpf olt, %select_n3A_476, %lt3A_666 : vector<16xf32>
        %and3A_668 = arith.andi %gt3A_665, %lt3A_667 : vector<16xi1>
        tpu.vector_store_idx %arg5[%add3A_162, %get3A_662], %broadcast_in_dim3A_261 masked %and3A_668 : memref<2x10000xf32, #tpu.memory_space<vmem>>[vector<16xi32>, vector<16xi32>], vector<16xf32>, vector<16xi1>
        %cond3A_669 = arith.constant 0 : i32
        scf.yield %cond3A_669 : i32
      }
      %dma_start3A_248 = arith.constant 0 : i32
      %dma_start3A_249 = tpu.memref_slice %arg5[%select_n3A_158, %dma_start3A_248] : memref<2x10000xf32, #tpu.memory_space<vmem>> -> memref<1x10000xf32, #tpu.memory_space<vmem>>
      %dma_start3A_250 = tpu.memref_squeeze %dma_start3A_249 : memref<1x10000xf32, #tpu.memory_space<vmem>> -> memref<10000xf32, #tpu.memory_space<vmem>>
      %dma_start3A_251 = arith.constant 0 : i32
      %dma_start3A_252 = tpu.memref_slice %arg3[%add3A_149, %dma_start3A_251] : memref<10000x10000xf32, #tpu.memory_space<hbm>> -> memref<1x10000xf32, #tpu.memory_space<hbm>>
      %dma_start3A_253 = tpu.memref_squeeze %dma_start3A_252 : memref<1x10000xf32, #tpu.memory_space<hbm>> -> memref<10000xf32, #tpu.memory_space<hbm>>
      %dma_start3A_254 = arith.constant 0 : i32
      %dma_start3A_255 = tpu.memref_slice %arg3[%add3A_149, %dma_start3A_254] : memref<10000x10000xf32, #tpu.memory_space<hbm>> -> memref<1x10000xf32, #tpu.memory_space<hbm>>
      %dma_start3A_256 = tpu.memref_squeeze %dma_start3A_255 : memref<1x10000xf32, #tpu.memory_space<hbm>> -> memref<10000xf32, #tpu.memory_space<hbm>>
      %dma_start3A_257 = arith.constant 0 : i32
      %dma_start3A_258 = tpu.memref_slice %arg5[%select_n3A_158, %dma_start3A_257] : memref<2x10000xf32, #tpu.memory_space<vmem>> -> memref<1x10000xf32, #tpu.memory_space<vmem>>
      %dma_start3A_259 = tpu.memref_squeeze %dma_start3A_258 : memref<1x10000xf32, #tpu.memory_space<vmem>> -> memref<10000xf32, #tpu.memory_space<vmem>>
      tpu.enqueue_dma source(%dma_start3A_259 : memref<10000xf32, #tpu.memory_space<vmem>>) target(%dma_start3A_256 : memref<10000xf32, #tpu.memory_space<hbm>>) target_semaphore(%arg8 : memref<!tpu.dma_semaphore, #tpu.memory_space<semaphore_mem>>)
      scf.yield %cond3A_243 : f32
    }
    %dma_wait3A = arith.constant 0 : i32
    %dma_wait3A_122 = arith.constant 0 : i32
    %dma_wait3A_123 = tpu.memref_slice %arg5[%dma_wait3A, %dma_wait3A_122] : memref<2x10000xf32, #tpu.memory_space<vmem>> -> memref<1x10000xf32, #tpu.memory_space<vmem>>
    %dma_wait3A_124 = tpu.memref_squeeze %dma_wait3A_123 : memref<1x10000xf32, #tpu.memory_space<vmem>> -> memref<10000xf32, #tpu.memory_space<vmem>>
    %dma_wait3A_125 = arith.constant 0 : i32
    %dma_wait3A_126 = tpu.memref_slice %arg3[%mul3A_2, %dma_wait3A_125] : memref<10000x10000xf32, #tpu.memory_space<hbm>> -> memref<1x10000xf32, #tpu.memory_space<hbm>>
    %dma_wait3A_127 = tpu.memref_squeeze %dma_wait3A_126 : memref<1x10000xf32, #tpu.memory_space<hbm>> -> memref<10000xf32, #tpu.memory_space<hbm>>
    %dma_wait3A_128 = arith.constant 0 : i32
    %dma_wait3A_129 = tpu.memref_slice %arg3[%mul3A_2, %dma_wait3A_128] : memref<10000x10000xf32, #tpu.memory_space<hbm>> -> memref<1x10000xf32, #tpu.memory_space<hbm>>
    %dma_wait3A_130 = tpu.memref_squeeze %dma_wait3A_129 : memref<1x10000xf32, #tpu.memory_space<hbm>> -> memref<10000xf32, #tpu.memory_space<hbm>>
    %dma_wait3A_131 = arith.constant 0 : i32
    %dma_wait3A_132 = tpu.memref_slice %arg5[%dma_wait3A, %dma_wait3A_131] : memref<2x10000xf32, #tpu.memory_space<vmem>> -> memref<1x10000xf32, #tpu.memory_space<vmem>>
    %dma_wait3A_133 = tpu.memref_squeeze %dma_wait3A_132 : memref<1x10000xf32, #tpu.memory_space<vmem>> -> memref<10000xf32, #tpu.memory_space<vmem>>
    tpu.wait_dma2 semaphore(%arg8 : memref<!tpu.dma_semaphore, #tpu.memory_space<semaphore_mem>>) src(%dma_wait3A_133 : memref<10000xf32, #tpu.memory_space<vmem>>) dst(%dma_wait3A_130 : memref<10000xf32, #tpu.memory_space<hbm>>)
    %dma_wait3A_134 = arith.constant 0 : i32
    %dma_wait3A_135 = arith.constant 0 : i32
    %dma_wait3A_136 = tpu.memref_slice %arg5[%dma_wait3A_134, %dma_wait3A_135] : memref<2x10000xf32, #tpu.memory_space<vmem>> -> memref<1x10000xf32, #tpu.memory_space<vmem>>
    %dma_wait3A_137 = tpu.memref_squeeze %dma_wait3A_136 : memref<1x10000xf32, #tpu.memory_space<vmem>> -> memref<10000xf32, #tpu.memory_space<vmem>>
    %dma_wait3A_138 = arith.constant 0 : i32
    %dma_wait3A_139 = tpu.memref_slice %arg3[%mul3A_2, %dma_wait3A_138] : memref<10000x10000xf32, #tpu.memory_space<hbm>> -> memref<1x10000xf32, #tpu.memory_space<hbm>>
    %dma_wait3A_140 = tpu.memref_squeeze %dma_wait3A_139 : memref<1x10000xf32, #tpu.memory_space<hbm>> -> memref<10000xf32, #tpu.memory_space<hbm>>
    %dma_wait3A_141 = arith.constant 0 : i32
    %dma_wait3A_142 = tpu.memref_slice %arg3[%mul3A_2, %dma_wait3A_141] : memref<10000x10000xf32, #tpu.memory_space<hbm>> -> memref<1x10000xf32, #tpu.memory_space<hbm>>
    %dma_wait3A_143 = tpu.memref_squeeze %dma_wait3A_142 : memref<1x10000xf32, #tpu.memory_space<hbm>> -> memref<10000xf32, #tpu.memory_space<hbm>>
    %dma_wait3A_144 = arith.constant 0 : i32
    %dma_wait3A_145 = tpu.memref_slice %arg5[%dma_wait3A_134, %dma_wait3A_144] : memref<2x10000xf32, #tpu.memory_space<vmem>> -> memref<1x10000xf32, #tpu.memory_space<vmem>>
    %dma_wait3A_146 = tpu.memref_squeeze %dma_wait3A_145 : memref<1x10000xf32, #tpu.memory_space<vmem>> -> memref<10000xf32, #tpu.memory_space<vmem>>
    tpu.wait_dma2 semaphore(%arg8 : memref<!tpu.dma_semaphore, #tpu.memory_space<semaphore_mem>>) src(%dma_wait3A_146 : memref<10000xf32, #tpu.memory_space<vmem>>) dst(%dma_wait3A_143 : memref<10000xf32, #tpu.memory_space<hbm>>)
    return
  }
}

</mosaic_0001>

<sc_bundles>
// kernel: kernel.3.cloned.1.call-start
scs
__scs_entry_jumppad:
0x0: {  	(pc) =	sbr.rel $0x88, $3  }
0x1: {  	(tag) =	ssettag $0x0;
	lr =	simm.s32 $0x1  }
0x2: {  	[smem:$0x3FA0] =	sst lr;
	_ =	strace $0xD0000000  }
0x3: {  	_ = 	snop  }
0x4: {  	_ = 	snop  }
0x5: {  	_ = 	snop  }
0x6: {  	_ = 	snop  }
0x7: {  	_ = 	snop  }
__scs_overlays_trampoline_lowered:
0x8: {  	[smem:$0x3FAF] =	sst s0  }
0x9: {  	[smem:$0x3FB0] =	sst s1  }
0xa: {  	[smem:$0x3FB1] =	sst s2  }
0xb: {  	[smem:$0x3FB2] =	sst s3  }
0xc: {  	[smem:$0x3FB3] =	sst s4  }
0xd: {  	[smem:$0x3FB4] =	sst s5  }
0xe: {  	[smem:$0x3FB5] =	sst s6  }
0xf: {  	[smem:$0x3FB6] =	sst s7  }
0x10: {  	[smem:$0x3FB7] =	sst s8  }
0x11: {  	[smem:$0x3FB8] =	sst s9;
	s0 =	simm.s32 @!p0 $0x0  }
0x12: {  	s1 =	sld [smem:$0x3F9E];
	s0 =	simm.s32 @p0 $0x1  }
0x13: {  	[smem:$0x3FB9] =	sst s0;
	s0 =	simm.s32 @!p1 $0x0  }
0x14: {  	s2 =	sld [smem:$0x3F9D];
	s0 =	simm.s32 @p1 $0x1  }
0x15: {  	[smem:$0x3FBA] =	sst s0;
	s0 =	simm.s32 @!p2 $0x0  }
0x16: {  	s3 =	sld [smem:$0x3FDB];
	s0 =	simm.s32 @p2 $0x1  }
0x17: {  	s4 =	simm.s32 $0x1BF5;
	[smem:$0x3FBC] =	sst s0  }
0x18: {  	s0 =	sld [smem:$0x3F9F];
	_ =	swait.ge [sflag:s4], $0x0  }
0x19: {  	s7 =	sld [smem:$0x3FA0]  }
0x1a: {  	s8 =	sadd.s32 $0xFFFFE003, lr  }
0x1b: {  	s9 =	sadd.s32 $0xFFFFFEF7, lr;
	s5 =	simm.s32 $0xFFFFFFFF;
	p2 =	slt.u32 s8, $0xFFFFF086  }
0x1c: {  	p1 =	slt.u32 s9, $0xF7A;
	s5 =	simm.s32 @!p2 $0x0  }
0x1d: {  	s5 =	simm.s32 @p1 $0x1;
	p0 =	seq.s32 s7, s2  }
0x1e: {  	s7 =	smul.u32 @!p0 $0xF7A, s2;
	p2 =	seq.s32 @!p0 s5, $0x0  }
0x1f: {  	s9 =	smul.u32 $0xF7A, s1;
	s8 =	simm.s32 @!p0 $0x1BF5;
	p2 =	por !p2, p0  }
0x20: {  	[sflag:s8] =	ssyncset.s32 @!p0 $0xFFFFF086;
	s6 =	sadd.s32 @!p0 s3, s7;
	s7 =	simm.s32 @!p0 $0x108  }
0x21: {  	s3 =	sadd.s32 s3, s9;
	s6 =	sadd.s32 @!p0 $0x88, s6;
	s7 =	simm.s32 @p2 $0x1082  }
0x22: {  	[simem:s7], [sflag:s8] =	dma.local @!p0 [hbm:s6], $0xF7A  }
0x23: {  	s9 =	sor.u32 $0xD0000000, s2;
	s6 =	simm.s32 $0x108;
	_ =	swait.ge @!p0 [sflag:s8], $0x0  }
0x24: {  	s3 =	sadd.s32 $0x88, s3;
	s6 =	simm.s32 @!p1 $0x1082;
	[sflag:s4] =	ssyncset.s32 $0xFFFFF086  }
0x25: {  	[simem:s6], [sflag:s4] =	dma.local [hbm:s3], $0xF7A  }
0x26: {  	[smem:$0x3FA0] =	sst s1;
	(tag) =	ssettag s2;
	_ =	strace s9  }
0x27: {  	s1 =	sld [smem:$0x3FB0]  }
0x28: {  	s2 =	sld [smem:$0x3FB1]  }
0x29: {  	s4 =	sld [smem:$0x3FB3]  }
0x2a: {  	p0 =	seq.s32 s5, $0x0;
	s5 =	sld [smem:$0x3FB4]  }
0x2b: {  	s6 =	sld [smem:$0x3FB5]  }
0x2c: {  	s7 =	sld [smem:$0x3FB6]  }
0x2d: {  	s3 =	simm.s32 $0x108;
	s8 =	sld [smem:$0x3FB7]  }
0x2e: {  	s3 =	simm.s32 @!p0 $0x1082;
	s9 =	sld [smem:$0x3FB8]  }
0x2f: {  	lr =	sadd.s32 s0, s3;
	s0 =	sld [smem:$0x3FAF]  }
0x30: {  	s3 =	sld [smem:$0x3FB2]  }
0x31: {  	[smem:$0x3FBB] =	sst s10  }
0x32: {  	s10 =	sld [smem:$0x3FB9];
	_ =	sdelay $0x3  }
0x33: {  	p0 =	seq.s32 s10, $0x1;
	s10 =	sld [smem:$0x3FBB];
	_ =	sdelay $0x3  }
0x34: {  	[smem:$0x3FBB] =	sst s10  }
0x35: {  	s10 =	sld [smem:$0x3FBA];
	_ =	sdelay $0x3  }
0x36: {  	p1 =	seq.s32 s10, $0x1;
	s10 =	sld [smem:$0x3FBB];
	_ =	sdelay $0x3  }
0x37: {  	[smem:$0x3FBB] =	sst s10  }
0x38: {  	s10 =	sld [smem:$0x3FBC]  }
0x39: {  	_ = 	snop;
	(pc) =	sbr.ind lr, $3  }
0x3a: {  	_ = 	snop  }
0x3b: {  	_ = 	snop  }
0x3c: {  	p2 =	seq.s32 s10, $0x1;
	s10 =	sld [smem:$0x3FBB]  }
0x3d: {  	_ =	shalt  }
0x3e: {  	_ =	shalt  }
0x3f: {  	_ =	shalt  }
0x40: {  	_ =	shalt  }
0x41: {  	_ =	shalt  }
0x42: {  	_ =	shalt  }
0x43: {  	_ =	shalt  }
0x44: {  	_ =	shalt  }
0x45: {  	_ =	shalt  }
0x46: {  	_ =	shalt  }
0x47: {  	_ =	shalt  }
0x48: {  	_ =	shalt  }
0x49: {  	_ =	shalt  }
0x4a: {  	_ =	shalt  }
0x4b: {  	_ =	shalt  }
0x4c: {  	_ =	shalt  }
0x4d: {  	_ =	shalt  }
0x4e: {  	_ =	shalt  }
0x4f: {  	_ =	shalt  }
0x50: {  	_ =	shalt  }
0x51: {  	_ =	shalt  }
0x52: {  	_ =	shalt  }
0x53: {  	_ =	shalt  }
0x54: {  	_ =	shalt  }
0x55: {  	_ =	shalt  }
0x56: {  	_ =	shalt  }
0x57: {  	_ =	shalt  }
0x58: {  	_ =	shalt  }
0x59: {  	_ =	shalt  }
0x5a: {  	_ =	shalt  }
0x5b: {  	_ =	shalt  }
0x5c: {  	_ =	shalt  }
0x5d: {  	_ =	shalt  }
0x5e: {  	_ =	shalt  }
0x5f: {  	_ =	shalt  }
0x60: {  	_ =	shalt  }
0x61: {  	_ =	shalt  }
0x62: {  	_ =	shalt  }
0x63: {  	_ =	shalt  }
0x64: {  	_ =	shalt  }
0x65: {  	_ =	shalt  }
0x66: {  	_ =	shalt  }
0x67: {  	_ =	shalt  }
0x68: {  	_ =	shalt  }
0x69: {  	_ =	shalt  }
0x6a: {  	_ =	shalt  }
0x6b: {  	_ =	shalt  }
0x6c: {  	_ =	shalt  }
0x6d: {  	_ =	shalt  }
0x6e: {  	_ =	shalt  }
0x6f: {  	_ =	shalt  }
0x70: {  	_ =	shalt  }
0x71: {  	_ =	shalt  }
0x72: {  	_ =	shalt  }
0x73: {  	_ =	shalt  }
0x74: {  	_ =	shalt  }
0x75: {  	_ =	shalt  }
0x76: {  	_ =	shalt  }
0x77: {  	_ =	shalt  }
0x78: {  	_ =	shalt  }
0x79: {  	_ =	shalt  }
0x7a: {  	_ =	shalt  }
0x7b: {  	_ =	shalt  }
0x7c: {  	_ =	shalt  }
0x7d: {  	_ =	shalt  }
0x7e: {  	_ =	shalt  }
0x7f: {  	_ =	shalt  }
0x80: {  	_ =	shalt  }
0x81: {  	_ =	shalt  }
0x82: {  	_ =	shalt  }
0x83: {  	_ =	shalt  }
0x84: {  	_ =	shalt  }
0x85: {  	_ =	shalt  }
0x86: {  	_ =	shalt  }
0x87: {  	_ =	shalt  }
.Lfunc_end0:
.L_simem_size_0:
called_computation_lowered:
.L_overlay_start_0:
0x88: {  	s2 =	sld [smem:$0x3FD9]  }
0x89: {  	s3 =	sld [smem:$0x3FFE];
	_ =	sdelay $0x1  }
0x8a: {  	s1 =	srdreg.scid  }
0x8b: {  	s0 =	sand.u32 $0x1, s1  }
0x8c: {  	s18 =	sshll.u32 s0, $0xA;
	s2 =	sadd.s32 s3, s2  }
0x8d: {  	s2 =	sadd.s32 s2, s18  }
0x8e: {  	[smem:$0x3FC7] =	sst s2  }
0x8f: {  	_ = 	snop  }
0x90: {  	s2 =	sld [smem:$0x3FC9]  }
0x91: {  	s19 =	sld [smem:$0x3FD0];
	(tm) =	ssettm $0x1  }
0x92: {  	s4 =	sld [smem:$0x3FFB];
	_ =	sdelay $0x3  }
0x93: {  	_ =	strace s4  }
0x94: {  	s4 =	sld [smem:$0x3FFC];
	_ =	sdelay $0x3  }
0x95: {  	_ =	strace s4  }
0x96: {  	s4 =	sld [smem:$0x3FFD];
	_ =	sdelay $0x3  }
0x97: {  	_ =	strace s4  }
0x98: {  	_ =	strace $0x8FFFFFFF  }
0x99: {  	s20 =	sld [smem:$0x3FDB];
	_ =	sdelay $0x1  }
0x9a: {  	s5 =	simm.s32 $_scs_section_size  }
0x9b: {  	s6 =	simm.s32 $_size__tile_overlayer_lowered;
	s7 =	simm.s32 $_tile_overlayer_lowered  }
0x9c: {  	s23 =	simm.s32 $0x1BFF;
	s22 =	sshll.u32 s7, $0x1;
	s4 =	sadd.s32 s5, s20  }
0x9d: {  	s8 =	simm.s32 $0x0;
	s21 =	sshll.u32 s6, $0x1;
	s6 =	sadd.s32 s22, s4  }
0x9e: {  	[timem:s8], [sflag:s23] =	dma.local [hbm:s6], s21  }
0x9f: {  	_ =	swait.ge [sflag:s23], s21  }
0xa0: {  	s5 =	ssub.s32 $0x0, s21;
	[sflag:s23] =	ssyncset.done $0x0  }
0xa1: {  	[sflag:s23] =	ssyncadd.s32 s5;
	_ =	sdelay $0x1  }
0xa2: {  	s24 =	simm.s32 $0x1B8B  }
0xa3: {  	_ =	swait.ge [sflag:s24], $0x1  }
0xa4: {  	[sflag:s24] =	ssyncset.done $0x0  }
0xa5: {  	s25 =	simm.s32 $0x1B8E;
	[sflag:s24] =	ssyncadd.s32 $0xFFFFFFFF  }
0xa6: {  	s26 =	simm.s32 $execute0_lowered;
	[smem:$0x3FD2] =	sst s25  }
0xa7: {  	s5 =	sshll.u32 s26, $0x1;
	_ =	strace $0x80000046;
	[dreg:$0x1] =	wrdreg $0xFFFFFFFF  }
0xa8: {  	s28 =	simm.s32 $_size_execute0_lowered;
	s4 =	sadd.s32 s4, s5;
	[dreg:$0x0] =	wrdreg $0x0  }
0xa9: {  	s5 =	sshll.u32 s28, $0x1;
	[dreg:$0x2] =	wrdreg s4  }
0xaa: {  	[dreg:$0x3] =	wrdreg s5  }
0xab: {  	[dreg:$0x4] =	wrdreg $0xC0  }
0xac: {  	_ =	task [dreg:s8], $0x5FFFF  }
0xad: {  	[dreg:$0x1] =	wrdreg $0xFFFFFFFF  }
0xae: {  	[dreg:$0x0] =	wrdreg $0x60  }
0xaf: {  	[dreg:$0x2] =	wrdreg s2  }
0xb0: {  	[dreg:$0x3] =	wrdreg s19  }
0xb1: {  	[dreg:$0x4] =	wrdreg $0x9  }
0xb2: {  	_ =	task.clear_ibuf [dreg:s8], $0x5FFFF;
	_ =	strace $0x90000046  }
0xb3: {  	s29 =	simm.s32 $0x9;
	_ =	strace $0x80000048  }
0xb4: {  	_ =	swait.ge [sflag:s29], $0x1  }
0xb5: {  	[sflag:s29] =	ssyncadd.s32 $0xFFFFFFFF  }
0xb6: {  	_ =	strace $0x90000048  }
0xb7: {  	_ =	sfence  }
0xb8: {  	s30 =	sld [smem:$0x0];
	_ =	sdelay $0x2  }
0xb9: {  	s31 =	sshll.u32 s1, $0xD;
	s1 =	sshrl.u32 s1, $0x2  }
0xba: {  	s3 =	sand.u32 $0x4000, s31;
	s1 =	sadd.s32 s1, s30  }
0xbb: {  	s0 =	sor.u32 s3, s0;
	s1 =	sshll.u32 s1, $0x11  }
0xbc: {  	s0 =	sor.u32 s1, s0  }
0xbd: {  	s0 =	sadd.s32 $0x8F2B, s0  }
0xbe: {  	[sflag:s0] =	ssyncadd.remote.s32 $0x1  }
0xbf: {  	_ =	sfence.sel $0xFFFF  }
0xc0: {  	[dreg:$0x0] =	wrdreg $0xFFFFFFFF;
	(pc) =	sbr.abs _section_cstart, $3  }
0xc1: {  	[dreg:$0x1] =	wrdreg $0xFFFFFFFF  }
0xc2: {  	_ =	task.clear_ibuf [dreg:s8], $0x2FFFF;
	_ =	strace $0x9FFFFFFF  }
0xc3: {  	(tm) =	ssettm $0x7FFFFFFF  }
tec
execute0_lowered:
.L_overlay_start_1:
0x0: {  	(tag) =	ssettag $0x1  }
0x1: {  	s1 =	srdreg.scid;
	s3 =	rddreg [dreg:$0x0]  }
0x2: {  	s0 =	stileid.u32;
	s4 =	rddreg [dreg:$0x1];
	s5 =	simm.s32 $0x0  }
0x3: {  	s12 =	simm.s32 $0x4F00;
	s6 =	sand.u32 $0x1, s1;
	s26 =	sshll.u32 s0, $0x1  }
0x4: {  	s13 =	simm.s32 $0x2;
	s10 =	smul.u32 $0xFFFFFD8E, s0;
	s7 =	sor.u32 s6, s26  }
0x5: {  	s14 =	simm.s32 $0x0;
	s1 =	rddreg [dreg:$0x2];
	s2 =	smul.u32 $0x139, s7  }
0x6: {  	[smem:$0x7FF] =	sst s5;
	s9 =	smul.u32 $0xFFFFFEC7, s6;
	s6 =	ssub.s32 $0x2, s6  }
0x7: {  	_ =	strace $0x80000047;
	s7 =	sshll.u32 s7, $0x7;
	s8 =	sshrl.u32 s2, $0x3  }
0x8: {  	s11 =	sshrl.u32 s6, $0x1;
	s7 =	sand.u32 $0x380, s7;
	s8 =	smul.u32 $0x13C00, s8  }
0x9: {  	s11 =	ssub.s32 s6, s11;
	s29 =	sadd.s32 s10, s9;
	s30 =	ssub.s32 $0x2710, s2  }
0xa: {  	s10 =	sadd.s32 $0x2710, s29;
	s9 =	smax.u32 s11, $0x1;
	s28 =	sor.u32 s7, s8  }
0xb: {  	v0 =	vlaneseq.u32;
	s11 =	simm.s32 $0x9E00;
	s6 =	smin.u32 s30, $0x139;
	s31 =	sshrl.u32 s28, $0x3  }
0xc: {  	v1 =	vimm.s32 $0x0;
	v3 =	vimm.f32 $0.0e+00;
	v2 =	vor.u32 $0x2700, v0;
	s8 =	smin.u32 s10, $0x139;
	s10 =	simm.s32 $0x1;
	s7 =	sadd.s32 s3, s31  }
.LBB2_1:
0xd: {  	[tilespmem:$0x9E00] =	vst v1  }
0xe: {  	[tilespmem:$0x9E10] =	vst v1  }
0xf: {  	[tilespmem:$0x9E20] =	vst v1  }
0x10: {  	[tilespmem:$0x9E30] =	vst v1  }
0x11: {  	[tilespmem:$0x9E40] =	vst v1  }
0x12: {  	[tilespmem:$0x9E50] =	vst v1  }
0x13: {  	[tilespmem:$0x9E60] =	vst v1  }
0x14: {  	[tilespmem:$0x9E70] =	vst v1  }
0x15: {  	[tilespmem:$0x9E80] =	vst v1  }
0x16: {  	[tilespmem:$0x9E90] =	vst v1  }
0x17: {  	[tilespmem:$0x9EA0] =	vst v1  }
0x18: {  	[tilespmem:$0x9EB0] =	vst v1  }
0x19: {  	[tilespmem:$0x9EC0] =	vst v1  }
0x1a: {  	[tilespmem:$0x9ED0] =	vst v1  }
0x1b: {  	[tilespmem:$0x9EE0] =	vst v1  }
0x1c: {  	[tilespmem:$0x9EF0] =	vst v1  }
0x1d: {  	[tilespmem:$0x9F00] =	vst v1  }
0x1e: {  	[tilespmem:$0x9F10] =	vst v1  }
0x1f: {  	[tilespmem:$0x9F20] =	vst v1  }
0x20: {  	[tilespmem:$0x9F30] =	vst v1  }
0x21: {  	[tilespmem:$0x9F40] =	vst v1  }
0x22: {  	[tilespmem:$0x9F50] =	vst v1  }
0x23: {  	[tilespmem:$0x9F60] =	vst v1  }
0x24: {  	[tilespmem:$0x9F70] =	vst v1;
	s15 =	simm.s32 $0x0;
	s16 =	simm.s32 $0x0  }
.LBB2_2:
0x25: {  	p0 =	seq.s32 s16, $0x2700  }
.Ltmp0:
0x26: {  	_ = 	snop;
	(pc) =	sbr.rel @!p0 .LBB2_2-.Ltmp0, $4  }
0x27: {  	_ = 	snop  }
0x28: {  	s18 =	sadd.s32 s16, s7;
	s17 =	simm.s32 $0x0  }
0x29: {  	[tilespmem:s15], [sflag:$0x1] =	stream.linear.gather [hbm4b:s18+s17], $0x80, $0x38;
	[tilespmem:$0x9F80] =	vst v63  }
0x2a: {  	s16 =	sadd.s32 $0x80, s16;
	s15 =	sadd.s32 $0x100, s15  }
0x2b: {  	s18 =	simm.f32 $0.0e+00;
	p0 =	por $0x0, $0x0  }
.LBB2_5:
0x2c: {  	s15 =	sadd.s32 $0x1, s17  }
0x2d: {  	p1 =	sge.u32 s15, s6  }
.Ltmp1:
0x2e: {  	_ = 	snop;
	(pc) =	sbr.rel @p1 .LBB2_9-.Ltmp1, $4  }
0x2f: {  	_ = 	snop  }
0x30: {  	_ =	swait.ge [sflag:s10], $0x2780  }
0x31: {  	s24 =	sand.u32 $0x1, s17;
	[sflag:s10] =	ssyncset.done $0x0  }
0x32: {  	s23 =	sadd.s32 s2, s17;
	s21 =	sshll.u32 s24, $0x7;
	[sflag:s10] =	ssyncadd.s32 $0xFFFFD880  }
0x33: {  	s16 =	sadd.s32 $0x1, s23  }
0x34: {  	s19 =	sshrl.u32 s16, $0x3  }
0x35: {  	s16 =	sshll.u32 s16, $0x7;
	s19 =	smul.u32 $0x13C00, s19  }
0x36: {  	s16 =	sand.u32 $0x380, s16  }
0x37: {  	s16 =	sor.u32 s16, s19  }
0x38: {  	s19 =	sshrl.u32 s16, $0x3  }
0x39: {  	s16 =	sxor.u32 $0x80, s21;
	s19 =	sadd.s32 s3, s19  }
0x3a: {  	s20 =	simm.s32 $0x80;
	s22 =	sadd.s32 $0x100, s16;
	s25 =	sadd.s32 $0x0, s19  }
.LBB2_7:
0x3b: {  	[tilespmem:s16], [sflag:$0x1] =	stream.linear.gather [hbm4b:s25+s5], $0x80, $0x38;
	[tilespmem:$0x9F80] =	vst v63  }
0x3c: {  	s25 =	smov.u32 s20;
	s16 =	smov.u32 s22;
	p1 =	sne.s32 s20, $0x2700  }
.Ltmp2:
0x3d: {  	s20 =	sadd.s32 $0x80, s20;
	(pc) =	sbr.rel @p1 .LBB2_7-.Ltmp2, $2  }
0x3e: {  	_ =	sdelay $0x2  }
0x3f: {  	s22 =	sadd.s32 $0x100, s22;
	s25 =	sadd.s32 s25, s19  }
0x40: {  	[tilespmem:s16], [sflag:$0x1] =	stream.linear.gather [hbm4b:s25+s5], $0x80, $0x38;
	[tilespmem:$0x9F80] =	vst v63  }
.LBB2_9:
0x41: {  	s16 =	simm.s32 $0x1  }
0x42: {  	s26 =	sshrl.u32 s23, $0x3;
	p1 =	slt.u32 s17, $0x2;
	s31 =	sshll.u32 s23, $0x7  }
0x43: {  	s18 =	smul.f32 $8.500000230e-01, s18;
	v4 =	vmov s24;
	s24 =	simm.s32 $0xFFFFFFF0;
	s16 =	simm.s32 @!p0 $0x0  }
0x44: {  	s30 =	smul.u32 $0x13C00, s26;
	s26 =	simm.s32 @!p1 $0x2;
	s25 =	sshll.u32 s16, $0x7  }
0x45: {  	s28 =	sand.u32 $0x380, s31;
	_ =	swait.ge @!p1 [sflag:s26], $0x2780;
	s16 =	sor.u32 $0x4F00, s25  }
0x46: {  	s20 =	sor.u32 $0x40, s25;
	s19 =	sor.u32 $0x4F40, s25;
	s22 =	sor.u32 $0x100, s25  }
0x47: {  	s23 =	sor.u32 $0x5000, s25;
	s17 =	sor.u32 s28, s30;
	[sflag:s26] =	ssyncset.done @!p1 $0x0  }
0x48: {  	v6 =	vimm.s32 $0x0;
	v5 =	vmov s18;
	s25 =	simm.s32 $0xF0;
	[sflag:s26] =	ssyncadd.s32 @!p1 $0xFFFFD880;
	s26 =	smov.u32 s22  }
.LBB2_10:
0x49: {  	v7 =	vld [tilespmem:s26+$0xFFFFFF00];
	_ =	sdelay $0x2  }
0x4a: {  	vm0 =	vlt.s32 v6, $0x17  }
0x4b: {  	v8 =	vnsel vm0, $0x17, v6  }
0x4c: {  	v8 =	vshll.u32 v8, $0x4;
	vm9 =	vgt.f32 v7, v5  }
0x4d: {  	v8 =	vor.u32 v0, v8;
	_ =	sdelay $0x2  }
0x4e: {  	s28 =	sadd.s32 $0xFFFFFF10, s25;
	v7 =	vnsel vm9, $0x0, v7  }
0x4f: {  	[tilespmem:s23+$0xFFFFFF00] =	vst v7;
	v7 =	vor.u32 s28, v0  }
0x50: {  	[tilespmem:v8+s11+$0x0] =	vst.idx.msk vm9, v7  }
0x51: {  	v7 =	vld [tilespmem:s26+$0xFFFFFF10]  }
0x52: {  	v8 =	vsel vm9, $0x1, v1  }
0x53: {  	v6 =	vadd.s32 v8, v6  }
0x54: {  	vm10 =	vlt.s32 v6, $0x17  }
0x55: {  	v8 =	vnsel vm10, $0x17, v6  }
0x56: {  	v8 =	vshll.u32 v8, $0x4;
	vm11 =	vgt.f32 v7, v5  }
0x57: {  	v8 =	vor.u32 v0, v8;
	_ =	sdelay $0x2  }
0x58: {  	s30 =	sadd.s32 $0xFFFFFF20, s25;
	v7 =	vnsel vm11, $0x0, v7  }
0x59: {  	[tilespmem:s23+$0xFFFFFF10] =	vst v7;
	v7 =	vor.u32 s30, v0  }
0x5a: {  	[tilespmem:v8+s11+$0x0] =	vst.idx.msk vm11, v7  }
0x5b: {  	v7 =	vld [tilespmem:s26+$0xFFFFFF20]  }
0x5c: {  	v8 =	vsel vm11, $0x1, v1  }
0x5d: {  	v6 =	vadd.s32 v8, v6  }
0x5e: {  	vm12 =	vlt.s32 v6, $0x17  }
0x5f: {  	v8 =	vnsel vm12, $0x17, v6  }
0x60: {  	v8 =	vshll.u32 v8, $0x4;
	vm13 =	vgt.f32 v7, v5  }
0x61: {  	v8 =	vor.u32 v0, v8;
	_ =	sdelay $0x2  }
0x62: {  	s31 =	sadd.s32 $0xFFFFFF30, s25;
	v7 =	vnsel vm13, $0x0, v7  }
0x63: {  	[tilespmem:s23+$0xFFFFFF20] =	vst v7;
	v7 =	vor.u32 s31, v0  }
0x64: {  	[tilespmem:v8+s11+$0x0] =	vst.idx.msk vm13, v7  }
0x65: {  	v7 =	vld [tilespmem:s26+$0xFFFFFF30]  }
0x66: {  	v8 =	vsel vm13, $0x1, v1  }
0x67: {  	v6 =	vadd.s32 v8, v6  }
0x68: {  	vm14 =	vlt.s32 v6, $0x17  }
0x69: {  	v8 =	vnsel vm14, $0x17, v6  }
0x6a: {  	v8 =	vshll.u32 v8, $0x4;
	vm15 =	vgt.f32 v7, v5  }
0x6b: {  	v8 =	vor.u32 v0, v8;
	_ =	sdelay $0x2  }
0x6c: {  	s29 =	sadd.s32 $0xFFFFFF40, s25;
	v7 =	vnsel vm15, $0x0, v7  }
0x6d: {  	[tilespmem:s23+$0xFFFFFF30] =	vst v7;
	v7 =	vor.u32 s29, v0  }
0x6e: {  	[tilespmem:v8+s11+$0x0] =	vst.idx.msk vm15, v7  }
0x6f: {  	v7 =	vld [tilespmem:s26+$0xFFFFFF40]  }
0x70: {  	v8 =	vsel vm15, $0x1, v1  }
0x71: {  	v6 =	vadd.s32 v8, v6  }
0x72: {  	vm4 =	vlt.s32 v6, $0x17  }
0x73: {  	v8 =	vnsel vm4, $0x17, v6  }
0x74: {  	v8 =	vshll.u32 v8, $0x4;
	vm5 =	vgt.f32 v7, v5  }
0x75: {  	v8 =	vor.u32 v0, v8;
	_ =	sdelay $0x2  }
0x76: {  	s30 =	sadd.s32 $0xFFFFFF50, s25;
	v7 =	vnsel vm5, $0x0, v7  }
0x77: {  	[tilespmem:s23+$0xFFFFFF40] =	vst v7;
	v7 =	vor.u32 s30, v0  }
0x78: {  	[tilespmem:v8+s11+$0x0] =	vst.idx.msk vm5, v7  }
0x79: {  	v7 =	vld [tilespmem:s26+$0xFFFFFF50]  }
0x7a: {  	v8 =	vsel vm5, $0x1, v1  }
0x7b: {  	v6 =	vadd.s32 v8, v6  }
0x7c: {  	vm6 =	vlt.s32 v6, $0x17  }
0x7d: {  	v8 =	vnsel vm6, $0x17, v6  }
0x7e: {  	v8 =	vshll.u32 v8, $0x4;
	vm7 =	vgt.f32 v7, v5  }
0x7f: {  	v8 =	vor.u32 v0, v8;
	_ =	sdelay $0x2  }
0x80: {  	s31 =	sadd.s32 $0xFFFFFF60, s25;
	v7 =	vnsel vm7, $0x0, v7  }
0x81: {  	[tilespmem:s23+$0xFFFFFF50] =	vst v7;
	v7 =	vor.u32 s31, v0  }
0x82: {  	[tilespmem:v8+s11+$0x0] =	vst.idx.msk vm7, v7  }
0x83: {  	v7 =	vld [tilespmem:s26+$0xFFFFFF60]  }
0x84: {  	v8 =	vsel vm7, $0x1, v1  }
0x85: {  	v6 =	vadd.s32 v8, v6  }
0x86: {  	vm8 =	vlt.s32 v6, $0x17  }
0x87: {  	v8 =	vnsel vm8, $0x17, v6  }
0x88: {  	v8 =	vshll.u32 v8, $0x4;
	vm9 =	vgt.f32 v7, v5  }
0x89: {  	v8 =	vor.u32 v0, v8;
	_ =	sdelay $0x2  }
0x8a: {  	s29 =	sadd.s32 $0xFFFFFF70, s25;
	v7 =	vnsel vm9, $0x0, v7  }
0x8b: {  	[tilespmem:s23+$0xFFFFFF60] =	vst v7;
	v7 =	vor.u32 s29, v0  }
0x8c: {  	[tilespmem:v8+s11+$0x0] =	vst.idx.msk vm9, v7  }
0x8d: {  	v7 =	vld [tilespmem:s26+$0xFFFFFF70]  }
0x8e: {  	v8 =	vsel vm9, $0x1, v1  }
0x8f: {  	v6 =	vadd.s32 v8, v6  }
0x90: {  	vm10 =	vlt.s32 v6, $0x17  }
0x91: {  	v8 =	vnsel vm10, $0x17, v6  }
0x92: {  	v8 =	vshll.u32 v8, $0x4;
	vm11 =	vgt.f32 v7, v5  }
0x93: {  	v8 =	vor.u32 v0, v8;
	_ =	sdelay $0x2  }
0x94: {  	s30 =	sadd.s32 $0xFFFFFF80, s25;
	v7 =	vnsel vm11, $0x0, v7  }
0x95: {  	[tilespmem:s23+$0xFFFFFF70] =	vst v7;
	v7 =	vor.u32 s30, v0  }
0x96: {  	[tilespmem:v8+s11+$0x0] =	vst.idx.msk vm11, v7  }
0x97: {  	v7 =	vld [tilespmem:s26+$0x0]  }
0x98: {  	v8 =	vsel vm11, $0x1, v1  }
0x99: {  	v6 =	vadd.s32 v8, v6  }
0x9a: {  	vm12 =	vlt.s32 v6, $0x17  }
0x9b: {  	v8 =	vnsel vm12, $0x17, v6  }
0x9c: {  	v8 =	vshll.u32 v8, $0x4;
	vm13 =	vgt.f32 v7, v5  }
0x9d: {  	v8 =	vor.u32 v0, v8;
	_ =	sdelay $0x2  }
0x9e: {  	s31 =	sadd.s32 $0xFFFFFF90, s25;
	v7 =	vnsel vm13, $0x0, v7  }
0x9f: {  	[tilespmem:s23+$0x0] =	vst v7;
	v7 =	vor.u32 s31, v0  }
0xa0: {  	[tilespmem:v8+s11+$0x0] =	vst.idx.msk vm13, v7  }
0xa1: {  	v7 =	vld [tilespmem:s26+$0x10]  }
0xa2: {  	v8 =	vsel vm13, $0x1, v1  }
0xa3: {  	v6 =	vadd.s32 v8, v6  }
0xa4: {  	vm14 =	vlt.s32 v6, $0x17  }
0xa5: {  	v8 =	vnsel vm14, $0x17, v6  }
0xa6: {  	v8 =	vshll.u32 v8, $0x4;
	vm15 =	vgt.f32 v7, v5  }
0xa7: {  	v8 =	vor.u32 v0, v8;
	_ =	sdelay $0x2  }
0xa8: {  	s29 =	sadd.s32 $0xFFFFFFA0, s25;
	v7 =	vnsel vm15, $0x0, v7  }
0xa9: {  	[tilespmem:s23+$0x10] =	vst v7;
	v7 =	vor.u32 s29, v0  }
0xaa: {  	[tilespmem:v8+s11+$0x0] =	vst.idx.msk vm15, v7  }
0xab: {  	v7 =	vld [tilespmem:s26+$0x20]  }
0xac: {  	v8 =	vsel vm15, $0x1, v1  }
0xad: {  	v6 =	vadd.s32 v8, v6  }
0xae: {  	vm4 =	vlt.s32 v6, $0x17  }
0xaf: {  	v8 =	vnsel vm4, $0x17, v6  }
0xb0: {  	v8 =	vshll.u32 v8, $0x4;
	vm5 =	vgt.f32 v7, v5  }
0xb1: {  	v8 =	vor.u32 v0, v8;
	_ =	sdelay $0x2  }
0xb2: {  	s30 =	sadd.s32 $0xFFFFFFB0, s25;
	v7 =	vnsel vm5, $0x0, v7  }
0xb3: {  	[tilespmem:s23+$0x20] =	vst v7;
	v7 =	vor.u32 s30, v0  }
0xb4: {  	[tilespmem:v8+s11+$0x0] =	vst.idx.msk vm5, v7  }
0xb5: {  	v7 =	vld [tilespmem:s26+$0x30]  }
0xb6: {  	v8 =	vsel vm5, $0x1, v1  }
0xb7: {  	v6 =	vadd.s32 v8, v6  }
0xb8: {  	vm6 =	vlt.s32 v6, $0x17  }
0xb9: {  	v8 =	vnsel vm6, $0x17, v6  }
0xba: {  	v8 =	vshll.u32 v8, $0x4;
	vm7 =	vgt.f32 v7, v5  }
0xbb: {  	v8 =	vor.u32 v0, v8;
	_ =	sdelay $0x2  }
0xbc: {  	s31 =	sadd.s32 $0xFFFFFFC0, s25;
	v7 =	vnsel vm7, $0x0, v7  }
0xbd: {  	[tilespmem:s23+$0x30] =	vst v7;
	v7 =	vor.u32 s31, v0  }
0xbe: {  	[tilespmem:v8+s11+$0x0] =	vst.idx.msk vm7, v7  }
0xbf: {  	v7 =	vld [tilespmem:s26+$0x40]  }
0xc0: {  	v8 =	vsel vm7, $0x1, v1  }
0xc1: {  	v6 =	vadd.s32 v8, v6  }
0xc2: {  	vm8 =	vlt.s32 v6, $0x17  }
0xc3: {  	v8 =	vnsel vm8, $0x17, v6  }
0xc4: {  	v8 =	vshll.u32 v8, $0x4;
	vm9 =	vgt.f32 v7, v5  }
0xc5: {  	v8 =	vor.u32 v0, v8;
	_ =	sdelay $0x2  }
0xc6: {  	s29 =	sadd.s32 $0xFFFFFFD0, s25;
	v7 =	vnsel vm9, $0x0, v7  }
0xc7: {  	[tilespmem:s23+$0x40] =	vst v7;
	v7 =	vor.u32 s29, v0  }
0xc8: {  	[tilespmem:v8+s11+$0x0] =	vst.idx.msk vm9, v7  }
0xc9: {  	v7 =	vld [tilespmem:s26+$0x50]  }
0xca: {  	v8 =	vsel vm9, $0x1, v1  }
0xcb: {  	v6 =	vadd.s32 v8, v6  }
0xcc: {  	vm10 =	vlt.s32 v6, $0x17  }
0xcd: {  	v8 =	vnsel vm10, $0x17, v6  }
0xce: {  	v8 =	vshll.u32 v8, $0x4;
	vm11 =	vgt.f32 v7, v5  }
0xcf: {  	v8 =	vor.u32 v0, v8;
	_ =	sdelay $0x2  }
0xd0: {  	s30 =	sadd.s32 $0xFFFFFFE0, s25;
	v7 =	vnsel vm11, $0x0, v7  }
0xd1: {  	[tilespmem:s23+$0x50] =	vst v7;
	v7 =	vor.u32 s30, v0  }
0xd2: {  	[tilespmem:v8+s11+$0x0] =	vst.idx.msk vm11, v7  }
0xd3: {  	v7 =	vld [tilespmem:s26+$0x60]  }
0xd4: {  	v8 =	vsel vm11, $0x1, v1  }
0xd5: {  	v6 =	vadd.s32 v8, v6  }
0xd6: {  	vm12 =	vlt.s32 v6, $0x17  }
0xd7: {  	v8 =	vnsel vm12, $0x17, v6  }
0xd8: {  	v8 =	vshll.u32 v8, $0x4;
	vm13 =	vgt.f32 v7, v5  }
0xd9: {  	v8 =	vor.u32 v0, v8;
	_ =	sdelay $0x2  }
0xda: {  	s31 =	sadd.s32 $0xFFFFFFF0, s25;
	v7 =	vnsel vm13, $0x0, v7  }
0xdb: {  	[tilespmem:s23+$0x60] =	vst v7;
	v7 =	vor.u32 s31, v0  }
0xdc: {  	[tilespmem:v8+s11+$0x0] =	vst.idx.msk vm13, v7  }
0xdd: {  	v7 =	vld [tilespmem:s26+$0x70]  }
0xde: {  	v8 =	vsel vm13, $0x1, v1  }
0xdf: {  	v6 =	vadd.s32 v8, v6  }
0xe0: {  	vm14 =	vlt.s32 v6, $0x17  }
0xe1: {  	v8 =	vnsel vm14, $0x17, v6  }
0xe2: {  	s24 =	sadd.s32 $0x10, s24;
	v8 =	vshll.u32 v8, $0x4;
	vm15 =	vgt.f32 v7, v5  }
0xe3: {  	p1 =	slt.u32 s24, $0x260;
	v8 =	vor.u32 v0, v8  }
.Ltmp3:
0xe4: {  	_ = 	snop;
	(pc) =	sbr.rel @p1 .LBB2_10-.Ltmp3, $4  }
0xe5: {  	_ = 	snop  }
0xe6: {  	v7 =	vnsel vm15, $0x0, v7  }
0xe7: {  	v9 =	vsel vm15, $0x1, v1;
	[tilespmem:s23+$0x70] =	vst v7;
	v7 =	vor.u32 s25, v0  }
0xe8: {  	s26 =	sadd.s32 $0x200, s26;
	v6 =	vadd.s32 v9, v6;
	s25 =	sadd.s32 $0x100, s25;
	s23 =	sadd.s32 $0x200, s23;
	[tilespmem:v8+s11+$0x0] =	vst.idx.msk vm15, v7  }
0xe9: {  	v7 =	vld [tilespmem:s21+$0x4E00];
	_ =	sdelay $0x4  }
0xea: {  	vm0 =	vgt.f32 v7, v5  }
0xeb: {  	v5 =	vsel vm0, $0x1, v1  }
0xec: {  	v12 =	vadd.s32 v5, v6  }
0xed: {  	(xrf0) =	vadd.scan.msk.s32 $0xffff, v12;
	v5 =	vxor.u32 $0x80000000, v12  }
0xee: {  	(xrf0) =	vmax.scan.msk.u32 $0xffff, v5;
	_ =	sdelay $0x4  }
0xef: {  	v5, _, _ =	vpop (xrf0)  }
0xf0: {  	(v2sf) =	vpush v5, $0xF;
	v5, _, _ =	vpop (xrf0)  }
0xf1: {  	(v2sf) =	vpush v5, $0xF;
	_ =	sdelay $0xd  }
0xf2: {  	vm1 =	vlt.s32 v6, $0x17;
	s23 =	spop (v2sf)  }
0xf3: {  	v5 =	vnsel vm1, $0x17, v6;
	s24 =	spop (v2sf)  }
0xf4: {  	v5 =	vshll.u32 v5, $0x4;
	p1 =	slt.s32 s23, $0x20;
	p2 =	sgt.u32 s24, $0x80000018  }
0xf5: {  	v5 =	vor.u32 v0, v5;
	p1 =	por p1, p2  }
.Ltmp4:
0xf6: {  	_ = 	snop;
	(pc) =	sbr.rel @!p1 .LBB2_24-.Ltmp4, $4  }
0xf7: {  	_ = 	snop  }
0xf8: {  	v6 =	vnsel vm0, $0x0, v7  }
0xf9: {  	[tilespmem:s21+$0x9D00] =	vst v6  }
0xfa: {  	s21 =	sor.u32 $0x4E00, s21;
	[tilespmem:v5+s11+$0x0] =	vst.idx.msk vm0, v2  }
0xfb: {  	v6 =	vld [tilespmem:s20+$0x30]  }
0xfc: {  	v7 =	vld [tilespmem:s20+$0x20]  }
0xfd: {  	v8 =	vld [tilespmem:s20+$0x10]  }
0xfe: {  	v10 =	vld [tilespmem:s20+$0x0]  }
0xff: {  	v11 =	vld [tilespmem:s20+$0xFFFFFFF0]  }
0x100: {  	v9 =	vld [tilespmem:s20+$0xFFFFFFE0]  }
0x101: {  	v12 =	vld [tilespmem:s20+$0xFFFFFFC0]  }
0x102: {  	v13 =	vld [tilespmem:s20+$0xFFFFFFD0];
	_ =	sdelay $0x1  }
0x103: {  	v5 =	vimm.s32 $0x0;
	v14 =	vimm.f32 $-Inf  }
0x104: {  	s18 =	simm.s32 $0x0;
	s23 =	sadd.s32 $0x100, s20;
	vm2 =	vgt.f32 v8, $0.0e+00;
	vm1 =	vgt.f32 v7, $0.0e+00;
	vm0 =	vgt.f32 v6, $0.0e+00  }
.LBB2_13:
0x105: {  	v15 =	vld [tilespmem:s23+$0x30];
	vm3 =	vgt.f32 v12, $0.0e+00;
	vm4 =	vgt.f32 v11, $0.0e+00;
	vm5 =	vgt.f32 v10, $0.0e+00  }
0x106: {  	vm6 =	vgt.f32 v9, $0.0e+00;
	v16 =	vld [tilespmem:s23+$0x20];
	v17 =	vsel vm3, $0x1, v1;
	vm3 =	vgt.f32 v13, $0.0e+00  }
0x107: {  	v12 =	vmax.f32 v14, v12;
	v18 =	vld [tilespmem:s23+$0x10];
	v5 =	vadd.s32 v17, v5;
	v14 =	vsel vm3, $0x1, v1  }
0x108: {  	v12 =	vmax.f32 v12, v13;
	v13 =	vsel vm6, $0x1, v1;
	v17 =	vld [tilespmem:s23+$0x0];
	v5 =	vadd.s32 v14, v5  }
0x109: {  	s18 =	sadd.s32 $0x8, s18;
	v12 =	vmax.f32 v12, v9;
	v19 =	vld [tilespmem:s23+$0xFFFFFFF0];
	v5 =	vadd.s32 v13, v5;
	v13 =	vsel vm4, $0x1, v1  }
0x10a: {  	p2 =	slt.u32 s18, $0x268;
	v11 =	vmax.f32 v12, v11;
	v9 =	vld [tilespmem:s23+$0xFFFFFFE0];
	v5 =	vadd.s32 v13, v5;
	v13 =	vsel vm5, $0x1, v1  }
.Ltmp5:
0x10b: {  	v21 =	vmax.f32 v11, v10;
	v11 =	vsel vm2, $0x1, v1;
	v12 =	vld [tilespmem:s23+$0xFFFFFFC0];
	v5 =	vadd.s32 v13, v5;
	(pc) =	sbr.rel @p2 .LBB2_13-.Ltmp5, $4  }
0x10c: {  	v20 =	vmax.f32 v21, v8;
	v21 =	vsel vm1, $0x1, v1;
	v13 =	vld [tilespmem:s23+$0xFFFFFFD0];
	v5 =	vadd.s32 v11, v5;
	v8 =	vmovc v18  }
0x10d: {  	v14 =	vsel vm0, $0x1, v1;
	v18 =	vmax.f32 v20, v7;
	v7 =	vmovc v16;
	v5 =	vadd.s32 v21, v5;
	v10 =	vmovc v17  }
0x10e: {  	v5 =	vadd.s32 v14, v5;
	v14 =	vmax.f32 v18, v6;
	v6 =	vmovc v15;
	v11 =	vmov v19  }
0x10f: {  	s23 =	sadd.s32 $0x100, s23;
	vm2 =	vgt.f32 v8, $0.0e+00;
	vm1 =	vgt.f32 v7, $0.0e+00;
	vm0 =	vgt.f32 v6, $0.0e+00  }
0x110: {  	vm3 =	vgt.f32 v12, $0.0e+00  }
0x111: {  	v15 =	vsel vm3, $0x1, v1;
	vm12 =	vgt.f32 v13, $0.0e+00  }
0x112: {  	vm4 =	vgt.f32 v9, $0.0e+00;
	v5 =	vadd.s32 v15, v5;
	v55 =	vsel vm12, $0x1, v1  }
0x113: {  	vm13 =	vgt.f32 v11, $0.0e+00;
	v16 =	vsel vm4, $0x1, v1;
	v15 =	vadd.s32 v55, v5;
	v5 =	vld [tilespmem:s21+$0x0]  }
0x114: {  	vm14 =	vgt.f32 v10, $0.0e+00;
	v56 =	vsel vm13, $0x1, v1;
	v15 =	vadd.s32 v16, v15  }
0x115: {  	v57 =	vsel vm14, $0x1, v1;
	v15 =	vadd.s32 v56, v15  }
0x116: {  	v58 =	vsel vm2, $0x1, v1;
	v15 =	vadd.s32 v57, v15  }
0x117: {  	v59 =	vsel vm1, $0x1, v1;
	v15 =	vadd.s32 v58, v15  }
0x118: {  	v60 =	vsel vm0, $0x1, v1;
	v15 =	vadd.s32 v59, v15;
	vm15 =	vgt.f32 v5, $0.0e+00  }
0x119: {  	v15 =	vadd.s32 v60, v15;
	v61 =	vsel vm15, $0x1, v1  }
0x11a: {  	v15 =	vadd.s32 v61, v15  }
0x11b: {  	(xrf0) =	vadd.scan.msk.s32 $0xffff, v15;
	_ =	sdelay $0x5  }
0x11c: {  	v15, _, _ =	vpop (xrf0)  }
0x11d: {  	(v2sf) =	vpush v15, $0xF;
	_ =	sdelay $0xd  }
0x11e: {  	v62 =	vmax.f32 v14, v12  }
0x11f: {  	v12 =	vmax.f32 v62, v13;
	s23 =	spop (v2sf)  }
0x120: {  	v63 =	vmax.f32 v12, v9;
	p2 =	slt.s32 s23, $0x21  }
.Ltmp6:
0x121: {  	v9 =	vmax.f32 v63, v11;
	(pc) =	sbr.rel @p2 .LBB2_27-.Ltmp6, $4  }
0x122: {  	v9 =	vmax.f32 v9, v10  }
0x123: {  	v8 =	vmax.f32 v9, v8  }
0x124: {  	v7 =	vmax.f32 v8, v7  }
0x125: {  	s18 =	simm.f32 $0.0e+00;
	v6 =	vmax.f32 v7, v6  }
0x126: {  	p2 =	slt.u32 s23, $0x91  }
.Ltmp7:
0x127: {  	_ = 	snop;
	(pc) =	sbr.rel @p2 .LBB2_21-.Ltmp7, $2  }
0x128: {  	_ =	sdelay $0x2  }
0x129: {  	s18 =	simm.f32 $0.0e+00  }
0x12a: {  	v6 =	vmax.f32 v6, v5  }
0x12b: {  	(xrf0) =	vmax.scan.msk.f32 $0xffff, v6;
	_ =	sdelay $0x5  }
0x12c: {  	v6, _, _ =	vpop (xrf0)  }
0x12d: {  	(v2sf) =	vpush v6, $0xF;
	_ =	sdelay $0xe  }
0x12e: {  	s18 =	spop (v2sf)  }
0x12f: {  	s18 =	smul.f32 $1.000100020e+00, s18;
	_ =	sdelay $0x1  }
0x130: {  	s23 =	simm.f32 $0.0e+00;
	s24 =	simm.s32 $0x0;
	s25 =	sadd.f32 $1.000000000e-30, s18  }
.LBB2_17:
0x131: {  	_ = 	snop  }
0x132: {  	v8 =	vld [tilespmem:s20+$0xFFFFFFC0];
	s18 =	sadd.f32 s25, s23  }
0x133: {  	v10 =	vld [tilespmem:s20+$0xFFFFFFD0]  }
0x134: {  	v11 =	vld [tilespmem:s20+$0xFFFFFFE0];
	s18 =	smul.f32 $5.000000000e-01, s18  }
0x135: {  	v9 =	vld [tilespmem:s20+$0xFFFFFFF0]  }
0x136: {  	v7 =	vld [tilespmem:s20+$0x0];
	v6 =	vmov s18  }
0x137: {  	vm0 =	vgt.f32 v8, v6;
	v8 =	vld [tilespmem:s20+$0x10]  }
0x138: {  	v12 =	vimm.s32 $0x0;
	v13 =	vsel vm0, $0x1, v1;
	vm0 =	vgt.f32 v10, v6;
	v10 =	vld [tilespmem:s20+$0x20]  }
0x139: {  	s26 =	simm.s32 $0x0;
	s28 =	sadd.s32 $0x100, s20;
	v12 =	vadd.s32 v13, v12;
	v13 =	vsel vm0, $0x1, v1;
	vm0 =	vgt.f32 v11, v6;
	v11 =	vld [tilespmem:s20+$0x30]  }
.LBB2_18:
0x13a: {  	v14 =	vld [tilespmem:s28+$0xFFFFFFC0];
	s26 =	sadd.s32 $0x8, s26;
	v12 =	vadd.s32 v13, v12;
	v13 =	vsel vm0, $0x1, v1;
	vm0 =	vgt.f32 v9, v6  }
0x13b: {  	v15 =	vld [tilespmem:s28+$0xFFFFFFD0];
	p2 =	slt.u32 s26, $0x268;
	v9 =	vadd.s32 v13, v12;
	v12 =	vsel vm0, $0x1, v1;
	vm0 =	vgt.f32 v7, v6  }
0x13c: {  	v16 =	vld [tilespmem:s28+$0xFFFFFFE0];
	v7 =	vadd.s32 v12, v9;
	v12 =	vsel vm0, $0x1, v1;
	vm0 =	vgt.f32 v8, v6  }
.Ltmp8:
0x13d: {  	v9 =	vld [tilespmem:s28+$0xFFFFFFF0];
	v8 =	vadd.s32 v12, v7;
	v12 =	vsel vm0, $0x1, v1;
	vm0 =	vgt.f32 v10, v6;
	(pc) =	sbr.rel @p2 .LBB2_18-.Ltmp8, $4  }
0x13e: {  	v7 =	vld [tilespmem:s28+$0x0];
	v10 =	vadd.s32 v12, v8;
	v12 =	vsel vm0, $0x1, v1;
	vm0 =	vgt.f32 v11, v6  }
0x13f: {  	vm1 =	vgt.f32 v14, v6;
	v8 =	vld [tilespmem:s28+$0x10];
	v11 =	vadd.s32 v12, v10;
	v12 =	vsel vm0, $0x1, v1  }
0x140: {  	v13 =	vsel vm1, $0x1, v1;
	vm0 =	vgt.f32 v15, v6;
	v10 =	vld [tilespmem:s28+$0x20];
	v11 =	vadd.s32 v12, v11  }
0x141: {  	v12 =	vadd.s32 v13, v11;
	v13 =	vsel vm0, $0x1, v1;
	vm0 =	vgt.f32 v16, v6;
	v11 =	vld [tilespmem:s28+$0x30];
	s28 =	sadd.s32 $0x100, s28  }
0x142: {  	v12 =	vadd.s32 v13, v12;
	v58 =	vsel vm0, $0x1, v1;
	vm10 =	vgt.f32 v9, v6  }
0x143: {  	v59 =	vadd.s32 v58, v12;
	v60 =	vsel vm10, $0x1, v1;
	vm11 =	vgt.f32 v7, v6  }
0x144: {  	v7 =	vadd.s32 v60, v59;
	v61 =	vsel vm11, $0x1, v1;
	vm12 =	vgt.f32 v8, v6  }
0x145: {  	v7 =	vadd.s32 v61, v7;
	v8 =	vsel vm12, $0x1, v1;
	vm13 =	vgt.f32 v10, v6  }
0x146: {  	v7 =	vadd.s32 v8, v7;
	v62 =	vsel vm13, $0x1, v1;
	vm14 =	vgt.f32 v11, v6  }
0x147: {  	vm15 =	vgt.f32 v5, v6;
	v7 =	vadd.s32 v62, v7;
	v63 =	vsel vm14, $0x1, v1  }
0x148: {  	v6 =	vadd.s32 v63, v7;
	v7 =	vsel vm15, $0x1, v1  }
0x149: {  	v6 =	vadd.s32 v7, v6  }
0x14a: {  	(xrf0) =	vadd.scan.msk.s32 $0xffff, v6;
	_ =	sdelay $0x5  }
0x14b: {  	v6, _, _ =	vpop (xrf0)  }
0x14c: {  	(v2sf) =	vpush v6, $0xF;
	_ =	sdelay $0xe  }
0x14d: {  	s28 =	spop (v2sf)  }
0x14e: {  	s26 =	sadd.s32 $0xFFFFFF6F, s28  }
0x14f: {  	p2 =	sgt.u32 s26, $0xFFFFFF8E  }
0x150: {  	p4 =	slt.u32 @!p2 s24, $0x27  }
0x151: {  	p2 =	por p2, !p4  }
.Ltmp9:
0x152: {  	_ = 	snop;
	(pc) =	sbr.rel @!p2 .LBB2_17-.Ltmp9, $4  }
0x153: {  	_ = 	snop  }
0x154: {  	p3 =	sgt.s32 s28, $0x1F;
	s28 =	smov.u32 s18  }
0x155: {  	s28 =	smov.u32 @p3 s25  }
0x156: {  	s23 =	smov.u32 @p3 s18;
	s24 =	sadd.s32 $0x1, s24;
	s25 =	smov.u32 s28  }
0x157: {  	p2 =	slt.u32 s26, $0xFFFFFF8F  }
0x158: {  	s18 =	smov.u32 @p2 s23  }
.LBB2_21:
0x159: {  	v5 =	vmov s18;
	v6 =	vimm.s32 $0x0;
	s23 =	simm.s32 $0xFFFFFFF0;
	s24 =	simm.s32 $0xF0  }
.LBB2_22:
0x15a: {  	v7 =	vld [tilespmem:s22+$0xFFFFFF00];
	_ =	sdelay $0x2  }
0x15b: {  	vm0 =	vlt.s32 v6, $0x17  }
0x15c: {  	v8 =	vnsel vm0, $0x17, v6  }
0x15d: {  	vm9 =	vgt.f32 v7, v5;
	v7 =	vshll.u32 v8, $0x4  }
0x15e: {  	v7 =	vor.u32 v0, v7;
	_ =	sdelay $0x2  }
0x15f: {  	s25 =	sadd.s32 $0xFFFFFF10, s24  }
0x160: {  	v8 =	vor.u32 s25, v0  }
0x161: {  	[tilespmem:v7+s11+$0x0] =	vst.idx.msk vm9, v8  }
0x162: {  	v7 =	vld [tilespmem:s22+$0xFFFFFF10]  }
0x163: {  	v8 =	vsel vm9, $0x1, v1  }
0x164: {  	v6 =	vadd.s32 v8, v6  }
0x165: {  	vm10 =	vlt.s32 v6, $0x17  }
0x166: {  	v8 =	vnsel vm10, $0x17, v6  }
0x167: {  	vm11 =	vgt.f32 v7, v5;
	v7 =	vshll.u32 v8, $0x4  }
0x168: {  	v7 =	vor.u32 v0, v7;
	_ =	sdelay $0x2  }
0x169: {  	s28 =	sadd.s32 $0xFFFFFF20, s24  }
0x16a: {  	v8 =	vor.u32 s28, v0  }
0x16b: {  	[tilespmem:v7+s11+$0x0] =	vst.idx.msk vm11, v8  }
0x16c: {  	v7 =	vld [tilespmem:s22+$0xFFFFFF20]  }
0x16d: {  	v8 =	vsel vm11, $0x1, v1  }
0x16e: {  	v6 =	vadd.s32 v8, v6  }
0x16f: {  	vm12 =	vlt.s32 v6, $0x17  }
0x170: {  	v8 =	vnsel vm12, $0x17, v6  }
0x171: {  	vm13 =	vgt.f32 v7, v5;
	v7 =	vshll.u32 v8, $0x4  }
0x172: {  	v7 =	vor.u32 v0, v7;
	_ =	sdelay $0x2  }
0x173: {  	s29 =	sadd.s32 $0xFFFFFF30, s24  }
0x174: {  	v8 =	vor.u32 s29, v0  }
0x175: {  	[tilespmem:v7+s11+$0x0] =	vst.idx.msk vm13, v8  }
0x176: {  	v7 =	vld [tilespmem:s22+$0xFFFFFF30]  }
0x177: {  	v8 =	vsel vm13, $0x1, v1  }
0x178: {  	v6 =	vadd.s32 v8, v6  }
0x179: {  	vm14 =	vlt.s32 v6, $0x17  }
0x17a: {  	v8 =	vnsel vm14, $0x17, v6  }
0x17b: {  	vm15 =	vgt.f32 v7, v5;
	v7 =	vshll.u32 v8, $0x4  }
0x17c: {  	v7 =	vor.u32 v0, v7;
	_ =	sdelay $0x2  }
0x17d: {  	s30 =	sadd.s32 $0xFFFFFF40, s24  }
0x17e: {  	v8 =	vor.u32 s30, v0  }
0x17f: {  	[tilespmem:v7+s11+$0x0] =	vst.idx.msk vm15, v8  }
0x180: {  	v7 =	vld [tilespmem:s22+$0xFFFFFF40]  }
0x181: {  	v8 =	vsel vm15, $0x1, v1  }
0x182: {  	v6 =	vadd.s32 v8, v6  }
0x183: {  	vm4 =	vlt.s32 v6, $0x17  }
0x184: {  	v8 =	vnsel vm4, $0x17, v6  }
0x185: {  	vm5 =	vgt.f32 v7, v5;
	v7 =	vshll.u32 v8, $0x4  }
0x186: {  	v7 =	vor.u32 v0, v7;
	_ =	sdelay $0x2  }
0x187: {  	s31 =	sadd.s32 $0xFFFFFF50, s24  }
0x188: {  	v8 =	vor.u32 s31, v0  }
0x189: {  	[tilespmem:v7+s11+$0x0] =	vst.idx.msk vm5, v8  }
0x18a: {  	v7 =	vld [tilespmem:s22+$0xFFFFFF50]  }
0x18b: {  	v8 =	vsel vm5, $0x1, v1  }
0x18c: {  	v6 =	vadd.s32 v8, v6  }
0x18d: {  	vm6 =	vlt.s32 v6, $0x17  }
0x18e: {  	v8 =	vnsel vm6, $0x17, v6  }
0x18f: {  	vm7 =	vgt.f32 v7, v5;
	v7 =	vshll.u32 v8, $0x4  }
0x190: {  	v7 =	vor.u32 v0, v7;
	_ =	sdelay $0x2  }
0x191: {  	s26 =	sadd.s32 $0xFFFFFF60, s24  }
0x192: {  	v8 =	vor.u32 s26, v0  }
0x193: {  	[tilespmem:v7+s11+$0x0] =	vst.idx.msk vm7, v8  }
0x194: {  	v7 =	vld [tilespmem:s22+$0xFFFFFF60]  }
0x195: {  	v8 =	vsel vm7, $0x1, v1  }
0x196: {  	v6 =	vadd.s32 v8, v6  }
0x197: {  	vm8 =	vlt.s32 v6, $0x17  }
0x198: {  	v8 =	vnsel vm8, $0x17, v6  }
0x199: {  	vm9 =	vgt.f32 v7, v5;
	v7 =	vshll.u32 v8, $0x4  }
0x19a: {  	v7 =	vor.u32 v0, v7;
	_ =	sdelay $0x2  }
0x19b: {  	s28 =	sadd.s32 $0xFFFFFF70, s24  }
0x19c: {  	v8 =	vor.u32 s28, v0  }
0x19d: {  	[tilespmem:v7+s11+$0x0] =	vst.idx.msk vm9, v8  }
0x19e: {  	v7 =	vld [tilespmem:s22+$0xFFFFFF70]  }
0x19f: {  	v8 =	vsel vm9, $0x1, v1  }
0x1a0: {  	v6 =	vadd.s32 v8, v6  }
0x1a1: {  	vm10 =	vlt.s32 v6, $0x17  }
0x1a2: {  	v8 =	vnsel vm10, $0x17, v6  }
0x1a3: {  	vm11 =	vgt.f32 v7, v5;
	v7 =	vshll.u32 v8, $0x4  }
0x1a4: {  	v7 =	vor.u32 v0, v7;
	_ =	sdelay $0x2  }
0x1a5: {  	s29 =	sadd.s32 $0xFFFFFF80, s24  }
0x1a6: {  	v8 =	vor.u32 s29, v0  }
0x1a7: {  	[tilespmem:v7+s11+$0x0] =	vst.idx.msk vm11, v8  }
0x1a8: {  	v7 =	vld [tilespmem:s22+$0x0]  }
0x1a9: {  	v8 =	vsel vm11, $0x1, v1  }
0x1aa: {  	v6 =	vadd.s32 v8, v6  }
0x1ab: {  	vm12 =	vlt.s32 v6, $0x17  }
0x1ac: {  	v8 =	vnsel vm12, $0x17, v6  }
0x1ad: {  	vm13 =	vgt.f32 v7, v5;
	v7 =	vshll.u32 v8, $0x4  }
0x1ae: {  	v7 =	vor.u32 v0, v7;
	_ =	sdelay $0x2  }
0x1af: {  	s30 =	sadd.s32 $0xFFFFFF90, s24  }
0x1b0: {  	v8 =	vor.u32 s30, v0  }
0x1b1: {  	[tilespmem:v7+s11+$0x0] =	vst.idx.msk vm13, v8  }
0x1b2: {  	v7 =	vld [tilespmem:s22+$0x10]  }
0x1b3: {  	v8 =	vsel vm13, $0x1, v1  }
0x1b4: {  	v6 =	vadd.s32 v8, v6  }
0x1b5: {  	vm14 =	vlt.s32 v6, $0x17  }
0x1b6: {  	v8 =	vnsel vm14, $0x17, v6  }
0x1b7: {  	vm15 =	vgt.f32 v7, v5;
	v7 =	vshll.u32 v8, $0x4  }
0x1b8: {  	v7 =	vor.u32 v0, v7;
	_ =	sdelay $0x2  }
0x1b9: {  	s31 =	sadd.s32 $0xFFFFFFA0, s24  }
0x1ba: {  	v8 =	vor.u32 s31, v0  }
0x1bb: {  	[tilespmem:v7+s11+$0x0] =	vst.idx.msk vm15, v8  }
0x1bc: {  	v7 =	vld [tilespmem:s22+$0x20]  }
0x1bd: {  	v8 =	vsel vm15, $0x1, v1  }
0x1be: {  	v6 =	vadd.s32 v8, v6  }
0x1bf: {  	vm4 =	vlt.s32 v6, $0x17  }
0x1c0: {  	v8 =	vnsel vm4, $0x17, v6  }
0x1c1: {  	vm5 =	vgt.f32 v7, v5;
	v7 =	vshll.u32 v8, $0x4  }
0x1c2: {  	v7 =	vor.u32 v0, v7;
	_ =	sdelay $0x2  }
0x1c3: {  	s26 =	sadd.s32 $0xFFFFFFB0, s24  }
0x1c4: {  	v8 =	vor.u32 s26, v0  }
0x1c5: {  	[tilespmem:v7+s11+$0x0] =	vst.idx.msk vm5, v8  }
0x1c6: {  	v7 =	vld [tilespmem:s22+$0x30]  }
0x1c7: {  	v8 =	vsel vm5, $0x1, v1  }
0x1c8: {  	v6 =	vadd.s32 v8, v6  }
0x1c9: {  	vm6 =	vlt.s32 v6, $0x17  }
0x1ca: {  	v8 =	vnsel vm6, $0x17, v6  }
0x1cb: {  	vm7 =	vgt.f32 v7, v5;
	v7 =	vshll.u32 v8, $0x4  }
0x1cc: {  	v7 =	vor.u32 v0, v7;
	_ =	sdelay $0x2  }
0x1cd: {  	s28 =	sadd.s32 $0xFFFFFFC0, s24  }
0x1ce: {  	v8 =	vor.u32 s28, v0  }
0x1cf: {  	[tilespmem:v7+s11+$0x0] =	vst.idx.msk vm7, v8  }
0x1d0: {  	v7 =	vld [tilespmem:s22+$0x40]  }
0x1d1: {  	v8 =	vsel vm7, $0x1, v1  }
0x1d2: {  	v6 =	vadd.s32 v8, v6  }
0x1d3: {  	vm8 =	vlt.s32 v6, $0x17  }
0x1d4: {  	v8 =	vnsel vm8, $0x17, v6  }
0x1d5: {  	vm9 =	vgt.f32 v7, v5;
	v7 =	vshll.u32 v8, $0x4  }
0x1d6: {  	v7 =	vor.u32 v0, v7;
	_ =	sdelay $0x2  }
0x1d7: {  	s29 =	sadd.s32 $0xFFFFFFD0, s24  }
0x1d8: {  	v8 =	vor.u32 s29, v0  }
0x1d9: {  	[tilespmem:v7+s11+$0x0] =	vst.idx.msk vm9, v8  }
0x1da: {  	v7 =	vld [tilespmem:s22+$0x50]  }
0x1db: {  	v8 =	vsel vm9, $0x1, v1  }
0x1dc: {  	v6 =	vadd.s32 v8, v6  }
0x1dd: {  	vm10 =	vlt.s32 v6, $0x17  }
0x1de: {  	v8 =	vnsel vm10, $0x17, v6  }
0x1df: {  	vm11 =	vgt.f32 v7, v5;
	v7 =	vshll.u32 v8, $0x4  }
0x1e0: {  	v7 =	vor.u32 v0, v7;
	_ =	sdelay $0x2  }
0x1e1: {  	s30 =	sadd.s32 $0xFFFFFFE0, s24  }
0x1e2: {  	v8 =	vor.u32 s30, v0  }
0x1e3: {  	[tilespmem:v7+s11+$0x0] =	vst.idx.msk vm11, v8  }
0x1e4: {  	v7 =	vld [tilespmem:s22+$0x60]  }
0x1e5: {  	v8 =	vsel vm11, $0x1, v1  }
0x1e6: {  	v6 =	vadd.s32 v8, v6  }
0x1e7: {  	vm12 =	vlt.s32 v6, $0x17  }
0x1e8: {  	v8 =	vnsel vm12, $0x17, v6  }
0x1e9: {  	vm13 =	vgt.f32 v7, v5;
	v7 =	vshll.u32 v8, $0x4  }
0x1ea: {  	v7 =	vor.u32 v0, v7;
	_ =	sdelay $0x2  }
0x1eb: {  	s31 =	sadd.s32 $0xFFFFFFF0, s24  }
0x1ec: {  	v8 =	vor.u32 s31, v0  }
0x1ed: {  	[tilespmem:v7+s11+$0x0] =	vst.idx.msk vm13, v8  }
0x1ee: {  	v7 =	vld [tilespmem:s22+$0x70]  }
0x1ef: {  	v8 =	vsel vm13, $0x1, v1  }
0x1f0: {  	v6 =	vadd.s32 v8, v6  }
0x1f1: {  	vm14 =	vlt.s32 v6, $0x17  }
0x1f2: {  	v8 =	vnsel vm14, $0x17, v6  }
0x1f3: {  	s23 =	sadd.s32 $0x10, s23;
	vm15 =	vgt.f32 v7, v5;
	v7 =	vshll.u32 v8, $0x4  }
0x1f4: {  	p2 =	slt.u32 s23, $0x260;
	v7 =	vor.u32 v0, v7  }
.Ltmp10:
0x1f5: {  	_ = 	snop;
	(pc) =	sbr.rel @p2 .LBB2_22-.Ltmp10, $3  }
0x1f6: {  	_ =	sdelay $0x1  }
0x1f7: {  	v8 =	vor.u32 s24, v0;
	v9 =	vsel vm15, $0x1, v1  }
0x1f8: {  	s22 =	sadd.s32 $0x200, s22;
	s24 =	sadd.s32 $0x100, s24;
	v6 =	vadd.s32 v9, v6;
	[tilespmem:v7+s11+$0x0] =	vst.idx.msk vm15, v8  }
0x1f9: {  	v7 =	vld [tilespmem:s21+$0x0];
	_ =	sdelay $0x2  }
0x1fa: {  	vm0 =	vlt.s32 v6, $0x17  }
0x1fb: {  	v8 =	vnsel vm0, $0x17, v6  }
0x1fc: {  	vm15 =	vgt.f32 v7, v5;
	v5 =	vshll.u32 v8, $0x4  }
0x1fd: {  	v5 =	vor.u32 v0, v5;
	_ =	sdelay $0x3  }
0x1fe: {  	v7 =	vsel vm15, $0x1, v1  }
0x1ff: {  	v12 =	vadd.s32 v7, v6;
	[tilespmem:v5+s11+$0x0] =	vst.idx.msk vm15, v2  }
.LBB2_24:
0x200: {  	v5 =	vld [tilespmem:$0x9E00];
	_ =	sdelay $0x1  }
0x201: {  	v6 =	vld [tilespmem:$0x9E10]  }
0x202: {  	v7 =	vld [tilespmem:$0x9E20];
	_ =	sdelay $0x1  }
0x203: {  	v9 =	vld [tilespmem:$0x9E30];
	v8 =	vshll.u32 v5, $0x1  }
0x204: {  	v10 =	vld [tilespmem:$0x9E40];
	v5 =	vand.u32 $0x7F, v5;
	v8 =	vand.u32 $0xFFFFFF00, v8  }
0x205: {  	v4 =	vshll.u32 v4, $0x7;
	v5 =	vor.u32 v8, v5;
	v8 =	vshll.u32 v6, $0x1  }
0x206: {  	v11 =	vshll.u32 v7, $0x1;
	v6 =	vand.u32 $0x7F, v6;
	v8 =	vand.u32 $0xFFFFFF00, v8  }
0x207: {  	v7 =	vand.u32 $0x7F, v7;
	v6 =	vor.u32 v8, v6;
	v8 =	vand.u32 $0xFFFFFF00, v11;
	v11 =	vld [tilespmem:$0x9E50]  }
0x208: {  	v4 =	vbroadcast v4, $0x0;
	v7 =	vor.u32 v8, v7;
	v8 =	vld [tilespmem:$0x9E60]  }
0x209: {  	v13 =	vand.u32 $0x7F, v9;
	v9 =	vshll.u32 v9, $0x1;
	v14 =	vshll.u32 v10, $0x1  }
0x20a: {  	v10 =	vand.u32 $0x7F, v10;
	v9 =	vand.u32 $0xFFFFFF00, v9;
	v5 =	vor.u32 v4, v5  }
0x20b: {  	v14 =	vand.u32 $0xFFFFFF00, v14;
	v9 =	vor.u32 v9, v13;
	v6 =	vor.u32 v4, v6  }
0x20c: {  	v10 =	vor.u32 v14, v10;
	v7 =	vor.u32 v4, v7;
	v13 =	vshll.u32 v11, $0x1  }
0x20d: {  	v11 =	vand.u32 $0x7F, v11;
	v13 =	vand.u32 $0xFFFFFF00, v13;
	v14 =	vshll.u32 v8, $0x1  }
0x20e: {  	v8 =	vand.u32 $0x7F, v8;
	v11 =	vor.u32 v13, v11;
	v13 =	vand.u32 $0xFFFFFF00, v14  }
0x20f: {  	v9 =	vor.u32 v4, v9;
	v5 =	vld.idx.msk [tilespmem:v5+s5+$0x0], $0xffff;
	v8 =	vor.u32 v13, v8  }
0x210: {  	v13 =	vld.idx.msk [tilespmem:v6+s5+$0x0], $0xffff;
	v6 =	vor.u32 v4, v8  }
0x211: {  	v10 =	vor.u32 v4, v10  }
0x212: {  	v11 =	vor.u32 v4, v11  }
0x213: {  	v7 =	vld.idx.msk [tilespmem:v7+s5+$0x0], $0xffff  }
0x214: {  	vm14 =	vgt.s32 v12, $0x0;
	v8 =	vld.idx.msk [tilespmem:v9+s5+$0x0], $0xffff  }
0x215: {  	vm1 =	vgt.s32 v12, $0x2;
	v15 =	vld.idx.msk [tilespmem:v6+s5+$0x0], $0xffff;
	v6 =	vnsel vm14, $0x0, v5;
	v5 =	vimm.s32 $0x0  }
0x216: {  	v9 =	vld.idx.msk [tilespmem:v10+s5+$0x0], $0xffff;
	v5 =	vsel vm1, $0xFFFFFFFF, v5  }
0x217: {  	vm11 =	vgt.s32 v12, $0x1;
	vm0 =	vgt.s32 v12, $0x3;
	v14 =	vld.idx.msk [tilespmem:v11+s5+$0x0], $0xffff;
	[tilespmem:$0x1FF60] =	vst v5;
	v5 =	vimm.s32 $0x0  }
0x218: {  	v16 =	vld [tilespmem:$0x9E70];
	vm5 =	vgt.s32 v12, $0x7;
	v11 =	vnsel vm1, $0x0, v7;
	v5 =	vsel vm0, $0xFFFFFFFF, v5  }
0x219: {  	v7 =	vnsel vm0, $0x0, v8;
	vm0 =	vgt.s32 v12, $0x4;
	[tilespmem:$0x1FF70] =	vst v5;
	v5 =	vimm.s32 $0x0  }
0x21a: {  	v17 =	vld [tilespmem:$0x9E80];
	vm7 =	vgt.s32 v12, $0x8;
	vm6 =	vgt.s32 v12, $0x9;
	v5 =	vsel vm0, $0xFFFFFFFF, v5  }
0x21b: {  	v18 =	vld [tilespmem:$0x9EA0];
	v10 =	vnsel vm11, $0x0, v13;
	vm1 =	vgt.s32 v12, $0x5;
	[tilespmem:$0x1FF80] =	vst v5;
	v5 =	vimm.s32 $0x0  }
0x21c: {  	v13 =	vld [tilespmem:$0x9E90];
	v8 =	vnsel vm0, $0x0, v9;
	v9 =	vnsel vm1, $0x0, v14;
	v5 =	vsel vm1, $0xFFFFFFFF, v5  }
0x21d: {  	v24 =	vld [tilespmem:$0x9F00];
	v14 =	vshll.u32 v16, $0x1;
	vm0 =	vgt.s32 v12, $0x6;
	[tilespmem:$0x1FF90] =	vst v5;
	v5 =	vimm.s32 $0x0  }
0x21e: {  	vm4 =	vgt.s32 v12, $0xA;
	v14 =	vand.u32 $0xFFFFFF00, v14;
	v5 =	vsel vm0, $0xFFFFFFFF, v5  }
0x21f: {  	[tilespmem:$0x1FFA0] =	vst v5;
	v5 =	vnsel vm0, $0x0, v15;
	v15 =	vand.u32 $0x7F, v16;
	v16 =	vshll.u32 v17, $0x1  }
0x220: {  	v19 =	vld [tilespmem:$0x9EB0];
	v14 =	vor.u32 v14, v15;
	v15 =	vand.u32 $0x7F, v17;
	v16 =	vand.u32 $0xFFFFFF00, v16  }
0x221: {  	v20 =	vshll.u32 v18, $0x1;
	v17 =	vld [tilespmem:$0x9EC0];
	v15 =	vor.u32 v16, v15;
	v16 =	vshll.u32 v13, $0x1  }
0x222: {  	v21 =	vld [tilespmem:$0x9ED0];
	v27 =	vshll.u32 v24, $0x1;
	v13 =	vand.u32 $0x7F, v13;
	v16 =	vand.u32 $0xFFFFFF00, v16  }
0x223: {  	v24 =	vand.u32 $0x7F, v24;
	v27 =	vand.u32 $0xFFFFFF00, v27;
	v13 =	vor.u32 v16, v13  }
0x224: {  	v16 =	vand.u32 $0x7F, v18;
	v18 =	vand.u32 $0xFFFFFF00, v20;
	v20 =	vld [tilespmem:$0x9EE0];
	v22 =	vor.u32 v4, v13  }
0x225: {  	v13 =	vor.u32 v18, v16;
	v16 =	vld [tilespmem:$0x9EF0];
	v18 =	vand.u32 $0x7F, v19;
	v19 =	vshll.u32 v19, $0x1  }
0x226: {  	v23 =	vshll.u32 v17, $0x1;
	v19 =	vand.u32 $0xFFFFFF00, v19;
	v17 =	vand.u32 $0x7F, v17  }
0x227: {  	v26 =	vld [tilespmem:$0x9F20];
	v23 =	vand.u32 $0xFFFFFF00, v23;
	v18 =	vor.u32 v19, v18;
	v19 =	vshll.u32 v21, $0x1  }
0x228: {  	v21 =	vand.u32 $0x7F, v21;
	v17 =	vor.u32 v23, v17;
	v23 =	vld [tilespmem:$0x9F10];
	v19 =	vand.u32 $0xFFFFFF00, v19  }
0x229: {  	v14 =	vor.u32 v4, v14;
	v25 =	vshll.u32 v20, $0x1;
	v19 =	vor.u32 v19, v21  }
0x22a: {  	v28 =	vld [tilespmem:$0x9F30];
	v21 =	vand.u32 $0xFFFFFF00, v25;
	v25 =	vand.u32 $0x7F, v16;
	v16 =	vshll.u32 v16, $0x1  }
0x22b: {  	v29 =	vld [tilespmem:$0x9F40];
	v15 =	vor.u32 v4, v15;
	v20 =	vand.u32 $0x7F, v20;
	v16 =	vand.u32 $0xFFFFFF00, v16  }
0x22c: {  	v20 =	vor.u32 v21, v20;
	v21 =	vor.u32 v27, v24;
	v16 =	vor.u32 v16, v25  }
0x22d: {  	v27 =	vld [tilespmem:$0x9F50];
	v25 =	vshll.u32 v26, $0x1;
	v24 =	vand.u32 $0x7F, v23;
	v23 =	vshll.u32 v23, $0x1  }
0x22e: {  	v26 =	vand.u32 $0x7F, v26;
	v25 =	vand.u32 $0xFFFFFF00, v25;
	v23 =	vand.u32 $0xFFFFFF00, v23  }
0x22f: {  	v23 =	vor.u32 v23, v24;
	v24 =	vor.u32 v25, v26;
	v25 =	vshll.u32 v28, $0x1;
	v26 =	vld [tilespmem:$0x9F60]  }
0x230: {  	v30 =	vshll.u32 v29, $0x1;
	v14 =	vld.idx.msk [tilespmem:v14+s5+$0x0], $0xffff;
	v28 =	vand.u32 $0x7F, v28;
	v25 =	vand.u32 $0xFFFFFF00, v25  }
0x231: {  	v25 =	vor.u32 v25, v28;
	v28 =	vand.u32 $0x7F, v29;
	v29 =	vand.u32 $0xFFFFFF00, v30;
	v30 =	vld [tilespmem:$0x9F70]  }
0x232: {  	v31 =	vor.u32 v4, v13;
	v18 =	vor.u32 v4, v18;
	v13 =	vshll.u32 v27, $0x1  }
0x233: {  	v15 =	vld.idx.msk [tilespmem:v15+s5+$0x0], $0xffff;
	v17 =	vor.u32 v4, v17;
	v27 =	vand.u32 $0x7F, v27;
	v13 =	vand.u32 $0xFFFFFF00, v13  }
0x234: {  	v22 =	vld.idx.msk [tilespmem:v22+s5+$0x0], $0xffff;
	v28 =	vor.u32 v29, v28;
	v27 =	vor.u32 v13, v27;
	v29 =	vshll.u32 v26, $0x1  }
0x235: {  	v13 =	vnsel vm5, $0x0, v14;
	v14 =	vand.u32 $0x7F, v26;
	v26 =	vand.u32 $0xFFFFFF00, v29  }
0x236: {  	v19 =	vor.u32 v4, v19;
	v26 =	vor.u32 v26, v14;
	v14 =	vshll.u32 v30, $0x1  }
0x237: {  	v29 =	vld.idx.msk [tilespmem:v31+s5+$0x0], $0xffff;
	v31 =	vmax.f32 v6, v10;
	v30 =	vand.u32 $0x7F, v30;
	v14 =	vand.u32 $0xFFFFFF00, v14  }
0x238: {  	v20 =	vor.u32 v4, v20;
	v18 =	vld.idx.msk [tilespmem:v18+s5+$0x0], $0xffff;
	v31 =	vmax.f32 v31, v11;
	v30 =	vor.u32 v14, v30  }
0x239: {  	v14 =	vnsel vm7, $0x0, v15;
	v15 =	vnsel vm6, $0x0, v22;
	v22 =	vmax.f32 v31, v7  }
0x23a: {  	vm3 =	vgt.s32 v12, $0xB;
	v32 =	vor.u32 v4, v16;
	v31 =	vld.idx.msk [tilespmem:v17+s5+$0x0], $0xffff;
	v17 =	vmax.f32 v22, v8  }
0x23b: {  	vm2 =	vgt.s32 v12, $0xC;
	v21 =	vor.u32 v4, v21;
	v17 =	vmax.f32 v17, v9  }
0x23c: {  	vm15 =	vgt.s32 v12, $0xF;
	v22 =	vor.u32 v4, v23;
	v23 =	vmax.f32 v17, v5  }
0x23d: {  	v19 =	vld.idx.msk [tilespmem:v19+s5+$0x0], $0xffff;
	v24 =	vor.u32 v4, v24;
	v17 =	vnsel vm3, $0x0, v18;
	v18 =	vmax.f32 v23, v13  }
0x23e: {  	vm13 =	vgt.s32 v12, $0x10;
	v20 =	vld.idx.msk [tilespmem:v20+s5+$0x0], $0xffff;
	v23 =	vor.u32 v4, v25;
	v25 =	vmax.f32 v18, v14  }
0x23f: {  	vm1 =	vgt.s32 v12, $0xD;
	v16 =	vnsel vm4, $0x0, v29;
	v29 =	vld.idx.msk [tilespmem:v32+s5+$0x0], $0xffff;
	v25 =	vmax.f32 v25, v15  }
0x240: {  	v28 =	vor.u32 v4, v28;
	v18 =	vnsel vm2, $0x0, v31;
	v31 =	vld.idx.msk [tilespmem:v21+s5+$0x0], $0xffff;
	v21 =	vmax.f32 v25, v16  }
0x241: {  	vm0 =	vgt.s32 v12, $0xE;
	v27 =	vor.u32 v4, v27;
	v25 =	vld.idx.msk [tilespmem:v22+s5+$0x0], $0xffff;
	v21 =	vmax.f32 v21, v17  }
0x242: {  	v19 =	vnsel vm1, $0x0, v19;
	v24 =	vld.idx.msk [tilespmem:v24+s5+$0x0], $0xffff;
	v26 =	vor.u32 v4, v26;
	v21 =	vmax.f32 v21, v18  }
0x243: {  	v20 =	vnsel vm0, $0x0, v20;
	v30 =	vor.u32 v4, v30;
	v22 =	vmax.f32 v21, v19  }
0x244: {  	vm12 =	vgt.s32 v12, $0x11;
	v63 =	vld.idx.msk [tilespmem:v23+s5+$0x0], $0xffff;
	v21 =	vnsel vm15, $0x0, v29;
	v23 =	vmax.f32 v22, v20  }
0x245: {  	vm10 =	vgt.s32 v12, $0x12;
	v28 =	vld.idx.msk [tilespmem:v28+s5+$0x0], $0xffff;
	v22 =	vnsel vm13, $0x0, v31;
	v29 =	vmax.f32 v23, v21  }
0x246: {  	vm8 =	vgt.s32 v12, $0x13;
	v27 =	vld.idx.msk [tilespmem:v27+s5+$0x0], $0xffff;
	v23 =	vnsel vm12, $0x0, v25;
	v25 =	vmax.f32 v29, v22  }
0x247: {  	v24 =	vnsel vm10, $0x0, v24;
	v31 =	vld.idx.msk [tilespmem:v26+s5+$0x0], $0xffff;
	v26 =	vmax.f32 v25, v23;
	v25 =	vimm.s32 $0x0  }
0x248: {  	v29 =	vld.idx.msk [tilespmem:v30+s5+$0x0], $0xffff;
	v25 =	vsel vm8, $0xFFFFFFFF, v25;
	v30 =	vmax.f32 v26, v24  }
0x249: {  	v26 =	vimm.s32 $0x0;
	[tilespmem:$0x1FFB0] =	vst v25;
	v25 =	vnsel vm8, $0x0, v63;
	vm8 =	vgt.s32 v12, $0x14  }
0x24a: {  	v26 =	vsel vm8, $0xFFFFFFFF, v26  }
0x24b: {  	[tilespmem:$0x1FFC0] =	vst v26;
	v26 =	vnsel vm8, $0x0, v28  }
0x24c: {  	v28 =	vmax.f32 v30, v25;
	vm8 =	vgt.s32 v12, $0x15;
	v30 =	vimm.s32 $0x0  }
0x24d: {  	v30 =	vsel vm8, $0xFFFFFFFF, v30;
	v27 =	vnsel vm8, $0x0, v27  }
0x24e: {  	vm8 =	vgt.s32 v12, $0x16;
	[tilespmem:$0x1FFD0] =	vst v30;
	v30 =	vmax.f32 v28, v26;
	v28 =	vimm.s32 $0x0  }
0x24f: {  	v28 =	vsel vm8, $0xFFFFFFFF, v28  }
0x250: {  	[tilespmem:$0x1FFE0] =	vst v28;
	v28 =	vnsel vm8, $0x0, v31;
	vm8 =	vgt.s32 v12, $0x17;
	v12 =	vimm.s32 $0x0  }
0x251: {  	v30 =	vmax.f32 v30, v27;
	v12 =	vsel vm8, $0xFFFFFFFF, v12  }
0x252: {  	[tilespmem:$0x1FFF0] =	vst v12;
	v12 =	vnsel vm8, $0x0, v29;
	v29 =	vmax.f32 v30, v28  }
0x253: {  	v29 =	vmax.f32 v29, v12  }
0x254: {  	(xrf0) =	vmax.scan.msk.f32 $0xffff, v29;
	_ =	sdelay $0x5  }
0x255: {  	v29, _, _ =	vpop (xrf0)  }
0x256: {  	(v2sf) =	vpush v29, $0xF;
	_ =	sdelay $0xe  }
0x257: {  	s22 =	spop (v2sf)  }
0x258: {  	s22 =	smul.f32 $1.000100020e+00, s22;
	_ =	sdelay $0x1  }
0x259: {  	s23 =	sadd.f32 $1.000000000e-30, s22;
	_ =	sdelay $0x1  }
0x25a: {  	s22 =	simm.s32 $0x17;
	s25 =	sadd.f32 s23, s18  }
.LBB2_25:
0x25b: {  	s24 =	smov.u32 s23  }
0x25c: {  	p2 =	sne.s32 s22, $0x1  }
0x25d: {  	s23 =	smul.f32 $5.000000000e-01, s25;
	_ =	sdelay $0x1  }
0x25e: {  	vm8 =	vge.f32 v6, s23;
	vm9 =	vge.f32 v10, s23  }
0x25f: {  	v29 =	vsel vm8, $0x1, v1;
	v30 =	vsel vm9, $0x1, v1;
	vm8 =	vge.f32 v11, s23  }
0x260: {  	v29 =	vadd.s32 v30, v29;
	v30 =	vsel vm8, $0x1, v1;
	vm8 =	vge.f32 v7, s23  }
0x261: {  	v29 =	vadd.s32 v30, v29;
	v30 =	vsel vm8, $0x1, v1;
	vm8 =	vge.f32 v8, s23  }
0x262: {  	v29 =	vadd.s32 v30, v29;
	v30 =	vsel vm8, $0x1, v1;
	vm8 =	vge.f32 v9, s23  }
0x263: {  	v29 =	vadd.s32 v30, v29;
	v30 =	vsel vm8, $0x1, v1;
	vm8 =	vge.f32 v5, s23  }
0x264: {  	v29 =	vadd.s32 v30, v29;
	v30 =	vsel vm8, $0x1, v1;
	vm8 =	vge.f32 v13, s23  }
0x265: {  	v29 =	vadd.s32 v30, v29;
	v30 =	vsel vm8, $0x1, v1;
	vm8 =	vge.f32 v14, s23  }
0x266: {  	v29 =	vadd.s32 v30, v29;
	v30 =	vsel vm8, $0x1, v1;
	vm8 =	vge.f32 v15, s23  }
0x267: {  	v29 =	vadd.s32 v30, v29;
	v30 =	vsel vm8, $0x1, v1;
	vm8 =	vge.f32 v16, s23  }
0x268: {  	v29 =	vadd.s32 v30, v29;
	v30 =	vsel vm8, $0x1, v1;
	vm8 =	vge.f32 v17, s23  }
0x269: {  	v29 =	vadd.s32 v30, v29;
	v30 =	vsel vm8, $0x1, v1;
	vm8 =	vge.f32 v18, s23  }
0x26a: {  	v29 =	vadd.s32 v30, v29;
	v30 =	vsel vm8, $0x1, v1;
	vm8 =	vge.f32 v19, s23  }
0x26b: {  	v29 =	vadd.s32 v30, v29;
	v30 =	vsel vm8, $0x1, v1;
	vm8 =	vge.f32 v20, s23  }
0x26c: {  	v29 =	vadd.s32 v30, v29;
	v30 =	vsel vm8, $0x1, v1;
	vm8 =	vge.f32 v21, s23  }
0x26d: {  	v29 =	vadd.s32 v30, v29;
	v30 =	vsel vm8, $0x1, v1;
	vm8 =	vge.f32 v22, s23  }
0x26e: {  	v29 =	vadd.s32 v30, v29;
	v30 =	vsel vm8, $0x1, v1;
	vm8 =	vge.f32 v23, s23  }
0x26f: {  	v29 =	vadd.s32 v30, v29;
	v30 =	vsel vm8, $0x1, v1;
	vm8 =	vge.f32 v24, s23  }
0x270: {  	v29 =	vadd.s32 v30, v29;
	v30 =	vsel vm8, $0x1, v1;
	vm8 =	vge.f32 v25, s23  }
0x271: {  	v29 =	vadd.s32 v30, v29;
	v30 =	vsel vm8, $0x1, v1;
	vm8 =	vge.f32 v26, s23  }
0x272: {  	v29 =	vadd.s32 v30, v29;
	v30 =	vsel vm8, $0x1, v1;
	vm8 =	vge.f32 v27, s23  }
0x273: {  	v29 =	vadd.s32 v30, v29;
	v30 =	vsel vm8, $0x1, v1;
	vm8 =	vge.f32 v28, s23  }
0x274: {  	v29 =	vadd.s32 v30, v29;
	v30 =	vsel vm8, $0x1, v1;
	vm8 =	vge.f32 v12, s23  }
0x275: {  	v29 =	vadd.s32 v30, v29;
	v30 =	vsel vm8, $0x1, v1  }
0x276: {  	v29 =	vadd.s32 v30, v29  }
0x277: {  	(xrf0) =	vadd.scan.msk.s32 $0xffff, v29;
	_ =	sdelay $0x5  }
0x278: {  	v29, _, _ =	vpop (xrf0)  }
0x279: {  	(v2sf) =	vpush v29, $0xF;
	_ =	sdelay $0xd  }
.Ltmp11:
0x27a: {  	(pc) =	sbr.rel @p2 .LBB2_25-.Ltmp11, $4  }
0x27b: {  	s25 =	spop (v2sf)  }
0x27c: {  	p3 =	sgt.s32 s25, $0x1F  }
0x27d: {  	s18 =	smov.u32 @p3 s23;
	s23 =	smov.u32 @p3 s24  }
0x27e: {  	s22 =	sadd.s32 $0xFFFFFFFF, s22;
	s25 =	sadd.f32 s23, s18  }
0x27f: {  	_ = 	snop  }
0x280: {  	s22 =	smul.f32 $5.000000000e-01, s25;
	_ =	sdelay $0x1  }
0x281: {  	vm8 =	vge.f32 v6, s22;
	vm9 =	vge.f32 v10, s22  }
0x282: {  	v6 =	vsel vm8, $0x1, v1;
	v10 =	vsel vm9, $0x1, v1;
	vm8 =	vge.f32 v11, s22  }
0x283: {  	v6 =	vadd.s32 v10, v6;
	v63 =	vsel vm8, $0x1, v1;
	vm8 =	vge.f32 v7, s22  }
0x284: {  	v6 =	vadd.s32 v63, v6;
	v7 =	vsel vm8, $0x1, v1;
	vm8 =	vge.f32 v8, s22  }
0x285: {  	v6 =	vadd.s32 v7, v6;
	v7 =	vsel vm8, $0x1, v1;
	vm8 =	vge.f32 v9, s22  }
0x286: {  	v6 =	vadd.s32 v7, v6;
	v7 =	vsel vm8, $0x1, v1;
	vm8 =	vge.f32 v5, s22  }
0x287: {  	v5 =	vadd.s32 v7, v6;
	v6 =	vsel vm8, $0x1, v1;
	vm8 =	vge.f32 v13, s22  }
0x288: {  	v5 =	vadd.s32 v6, v5;
	v6 =	vsel vm8, $0x1, v1;
	vm8 =	vge.f32 v14, s22  }
0x289: {  	v5 =	vadd.s32 v6, v5;
	v6 =	vsel vm8, $0x1, v1;
	vm8 =	vge.f32 v15, s22  }
0x28a: {  	v5 =	vadd.s32 v6, v5;
	v6 =	vsel vm8, $0x1, v1;
	vm8 =	vge.f32 v16, s22  }
0x28b: {  	v5 =	vadd.s32 v6, v5;
	v6 =	vsel vm8, $0x1, v1;
	vm8 =	vge.f32 v17, s22  }
0x28c: {  	v5 =	vadd.s32 v6, v5;
	v6 =	vsel vm8, $0x1, v1;
	vm8 =	vge.f32 v18, s22  }
0x28d: {  	v5 =	vadd.s32 v6, v5;
	v6 =	vsel vm8, $0x1, v1;
	vm8 =	vge.f32 v19, s22  }
0x28e: {  	v5 =	vadd.s32 v6, v5;
	v6 =	vsel vm8, $0x1, v1;
	vm8 =	vge.f32 v20, s22  }
0x28f: {  	v5 =	vadd.s32 v6, v5;
	v6 =	vsel vm8, $0x1, v1;
	vm8 =	vge.f32 v21, s22  }
0x290: {  	v5 =	vadd.s32 v6, v5;
	v6 =	vsel vm8, $0x1, v1;
	vm8 =	vge.f32 v22, s22  }
0x291: {  	v5 =	vadd.s32 v6, v5;
	v6 =	vsel vm8, $0x1, v1;
	vm8 =	vge.f32 v23, s22  }
0x292: {  	v5 =	vadd.s32 v6, v5;
	v6 =	vsel vm8, $0x1, v1;
	vm8 =	vge.f32 v24, s22  }
0x293: {  	v5 =	vadd.s32 v6, v5;
	v6 =	vsel vm8, $0x1, v1;
	vm8 =	vge.f32 v25, s22  }
0x294: {  	v5 =	vadd.s32 v6, v5;
	v6 =	vsel vm8, $0x1, v1;
	vm8 =	vge.f32 v26, s22  }
0x295: {  	v5 =	vadd.s32 v6, v5;
	v6 =	vsel vm8, $0x1, v1;
	vm8 =	vge.f32 v27, s22  }
0x296: {  	v5 =	vadd.s32 v6, v5;
	v6 =	vsel vm8, $0x1, v1;
	vm8 =	vge.f32 v28, s22  }
0x297: {  	v5 =	vadd.s32 v6, v5;
	v6 =	vsel vm8, $0x1, v1;
	vm8 =	vge.f32 v12, s22  }
0x298: {  	v5 =	vadd.s32 v6, v5;
	v6 =	vsel vm8, $0x1, v1  }
0x299: {  	v5 =	vadd.s32 v6, v5  }
0x29a: {  	(xrf0) =	vadd.scan.msk.s32 $0xffff, v5;
	_ =	sdelay $0x5  }
0x29b: {  	v5, _, _ =	vpop (xrf0)  }
0x29c: {  	(v2sf) =	vpush v5, $0xF;
	_ =	sdelay $0xc  }
.Ltmp12:
0x29d: {  	_ = 	snop;
	(pc) =	sbr.rel @!p1 .LBB2_30-.Ltmp12, $4  }
0x29e: {  	_ = 	snop  }
0x29f: {  	s23 =	spop (v2sf)  }
0x2a0: {  	p2 =	sgt.s32 s23, $0x1F  }
0x2a1: {  	s18 =	smov.u32 @p2 s22  }
.LBB2_27:
0x2a2: {  	v5 =	vld [tilespmem:s20+$0xFFFFFFC0];
	_ =	sdelay $0x3  }
0x2a3: {  	v4 =	vmov s18  }
0x2a4: {  	vm0 =	vge.f32 v5, v4  }
0x2a5: {  	v5 =	vnsel vm0, $0x0, v5  }
0x2a6: {  	[tilespmem:s19+$0xFFFFFFC0] =	vst v5  }
0x2a7: {  	v5 =	vld [tilespmem:s20+$0xFFFFFFD0];
	_ =	sdelay $0x4  }
0x2a8: {  	vm9 =	vge.f32 v5, v4  }
0x2a9: {  	v5 =	vnsel vm9, $0x0, v5  }
0x2aa: {  	[tilespmem:s19+$0xFFFFFFD0] =	vst v5  }
0x2ab: {  	v5 =	vld [tilespmem:s20+$0xFFFFFFE0];
	_ =	sdelay $0x4  }
0x2ac: {  	vm10 =	vge.f32 v5, v4  }
0x2ad: {  	v5 =	vnsel vm10, $0x0, v5  }
0x2ae: {  	[tilespmem:s19+$0xFFFFFFE0] =	vst v5  }
0x2af: {  	v5 =	vld [tilespmem:s20+$0xFFFFFFF0];
	_ =	sdelay $0x4  }
0x2b0: {  	vm11 =	vge.f32 v5, v4  }
0x2b1: {  	v5 =	vnsel vm11, $0x0, v5  }
0x2b2: {  	[tilespmem:s19+$0xFFFFFFF0] =	vst v5  }
0x2b3: {  	v5 =	vld [tilespmem:s20+$0x0];
	_ =	sdelay $0x4  }
0x2b4: {  	vm12 =	vge.f32 v5, v4  }
0x2b5: {  	v5 =	vnsel vm12, $0x0, v5  }
0x2b6: {  	[tilespmem:s19+$0x0] =	vst v5  }
0x2b7: {  	v5 =	vld [tilespmem:s20+$0x10];
	_ =	sdelay $0x4  }
0x2b8: {  	vm13 =	vge.f32 v5, v4  }
0x2b9: {  	v5 =	vnsel vm13, $0x0, v5  }
0x2ba: {  	[tilespmem:s19+$0x10] =	vst v5  }
0x2bb: {  	v5 =	vld [tilespmem:s20+$0x20];
	_ =	sdelay $0x4  }
0x2bc: {  	vm14 =	vge.f32 v5, v4  }
0x2bd: {  	v5 =	vnsel vm14, $0x0, v5  }
0x2be: {  	[tilespmem:s19+$0x20] =	vst v5  }
0x2bf: {  	v5 =	vld [tilespmem:s20+$0x30];
	_ =	sdelay $0x4  }
0x2c0: {  	vm15 =	vge.f32 v5, v4  }
0x2c1: {  	v5 =	vnsel vm15, $0x0, v5  }
0x2c2: {  	s22 =	simm.s32 $0x0;
	s20 =	sadd.s32 $0x100, s20;
	[tilespmem:s19+$0x30] =	vst v5  }
.LBB2_28:
0x2c3: {  	v5 =	vld [tilespmem:s20+$0xFFFFFFC0];
	s22 =	sadd.s32 $0x8, s22  }
0x2c4: {  	p1 =	slt.u32 s22, $0x268;
	_ =	sdelay $0x3  }
0x2c5: {  	vm0 =	vge.f32 v5, v4  }
0x2c6: {  	s19 =	sadd.s32 $0x100, s19;
	v5 =	vnsel vm0, $0x0, v5  }
0x2c7: {  	[tilespmem:s19+$0xFFFFFFC0] =	vst v5  }
0x2c8: {  	v5 =	vld [tilespmem:s20+$0xFFFFFFD0];
	_ =	sdelay $0x4  }
0x2c9: {  	vm0 =	vge.f32 v5, v4  }
0x2ca: {  	v5 =	vnsel vm0, $0x0, v5  }
0x2cb: {  	[tilespmem:s19+$0xFFFFFFD0] =	vst v5  }
0x2cc: {  	v5 =	vld [tilespmem:s20+$0xFFFFFFE0];
	_ =	sdelay $0x4  }
0x2cd: {  	vm0 =	vge.f32 v5, v4  }
0x2ce: {  	v5 =	vnsel vm0, $0x0, v5  }
0x2cf: {  	[tilespmem:s19+$0xFFFFFFE0] =	vst v5  }
0x2d0: {  	v5 =	vld [tilespmem:s20+$0xFFFFFFF0];
	_ =	sdelay $0x4  }
0x2d1: {  	vm0 =	vge.f32 v5, v4  }
0x2d2: {  	v5 =	vnsel vm0, $0x0, v5  }
0x2d3: {  	[tilespmem:s19+$0xFFFFFFF0] =	vst v5  }
0x2d4: {  	v5 =	vld [tilespmem:s20+$0x0];
	_ =	sdelay $0x4  }
0x2d5: {  	vm0 =	vge.f32 v5, v4  }
0x2d6: {  	v5 =	vnsel vm0, $0x0, v5  }
0x2d7: {  	[tilespmem:s19+$0x0] =	vst v5  }
0x2d8: {  	v5 =	vld [tilespmem:s20+$0x10];
	_ =	sdelay $0x4  }
0x2d9: {  	vm0 =	vge.f32 v5, v4  }
0x2da: {  	v5 =	vnsel vm0, $0x0, v5  }
0x2db: {  	[tilespmem:s19+$0x10] =	vst v5  }
0x2dc: {  	v5 =	vld [tilespmem:s20+$0x20];
	_ =	sdelay $0x4  }
0x2dd: {  	vm0 =	vge.f32 v5, v4  }
0x2de: {  	v5 =	vnsel vm0, $0x0, v5  }
0x2df: {  	[tilespmem:s19+$0x20] =	vst v5  }
0x2e0: {  	v5 =	vld [tilespmem:s20+$0x30];
	_ =	sdelay $0x2  }
.Ltmp13:
0x2e1: {  	(pc) =	sbr.rel @p1 .LBB2_28-.Ltmp13, $4  }
0x2e2: {  	_ = 	snop  }
0x2e3: {  	vm0 =	vge.f32 v5, v4  }
0x2e4: {  	v5 =	vnsel vm0, $0x0, v5  }
0x2e5: {  	s20 =	sadd.s32 $0x100, s20;
	[tilespmem:s19+$0x30] =	vst v5  }
0x2e6: {  	v5 =	vld [tilespmem:s21+$0x0];
	_ =	sdelay $0x2  }
.Ltmp14:
0x2e7: {  	_ = 	snop;
	(pc) =	sbr.rel .LBB2_31-.Ltmp14, $4  }
0x2e8: {  	_ = 	snop  }
0x2e9: {  	vm0 =	vge.f32 v5, v4  }
0x2ea: {  	v4 =	vnsel vm0, $0x0, v5  }
0x2eb: {  	[tilespmem:s21+$0x4F00] =	vst v4  }
.LBB2_30:
0x2ec: {  	v5 =	vld [tilespmem:$0x9E00]  }
0x2ed: {  	v35 =	vld [tilespmem:$0x9E10]  }
0x2ee: {  	v9 =	vld [tilespmem:$0x9E40]  }
0x2ef: {  	v37 =	vld [tilespmem:$0x9E50]  }
0x2f0: {  	v38 =	vld [tilespmem:$0x9E60]  }
0x2f1: {  	v15 =	vld [tilespmem:$0x9E70]  }
0x2f2: {  	v39 =	vld [tilespmem:$0x9E80]  }
0x2f3: {  	v16 =	vld [tilespmem:$0x9E90]  }
0x2f4: {  	v42 =	vld [tilespmem:$0x9EA0]  }
0x2f5: {  	v17 =	vld [tilespmem:$0x9EB0]  }
0x2f6: {  	v47 =	vld [tilespmem:$0x9EC0]  }
0x2f7: {  	v53 =	vld [tilespmem:$0x9ED0]  }
0x2f8: {  	v54 =	vld [tilespmem:$0x9EE0]  }
0x2f9: {  	v62 =	vld [tilespmem:$0x9F20];
	v6 =	vshll.u32 v5, $0x1;
	v5 =	vand.u32 $0x7F, v5;
	v8 =	vshll.u32 v35, $0x1  }
0x2fa: {  	v31 =	vld [tilespmem:$0x9F60];
	v14 =	vshll.u32 v9, $0x1;
	v9 =	vand.u32 $0x7F, v9;
	v40 =	vand.u32 $0x7F, v37  }
0x2fb: {  	v41 =	vshll.u32 v38, $0x1;
	v43 =	vshll.u32 v15, $0x1;
	v44 =	vand.u32 $0x7F, v15  }
0x2fc: {  	v45 =	vshll.u32 v39, $0x1;
	v49 =	vshll.u32 v16, $0x1;
	v50 =	vand.u32 $0x7F, v16  }
0x2fd: {  	v51 =	vshll.u32 v42, $0x1;
	v55 =	vand.u32 $0x7F, v17;
	v56 =	vshll.u32 v17, $0x1  }
0x2fe: {  	v57 =	vshll.u32 v47, $0x1;
	v15 =	vand.u32 $0x7F, v47;
	v59 =	vshll.u32 v53, $0x1  }
0x2ff: {  	v58 =	vld [tilespmem:$0x9F00];
	v60 =	vshll.u32 v54, $0x1;
	v47 =	vshll.u32 v62, $0x1;
	v34 =	vand.u32 $0x7F, v31  }
0x300: {  	v24 =	vld [tilespmem:$0x9F10];
	v6 =	vand.u32 $0xFFFFFF00, v6;
	v8 =	vand.u32 $0xFFFFFF00, v8;
	v14 =	vand.u32 $0xFFFFFF00, v14  }
0x301: {  	v30 =	vld [tilespmem:$0x9F50];
	v46 =	vand.u32 $0xFFFFFF00, v45;
	v52 =	vand.u32 $0xFFFFFF00, v51;
	v5 =	vor.u32 v6, v5  }
0x302: {  	v29 =	vld [tilespmem:$0x9F30];
	v6 =	vand.u32 $0x7F, v35;
	v9 =	vor.u32 v14, v9;
	v14 =	vand.u32 $0xFFFFFF00, v41  }
0x303: {  	v13 =	vor.u32 v4, v5;
	v5 =	vld [tilespmem:$0x9E20];
	v6 =	vor.u32 v8, v6;
	v8 =	vand.u32 $0x7F, v38  }
0x304: {  	v21 =	vld [tilespmem:$0x9EF0];
	v16 =	vand.u32 $0xFFFFFF00, v56;
	v17 =	vand.u32 $0xFFFFFF00, v57;
	v8 =	vor.u32 v14, v8  }
0x305: {  	v61 =	vand.u32 $0xFFFFFF00, v60;
	v45 =	vand.u32 $0x7F, v24;
	v8 =	vor.u32 v4, v8  }
0x306: {  	v60 =	vand.u32 $0x7F, v30;
	v15 =	vor.u32 v17, v15;
	v9 =	vor.u32 v4, v9  }
0x307: {  	v7 =	vld [tilespmem:$0x9E30];
	v38 =	vshll.u32 v58, $0x1;
	v6 =	vor.u32 v4, v6;
	v14 =	vand.u32 $0x7F, v53  }
0x308: {  	v53 =	vand.u32 $0x7F, v29;
	v11 =	vshll.u32 v5, $0x1;
	v5 =	vand.u32 $0x7F, v5  }
0x309: {  	v36 =	vand.u32 $0xFFFFFF00, v11;
	v11 =	vshll.u32 v37, $0x1;
	v37 =	vand.u32 $0x7F, v21  }
0x30a: {  	v5 =	vor.u32 v36, v5;
	v11 =	vand.u32 $0xFFFFFF00, v11;
	v23 =	vld.idx.msk [tilespmem:v8+s5+$0x0], $0xffff;
	v8 =	vor.u32 v4, v15  }
0x30b: {  	v10 =	vld.idx.msk [tilespmem:v13+s5+$0x0], $0xffff;
	v15 =	vand.u32 $0xFFFFFF00, v59;
	v36 =	vshll.u32 v21, $0x1;
	v12 =	vor.u32 v4, v5  }
0x30c: {  	v19 =	vld.idx.msk [tilespmem:v6+s5+$0x0], $0xffff;
	v5 =	vshll.u32 v7, $0x1;
	v7 =	vand.u32 $0x7F, v7;
	v6 =	vor.u32 v11, v40  }
0x30d: {  	v56 =	vld [tilespmem:$0x9F70];
	v11 =	vand.u32 $0x7F, v42;
	v14 =	vor.u32 v15, v14;
	v40 =	vand.u32 $0xFFFFFF00, v38  }
0x30e: {  	v5 =	vand.u32 $0xFFFFFF00, v5;
	v6 =	vor.u32 v4, v6;
	v11 =	vor.u32 v52, v11  }
0x30f: {  	v63 =	vor.u32 v4, v14;
	v14 =	vand.u32 $0xFFFFFF00, v36;
	v52 =	vshll.u32 v29, $0x1  }
0x310: {  	v41 =	vld [tilespmem:$0x9F40];
	v7 =	vor.u32 v5, v7;
	v5 =	vnsel vm14, $0x0, v10;
	v10 =	vand.u32 $0x7F, v39  }
0x311: {  	v11 =	vor.u32 v4, v11;
	v14 =	vor.u32 v14, v37;
	v39 =	vand.u32 $0x7F, v58  }
0x312: {  	v37 =	vshll.u32 v56, $0x1;
	v7 =	vor.u32 v4, v7;
	v10 =	vor.u32 v46, v10  }
0x313: {  	v46 =	vshll.u32 v24, $0x1;
	v10 =	vor.u32 v4, v10;
	v22 =	vld.idx.msk [tilespmem:v12+s5+$0x0], $0xffff;
	v12 =	vand.u32 $0xFFFFFF00, v43  }
0x314: {  	v43 =	vor.u32 v4, v14;
	v12 =	vor.u32 v12, v44;
	v20 =	vld.idx.msk [tilespmem:v6+s5+$0x0], $0xffff;
	v6 =	vor.u32 v16, v55  }
0x315: {  	v18 =	vld.idx.msk [tilespmem:v9+s5+$0x0], $0xffff;
	v44 =	vor.u32 v40, v39;
	v16 =	vand.u32 $0xFFFFFF00, v52;
	v55 =	vand.u32 $0x7F, v41  }
0x316: {  	v48 =	vor.u32 v4, v12;
	v12 =	vand.u32 $0xFFFFFF00, v49;
	v6 =	vor.u32 v4, v6;
	v24 =	vld.idx.msk [tilespmem:v11+s5+$0x0], $0xffff  }
0x317: {  	v49 =	vand.u32 $0x7F, v62;
	v11 =	vor.u32 v16, v53;
	v57 =	vor.u32 v4, v44;
	v16 =	vld.idx.msk [tilespmem:v63+s5+$0x0], $0xffff  }
0x318: {  	v25 =	vld.idx.msk [tilespmem:v7+s5+$0x0], $0xffff;
	v9 =	vor.u32 v12, v50;
	v12 =	vand.u32 $0x7F, v54;
	v54 =	vshll.u32 v41, $0x1  }
0x319: {  	v9 =	vor.u32 v4, v9;
	v12 =	vor.u32 v61, v12;
	v28 =	vld.idx.msk [tilespmem:v10+s5+$0x0], $0xffff;
	v17 =	vand.u32 $0xFFFFFF00, v54  }
0x31a: {  	v50 =	vand.u32 $0xFFFFFF00, v47;
	v42 =	vor.u32 v4, v12;
	v32 =	vor.u32 v17, v55;
	v17 =	vld.idx.msk [tilespmem:v8+s5+$0x0], $0xffff  }
0x31b: {  	v40 =	vand.u32 $0x7F, v56;
	v41 =	vand.u32 $0xFFFFFF00, v37;
	v51 =	vor.u32 v50, v49;
	v26 =	vld.idx.msk [tilespmem:v48+s5+$0x0], $0xffff  }
0x31c: {  	v58 =	vshll.u32 v30, $0x1;
	v44 =	vor.u32 v41, v40;
	v61 =	vor.u32 v4, v51;
	v21 =	vld.idx.msk [tilespmem:v6+s5+$0x0], $0xffff  }
0x31d: {  	vm8 =	vlt.f32 v5, s18;
	v14 =	vand.u32 $0xFFFFFF00, v58;
	v5 =	vor.u32 v4, v44;
	v38 =	vld.idx.msk [tilespmem:v57+s5+$0x0], $0xffff  }
0x31e: {  	v62 =	vshll.u32 v31, $0x1;
	v63 =	vor.u32 v4, v11;
	v48 =	vand.u32 $0xFFFFFF00, v46;
	v27 =	vld.idx.msk [tilespmem:v9+s5+$0x0], $0xffff  }
0x31f: {  	v35 =	vand.u32 $0xFFFFFF00, v62;
	v36 =	vor.u32 v4, v32;
	v9 =	vor.u32 v48, v45;
	v15 =	vld.idx.msk [tilespmem:v42+s5+$0x0], $0xffff  }
0x320: {  	v10 =	vor.u32 v35, v34;
	v59 =	vor.u32 v4, v9;
	v9 =	vor.u32 v14, v60;
	v14 =	vld.idx.msk [tilespmem:v43+s5+$0x0], $0xffff  }
0x321: {  	vm8 =	vmand vm14, vm8;
	v43 =	vor.u32 v4, v10;
	v45 =	vld.idx.msk [tilespmem:v61+s5+$0x0], $0xffff  }
0x322: {  	v5 =	vld.idx.msk [tilespmem:v5+s5+$0x0], $0xffff;
	v39 =	vor.u32 v4, v9  }
0x323: {  	v9 =	vld.idx.msk [tilespmem:v63+s5+$0x0], $0xffff  }
0x324: {  	v8 =	vld.idx.msk [tilespmem:v36+s5+$0x0], $0xffff  }
0x325: {  	v42 =	vld.idx.msk [tilespmem:v59+s5+$0x0], $0xffff  }
0x326: {  	v6 =	vld.idx.msk [tilespmem:v43+s5+$0x0], $0xffff  }
0x327: {  	v7 =	vld.idx.msk [tilespmem:v39+s5+$0x0], $0xffff;
	[tilespmem:v13+s12+$0x0] =	vst.idx.msk vm8, v3  }
0x328: {  	v13 =	vld [tilespmem:$0x9E10];
	_ =	sdelay $0x4  }
0x329: {  	v19 =	vnsel vm11, $0x0, v19;
	v46 =	vshll.u32 v13, $0x1  }
0x32a: {  	vm14 =	vlt.f32 v19, s18;
	v13 =	vand.u32 $0x7F, v13;
	v29 =	vand.u32 $0xFFFFFF00, v46  }
0x32b: {  	vm8 =	vmand vm11, vm14;
	v13 =	vor.u32 v29, v13  }
0x32c: {  	v13 =	vor.u32 v4, v13;
	_ =	sdelay $0x4  }
0x32d: {  	v47 =	vld [tilespmem:$0x1FF60];
	[tilespmem:v13+s12+$0x0] =	vst.idx.msk vm8, v3  }
0x32e: {  	v13 =	vld [tilespmem:$0x9E20];
	_ =	sdelay $0x3  }
0x32f: {  	vm9 =	vnez.u8 v47  }
0x330: {  	v19 =	vnsel vm9, $0x0, v22;
	v48 =	vshll.u32 v13, $0x1  }
0x331: {  	vm14 =	vlt.f32 v19, s18;
	v13 =	vand.u32 $0x7F, v13;
	v22 =	vand.u32 $0xFFFFFF00, v48  }
0x332: {  	vm8 =	vmand vm9, vm14;
	v13 =	vor.u32 v22, v13  }
0x333: {  	v13 =	vor.u32 v4, v13;
	_ =	sdelay $0x4  }
0x334: {  	v49 =	vld [tilespmem:$0x1FF70];
	[tilespmem:v13+s12+$0x0] =	vst.idx.msk vm8, v3  }
0x335: {  	v13 =	vld [tilespmem:$0x9E30];
	_ =	sdelay $0x3  }
0x336: {  	vm9 =	vnez.u8 v49  }
0x337: {  	v19 =	vnsel vm9, $0x0, v25;
	v50 =	vshll.u32 v13, $0x1  }
0x338: {  	vm14 =	vlt.f32 v19, s18;
	v13 =	vand.u32 $0x7F, v13;
	v22 =	vand.u32 $0xFFFFFF00, v50  }
0x339: {  	vm8 =	vmand vm9, vm14;
	v13 =	vor.u32 v22, v13  }
0x33a: {  	v13 =	vor.u32 v4, v13;
	_ =	sdelay $0x4  }
0x33b: {  	v51 =	vld [tilespmem:$0x1FF80];
	[tilespmem:v13+s12+$0x0] =	vst.idx.msk vm8, v3  }
0x33c: {  	v13 =	vld [tilespmem:$0x9E40];
	_ =	sdelay $0x3  }
0x33d: {  	vm9 =	vnez.u8 v51  }
0x33e: {  	v18 =	vnsel vm9, $0x0, v18;
	v52 =	vshll.u32 v13, $0x1  }
0x33f: {  	vm14 =	vlt.f32 v18, s18;
	v13 =	vand.u32 $0x7F, v13;
	v19 =	vand.u32 $0xFFFFFF00, v52  }
0x340: {  	vm8 =	vmand vm9, vm14;
	v13 =	vor.u32 v19, v13  }
0x341: {  	v13 =	vor.u32 v4, v13;
	_ =	sdelay $0x4  }
0x342: {  	v53 =	vld [tilespmem:$0x1FF90];
	[tilespmem:v13+s12+$0x0] =	vst.idx.msk vm8, v3  }
0x343: {  	v13 =	vld [tilespmem:$0x9E50];
	_ =	sdelay $0x3  }
0x344: {  	vm9 =	vnez.u8 v53  }
0x345: {  	v18 =	vnsel vm9, $0x0, v20;
	v54 =	vshll.u32 v13, $0x1  }
0x346: {  	vm14 =	vlt.f32 v18, s18;
	v13 =	vand.u32 $0x7F, v13;
	v19 =	vand.u32 $0xFFFFFF00, v54  }
0x347: {  	vm8 =	vmand vm9, vm14;
	v13 =	vor.u32 v19, v13  }
0x348: {  	v13 =	vor.u32 v4, v13;
	_ =	sdelay $0x4  }
0x349: {  	v55 =	vld [tilespmem:$0x1FFA0];
	[tilespmem:v13+s12+$0x0] =	vst.idx.msk vm8, v3  }
0x34a: {  	v13 =	vld [tilespmem:$0x9E60];
	_ =	sdelay $0x3  }
0x34b: {  	vm9 =	vnez.u8 v55  }
0x34c: {  	v18 =	vnsel vm9, $0x0, v23;
	v56 =	vshll.u32 v13, $0x1  }
0x34d: {  	vm14 =	vlt.f32 v18, s18;
	v13 =	vand.u32 $0x7F, v13;
	v19 =	vand.u32 $0xFFFFFF00, v56  }
0x34e: {  	vm8 =	vmand vm9, vm14;
	v13 =	vor.u32 v19, v13  }
0x34f: {  	v13 =	vor.u32 v4, v13;
	_ =	sdelay $0x4  }
0x350: {  	[tilespmem:v13+s12+$0x0] =	vst.idx.msk vm8, v3  }
0x351: {  	v13 =	vld [tilespmem:$0x9E70];
	_ =	sdelay $0x4  }
0x352: {  	v57 =	vnsel vm5, $0x0, v26;
	v58 =	vshll.u32 v13, $0x1  }
0x353: {  	vm14 =	vlt.f32 v57, s18;
	v13 =	vand.u32 $0x7F, v13;
	v19 =	vand.u32 $0xFFFFFF00, v58  }
0x354: {  	vm8 =	vmand vm5, vm14;
	v13 =	vor.u32 v19, v13  }
0x355: {  	v13 =	vor.u32 v4, v13;
	_ =	sdelay $0x4  }
0x356: {  	[tilespmem:v13+s12+$0x0] =	vst.idx.msk vm8, v3  }
0x357: {  	v13 =	vld [tilespmem:$0x9E80];
	_ =	sdelay $0x4  }
0x358: {  	v59 =	vnsel vm7, $0x0, v28;
	v60 =	vshll.u32 v13, $0x1  }
0x359: {  	vm9 =	vlt.f32 v59, s18;
	v13 =	vand.u32 $0x7F, v13;
	v19 =	vand.u32 $0xFFFFFF00, v60  }
0x35a: {  	vm5 =	vmand vm7, vm9;
	v13 =	vor.u32 v19, v13  }
0x35b: {  	v13 =	vor.u32 v4, v13;
	_ =	sdelay $0x4  }
0x35c: {  	[tilespmem:v13+s12+$0x0] =	vst.idx.msk vm5, v3  }
0x35d: {  	v13 =	vld [tilespmem:$0x9E90];
	_ =	sdelay $0x4  }
0x35e: {  	v61 =	vnsel vm6, $0x0, v27;
	v62 =	vshll.u32 v13, $0x1  }
0x35f: {  	vm11 =	vlt.f32 v61, s18;
	v13 =	vand.u32 $0x7F, v13;
	v63 =	vand.u32 $0xFFFFFF00, v62  }
0x360: {  	vm5 =	vmand vm6, vm11;
	v13 =	vor.u32 v63, v13  }
0x361: {  	v13 =	vor.u32 v4, v13;
	_ =	sdelay $0x4  }
0x362: {  	[tilespmem:v13+s12+$0x0] =	vst.idx.msk vm5, v3  }
0x363: {  	v13 =	vld [tilespmem:$0x9EA0];
	_ =	sdelay $0x4  }
0x364: {  	v22 =	vnsel vm4, $0x0, v24;
	v23 =	vshll.u32 v13, $0x1  }
0x365: {  	vm14 =	vlt.f32 v22, s18;
	v13 =	vand.u32 $0x7F, v13;
	v24 =	vand.u32 $0xFFFFFF00, v23  }
0x366: {  	vm8 =	vmand vm4, vm14;
	v13 =	vor.u32 v24, v13  }
0x367: {  	v13 =	vor.u32 v4, v13;
	_ =	sdelay $0x4  }
0x368: {  	[tilespmem:v13+s12+$0x0] =	vst.idx.msk vm8, v3  }
0x369: {  	v13 =	vld [tilespmem:$0x9EB0];
	_ =	sdelay $0x4  }
0x36a: {  	v25 =	vnsel vm3, $0x0, v21;
	v26 =	vshll.u32 v13, $0x1  }
0x36b: {  	vm9 =	vlt.f32 v25, s18;
	v13 =	vand.u32 $0x7F, v13;
	v27 =	vand.u32 $0xFFFFFF00, v26  }
0x36c: {  	vm11 =	vmand vm3, vm9;
	v13 =	vor.u32 v27, v13  }
0x36d: {  	v13 =	vor.u32 v4, v13;
	_ =	sdelay $0x4  }
0x36e: {  	[tilespmem:v13+s12+$0x0] =	vst.idx.msk vm11, v3  }
0x36f: {  	v13 =	vld [tilespmem:$0x9EC0];
	_ =	sdelay $0x4  }
0x370: {  	v17 =	vnsel vm2, $0x0, v17;
	v28 =	vshll.u32 v13, $0x1  }
0x371: {  	vm14 =	vlt.f32 v17, s18;
	v13 =	vand.u32 $0x7F, v13;
	v29 =	vand.u32 $0xFFFFFF00, v28  }
0x372: {  	vm6 =	vmand vm2, vm14;
	v13 =	vor.u32 v29, v13  }
0x373: {  	v13 =	vor.u32 v4, v13;
	_ =	sdelay $0x4  }
0x374: {  	[tilespmem:v13+s12+$0x0] =	vst.idx.msk vm6, v3  }
0x375: {  	v13 =	vld [tilespmem:$0x9ED0];
	_ =	sdelay $0x4  }
0x376: {  	v16 =	vnsel vm1, $0x0, v16;
	v30 =	vshll.u32 v13, $0x1  }
0x377: {  	vm7 =	vlt.f32 v16, s18;
	v13 =	vand.u32 $0x7F, v13;
	v31 =	vand.u32 $0xFFFFFF00, v30  }
0x378: {  	vm8 =	vmand vm1, vm7;
	v13 =	vor.u32 v31, v13  }
0x379: {  	v13 =	vor.u32 v4, v13;
	_ =	sdelay $0x4  }
0x37a: {  	[tilespmem:v13+s12+$0x0] =	vst.idx.msk vm8, v3  }
0x37b: {  	v13 =	vld [tilespmem:$0x9EE0];
	_ =	sdelay $0x4  }
0x37c: {  	v15 =	vnsel vm0, $0x0, v15;
	v32 =	vshll.u32 v13, $0x1  }
0x37d: {  	vm9 =	vlt.f32 v15, s18;
	v13 =	vand.u32 $0x7F, v13;
	v33 =	vand.u32 $0xFFFFFF00, v32  }
0x37e: {  	vm11 =	vmand vm0, vm9;
	v13 =	vor.u32 v33, v13  }
0x37f: {  	v13 =	vor.u32 v4, v13;
	_ =	sdelay $0x4  }
0x380: {  	[tilespmem:v13+s12+$0x0] =	vst.idx.msk vm11, v3  }
0x381: {  	v13 =	vld [tilespmem:$0x9EF0];
	_ =	sdelay $0x4  }
0x382: {  	v14 =	vnsel vm15, $0x0, v14;
	v34 =	vshll.u32 v13, $0x1  }
0x383: {  	vm14 =	vlt.f32 v14, s18;
	v13 =	vand.u32 $0x7F, v13;
	v35 =	vand.u32 $0xFFFFFF00, v34  }
0x384: {  	vm0 =	vmand vm15, vm14;
	v13 =	vor.u32 v35, v13  }
0x385: {  	v13 =	vor.u32 v4, v13;
	_ =	sdelay $0x4  }
0x386: {  	[tilespmem:v13+s12+$0x0] =	vst.idx.msk vm0, v3  }
0x387: {  	v13 =	vld [tilespmem:$0x9F00];
	_ =	sdelay $0x4  }
0x388: {  	v12 =	vnsel vm13, $0x0, v38;
	v36 =	vshll.u32 v13, $0x1  }
0x389: {  	vm15 =	vlt.f32 v12, s18;
	v37 =	vand.u32 $0x7F, v13;
	v38 =	vand.u32 $0xFFFFFF00, v36  }
0x38a: {  	vm0 =	vmand vm13, vm15;
	v12 =	vor.u32 v38, v37  }
0x38b: {  	v12 =	vor.u32 v4, v12;
	_ =	sdelay $0x4  }
0x38c: {  	[tilespmem:v12+s12+$0x0] =	vst.idx.msk vm0, v3  }
0x38d: {  	v12 =	vld [tilespmem:$0x9F10];
	_ =	sdelay $0x4  }
0x38e: {  	v11 =	vnsel vm12, $0x0, v42;
	v39 =	vshll.u32 v12, $0x1  }
0x38f: {  	vm4 =	vlt.f32 v11, s18;
	v40 =	vand.u32 $0x7F, v12;
	v41 =	vand.u32 $0xFFFFFF00, v39  }
0x390: {  	vm0 =	vmand vm12, vm4;
	v11 =	vor.u32 v41, v40  }
0x391: {  	v11 =	vor.u32 v4, v11;
	_ =	sdelay $0x4  }
0x392: {  	[tilespmem:v11+s12+$0x0] =	vst.idx.msk vm0, v3  }
0x393: {  	v11 =	vld [tilespmem:$0x9F20];
	_ =	sdelay $0x4  }
0x394: {  	v10 =	vnsel vm10, $0x0, v45;
	v42 =	vshll.u32 v11, $0x1  }
0x395: {  	vm5 =	vlt.f32 v10, s18;
	v43 =	vand.u32 $0x7F, v11;
	v44 =	vand.u32 $0xFFFFFF00, v42  }
0x396: {  	vm0 =	vmand vm10, vm5;
	v10 =	vor.u32 v44, v43  }
0x397: {  	v10 =	vor.u32 v4, v10;
	_ =	sdelay $0x4  }
0x398: {  	v45 =	vld [tilespmem:$0x1FFB0];
	[tilespmem:v10+s12+$0x0] =	vst.idx.msk vm0, v3  }
0x399: {  	v10 =	vld [tilespmem:$0x9F30];
	_ =	sdelay $0x3  }
0x39a: {  	vm6 =	vnez.u8 v45  }
0x39b: {  	v9 =	vnsel vm6, $0x0, v9;
	v46 =	vshll.u32 v10, $0x1  }
0x39c: {  	vm7 =	vlt.f32 v9, s18;
	v47 =	vand.u32 $0x7F, v10;
	v48 =	vand.u32 $0xFFFFFF00, v46  }
0x39d: {  	vm0 =	vmand vm6, vm7;
	v9 =	vor.u32 v48, v47  }
0x39e: {  	v9 =	vor.u32 v4, v9;
	_ =	sdelay $0x4  }
0x39f: {  	v49 =	vld [tilespmem:$0x1FFC0];
	[tilespmem:v9+s12+$0x0] =	vst.idx.msk vm0, v3  }
0x3a0: {  	v9 =	vld [tilespmem:$0x9F40];
	_ =	sdelay $0x3  }
0x3a1: {  	vm8 =	vnez.u8 v49  }
0x3a2: {  	v8 =	vnsel vm8, $0x0, v8;
	v50 =	vshll.u32 v9, $0x1  }
0x3a3: {  	vm9 =	vlt.f32 v8, s18;
	v51 =	vand.u32 $0x7F, v9;
	v52 =	vand.u32 $0xFFFFFF00, v50  }
0x3a4: {  	vm0 =	vmand vm8, vm9;
	v8 =	vor.u32 v52, v51  }
0x3a5: {  	v8 =	vor.u32 v4, v8;
	_ =	sdelay $0x4  }
0x3a6: {  	v53 =	vld [tilespmem:$0x1FFD0];
	[tilespmem:v8+s12+$0x0] =	vst.idx.msk vm0, v3  }
0x3a7: {  	v8 =	vld [tilespmem:$0x9F50];
	_ =	sdelay $0x3  }
0x3a8: {  	vm10 =	vnez.u8 v53  }
0x3a9: {  	v7 =	vnsel vm10, $0x0, v7;
	v54 =	vshll.u32 v8, $0x1  }
0x3aa: {  	vm11 =	vlt.f32 v7, s18;
	v55 =	vand.u32 $0x7F, v8;
	v56 =	vand.u32 $0xFFFFFF00, v54  }
0x3ab: {  	vm0 =	vmand vm10, vm11;
	v7 =	vor.u32 v56, v55  }
0x3ac: {  	v7 =	vor.u32 v4, v7;
	_ =	sdelay $0x4  }
0x3ad: {  	v57 =	vld [tilespmem:$0x1FFE0];
	[tilespmem:v7+s12+$0x0] =	vst.idx.msk vm0, v3  }
0x3ae: {  	v7 =	vld [tilespmem:$0x9F60];
	_ =	sdelay $0x3  }
0x3af: {  	vm12 =	vnez.u8 v57  }
0x3b0: {  	v6 =	vnsel vm12, $0x0, v6;
	v58 =	vshll.u32 v7, $0x1  }
0x3b1: {  	vm13 =	vlt.f32 v6, s18;
	v59 =	vand.u32 $0x7F, v7;
	v60 =	vand.u32 $0xFFFFFF00, v58  }
0x3b2: {  	vm0 =	vmand vm12, vm13;
	v6 =	vor.u32 v60, v59  }
0x3b3: {  	v6 =	vor.u32 v4, v6;
	_ =	sdelay $0x4  }
0x3b4: {  	v61 =	vld [tilespmem:$0x1FFF0];
	[tilespmem:v6+s12+$0x0] =	vst.idx.msk vm0, v3  }
0x3b5: {  	v6 =	vld [tilespmem:$0x9F70];
	_ =	sdelay $0x3  }
0x3b6: {  	vm14 =	vnez.u8 v61  }
0x3b7: {  	v5 =	vnsel vm14, $0x0, v5;
	v62 =	vshll.u32 v6, $0x1  }
0x3b8: {  	vm15 =	vlt.f32 v5, s18;
	v5 =	vand.u32 $0x7F, v6;
	v63 =	vand.u32 $0xFFFFFF00, v62  }
0x3b9: {  	vm0 =	vmand vm14, vm15;
	v5 =	vor.u32 v63, v5  }
0x3ba: {  	v4 =	vor.u32 v4, v5;
	_ =	sdelay $0x4  }
0x3bb: {  	[tilespmem:v4+s12+$0x0] =	vst.idx.msk vm0, v3  }
.LBB2_31:
0x3bc: {  	s17 =	sshrl.u32 s17, $0x3  }
0x3bd: {  	s17 =	sadd.s32 s4, s17  }
0x3be: {  	s19 =	simm.s32 $0x80;
	s20 =	sadd.s32 $0x100, s16;
	s21 =	sadd.s32 $0x0, s17  }
.LBB2_32:
0x3bf: {  	[hbm4b:s21+s5] =	stream.linear.scatter [tilespmem:s16], [sflag:$0x2], $0x80, $0x38;
	[tilespmem:$0x9F80] =	vst v63  }
0x3c0: {  	s21 =	smov.u32 s19;
	s16 =	smov.u32 s20;
	p1 =	seq.s32 s19, $0x2700  }
.Ltmp15:
0x3c1: {  	s19 =	sadd.s32 $0x80, s19;
	(pc) =	sbr.rel @!p1 .LBB2_32-.Ltmp15, $2  }
0x3c2: {  	_ =	sdelay $0x2  }
0x3c3: {  	s20 =	sadd.s32 $0x100, s20;
	s21 =	sadd.s32 s21, s17  }
0x3c4: {  	[hbm4b:s21+s5] =	stream.linear.scatter [tilespmem:s16], [sflag:$0x2], $0x80, $0x38;
	[tilespmem:$0x9F80] =	vst v63  }
0x3c5: {  	p1 =	seq.s32 s15, s8  }
.Ltmp16:
0x3c6: {  	_ = 	snop;
	(pc) =	sbr.rel @!p1 .LBB2_5-.Ltmp16, $2  }
0x3c7: {  	_ =	sdelay $0x2  }
0x3c8: {  	p0 =	por !p0, !p0;
	s17 =	smov.u32 s15  }
0x3c9: {  	s14 =	sadd.s32 $0x1, s14  }
0x3ca: {  	_ =	swait.ge [sflag:s13], $0x2780;
	p0 =	sne.s32 s14, s9  }
.Ltmp17:
0x3cb: {  	[sflag:s13] =	ssyncset.done $0x0;
	(pc) =	sbr.rel @p0 .LBB2_1-.Ltmp17, $4  }
0x3cc: {  	[sflag:s13] =	ssyncadd.s32 $0xFFFFD880  }
0x3cd: {  	_ =	swait.ge [sflag:s13], $0x2780  }
0x3ce: {  	[sflag:s13] =	ssyncset.done $0x0  }
0x3cf: {  	[sflag:s13] =	ssyncadd.s32 $0xFFFFD880  }
0x3d0: {  	_ =	sfence.sel $0x180000  }
0x3d1: {  	[bflag:$0x0] =	sbarrier.arrive $0xFFFF  }
0x3d2: {  	p0 =	sne.s32 s0, $0x0;
	_ =	strace $0x90000047  }
0x3d3: {  	s0 =	sadd.s32 @!p0 $0x100000, s1;
	[bflag:$0x2] =	sbarrier.arrive $0xFFFF  }
0x3d4: {  	[sflag:s0] =	ssyncadd.tile.s32 @!p0 $0x1;
	_ =	shalt  }
.Lfunc_end2:
_tile_overlayer_lowered:
.L_overlay_start_2:
0x3d5: {  	(tag) =	ssettag $0x2  }
0x3d6: {  	s0 =	rddreg [dreg:$0x0];
	s2 =	stileid.u32  }
0x3d7: {  	s1 =	rddreg [dreg:$0x1];
	p0 =	sne.s32 s2, $0x0  }
0x3d8: {  	s3 =	rddreg [dreg:$0x2];
	[bflag:$0x3] =	sbarrier.arrive $0xFFFF;
	s2 =	simm.s32 @!p0 $0x1C03  }
0x3d9: {  	[timem:s3], [sflag:s2] =	dma.local @!p0 [hbm:s0], s1  }
0x3da: {  	s0 =	simm.s32 @!p0 $0x3  }
0x3db: {  	_ =	swait.ge @!p0 [sflag:s0], s1  }
0x3dc: {  	s1 =	ssub.s32 @!p0 $0x0, s1;
	[sflag:s0] =	ssyncset.done @!p0 $0x0  }
0x3dd: {  	[sflag:s0] =	ssyncadd.s32 @!p0 s1  }
0x3de: {  	[bflag:$0x3] =	sbarrier.arrive $0xFFFF  }
0x3df: {  	_ =	shalt  }

</sc_bundles>
